<compile_context>
chip_gen: v7x
topology: tpu7x:2x2x1
jax: 0.10.2.dev20260603
libtpu: 0.0.44.dev20260713+nightly
codegen_flags: <defaults>
</compile_context>

<pallas_src>
import jax
import jax.numpy as jnp
from jax import lax
from jax.experimental import pallas as pl
from jax.experimental.pallas import tpu as pltpu
from jax.experimental.pallas import tpu_sc as plsc

NUM_NODES = 10000
HIDDEN = 256
NUM_GRAPHS = 64
NUM_WORKERS = 32
NUM_PIECES = NUM_NODES * 2
PPW = NUM_PIECES // NUM_WORKERS
GROUPS = 5
GP = 128
IDS_LEN = 328
ACC_ROWS = 144
TRASH = 128
CNT_LEN = 144


def _pool_body(x_hbm, ids_hbm, sums_hbm, cnts_hbm,
               rows_v, ids_v, i0, i1, i2, i3, i4, cnt_v, cnt_all, cout_v,
               zrow_v, acc_sh, cnt_stage, sem_i, sem_r, sem_s):
    cid = lax.axis_index("c")
    sid = lax.axis_index("s")
    wid = sid * 2 + cid
    idx_refs = (i0, i1, i2, i3, i4)
    p0 = wid * PPW

    ids_base = jnp.minimum(8 * (p0 // 16), NUM_NODES - IDS_LEN)
    ids_cp = pltpu.async_copy(ids_hbm.at[pl.ds(ids_base, IDS_LEN)], ids_v, sem_i)

    qbases = [jnp.minimum(p0 + j * GP, NUM_PIECES - GP) for j in range(GROUPS)]
    row_copies = [
        pltpu.async_copy(x_hbm.at[pl.ds(qbases[j], GP)],
                         rows_v.at[pl.ds(j * GP, GP)], sem_r)
        for j in range(GROUPS)
    ]

    zero16 = jnp.zeros((16,), jnp.float32)
    one16 = jnp.ones((16,), jnp.float32)
    for k in range(CNT_LEN // 16):
        cnt_v[0, pl.ds(k * 16, 16)] = zero16
    for i in range(9):
        for k in range(8):
            zrow_v[i, pl.ds(k * 16, 16)] = zero16
    zcp = pltpu.async_copy(zrow_v, acc_sh.at[pl.ds(sid * 9, 9)], sem_s)

    ids_cp.wait()
    lanes = lax.iota(jnp.int32, 16)
    zero16i = jnp.zeros((16,), jnp.int32)

    def build_idx(j):
        lo = p0 + j * GP
        hi = p0 + PPW
        for k in range(GP // 16):
            qv = qbases[j] + (k * 16) + lanes
            lrow = ((qv >> 4) << 3) + (qv & 7) - ids_base
            idv = plsc.load_gather(ids_v, [lrow])
            idx = 2 * idv + ((qv >> 3) & 1)
            valid = (qv >= lo) & (qv < hi)
            idx = jnp.where(valid, idx, TRASH)
            idx_refs[j][pl.ds(k * 16, 16)] = idx
            plsc.addupdate_scatter(cnt_v, [zero16i, idx],
                                   jnp.where(valid, one16, zero16))

    build_idx(0)
    zcp.wait()
    plsc.subcore_barrier()

    scatters = []
    for j in range(GROUPS):
        row_copies[j].wait()
        scatters.append(pltpu.async_copy(
            rows_v.at[pl.ds(j * GP, GP)],
            acc_sh.at[idx_refs[j]], sem_s, add=True))
        if j + 1 < GROUPS:
            build_idx(j + 1)

    pltpu.sync_copy(cnt_v, cnt_stage.at[pl.ds(sid, 1)])
    for s in scatters:
        s.wait()
    plsc.subcore_barrier()

    @pl.when(sid == 0)
    def _():
        pltpu.sync_copy(acc_sh.at[pl.ds(0, 2 * NUM_GRAPHS)], sums_hbm.at[cid])

    @pl.when(sid == 1)
    def _():
        pltpu.sync_copy(cnt_stage, cnt_all)
        lanes_ = lax.iota(jnp.int32, 16)
        zc = jnp.zeros((16,), jnp.int32)
        for k in range(8):
            tot = cnt_all[0, pl.ds(k * 16, 16)]
            for t in range(1, 16):
                tot = tot + cnt_all[t, pl.ds(k * 16, 16)]
            plsc.store_scatter(cout_v, [k * 16 + lanes_, zc], tot)
        pltpu.sync_copy(cout_v, cnts_hbm.at[cid])


@jax.jit
def _sc_pool(x4, ids):
    mesh = plsc.VectorSubcoreMesh(core_axis_name="c", subcore_axis_name="s")
    f = pl.kernel(
        _pool_body,
        out_type=[
            jax.ShapeDtypeStruct((2, 2 * NUM_GRAPHS, 128), jnp.float32),
            jax.ShapeDtypeStruct((2, 128, 128), jnp.float32),
        ],
        mesh=mesh,
        scratch_types=[
            pltpu.VMEM((GROUPS * GP, 128), jnp.float32),
            pltpu.VMEM((IDS_LEN,), jnp.int32),
            pltpu.VMEM((GP,), jnp.int32),
            pltpu.VMEM((GP,), jnp.int32),
            pltpu.VMEM((GP,), jnp.int32),
            pltpu.VMEM((GP,), jnp.int32),
            pltpu.VMEM((GP,), jnp.int32),
            pltpu.VMEM((1, CNT_LEN), jnp.float32),
            pltpu.VMEM((16, CNT_LEN), jnp.float32),
            pltpu.VMEM((128, 128), jnp.float32),
            pltpu.VMEM((9, 128), jnp.float32),
            pltpu.VMEM_SHARED((ACC_ROWS, 128), jnp.float32),
            pltpu.VMEM_SHARED((16, CNT_LEN), jnp.float32),
            pltpu.SemaphoreType.DMA,
            pltpu.SemaphoreType.DMA,
            pltpu.SemaphoreType.DMA,
        ],
        compiler_params=pltpu.CompilerParams(
            use_tc_tiling_on_sc=False, needs_layout_passes=False),
    )
    return f(x4, ids)


def _head_body(s_ref, c_ref, w1_ref, b1_ref, w2_ref, b2_ref, o_ref):
    s = s_ref[0] + s_ref[1]
    c = c_ref[0, :, 0:1] + c_ref[1, :, 0:1]
    s = s / jnp.maximum(c, 1.0)
    r_iota = lax.broadcasted_iota(jnp.int32, (NUM_GRAPHS, 2 * NUM_GRAPHS), 0)
    c_iota = lax.broadcasted_iota(jnp.int32, (NUM_GRAPHS, 2 * NUM_GRAPHS), 1)
    e0 = (c_iota == 2 * r_iota).astype(jnp.float32)
    e1 = (c_iota == 2 * r_iota + 1).astype(jnp.float32)
    me = jnp.dot(e0, s, preferred_element_type=jnp.float32)
    mo = jnp.dot(e1, s, preferred_element_type=jnp.float32)
    h = (jnp.dot(me, w1_ref[0:128, :], preferred_element_type=jnp.float32)
         + jnp.dot(mo, w1_ref[128:256, :], preferred_element_type=jnp.float32)
         + b1_ref[...])
    h = jnp.maximum(h, 0.0)
    o_ref[...] = jnp.dot(h, w2_ref[...], preferred_element_type=jnp.float32) + b2_ref[...]


@jax.jit
def _tc_head(sums, cnts, W1, b1, W2, b2):
    return pl.pallas_call(
        _head_body,
        out_shape=jax.ShapeDtypeStruct((NUM_GRAPHS, 10), jnp.float32),
    )(sums, cnts, W1, b1, W2, b2)


def kernel(x_e, pos_e, edge_index_e, edge_attr_e, batch_node, batch_edge,
           W1, b1, W2, b2):
    x4 = x_e.reshape(1250, 8, 2, 128).transpose(0, 2, 1, 3).reshape(NUM_PIECES, 128)
    ids = batch_node.astype(jnp.int32)
    sums, cnts = _sc_pool(x4, ids)
    return _tc_head(sums, cnts, W1, b1.reshape(1, -1), W2, b2.reshape(1, -1))

# --- scband reference (transcript-rebuilt; emitter-appended) ---
"""Pipeline reference for scband-classifier-18605798326628 (READ-ONLY COPY).

The authoritative reference and input builder live on the scoring server;
editing this copy changes nothing except your own understanding.
"""

import jax, jax.numpy as jnp
import numpy as np

NUM_GRAPHS = 64
HIDDEN = 256
NUM_CLASSES = 10

def setup_inputs(seed: int = 0) -> dict:
    key = jax.random.key(seed)
    ks = jax.random.split(key, 10)
    x_e = jax.random.normal(ks[0], (10000, HIDDEN), dtype=jnp.float32)
    pos_e = jax.random.normal(ks[1], (10000, 3), dtype=jnp.float32)
    edge_index_e = jax.random.randint(ks[2], (2, 160000), 0, 10000, dtype=jnp.int64)
    edge_attr_e = jax.random.normal(ks[3], (160000, 16), dtype=jnp.float32)
    batch_node = jnp.sort(jax.random.randint(ks[4], (10000,), 0, NUM_GRAPHS, dtype=jnp.int64))
    batch_edge = jnp.sort(jax.random.randint(ks[5], (160000,), 0, NUM_GRAPHS, dtype=jnp.int64))
    # MLP params: hidden_dim -> hidden_dim//2 -> num_classes
    W1 = jax.random.normal(ks[6], (HIDDEN, HIDDEN // 2), dtype=jnp.float32) * (1.0 / np.sqrt(HIDDEN))
    b1 = jnp.zeros((HIDDEN // 2,), dtype=jnp.float32)
    W2 = jax.random.normal(ks[7], (HIDDEN // 2, NUM_CLASSES), dtype=jnp.float32) * (1.0 / np.sqrt(HIDDEN // 2))
    b2 = jnp.zeros((NUM_CLASSES,), dtype=jnp.float32)
    return {"x_e": x_e, "pos_e": pos_e, "edge_index_e": edge_index_e, "edge_attr_e": edge_attr_e,
            "batch_node": batch_node, "batch_edge": batch_edge,
            "W1": W1, "b1": b1, "W2": W2, "b2": b2}

def reference(x_e, pos_e, edge_index_e, edge_attr_e, batch_node, batch_edge, W1, b1, W2, b2):
    # pool_name == 'Mean': global_mean_pool over batch_node segment ids
    sums = jax.ops.segment_sum(x_e, batch_node, num_segments=NUM_GRAPHS)
    ones = jnp.ones((x_e.shape[0], 1), dtype=x_e.dtype)
    counts = jax.ops.segment_sum(ones, batch_node, num_segments=NUM_GRAPHS)
    x_pool = sums / jnp.clip(counts, 1.0, None)
    # final_MLP: Linear(hd, hd//2) -> ReLU -> Linear(hd//2, num_classes)
    h = jax.nn.relu(x_pool @ W1 + b1)
    logits = h @ W2 + b2
    return logits

if __name__ == "__main__":
    import jax
    _d = setup_inputs()
    print(jax.jit(kernel)(*tuple(_d.values())))

</pallas_src>

<mosaic_0001>
#map = affine_map<(d0, d1) -> (0, 0)>
#map1 = affine_map<(d0, d1) -> (0)>
#map2 = affine_map<(d0, d1) -> (0, 0, 0)>
module attributes {stable_mosaic.version = 14 : i64} {
  func.func @_pool_body(%arg0: i32, %arg1: i32, %arg2: memref<20000x128xf32, #tpu.memory_space<hbm>>, %arg3: memref<10000xi32, #tpu.memory_space<hbm>>, %arg4: memref<2x128x128xf32, #tpu.memory_space<hbm>>, %arg5: memref<2x128x128xf32, #tpu.memory_space<hbm>>, %arg6: memref<640x128xf32, #tpu.memory_space<vmem>>, %arg7: memref<328xi32, #tpu.memory_space<vmem>>, %arg8: memref<128xi32, #tpu.memory_space<vmem>>, %arg9: memref<128xi32, #tpu.memory_space<vmem>>, %arg10: memref<128xi32, #tpu.memory_space<vmem>>, %arg11: memref<128xi32, #tpu.memory_space<vmem>>, %arg12: memref<128xi32, #tpu.memory_space<vmem>>, %arg13: memref<1x144xf32, #tpu.memory_space<vmem>>, %arg14: memref<16x144xf32, #tpu.memory_space<vmem>>, %arg15: memref<128x128xf32, #tpu.memory_space<vmem>>, %arg16: memref<9x128xf32, #tpu.memory_space<vmem>>, %arg17: memref<144x128xf32, #tpu.memory_space<vmem_shared>>, %arg18: memref<16x144xf32, #tpu.memory_space<vmem_shared>>, %arg19: memref<!tpu.dma_semaphore, #tpu.memory_space<semaphore_mem>>, %arg20: memref<!tpu.dma_semaphore, #tpu.memory_space<semaphore_mem>>, %arg21: memref<!tpu.dma_semaphore, #tpu.memory_space<semaphore_mem>>) attributes {dimension_semantics = [#tpu.dimension_semantics<core_parallel>, #tpu.dimension_semantics<subcore_parallel>], iteration_bounds = array<i64: 2, 16>, scalar_prefetch = 0 : i64, scratch_operands = 16 : i64, tpu.core_type = #tpu.core_type<sc_vector_subcore>, window_params = [{transform_indices = #map}, {transform_indices = #map1}, {transform_indices = #map2}, {transform_indices = #map2}]} {
    %mul3A = arith.constant 2 : i32
    %mul3A_0 = arith.muli %arg1, %mul3A : i32
    %add3A = arith.addi %mul3A_0, %arg0 : i32
    %mul3A_1 = arith.constant 625 : i32
    %mul3A_2 = arith.muli %add3A, %mul3A_1 : i32
    %jit3A = arith.constant 16 : i32
    %div3A = arith.divsi %mul3A_2, %jit3A : i32
    %sign3A = arith.constant 0 : i32
    %sign3A_3 = arith.cmpi sgt, %mul3A_2, %sign3A : i32
    %sign3A_4 = arith.extui %sign3A_3 : i1 to i32
    %sign3A_5 = arith.constant 0 : i32
    %sign3A_6 = arith.cmpi slt, %mul3A_2, %sign3A_5 : i32
    %sign3A_7 = arith.extui %sign3A_6 : i1 to i32
    %sign3A_8 = arith.subi %sign3A_4, %sign3A_7 : i32
    %sign3A_9 = arith.constant 0 : i32
    %sign3A_10 = arith.cmpi sgt, %jit3A, %sign3A_9 : i32
    %sign3A_11 = arith.extui %sign3A_10 : i1 to i32
    %sign3A_12 = arith.constant 0 : i32
    %sign3A_13 = arith.cmpi slt, %jit3A, %sign3A_12 : i32
    %sign3A_14 = arith.extui %sign3A_13 : i1 to i32
    %sign3A_15 = arith.subi %sign3A_11, %sign3A_14 : i32
    %ne3A = arith.cmpi ne, %sign3A_8, %sign3A_15 : i32
    %rem3A = arith.remsi %mul3A_2, %jit3A : i32
    %ne3A_16 = arith.constant 0 : i32
    %ne3A_17 = arith.cmpi ne, %rem3A, %ne3A_16 : i32
    %and3A = arith.andi %ne3A, %ne3A_17 : i1
    %sub3A = arith.constant 1 : i32
    %sub3A_18 = arith.subi %div3A, %sub3A : i32
    %select_n3A = arith.select %and3A, %sub3A_18, %div3A : i32
    %mul3A_19 = arith.constant 8 : i32
    %mul3A_20 = arith.muli %mul3A_19, %select_n3A : i32
    %min3A = arith.constant 9672 : i32
    %min3A_21 = arith.minsi %mul3A_20, %min3A : i32
    %dma_start3A = tpu.memref_slice %arg3[%min3A_21] : memref<10000xi32, #tpu.memory_space<hbm>> -> memref<328xi32, #tpu.memory_space<hbm>>
    %dma_start3A_22 = tpu.memref_slice %arg3[%min3A_21] : memref<10000xi32, #tpu.memory_space<hbm>> -> memref<328xi32, #tpu.memory_space<hbm>>
    tpu.enqueue_dma source(%dma_start3A_22 : memref<328xi32, #tpu.memory_space<hbm>>) target(%arg7 : memref<328xi32, #tpu.memory_space<vmem>>) target_semaphore(%arg19 : memref<!tpu.dma_semaphore, #tpu.memory_space<semaphore_mem>>)
    %add3A_23 = arith.constant 0 : i32
    %add3A_24 = arith.addi %mul3A_2, %add3A_23 : i32
    %min3A_25 = arith.constant 19872 : i32
    %min3A_26 = arith.minsi %add3A_24, %min3A_25 : i32
    %add3A_27 = arith.constant 128 : i32
    %add3A_28 = arith.addi %mul3A_2, %add3A_27 : i32
    %min3A_29 = arith.constant 19872 : i32
    %min3A_30 = arith.minsi %add3A_28, %min3A_29 : i32
    %add3A_31 = arith.constant 256 : i32
    %add3A_32 = arith.addi %mul3A_2, %add3A_31 : i32
    %min3A_33 = arith.constant 19872 : i32
    %min3A_34 = arith.minsi %add3A_32, %min3A_33 : i32
    %add3A_35 = arith.constant 384 : i32
    %add3A_36 = arith.addi %mul3A_2, %add3A_35 : i32
    %min3A_37 = arith.constant 19872 : i32
    %min3A_38 = arith.minsi %add3A_36, %min3A_37 : i32
    %add3A_39 = arith.constant 512 : i32
    %add3A_40 = arith.addi %mul3A_2, %add3A_39 : i32
    %min3A_41 = arith.constant 19872 : i32
    %min3A_42 = arith.minsi %add3A_40, %min3A_41 : i32
    %dma_start3A_43 = arith.constant 0 : i32
    %dma_start3A_44 = arith.constant 0 : i32
    %dma_start3A_45 = tpu.memref_slice %arg6[%dma_start3A_43, %dma_start3A_44] : memref<640x128xf32, #tpu.memory_space<vmem>> -> memref<128x128xf32, #tpu.memory_space<vmem>>
    %dma_start3A_46 = arith.constant 0 : i32
    %dma_start3A_47 = tpu.memref_slice %arg2[%min3A_26, %dma_start3A_46] : memref<20000x128xf32, #tpu.memory_space<hbm>> -> memref<128x128xf32, #tpu.memory_space<hbm>>
    %dma_start3A_48 = arith.constant 0 : i32
    %dma_start3A_49 = arith.constant 0 : i32
    %dma_start3A_50 = tpu.memref_slice %arg6[%dma_start3A_48, %dma_start3A_49] : memref<640x128xf32, #tpu.memory_space<vmem>> -> memref<128x128xf32, #tpu.memory_space<vmem>>
    %dma_start3A_51 = arith.constant 0 : i32
    %dma_start3A_52 = tpu.memref_slice %arg2[%min3A_26, %dma_start3A_51] : memref<20000x128xf32, #tpu.memory_space<hbm>> -> memref<128x128xf32, #tpu.memory_space<hbm>>
    tpu.enqueue_dma source(%dma_start3A_52 : memref<128x128xf32, #tpu.memory_space<hbm>>) target(%dma_start3A_50 : memref<128x128xf32, #tpu.memory_space<vmem>>) target_semaphore(%arg20 : memref<!tpu.dma_semaphore, #tpu.memory_space<semaphore_mem>>)
    %dma_start3A_53 = arith.constant 128 : i32
    %dma_start3A_54 = arith.constant 0 : i32
    %dma_start3A_55 = tpu.memref_slice %arg6[%dma_start3A_53, %dma_start3A_54] : memref<640x128xf32, #tpu.memory_space<vmem>> -> memref<128x128xf32, #tpu.memory_space<vmem>>
    %dma_start3A_56 = arith.constant 0 : i32
    %dma_start3A_57 = tpu.memref_slice %arg2[%min3A_30, %dma_start3A_56] : memref<20000x128xf32, #tpu.memory_space<hbm>> -> memref<128x128xf32, #tpu.memory_space<hbm>>
    %dma_start3A_58 = arith.constant 128 : i32
    %dma_start3A_59 = arith.constant 0 : i32
    %dma_start3A_60 = tpu.memref_slice %arg6[%dma_start3A_58, %dma_start3A_59] : memref<640x128xf32, #tpu.memory_space<vmem>> -> memref<128x128xf32, #tpu.memory_space<vmem>>
    %dma_start3A_61 = arith.constant 0 : i32
    %dma_start3A_62 = tpu.memref_slice %arg2[%min3A_30, %dma_start3A_61] : memref<20000x128xf32, #tpu.memory_space<hbm>> -> memref<128x128xf32, #tpu.memory_space<hbm>>
    tpu.enqueue_dma source(%dma_start3A_62 : memref<128x128xf32, #tpu.memory_space<hbm>>) target(%dma_start3A_60 : memref<128x128xf32, #tpu.memory_space<vmem>>) target_semaphore(%arg20 : memref<!tpu.dma_semaphore, #tpu.memory_space<semaphore_mem>>)
    %dma_start3A_63 = arith.constant 256 : i32
    %dma_start3A_64 = arith.constant 0 : i32
    %dma_start3A_65 = tpu.memref_slice %arg6[%dma_start3A_63, %dma_start3A_64] : memref<640x128xf32, #tpu.memory_space<vmem>> -> memref<128x128xf32, #tpu.memory_space<vmem>>
    %dma_start3A_66 = arith.constant 0 : i32
    %dma_start3A_67 = tpu.memref_slice %arg2[%min3A_34, %dma_start3A_66] : memref<20000x128xf32, #tpu.memory_space<hbm>> -> memref<128x128xf32, #tpu.memory_space<hbm>>
    %dma_start3A_68 = arith.constant 256 : i32
    %dma_start3A_69 = arith.constant 0 : i32
    %dma_start3A_70 = tpu.memref_slice %arg6[%dma_start3A_68, %dma_start3A_69] : memref<640x128xf32, #tpu.memory_space<vmem>> -> memref<128x128xf32, #tpu.memory_space<vmem>>
    %dma_start3A_71 = arith.constant 0 : i32
    %dma_start3A_72 = tpu.memref_slice %arg2[%min3A_34, %dma_start3A_71] : memref<20000x128xf32, #tpu.memory_space<hbm>> -> memref<128x128xf32, #tpu.memory_space<hbm>>
    tpu.enqueue_dma source(%dma_start3A_72 : memref<128x128xf32, #tpu.memory_space<hbm>>) target(%dma_start3A_70 : memref<128x128xf32, #tpu.memory_space<vmem>>) target_semaphore(%arg20 : memref<!tpu.dma_semaphore, #tpu.memory_space<semaphore_mem>>)
    %dma_start3A_73 = arith.constant 384 : i32
    %dma_start3A_74 = arith.constant 0 : i32
    %dma_start3A_75 = tpu.memref_slice %arg6[%dma_start3A_73, %dma_start3A_74] : memref<640x128xf32, #tpu.memory_space<vmem>> -> memref<128x128xf32, #tpu.memory_space<vmem>>
    %dma_start3A_76 = arith.constant 0 : i32
    %dma_start3A_77 = tpu.memref_slice %arg2[%min3A_38, %dma_start3A_76] : memref<20000x128xf32, #tpu.memory_space<hbm>> -> memref<128x128xf32, #tpu.memory_space<hbm>>
    %dma_start3A_78 = arith.constant 384 : i32
    %dma_start3A_79 = arith.constant 0 : i32
    %dma_start3A_80 = tpu.memref_slice %arg6[%dma_start3A_78, %dma_start3A_79] : memref<640x128xf32, #tpu.memory_space<vmem>> -> memref<128x128xf32, #tpu.memory_space<vmem>>
    %dma_start3A_81 = arith.constant 0 : i32
    %dma_start3A_82 = tpu.memref_slice %arg2[%min3A_38, %dma_start3A_81] : memref<20000x128xf32, #tpu.memory_space<hbm>> -> memref<128x128xf32, #tpu.memory_space<hbm>>
    tpu.enqueue_dma source(%dma_start3A_82 : memref<128x128xf32, #tpu.memory_space<hbm>>) target(%dma_start3A_80 : memref<128x128xf32, #tpu.memory_space<vmem>>) target_semaphore(%arg20 : memref<!tpu.dma_semaphore, #tpu.memory_space<semaphore_mem>>)
    %dma_start3A_83 = arith.constant 512 : i32
    %dma_start3A_84 = arith.constant 0 : i32
    %dma_start3A_85 = tpu.memref_slice %arg6[%dma_start3A_83, %dma_start3A_84] : memref<640x128xf32, #tpu.memory_space<vmem>> -> memref<128x128xf32, #tpu.memory_space<vmem>>
    %dma_start3A_86 = arith.constant 0 : i32
    %dma_start3A_87 = tpu.memref_slice %arg2[%min3A_42, %dma_start3A_86] : memref<20000x128xf32, #tpu.memory_space<hbm>> -> memref<128x128xf32, #tpu.memory_space<hbm>>
    %dma_start3A_88 = arith.constant 512 : i32
    %dma_start3A_89 = arith.constant 0 : i32
    %dma_start3A_90 = tpu.memref_slice %arg6[%dma_start3A_88, %dma_start3A_89] : memref<640x128xf32, #tpu.memory_space<vmem>> -> memref<128x128xf32, #tpu.memory_space<vmem>>
    %dma_start3A_91 = arith.constant 0 : i32
    %dma_start3A_92 = tpu.memref_slice %arg2[%min3A_42, %dma_start3A_91] : memref<20000x128xf32, #tpu.memory_space<hbm>> -> memref<128x128xf32, #tpu.memory_space<hbm>>
    tpu.enqueue_dma source(%dma_start3A_92 : memref<128x128xf32, #tpu.memory_space<hbm>>) target(%dma_start3A_90 : memref<128x128xf32, #tpu.memory_space<vmem>>) target_semaphore(%arg20 : memref<!tpu.dma_semaphore, #tpu.memory_space<semaphore_mem>>)
    %broadcast_in_dim3A = arith.constant 0.000000e+00 : f32
    %broadcast_in_dim3A_93 = vector.broadcast %broadcast_in_dim3A : f32 to vector<16xf32>
    %broadcast_in_dim3A_94 = arith.constant 1.000000e+00 : f32
    %broadcast_in_dim3A_95 = vector.broadcast %broadcast_in_dim3A_94 : f32 to vector<16xf32>
    %swap3A = arith.constant 0 : i32
    %swap3A_96 = arith.index_cast %swap3A : i32 to index
    %swap3A_97 = arith.constant 0 : index
    %swap3A_98 = tpu.vector_load %arg13[%swap3A_96, %swap3A_97] {strides = array<i32>} : memref<1x144xf32, #tpu.memory_space<vmem>>, vector<16xf32>,
    tpu.vector_store %arg13[%swap3A_96, %swap3A_97], %broadcast_in_dim3A_93 {strides = array<i32>} : memref<1x144xf32, #tpu.memory_space<vmem>>, vector<16xf32>,
    %swap3A_99 = arith.constant 0 : i32
    %swap3A_100 = arith.index_cast %swap3A_99 : i32 to index
    %swap3A_101 = arith.constant 16 : index
    %swap3A_102 = tpu.vector_load %arg13[%swap3A_100, %swap3A_101] {strides = array<i32>} : memref<1x144xf32, #tpu.memory_space<vmem>>, vector<16xf32>,
    tpu.vector_store %arg13[%swap3A_100, %swap3A_101], %broadcast_in_dim3A_93 {strides = array<i32>} : memref<1x144xf32, #tpu.memory_space<vmem>>, vector<16xf32>,
    %swap3A_103 = arith.constant 0 : i32
    %swap3A_104 = arith.index_cast %swap3A_103 : i32 to index
    %swap3A_105 = arith.constant 32 : index
    %swap3A_106 = tpu.vector_load %arg13[%swap3A_104, %swap3A_105] {strides = array<i32>} : memref<1x144xf32, #tpu.memory_space<vmem>>, vector<16xf32>,
    tpu.vector_store %arg13[%swap3A_104, %swap3A_105], %broadcast_in_dim3A_93 {strides = array<i32>} : memref<1x144xf32, #tpu.memory_space<vmem>>, vector<16xf32>,
    %swap3A_107 = arith.constant 0 : i32
    %swap3A_108 = arith.index_cast %swap3A_107 : i32 to index
    %swap3A_109 = arith.constant 48 : index
    %swap3A_110 = tpu.vector_load %arg13[%swap3A_108, %swap3A_109] {strides = array<i32>} : memref<1x144xf32, #tpu.memory_space<vmem>>, vector<16xf32>,
    tpu.vector_store %arg13[%swap3A_108, %swap3A_109], %broadcast_in_dim3A_93 {strides = array<i32>} : memref<1x144xf32, #tpu.memory_space<vmem>>, vector<16xf32>,
    %swap3A_111 = arith.constant 0 : i32
    %swap3A_112 = arith.index_cast %swap3A_111 : i32 to index
    %swap3A_113 = arith.constant 64 : index
    %swap3A_114 = tpu.vector_load %arg13[%swap3A_112, %swap3A_113] {strides = array<i32>} : memref<1x144xf32, #tpu.memory_space<vmem>>, vector<16xf32>,
    tpu.vector_store %arg13[%swap3A_112, %swap3A_113], %broadcast_in_dim3A_93 {strides = array<i32>} : memref<1x144xf32, #tpu.memory_space<vmem>>, vector<16xf32>,
    %swap3A_115 = arith.constant 0 : i32
    %swap3A_116 = arith.index_cast %swap3A_115 : i32 to index
    %swap3A_117 = arith.constant 80 : index
    %swap3A_118 = tpu.vector_load %arg13[%swap3A_116, %swap3A_117] {strides = array<i32>} : memref<1x144xf32, #tpu.memory_space<vmem>>, vector<16xf32>,
    tpu.vector_store %arg13[%swap3A_116, %swap3A_117], %broadcast_in_dim3A_93 {strides = array<i32>} : memref<1x144xf32, #tpu.memory_space<vmem>>, vector<16xf32>,
    %swap3A_119 = arith.constant 0 : i32
    %swap3A_120 = arith.index_cast %swap3A_119 : i32 to index
    %swap3A_121 = arith.constant 96 : index
    %swap3A_122 = tpu.vector_load %arg13[%swap3A_120, %swap3A_121] {strides = array<i32>} : memref<1x144xf32, #tpu.memory_space<vmem>>, vector<16xf32>,
    tpu.vector_store %arg13[%swap3A_120, %swap3A_121], %broadcast_in_dim3A_93 {strides = array<i32>} : memref<1x144xf32, #tpu.memory_space<vmem>>, vector<16xf32>,
    %swap3A_123 = arith.constant 0 : i32
    %swap3A_124 = arith.index_cast %swap3A_123 : i32 to index
    %swap3A_125 = arith.constant 112 : index
    %swap3A_126 = tpu.vector_load %arg13[%swap3A_124, %swap3A_125] {strides = array<i32>} : memref<1x144xf32, #tpu.memory_space<vmem>>, vector<16xf32>,
    tpu.vector_store %arg13[%swap3A_124, %swap3A_125], %broadcast_in_dim3A_93 {strides = array<i32>} : memref<1x144xf32, #tpu.memory_space<vmem>>, vector<16xf32>,
    %swap3A_127 = arith.constant 0 : i32
    %swap3A_128 = arith.index_cast %swap3A_127 : i32 to index
    %swap3A_129 = arith.constant 128 : index
    %swap3A_130 = tpu.vector_load %arg13[%swap3A_128, %swap3A_129] {strides = array<i32>} : memref<1x144xf32, #tpu.memory_space<vmem>>, vector<16xf32>,
    tpu.vector_store %arg13[%swap3A_128, %swap3A_129], %broadcast_in_dim3A_93 {strides = array<i32>} : memref<1x144xf32, #tpu.memory_space<vmem>>, vector<16xf32>,
    %swap3A_131 = arith.constant 0 : i32
    %swap3A_132 = arith.index_cast %swap3A_131 : i32 to index
    %swap3A_133 = arith.constant 0 : index
    %swap3A_134 = tpu.vector_load %arg16[%swap3A_132, %swap3A_133] {strides = array<i32>} : memref<9x128xf32, #tpu.memory_space<vmem>>, vector<16xf32>,
    tpu.vector_store %arg16[%swap3A_132, %swap3A_133], %broadcast_in_dim3A_93 {strides = array<i32>} : memref<9x128xf32, #tpu.memory_space<vmem>>, vector<16xf32>,
    %swap3A_135 = arith.constant 0 : i32
    %swap3A_136 = arith.index_cast %swap3A_135 : i32 to index
    %swap3A_137 = arith.constant 16 : index
    %swap3A_138 = tpu.vector_load %arg16[%swap3A_136, %swap3A_137] {strides = array<i32>} : memref<9x128xf32, #tpu.memory_space<vmem>>, vector<16xf32>,
    tpu.vector_store %arg16[%swap3A_136, %swap3A_137], %broadcast_in_dim3A_93 {strides = array<i32>} : memref<9x128xf32, #tpu.memory_space<vmem>>, vector<16xf32>,
    %swap3A_139 = arith.constant 0 : i32
    %swap3A_140 = arith.index_cast %swap3A_139 : i32 to index
    %swap3A_141 = arith.constant 32 : index
    %swap3A_142 = tpu.vector_load %arg16[%swap3A_140, %swap3A_141] {strides = array<i32>} : memref<9x128xf32, #tpu.memory_space<vmem>>, vector<16xf32>,
    tpu.vector_store %arg16[%swap3A_140, %swap3A_141], %broadcast_in_dim3A_93 {strides = array<i32>} : memref<9x128xf32, #tpu.memory_space<vmem>>, vector<16xf32>,
    %swap3A_143 = arith.constant 0 : i32
    %swap3A_144 = arith.index_cast %swap3A_143 : i32 to index
    %swap3A_145 = arith.constant 48 : index
    %swap3A_146 = tpu.vector_load %arg16[%swap3A_144, %swap3A_145] {strides = array<i32>} : memref<9x128xf32, #tpu.memory_space<vmem>>, vector<16xf32>,
    tpu.vector_store %arg16[%swap3A_144, %swap3A_145], %broadcast_in_dim3A_93 {strides = array<i32>} : memref<9x128xf32, #tpu.memory_space<vmem>>, vector<16xf32>,
    %swap3A_147 = arith.constant 0 : i32
    %swap3A_148 = arith.index_cast %swap3A_147 : i32 to index
    %swap3A_149 = arith.constant 64 : index
    %swap3A_150 = tpu.vector_load %arg16[%swap3A_148, %swap3A_149] {strides = array<i32>} : memref<9x128xf32, #tpu.memory_space<vmem>>, vector<16xf32>,
    tpu.vector_store %arg16[%swap3A_148, %swap3A_149], %broadcast_in_dim3A_93 {strides = array<i32>} : memref<9x128xf32, #tpu.memory_space<vmem>>, vector<16xf32>,
    %swap3A_151 = arith.constant 0 : i32
    %swap3A_152 = arith.index_cast %swap3A_151 : i32 to index
    %swap3A_153 = arith.constant 80 : index
    %swap3A_154 = tpu.vector_load %arg16[%swap3A_152, %swap3A_153] {strides = array<i32>} : memref<9x128xf32, #tpu.memory_space<vmem>>, vector<16xf32>,
    tpu.vector_store %arg16[%swap3A_152, %swap3A_153], %broadcast_in_dim3A_93 {strides = array<i32>} : memref<9x128xf32, #tpu.memory_space<vmem>>, vector<16xf32>,
    %swap3A_155 = arith.constant 0 : i32
    %swap3A_156 = arith.index_cast %swap3A_155 : i32 to index
    %swap3A_157 = arith.constant 96 : index
    %swap3A_158 = tpu.vector_load %arg16[%swap3A_156, %swap3A_157] {strides = array<i32>} : memref<9x128xf32, #tpu.memory_space<vmem>>, vector<16xf32>,
    tpu.vector_store %arg16[%swap3A_156, %swap3A_157], %broadcast_in_dim3A_93 {strides = array<i32>} : memref<9x128xf32, #tpu.memory_space<vmem>>, vector<16xf32>,
    %swap3A_159 = arith.constant 0 : i32
    %swap3A_160 = arith.index_cast %swap3A_159 : i32 to index
    %swap3A_161 = arith.constant 112 : index
    %swap3A_162 = tpu.vector_load %arg16[%swap3A_160, %swap3A_161] {strides = array<i32>} : memref<9x128xf32, #tpu.memory_space<vmem>>, vector<16xf32>,
    tpu.vector_store %arg16[%swap3A_160, %swap3A_161], %broadcast_in_dim3A_93 {strides = array<i32>} : memref<9x128xf32, #tpu.memory_space<vmem>>, vector<16xf32>,
    %swap3A_163 = arith.constant 1 : i32
    %swap3A_164 = arith.index_cast %swap3A_163 : i32 to index
    %swap3A_165 = arith.constant 0 : index
    %swap3A_166 = tpu.vector_load %arg16[%swap3A_164, %swap3A_165] {strides = array<i32>} : memref<9x128xf32, #tpu.memory_space<vmem>>, vector<16xf32>,
    tpu.vector_store %arg16[%swap3A_164, %swap3A_165], %broadcast_in_dim3A_93 {strides = array<i32>} : memref<9x128xf32, #tpu.memory_space<vmem>>, vector<16xf32>,
    %swap3A_167 = arith.constant 1 : i32
    %swap3A_168 = arith.index_cast %swap3A_167 : i32 to index
    %swap3A_169 = arith.constant 16 : index
    %swap3A_170 = tpu.vector_load %arg16[%swap3A_168, %swap3A_169] {strides = array<i32>} : memref<9x128xf32, #tpu.memory_space<vmem>>, vector<16xf32>,
    tpu.vector_store %arg16[%swap3A_168, %swap3A_169], %broadcast_in_dim3A_93 {strides = array<i32>} : memref<9x128xf32, #tpu.memory_space<vmem>>, vector<16xf32>,
    %swap3A_171 = arith.constant 1 : i32
    %swap3A_172 = arith.index_cast %swap3A_171 : i32 to index
    %swap3A_173 = arith.constant 32 : index
    %swap3A_174 = tpu.vector_load %arg16[%swap3A_172, %swap3A_173] {strides = array<i32>} : memref<9x128xf32, #tpu.memory_space<vmem>>, vector<16xf32>,
    tpu.vector_store %arg16[%swap3A_172, %swap3A_173], %broadcast_in_dim3A_93 {strides = array<i32>} : memref<9x128xf32, #tpu.memory_space<vmem>>, vector<16xf32>,
    %swap3A_175 = arith.constant 1 : i32
    %swap3A_176 = arith.index_cast %swap3A_175 : i32 to index
    %swap3A_177 = arith.constant 48 : index
    %swap3A_178 = tpu.vector_load %arg16[%swap3A_176, %swap3A_177] {strides = array<i32>} : memref<9x128xf32, #tpu.memory_space<vmem>>, vector<16xf32>,
    tpu.vector_store %arg16[%swap3A_176, %swap3A_177], %broadcast_in_dim3A_93 {strides = array<i32>} : memref<9x128xf32, #tpu.memory_space<vmem>>, vector<16xf32>,
    %swap3A_179 = arith.constant 1 : i32
    %swap3A_180 = arith.index_cast %swap3A_179 : i32 to index
    %swap3A_181 = arith.constant 64 : index
    %swap3A_182 = tpu.vector_load %arg16[%swap3A_180, %swap3A_181] {strides = array<i32>} : memref<9x128xf32, #tpu.memory_space<vmem>>, vector<16xf32>,
    tpu.vector_store %arg16[%swap3A_180, %swap3A_181], %broadcast_in_dim3A_93 {strides = array<i32>} : memref<9x128xf32, #tpu.memory_space<vmem>>, vector<16xf32>,
    %swap3A_183 = arith.constant 1 : i32
    %swap3A_184 = arith.index_cast %swap3A_183 : i32 to index
    %swap3A_185 = arith.constant 80 : index
    %swap3A_186 = tpu.vector_load %arg16[%swap3A_184, %swap3A_185] {strides = array<i32>} : memref<9x128xf32, #tpu.memory_space<vmem>>, vector<16xf32>,
    tpu.vector_store %arg16[%swap3A_184, %swap3A_185], %broadcast_in_dim3A_93 {strides = array<i32>} : memref<9x128xf32, #tpu.memory_space<vmem>>, vector<16xf32>,
    %swap3A_187 = arith.constant 1 : i32
    %swap3A_188 = arith.index_cast %swap3A_187 : i32 to index
    %swap3A_189 = arith.constant 96 : index
    %swap3A_190 = tpu.vector_load %arg16[%swap3A_188, %swap3A_189] {strides = array<i32>} : memref<9x128xf32, #tpu.memory_space<vmem>>, vector<16xf32>,
    tpu.vector_store %arg16[%swap3A_188, %swap3A_189], %broadcast_in_dim3A_93 {strides = array<i32>} : memref<9x128xf32, #tpu.memory_space<vmem>>, vector<16xf32>,
    %swap3A_191 = arith.constant 1 : i32
    %swap3A_192 = arith.index_cast %swap3A_191 : i32 to index
    %swap3A_193 = arith.constant 112 : index
    %swap3A_194 = tpu.vector_load %arg16[%swap3A_192, %swap3A_193] {strides = array<i32>} : memref<9x128xf32, #tpu.memory_space<vmem>>, vector<16xf32>,
    tpu.vector_store %arg16[%swap3A_192, %swap3A_193], %broadcast_in_dim3A_93 {strides = array<i32>} : memref<9x128xf32, #tpu.memory_space<vmem>>, vector<16xf32>,
    %swap3A_195 = arith.constant 2 : i32
    %swap3A_196 = arith.index_cast %swap3A_195 : i32 to index
    %swap3A_197 = arith.constant 0 : index
    %swap3A_198 = tpu.vector_load %arg16[%swap3A_196, %swap3A_197] {strides = array<i32>} : memref<9x128xf32, #tpu.memory_space<vmem>>, vector<16xf32>,
    tpu.vector_store %arg16[%swap3A_196, %swap3A_197], %broadcast_in_dim3A_93 {strides = array<i32>} : memref<9x128xf32, #tpu.memory_space<vmem>>, vector<16xf32>,
    %swap3A_199 = arith.constant 2 : i32
    %swap3A_200 = arith.index_cast %swap3A_199 : i32 to index
    %swap3A_201 = arith.constant 16 : index
    %swap3A_202 = tpu.vector_load %arg16[%swap3A_200, %swap3A_201] {strides = array<i32>} : memref<9x128xf32, #tpu.memory_space<vmem>>, vector<16xf32>,
    tpu.vector_store %arg16[%swap3A_200, %swap3A_201], %broadcast_in_dim3A_93 {strides = array<i32>} : memref<9x128xf32, #tpu.memory_space<vmem>>, vector<16xf32>,
    %swap3A_203 = arith.constant 2 : i32
    %swap3A_204 = arith.index_cast %swap3A_203 : i32 to index
    %swap3A_205 = arith.constant 32 : index
    %swap3A_206 = tpu.vector_load %arg16[%swap3A_204, %swap3A_205] {strides = array<i32>} : memref<9x128xf32, #tpu.memory_space<vmem>>, vector<16xf32>,
    tpu.vector_store %arg16[%swap3A_204, %swap3A_205], %broadcast_in_dim3A_93 {strides = array<i32>} : memref<9x128xf32, #tpu.memory_space<vmem>>, vector<16xf32>,
    %swap3A_207 = arith.constant 2 : i32
    %swap3A_208 = arith.index_cast %swap3A_207 : i32 to index
    %swap3A_209 = arith.constant 48 : index
    %swap3A_210 = tpu.vector_load %arg16[%swap3A_208, %swap3A_209] {strides = array<i32>} : memref<9x128xf32, #tpu.memory_space<vmem>>, vector<16xf32>,
    tpu.vector_store %arg16[%swap3A_208, %swap3A_209], %broadcast_in_dim3A_93 {strides = array<i32>} : memref<9x128xf32, #tpu.memory_space<vmem>>, vector<16xf32>,
    %swap3A_211 = arith.constant 2 : i32
    %swap3A_212 = arith.index_cast %swap3A_211 : i32 to index
    %swap3A_213 = arith.constant 64 : index
    %swap3A_214 = tpu.vector_load %arg16[%swap3A_212, %swap3A_213] {strides = array<i32>} : memref<9x128xf32, #tpu.memory_space<vmem>>, vector<16xf32>,
    tpu.vector_store %arg16[%swap3A_212, %swap3A_213], %broadcast_in_dim3A_93 {strides = array<i32>} : memref<9x128xf32, #tpu.memory_space<vmem>>, vector<16xf32>,
    %swap3A_215 = arith.constant 2 : i32
    %swap3A_216 = arith.index_cast %swap3A_215 : i32 to index
    %swap3A_217 = arith.constant 80 : index
    %swap3A_218 = tpu.vector_load %arg16[%swap3A_216, %swap3A_217] {strides = array<i32>} : memref<9x128xf32, #tpu.memory_space<vmem>>, vector<16xf32>,
    tpu.vector_store %arg16[%swap3A_216, %swap3A_217], %broadcast_in_dim3A_93 {strides = array<i32>} : memref<9x128xf32, #tpu.memory_space<vmem>>, vector<16xf32>,
    %swap3A_219 = arith.constant 2 : i32
    %swap3A_220 = arith.index_cast %swap3A_219 : i32 to index
    %swap3A_221 = arith.constant 96 : index
    %swap3A_222 = tpu.vector_load %arg16[%swap3A_220, %swap3A_221] {strides = array<i32>} : memref<9x128xf32, #tpu.memory_space<vmem>>, vector<16xf32>,
    tpu.vector_store %arg16[%swap3A_220, %swap3A_221], %broadcast_in_dim3A_93 {strides = array<i32>} : memref<9x128xf32, #tpu.memory_space<vmem>>, vector<16xf32>,
    %swap3A_223 = arith.constant 2 : i32
    %swap3A_224 = arith.index_cast %swap3A_223 : i32 to index
    %swap3A_225 = arith.constant 112 : index
    %swap3A_226 = tpu.vector_load %arg16[%swap3A_224, %swap3A_225] {strides = array<i32>} : memref<9x128xf32, #tpu.memory_space<vmem>>, vector<16xf32>,
    tpu.vector_store %arg16[%swap3A_224, %swap3A_225], %broadcast_in_dim3A_93 {strides = array<i32>} : memref<9x128xf32, #tpu.memory_space<vmem>>, vector<16xf32>,
    %swap3A_227 = arith.constant 3 : i32
    %swap3A_228 = arith.index_cast %swap3A_227 : i32 to index
    %swap3A_229 = arith.constant 0 : index
    %swap3A_230 = tpu.vector_load %arg16[%swap3A_228, %swap3A_229] {strides = array<i32>} : memref<9x128xf32, #tpu.memory_space<vmem>>, vector<16xf32>,
    tpu.vector_store %arg16[%swap3A_228, %swap3A_229], %broadcast_in_dim3A_93 {strides = array<i32>} : memref<9x128xf32, #tpu.memory_space<vmem>>, vector<16xf32>,
    %swap3A_231 = arith.constant 3 : i32
    %swap3A_232 = arith.index_cast %swap3A_231 : i32 to index
    %swap3A_233 = arith.constant 16 : index
    %swap3A_234 = tpu.vector_load %arg16[%swap3A_232, %swap3A_233] {strides = array<i32>} : memref<9x128xf32, #tpu.memory_space<vmem>>, vector<16xf32>,
    tpu.vector_store %arg16[%swap3A_232, %swap3A_233], %broadcast_in_dim3A_93 {strides = array<i32>} : memref<9x128xf32, #tpu.memory_space<vmem>>, vector<16xf32>,
    %swap3A_235 = arith.constant 3 : i32
    %swap3A_236 = arith.index_cast %swap3A_235 : i32 to index
    %swap3A_237 = arith.constant 32 : index
    %swap3A_238 = tpu.vector_load %arg16[%swap3A_236, %swap3A_237] {strides = array<i32>} : memref<9x128xf32, #tpu.memory_space<vmem>>, vector<16xf32>,
    tpu.vector_store %arg16[%swap3A_236, %swap3A_237], %broadcast_in_dim3A_93 {strides = array<i32>} : memref<9x128xf32, #tpu.memory_space<vmem>>, vector<16xf32>,
    %swap3A_239 = arith.constant 3 : i32
    %swap3A_240 = arith.index_cast %swap3A_239 : i32 to index
    %swap3A_241 = arith.constant 48 : index
    %swap3A_242 = tpu.vector_load %arg16[%swap3A_240, %swap3A_241] {strides = array<i32>} : memref<9x128xf32, #tpu.memory_space<vmem>>, vector<16xf32>,
    tpu.vector_store %arg16[%swap3A_240, %swap3A_241], %broadcast_in_dim3A_93 {strides = array<i32>} : memref<9x128xf32, #tpu.memory_space<vmem>>, vector<16xf32>,
    %swap3A_243 = arith.constant 3 : i32
    %swap3A_244 = arith.index_cast %swap3A_243 : i32 to index
    %swap3A_245 = arith.constant 64 : index
    %swap3A_246 = tpu.vector_load %arg16[%swap3A_244, %swap3A_245] {strides = array<i32>} : memref<9x128xf32, #tpu.memory_space<vmem>>, vector<16xf32>,
    tpu.vector_store %arg16[%swap3A_244, %swap3A_245], %broadcast_in_dim3A_93 {strides = array<i32>} : memref<9x128xf32, #tpu.memory_space<vmem>>, vector<16xf32>,
    %swap3A_247 = arith.constant 3 : i32
    %swap3A_248 = arith.index_cast %swap3A_247 : i32 to index
    %swap3A_249 = arith.constant 80 : index
    %swap3A_250 = tpu.vector_load %arg16[%swap3A_248, %swap3A_249] {strides = array<i32>} : memref<9x128xf32, #tpu.memory_space<vmem>>, vector<16xf32>,
    tpu.vector_store %arg16[%swap3A_248, %swap3A_249], %broadcast_in_dim3A_93 {strides = array<i32>} : memref<9x128xf32, #tpu.memory_space<vmem>>, vector<16xf32>,
    %swap3A_251 = arith.constant 3 : i32
    %swap3A_252 = arith.index_cast %swap3A_251 : i32 to index
    %swap3A_253 = arith.constant 96 : index
    %swap3A_254 = tpu.vector_load %arg16[%swap3A_252, %swap3A_253] {strides = array<i32>} : memref<9x128xf32, #tpu.memory_space<vmem>>, vector<16xf32>,
    tpu.vector_store %arg16[%swap3A_252, %swap3A_253], %broadcast_in_dim3A_93 {strides = array<i32>} : memref<9x128xf32, #tpu.memory_space<vmem>>, vector<16xf32>,
    %swap3A_255 = arith.constant 3 : i32
    %swap3A_256 = arith.index_cast %swap3A_255 : i32 to index
    %swap3A_257 = arith.constant 112 : index
    %swap3A_258 = tpu.vector_load %arg16[%swap3A_256, %swap3A_257] {strides = array<i32>} : memref<9x128xf32, #tpu.memory_space<vmem>>, vector<16xf32>,
    tpu.vector_store %arg16[%swap3A_256, %swap3A_257], %broadcast_in_dim3A_93 {strides = array<i32>} : memref<9x128xf32, #tpu.memory_space<vmem>>, vector<16xf32>,
    %swap3A_259 = arith.constant 4 : i32
    %swap3A_260 = arith.index_cast %swap3A_259 : i32 to index
    %swap3A_261 = arith.constant 0 : index
    %swap3A_262 = tpu.vector_load %arg16[%swap3A_260, %swap3A_261] {strides = array<i32>} : memref<9x128xf32, #tpu.memory_space<vmem>>, vector<16xf32>,
    tpu.vector_store %arg16[%swap3A_260, %swap3A_261], %broadcast_in_dim3A_93 {strides = array<i32>} : memref<9x128xf32, #tpu.memory_space<vmem>>, vector<16xf32>,
    %swap3A_263 = arith.constant 4 : i32
    %swap3A_264 = arith.index_cast %swap3A_263 : i32 to index
    %swap3A_265 = arith.constant 16 : index
    %swap3A_266 = tpu.vector_load %arg16[%swap3A_264, %swap3A_265] {strides = array<i32>} : memref<9x128xf32, #tpu.memory_space<vmem>>, vector<16xf32>,
    tpu.vector_store %arg16[%swap3A_264, %swap3A_265], %broadcast_in_dim3A_93 {strides = array<i32>} : memref<9x128xf32, #tpu.memory_space<vmem>>, vector<16xf32>,
    %swap3A_267 = arith.constant 4 : i32
    %swap3A_268 = arith.index_cast %swap3A_267 : i32 to index
    %swap3A_269 = arith.constant 32 : index
    %swap3A_270 = tpu.vector_load %arg16[%swap3A_268, %swap3A_269] {strides = array<i32>} : memref<9x128xf32, #tpu.memory_space<vmem>>, vector<16xf32>,
    tpu.vector_store %arg16[%swap3A_268, %swap3A_269], %broadcast_in_dim3A_93 {strides = array<i32>} : memref<9x128xf32, #tpu.memory_space<vmem>>, vector<16xf32>,
    %swap3A_271 = arith.constant 4 : i32
    %swap3A_272 = arith.index_cast %swap3A_271 : i32 to index
    %swap3A_273 = arith.constant 48 : index
    %swap3A_274 = tpu.vector_load %arg16[%swap3A_272, %swap3A_273] {strides = array<i32>} : memref<9x128xf32, #tpu.memory_space<vmem>>, vector<16xf32>,
    tpu.vector_store %arg16[%swap3A_272, %swap3A_273], %broadcast_in_dim3A_93 {strides = array<i32>} : memref<9x128xf32, #tpu.memory_space<vmem>>, vector<16xf32>,
    %swap3A_275 = arith.constant 4 : i32
    %swap3A_276 = arith.index_cast %swap3A_275 : i32 to index
    %swap3A_277 = arith.constant 64 : index
    %swap3A_278 = tpu.vector_load %arg16[%swap3A_276, %swap3A_277] {strides = array<i32>} : memref<9x128xf32, #tpu.memory_space<vmem>>, vector<16xf32>,
    tpu.vector_store %arg16[%swap3A_276, %swap3A_277], %broadcast_in_dim3A_93 {strides = array<i32>} : memref<9x128xf32, #tpu.memory_space<vmem>>, vector<16xf32>,
    %swap3A_279 = arith.constant 4 : i32
    %swap3A_280 = arith.index_cast %swap3A_279 : i32 to index
    %swap3A_281 = arith.constant 80 : index
    %swap3A_282 = tpu.vector_load %arg16[%swap3A_280, %swap3A_281] {strides = array<i32>} : memref<9x128xf32, #tpu.memory_space<vmem>>, vector<16xf32>,
    tpu.vector_store %arg16[%swap3A_280, %swap3A_281], %broadcast_in_dim3A_93 {strides = array<i32>} : memref<9x128xf32, #tpu.memory_space<vmem>>, vector<16xf32>,
    %swap3A_283 = arith.constant 4 : i32
    %swap3A_284 = arith.index_cast %swap3A_283 : i32 to index
    %swap3A_285 = arith.constant 96 : index
    %swap3A_286 = tpu.vector_load %arg16[%swap3A_284, %swap3A_285] {strides = array<i32>} : memref<9x128xf32, #tpu.memory_space<vmem>>, vector<16xf32>,
    tpu.vector_store %arg16[%swap3A_284, %swap3A_285], %broadcast_in_dim3A_93 {strides = array<i32>} : memref<9x128xf32, #tpu.memory_space<vmem>>, vector<16xf32>,
    %swap3A_287 = arith.constant 4 : i32
    %swap3A_288 = arith.index_cast %swap3A_287 : i32 to index
    %swap3A_289 = arith.constant 112 : index
    %swap3A_290 = tpu.vector_load %arg16[%swap3A_288, %swap3A_289] {strides = array<i32>} : memref<9x128xf32, #tpu.memory_space<vmem>>, vector<16xf32>,
    tpu.vector_store %arg16[%swap3A_288, %swap3A_289], %broadcast_in_dim3A_93 {strides = array<i32>} : memref<9x128xf32, #tpu.memory_space<vmem>>, vector<16xf32>,
    %swap3A_291 = arith.constant 5 : i32
    %swap3A_292 = arith.index_cast %swap3A_291 : i32 to index
    %swap3A_293 = arith.constant 0 : index
    %swap3A_294 = tpu.vector_load %arg16[%swap3A_292, %swap3A_293] {strides = array<i32>} : memref<9x128xf32, #tpu.memory_space<vmem>>, vector<16xf32>,
    tpu.vector_store %arg16[%swap3A_292, %swap3A_293], %broadcast_in_dim3A_93 {strides = array<i32>} : memref<9x128xf32, #tpu.memory_space<vmem>>, vector<16xf32>,
    %swap3A_295 = arith.constant 5 : i32
    %swap3A_296 = arith.index_cast %swap3A_295 : i32 to index
    %swap3A_297 = arith.constant 16 : index
    %swap3A_298 = tpu.vector_load %arg16[%swap3A_296, %swap3A_297] {strides = array<i32>} : memref<9x128xf32, #tpu.memory_space<vmem>>, vector<16xf32>,
    tpu.vector_store %arg16[%swap3A_296, %swap3A_297], %broadcast_in_dim3A_93 {strides = array<i32>} : memref<9x128xf32, #tpu.memory_space<vmem>>, vector<16xf32>,
    %swap3A_299 = arith.constant 5 : i32
    %swap3A_300 = arith.index_cast %swap3A_299 : i32 to index
    %swap3A_301 = arith.constant 32 : index
    %swap3A_302 = tpu.vector_load %arg16[%swap3A_300, %swap3A_301] {strides = array<i32>} : memref<9x128xf32, #tpu.memory_space<vmem>>, vector<16xf32>,
    tpu.vector_store %arg16[%swap3A_300, %swap3A_301], %broadcast_in_dim3A_93 {strides = array<i32>} : memref<9x128xf32, #tpu.memory_space<vmem>>, vector<16xf32>,
    %swap3A_303 = arith.constant 5 : i32
    %swap3A_304 = arith.index_cast %swap3A_303 : i32 to index
    %swap3A_305 = arith.constant 48 : index
    %swap3A_306 = tpu.vector_load %arg16[%swap3A_304, %swap3A_305] {strides = array<i32>} : memref<9x128xf32, #tpu.memory_space<vmem>>, vector<16xf32>,
    tpu.vector_store %arg16[%swap3A_304, %swap3A_305], %broadcast_in_dim3A_93 {strides = array<i32>} : memref<9x128xf32, #tpu.memory_space<vmem>>, vector<16xf32>,
    %swap3A_307 = arith.constant 5 : i32
    %swap3A_308 = arith.index_cast %swap3A_307 : i32 to index
    %swap3A_309 = arith.constant 64 : index
    %swap3A_310 = tpu.vector_load %arg16[%swap3A_308, %swap3A_309] {strides = array<i32>} : memref<9x128xf32, #tpu.memory_space<vmem>>, vector<16xf32>,
    tpu.vector_store %arg16[%swap3A_308, %swap3A_309], %broadcast_in_dim3A_93 {strides = array<i32>} : memref<9x128xf32, #tpu.memory_space<vmem>>, vector<16xf32>,
    %swap3A_311 = arith.constant 5 : i32
    %swap3A_312 = arith.index_cast %swap3A_311 : i32 to index
    %swap3A_313 = arith.constant 80 : index
    %swap3A_314 = tpu.vector_load %arg16[%swap3A_312, %swap3A_313] {strides = array<i32>} : memref<9x128xf32, #tpu.memory_space<vmem>>, vector<16xf32>,
    tpu.vector_store %arg16[%swap3A_312, %swap3A_313], %broadcast_in_dim3A_93 {strides = array<i32>} : memref<9x128xf32, #tpu.memory_space<vmem>>, vector<16xf32>,
    %swap3A_315 = arith.constant 5 : i32
    %swap3A_316 = arith.index_cast %swap3A_315 : i32 to index
    %swap3A_317 = arith.constant 96 : index
    %swap3A_318 = tpu.vector_load %arg16[%swap3A_316, %swap3A_317] {strides = array<i32>} : memref<9x128xf32, #tpu.memory_space<vmem>>, vector<16xf32>,
    tpu.vector_store %arg16[%swap3A_316, %swap3A_317], %broadcast_in_dim3A_93 {strides = array<i32>} : memref<9x128xf32, #tpu.memory_space<vmem>>, vector<16xf32>,
    %swap3A_319 = arith.constant 5 : i32
    %swap3A_320 = arith.index_cast %swap3A_319 : i32 to index
    %swap3A_321 = arith.constant 112 : index
    %swap3A_322 = tpu.vector_load %arg16[%swap3A_320, %swap3A_321] {strides = array<i32>} : memref<9x128xf32, #tpu.memory_space<vmem>>, vector<16xf32>,
    tpu.vector_store %arg16[%swap3A_320, %swap3A_321], %broadcast_in_dim3A_93 {strides = array<i32>} : memref<9x128xf32, #tpu.memory_space<vmem>>, vector<16xf32>,
    %swap3A_323 = arith.constant 6 : i32
    %swap3A_324 = arith.index_cast %swap3A_323 : i32 to index
    %swap3A_325 = arith.constant 0 : index
    %swap3A_326 = tpu.vector_load %arg16[%swap3A_324, %swap3A_325] {strides = array<i32>} : memref<9x128xf32, #tpu.memory_space<vmem>>, vector<16xf32>,
    tpu.vector_store %arg16[%swap3A_324, %swap3A_325], %broadcast_in_dim3A_93 {strides = array<i32>} : memref<9x128xf32, #tpu.memory_space<vmem>>, vector<16xf32>,
    %swap3A_327 = arith.constant 6 : i32
    %swap3A_328 = arith.index_cast %swap3A_327 : i32 to index
    %swap3A_329 = arith.constant 16 : index
    %swap3A_330 = tpu.vector_load %arg16[%swap3A_328, %swap3A_329] {strides = array<i32>} : memref<9x128xf32, #tpu.memory_space<vmem>>, vector<16xf32>,
    tpu.vector_store %arg16[%swap3A_328, %swap3A_329], %broadcast_in_dim3A_93 {strides = array<i32>} : memref<9x128xf32, #tpu.memory_space<vmem>>, vector<16xf32>,
    %swap3A_331 = arith.constant 6 : i32
    %swap3A_332 = arith.index_cast %swap3A_331 : i32 to index
    %swap3A_333 = arith.constant 32 : index
    %swap3A_334 = tpu.vector_load %arg16[%swap3A_332, %swap3A_333] {strides = array<i32>} : memref<9x128xf32, #tpu.memory_space<vmem>>, vector<16xf32>,
    tpu.vector_store %arg16[%swap3A_332, %swap3A_333], %broadcast_in_dim3A_93 {strides = array<i32>} : memref<9x128xf32, #tpu.memory_space<vmem>>, vector<16xf32>,
    %swap3A_335 = arith.constant 6 : i32
    %swap3A_336 = arith.index_cast %swap3A_335 : i32 to index
    %swap3A_337 = arith.constant 48 : index
    %swap3A_338 = tpu.vector_load %arg16[%swap3A_336, %swap3A_337] {strides = array<i32>} : memref<9x128xf32, #tpu.memory_space<vmem>>, vector<16xf32>,
    tpu.vector_store %arg16[%swap3A_336, %swap3A_337], %broadcast_in_dim3A_93 {strides = array<i32>} : memref<9x128xf32, #tpu.memory_space<vmem>>, vector<16xf32>,
    %swap3A_339 = arith.constant 6 : i32
    %swap3A_340 = arith.index_cast %swap3A_339 : i32 to index
    %swap3A_341 = arith.constant 64 : index
    %swap3A_342 = tpu.vector_load %arg16[%swap3A_340, %swap3A_341] {strides = array<i32>} : memref<9x128xf32, #tpu.memory_space<vmem>>, vector<16xf32>,
    tpu.vector_store %arg16[%swap3A_340, %swap3A_341], %broadcast_in_dim3A_93 {strides = array<i32>} : memref<9x128xf32, #tpu.memory_space<vmem>>, vector<16xf32>,
    %swap3A_343 = arith.constant 6 : i32
    %swap3A_344 = arith.index_cast %swap3A_343 : i32 to index
    %swap3A_345 = arith.constant 80 : index
    %swap3A_346 = tpu.vector_load %arg16[%swap3A_344, %swap3A_345] {strides = array<i32>} : memref<9x128xf32, #tpu.memory_space<vmem>>, vector<16xf32>,
    tpu.vector_store %arg16[%swap3A_344, %swap3A_345], %broadcast_in_dim3A_93 {strides = array<i32>} : memref<9x128xf32, #tpu.memory_space<vmem>>, vector<16xf32>,
    %swap3A_347 = arith.constant 6 : i32
    %swap3A_348 = arith.index_cast %swap3A_347 : i32 to index
    %swap3A_349 = arith.constant 96 : index
    %swap3A_350 = tpu.vector_load %arg16[%swap3A_348, %swap3A_349] {strides = array<i32>} : memref<9x128xf32, #tpu.memory_space<vmem>>, vector<16xf32>,
    tpu.vector_store %arg16[%swap3A_348, %swap3A_349], %broadcast_in_dim3A_93 {strides = array<i32>} : memref<9x128xf32, #tpu.memory_space<vmem>>, vector<16xf32>,
    %swap3A_351 = arith.constant 6 : i32
    %swap3A_352 = arith.index_cast %swap3A_351 : i32 to index
    %swap3A_353 = arith.constant 112 : index
    %swap3A_354 = tpu.vector_load %arg16[%swap3A_352, %swap3A_353] {strides = array<i32>} : memref<9x128xf32, #tpu.memory_space<vmem>>, vector<16xf32>,
    tpu.vector_store %arg16[%swap3A_352, %swap3A_353], %broadcast_in_dim3A_93 {strides = array<i32>} : memref<9x128xf32, #tpu.memory_space<vmem>>, vector<16xf32>,
    %swap3A_355 = arith.constant 7 : i32
    %swap3A_356 = arith.index_cast %swap3A_355 : i32 to index
    %swap3A_357 = arith.constant 0 : index
    %swap3A_358 = tpu.vector_load %arg16[%swap3A_356, %swap3A_357] {strides = array<i32>} : memref<9x128xf32, #tpu.memory_space<vmem>>, vector<16xf32>,
    tpu.vector_store %arg16[%swap3A_356, %swap3A_357], %broadcast_in_dim3A_93 {strides = array<i32>} : memref<9x128xf32, #tpu.memory_space<vmem>>, vector<16xf32>,
    %swap3A_359 = arith.constant 7 : i32
    %swap3A_360 = arith.index_cast %swap3A_359 : i32 to index
    %swap3A_361 = arith.constant 16 : index
    %swap3A_362 = tpu.vector_load %arg16[%swap3A_360, %swap3A_361] {strides = array<i32>} : memref<9x128xf32, #tpu.memory_space<vmem>>, vector<16xf32>,
    tpu.vector_store %arg16[%swap3A_360, %swap3A_361], %broadcast_in_dim3A_93 {strides = array<i32>} : memref<9x128xf32, #tpu.memory_space<vmem>>, vector<16xf32>,
    %swap3A_363 = arith.constant 7 : i32
    %swap3A_364 = arith.index_cast %swap3A_363 : i32 to index
    %swap3A_365 = arith.constant 32 : index
    %swap3A_366 = tpu.vector_load %arg16[%swap3A_364, %swap3A_365] {strides = array<i32>} : memref<9x128xf32, #tpu.memory_space<vmem>>, vector<16xf32>,
    tpu.vector_store %arg16[%swap3A_364, %swap3A_365], %broadcast_in_dim3A_93 {strides = array<i32>} : memref<9x128xf32, #tpu.memory_space<vmem>>, vector<16xf32>,
    %swap3A_367 = arith.constant 7 : i32
    %swap3A_368 = arith.index_cast %swap3A_367 : i32 to index
    %swap3A_369 = arith.constant 48 : index
    %swap3A_370 = tpu.vector_load %arg16[%swap3A_368, %swap3A_369] {strides = array<i32>} : memref<9x128xf32, #tpu.memory_space<vmem>>, vector<16xf32>,
    tpu.vector_store %arg16[%swap3A_368, %swap3A_369], %broadcast_in_dim3A_93 {strides = array<i32>} : memref<9x128xf32, #tpu.memory_space<vmem>>, vector<16xf32>,
    %swap3A_371 = arith.constant 7 : i32
    %swap3A_372 = arith.index_cast %swap3A_371 : i32 to index
    %swap3A_373 = arith.constant 64 : index
    %swap3A_374 = tpu.vector_load %arg16[%swap3A_372, %swap3A_373] {strides = array<i32>} : memref<9x128xf32, #tpu.memory_space<vmem>>, vector<16xf32>,
    tpu.vector_store %arg16[%swap3A_372, %swap3A_373], %broadcast_in_dim3A_93 {strides = array<i32>} : memref<9x128xf32, #tpu.memory_space<vmem>>, vector<16xf32>,
    %swap3A_375 = arith.constant 7 : i32
    %swap3A_376 = arith.index_cast %swap3A_375 : i32 to index
    %swap3A_377 = arith.constant 80 : index
    %swap3A_378 = tpu.vector_load %arg16[%swap3A_376, %swap3A_377] {strides = array<i32>} : memref<9x128xf32, #tpu.memory_space<vmem>>, vector<16xf32>,
    tpu.vector_store %arg16[%swap3A_376, %swap3A_377], %broadcast_in_dim3A_93 {strides = array<i32>} : memref<9x128xf32, #tpu.memory_space<vmem>>, vector<16xf32>,
    %swap3A_379 = arith.constant 7 : i32
    %swap3A_380 = arith.index_cast %swap3A_379 : i32 to index
    %swap3A_381 = arith.constant 96 : index
    %swap3A_382 = tpu.vector_load %arg16[%swap3A_380, %swap3A_381] {strides = array<i32>} : memref<9x128xf32, #tpu.memory_space<vmem>>, vector<16xf32>,
    tpu.vector_store %arg16[%swap3A_380, %swap3A_381], %broadcast_in_dim3A_93 {strides = array<i32>} : memref<9x128xf32, #tpu.memory_space<vmem>>, vector<16xf32>,
    %swap3A_383 = arith.constant 7 : i32
    %swap3A_384 = arith.index_cast %swap3A_383 : i32 to index
    %swap3A_385 = arith.constant 112 : index
    %swap3A_386 = tpu.vector_load %arg16[%swap3A_384, %swap3A_385] {strides = array<i32>} : memref<9x128xf32, #tpu.memory_space<vmem>>, vector<16xf32>,
    tpu.vector_store %arg16[%swap3A_384, %swap3A_385], %broadcast_in_dim3A_93 {strides = array<i32>} : memref<9x128xf32, #tpu.memory_space<vmem>>, vector<16xf32>,
    %swap3A_387 = arith.constant 8 : i32
    %swap3A_388 = arith.index_cast %swap3A_387 : i32 to index
    %swap3A_389 = arith.constant 0 : index
    %swap3A_390 = tpu.vector_load %arg16[%swap3A_388, %swap3A_389] {strides = array<i32>} : memref<9x128xf32, #tpu.memory_space<vmem>>, vector<16xf32>,
    tpu.vector_store %arg16[%swap3A_388, %swap3A_389], %broadcast_in_dim3A_93 {strides = array<i32>} : memref<9x128xf32, #tpu.memory_space<vmem>>, vector<16xf32>,
    %swap3A_391 = arith.constant 8 : i32
    %swap3A_392 = arith.index_cast %swap3A_391 : i32 to index
    %swap3A_393 = arith.constant 16 : index
    %swap3A_394 = tpu.vector_load %arg16[%swap3A_392, %swap3A_393] {strides = array<i32>} : memref<9x128xf32, #tpu.memory_space<vmem>>, vector<16xf32>,
    tpu.vector_store %arg16[%swap3A_392, %swap3A_393], %broadcast_in_dim3A_93 {strides = array<i32>} : memref<9x128xf32, #tpu.memory_space<vmem>>, vector<16xf32>,
    %swap3A_395 = arith.constant 8 : i32
    %swap3A_396 = arith.index_cast %swap3A_395 : i32 to index
    %swap3A_397 = arith.constant 32 : index
    %swap3A_398 = tpu.vector_load %arg16[%swap3A_396, %swap3A_397] {strides = array<i32>} : memref<9x128xf32, #tpu.memory_space<vmem>>, vector<16xf32>,
    tpu.vector_store %arg16[%swap3A_396, %swap3A_397], %broadcast_in_dim3A_93 {strides = array<i32>} : memref<9x128xf32, #tpu.memory_space<vmem>>, vector<16xf32>,
    %swap3A_399 = arith.constant 8 : i32
    %swap3A_400 = arith.index_cast %swap3A_399 : i32 to index
    %swap3A_401 = arith.constant 48 : index
    %swap3A_402 = tpu.vector_load %arg16[%swap3A_400, %swap3A_401] {strides = array<i32>} : memref<9x128xf32, #tpu.memory_space<vmem>>, vector<16xf32>,
    tpu.vector_store %arg16[%swap3A_400, %swap3A_401], %broadcast_in_dim3A_93 {strides = array<i32>} : memref<9x128xf32, #tpu.memory_space<vmem>>, vector<16xf32>,
    %swap3A_403 = arith.constant 8 : i32
    %swap3A_404 = arith.index_cast %swap3A_403 : i32 to index
    %swap3A_405 = arith.constant 64 : index
    %swap3A_406 = tpu.vector_load %arg16[%swap3A_404, %swap3A_405] {strides = array<i32>} : memref<9x128xf32, #tpu.memory_space<vmem>>, vector<16xf32>,
    tpu.vector_store %arg16[%swap3A_404, %swap3A_405], %broadcast_in_dim3A_93 {strides = array<i32>} : memref<9x128xf32, #tpu.memory_space<vmem>>, vector<16xf32>,
    %swap3A_407 = arith.constant 8 : i32
    %swap3A_408 = arith.index_cast %swap3A_407 : i32 to index
    %swap3A_409 = arith.constant 80 : index
    %swap3A_410 = tpu.vector_load %arg16[%swap3A_408, %swap3A_409] {strides = array<i32>} : memref<9x128xf32, #tpu.memory_space<vmem>>, vector<16xf32>,
    tpu.vector_store %arg16[%swap3A_408, %swap3A_409], %broadcast_in_dim3A_93 {strides = array<i32>} : memref<9x128xf32, #tpu.memory_space<vmem>>, vector<16xf32>,
    %swap3A_411 = arith.constant 8 : i32
    %swap3A_412 = arith.index_cast %swap3A_411 : i32 to index
    %swap3A_413 = arith.constant 96 : index
    %swap3A_414 = tpu.vector_load %arg16[%swap3A_412, %swap3A_413] {strides = array<i32>} : memref<9x128xf32, #tpu.memory_space<vmem>>, vector<16xf32>,
    tpu.vector_store %arg16[%swap3A_412, %swap3A_413], %broadcast_in_dim3A_93 {strides = array<i32>} : memref<9x128xf32, #tpu.memory_space<vmem>>, vector<16xf32>,
    %swap3A_415 = arith.constant 8 : i32
    %swap3A_416 = arith.index_cast %swap3A_415 : i32 to index
    %swap3A_417 = arith.constant 112 : index
    %swap3A_418 = tpu.vector_load %arg16[%swap3A_416, %swap3A_417] {strides = array<i32>} : memref<9x128xf32, #tpu.memory_space<vmem>>, vector<16xf32>,
    tpu.vector_store %arg16[%swap3A_416, %swap3A_417], %broadcast_in_dim3A_93 {strides = array<i32>} : memref<9x128xf32, #tpu.memory_space<vmem>>, vector<16xf32>,
    %mul3A_419 = arith.constant 9 : i32
    %mul3A_420 = arith.muli %arg1, %mul3A_419 : i32
    %dma_start3A_421 = arith.constant 0 : i32
    %dma_start3A_422 = tpu.memref_slice %arg17[%mul3A_420, %dma_start3A_421] : memref<144x128xf32, #tpu.memory_space<vmem_shared>> -> memref<9x128xf32, #tpu.memory_space<vmem_shared>>
    %dma_start3A_423 = arith.constant 0 : i32
    %dma_start3A_424 = tpu.memref_slice %arg17[%mul3A_420, %dma_start3A_423] : memref<144x128xf32, #tpu.memory_space<vmem_shared>> -> memref<9x128xf32, #tpu.memory_space<vmem_shared>>
    tpu.enqueue_dma source(%arg16 : memref<9x128xf32, #tpu.memory_space<vmem>>) target(%dma_start3A_424 : memref<9x128xf32, #tpu.memory_space<vmem_shared>>) target_semaphore(%arg21 : memref<!tpu.dma_semaphore, #tpu.memory_space<semaphore_mem>>)
    %dma_wait3A = tpu.memref_slice %arg3[%min3A_21] : memref<10000xi32, #tpu.memory_space<hbm>> -> memref<328xi32, #tpu.memory_space<hbm>>
    %dma_wait3A_425 = tpu.memref_slice %arg3[%min3A_21] : memref<10000xi32, #tpu.memory_space<hbm>> -> memref<328xi32, #tpu.memory_space<hbm>>
    tpu.wait_dma2 semaphore(%arg19 : memref<!tpu.dma_semaphore, #tpu.memory_space<semaphore_mem>>) src(%dma_wait3A_425 : memref<328xi32, #tpu.memory_space<hbm>>) dst(%arg7 : memref<328xi32, #tpu.memory_space<vmem>>)
    %iota3A = tpu.iota {dimensions = array<i32: 0>} : vector<16xi32>
    %broadcast_in_dim3A_426 = arith.constant 0 : i32
    %broadcast_in_dim3A_427 = vector.broadcast %broadcast_in_dim3A_426 : i32 to vector<16xi32>
    %add3A_428 = arith.constant 0 : i32
    %add3A_429 = arith.addi %mul3A_2, %add3A_428 : i32
    %add3A_430 = arith.constant 625 : i32
    %add3A_431 = arith.addi %mul3A_2, %add3A_430 : i32
    %add3A_432 = arith.constant 0 : i32
    %add3A_433 = arith.addi %min3A_26, %add3A_432 : i32
    %add3A_434 = vector.broadcast %add3A_433 : i32 to vector<16xi32>
    %add3A_435 = arith.addi %add3A_434, %iota3A : vector<16xi32>
    %shift_right_arithmetic3A = arith.constant 4 : i32
    %shift_right_arithmetic3A_436 = vector.broadcast %shift_right_arithmetic3A : i32 to vector<16xi32>
    %shift_right_arithmetic3A_437 = arith.shrsi %add3A_435, %shift_right_arithmetic3A_436 : vector<16xi32>
    %shift_left3A = arith.constant 3 : i32
    %shift_left3A_438 = vector.broadcast %shift_left3A : i32 to vector<16xi32>
    %shift_left3A_439 = arith.shli %shift_right_arithmetic3A_437, %shift_left3A_438 : vector<16xi32>
    %and3A_440 = arith.constant 7 : i32
    %and3A_441 = vector.broadcast %and3A_440 : i32 to vector<16xi32>
    %and3A_442 = arith.andi %add3A_435, %and3A_441 : vector<16xi32>
    %add3A_443 = arith.addi %shift_left3A_439, %and3A_442 : vector<16xi32>
    %sub3A_444 = vector.broadcast %min3A_21 : i32 to vector<16xi32>
    %sub3A_445 = arith.subi %add3A_443, %sub3A_444 : vector<16xi32>
    %gather3A = tpu.vector_load_idx %arg7[%sub3A_445] : memref<328xi32, #tpu.memory_space<vmem>>[vector<16xi32>], vector<16xi32>,
    %mul3A_446 = arith.constant 2 : i32
    %mul3A_447 = vector.broadcast %mul3A_446 : i32 to vector<16xi32>
    %mul3A_448 = arith.muli %mul3A_447, %gather3A : vector<16xi32>
    %shift_right_arithmetic3A_449 = arith.constant 3 : i32
    %shift_right_arithmetic3A_450 = vector.broadcast %shift_right_arithmetic3A_449 : i32 to vector<16xi32>
    %shift_right_arithmetic3A_451 = arith.shrsi %add3A_435, %shift_right_arithmetic3A_450 : vector<16xi32>
    %and3A_452 = arith.constant 1 : i32
    %and3A_453 = vector.broadcast %and3A_452 : i32 to vector<16xi32>
    %and3A_454 = arith.andi %shift_right_arithmetic3A_451, %and3A_453 : vector<16xi32>
    %add3A_455 = arith.addi %mul3A_448, %and3A_454 : vector<16xi32>
    %ge3A = vector.broadcast %add3A_429 : i32 to vector<16xi32>
    %ge3A_456 = arith.cmpi sge, %add3A_435, %ge3A : vector<16xi32>
    %lt3A = vector.broadcast %add3A_431 : i32 to vector<16xi32>
    %lt3A_457 = arith.cmpi slt, %add3A_435, %lt3A : vector<16xi32>
    %and3A_458 = arith.andi %ge3A_456, %lt3A_457 : vector<16xi1>
    %jit3A_459 = arith.constant 128 : i32
    %broadcast_in_dim3A_460 = vector.broadcast %jit3A_459 : i32 to vector<16xi32>
    %select_n3A_461 = arith.select %and3A_458, %add3A_455, %broadcast_in_dim3A_460 : vector<16xi1>, vector<16xi32>
    %swap3A_462 = arith.constant 0 : index
    %swap3A_463 = tpu.vector_load %arg8[%swap3A_462] {strides = array<i32>} : memref<128xi32, #tpu.memory_space<vmem>>, vector<16xi32>,
    tpu.vector_store %arg8[%swap3A_462], %select_n3A_461 {strides = array<i32>} : memref<128xi32, #tpu.memory_space<vmem>>, vector<16xi32>,
    %select_n3A_464 = arith.select %and3A_458, %broadcast_in_dim3A_95, %broadcast_in_dim3A_93 : vector<16xi1>, vector<16xf32>
    tpu.vector_store_idx %arg13[%broadcast_in_dim3A_427, %select_n3A_461], %select_n3A_464 {add = true} : memref<1x144xf32, #tpu.memory_space<vmem>>[vector<16xi32>, vector<16xi32>], vector<16xf32>,
    %add3A_465 = arith.constant 16 : i32
    %add3A_466 = arith.addi %min3A_26, %add3A_465 : i32
    %add3A_467 = vector.broadcast %add3A_466 : i32 to vector<16xi32>
    %add3A_468 = arith.addi %add3A_467, %iota3A : vector<16xi32>
    %shift_right_arithmetic3A_469 = arith.constant 4 : i32
    %shift_right_arithmetic3A_470 = vector.broadcast %shift_right_arithmetic3A_469 : i32 to vector<16xi32>
    %shift_right_arithmetic3A_471 = arith.shrsi %add3A_468, %shift_right_arithmetic3A_470 : vector<16xi32>
    %shift_left3A_472 = arith.constant 3 : i32
    %shift_left3A_473 = vector.broadcast %shift_left3A_472 : i32 to vector<16xi32>
    %shift_left3A_474 = arith.shli %shift_right_arithmetic3A_471, %shift_left3A_473 : vector<16xi32>
    %and3A_475 = arith.constant 7 : i32
    %and3A_476 = vector.broadcast %and3A_475 : i32 to vector<16xi32>
    %and3A_477 = arith.andi %add3A_468, %and3A_476 : vector<16xi32>
    %add3A_478 = arith.addi %shift_left3A_474, %and3A_477 : vector<16xi32>
    %sub3A_479 = vector.broadcast %min3A_21 : i32 to vector<16xi32>
    %sub3A_480 = arith.subi %add3A_478, %sub3A_479 : vector<16xi32>
    %gather3A_481 = tpu.vector_load_idx %arg7[%sub3A_480] : memref<328xi32, #tpu.memory_space<vmem>>[vector<16xi32>], vector<16xi32>,
    %mul3A_482 = arith.constant 2 : i32
    %mul3A_483 = vector.broadcast %mul3A_482 : i32 to vector<16xi32>
    %mul3A_484 = arith.muli %mul3A_483, %gather3A_481 : vector<16xi32>
    %shift_right_arithmetic3A_485 = arith.constant 3 : i32
    %shift_right_arithmetic3A_486 = vector.broadcast %shift_right_arithmetic3A_485 : i32 to vector<16xi32>
    %shift_right_arithmetic3A_487 = arith.shrsi %add3A_468, %shift_right_arithmetic3A_486 : vector<16xi32>
    %and3A_488 = arith.constant 1 : i32
    %and3A_489 = vector.broadcast %and3A_488 : i32 to vector<16xi32>
    %and3A_490 = arith.andi %shift_right_arithmetic3A_487, %and3A_489 : vector<16xi32>
    %add3A_491 = arith.addi %mul3A_484, %and3A_490 : vector<16xi32>
    %ge3A_492 = vector.broadcast %add3A_429 : i32 to vector<16xi32>
    %ge3A_493 = arith.cmpi sge, %add3A_468, %ge3A_492 : vector<16xi32>
    %lt3A_494 = vector.broadcast %add3A_431 : i32 to vector<16xi32>
    %lt3A_495 = arith.cmpi slt, %add3A_468, %lt3A_494 : vector<16xi32>
    %and3A_496 = arith.andi %ge3A_493, %lt3A_495 : vector<16xi1>
    %jit3A_497 = arith.constant 128 : i32
    %broadcast_in_dim3A_498 = vector.broadcast %jit3A_497 : i32 to vector<16xi32>
    %select_n3A_499 = arith.select %and3A_496, %add3A_491, %broadcast_in_dim3A_498 : vector<16xi1>, vector<16xi32>
    %swap3A_500 = arith.constant 16 : index
    %swap3A_501 = tpu.vector_load %arg8[%swap3A_500] {strides = array<i32>} : memref<128xi32, #tpu.memory_space<vmem>>, vector<16xi32>,
    tpu.vector_store %arg8[%swap3A_500], %select_n3A_499 {strides = array<i32>} : memref<128xi32, #tpu.memory_space<vmem>>, vector<16xi32>,
    %select_n3A_502 = arith.select %and3A_496, %broadcast_in_dim3A_95, %broadcast_in_dim3A_93 : vector<16xi1>, vector<16xf32>
    tpu.vector_store_idx %arg13[%broadcast_in_dim3A_427, %select_n3A_499], %select_n3A_502 {add = true} : memref<1x144xf32, #tpu.memory_space<vmem>>[vector<16xi32>, vector<16xi32>], vector<16xf32>,
    %add3A_503 = arith.constant 32 : i32
    %add3A_504 = arith.addi %min3A_26, %add3A_503 : i32
    %add3A_505 = vector.broadcast %add3A_504 : i32 to vector<16xi32>
    %add3A_506 = arith.addi %add3A_505, %iota3A : vector<16xi32>
    %shift_right_arithmetic3A_507 = arith.constant 4 : i32
    %shift_right_arithmetic3A_508 = vector.broadcast %shift_right_arithmetic3A_507 : i32 to vector<16xi32>
    %shift_right_arithmetic3A_509 = arith.shrsi %add3A_506, %shift_right_arithmetic3A_508 : vector<16xi32>
    %shift_left3A_510 = arith.constant 3 : i32
    %shift_left3A_511 = vector.broadcast %shift_left3A_510 : i32 to vector<16xi32>
    %shift_left3A_512 = arith.shli %shift_right_arithmetic3A_509, %shift_left3A_511 : vector<16xi32>
    %and3A_513 = arith.constant 7 : i32
    %and3A_514 = vector.broadcast %and3A_513 : i32 to vector<16xi32>
    %and3A_515 = arith.andi %add3A_506, %and3A_514 : vector<16xi32>
    %add3A_516 = arith.addi %shift_left3A_512, %and3A_515 : vector<16xi32>
    %sub3A_517 = vector.broadcast %min3A_21 : i32 to vector<16xi32>
    %sub3A_518 = arith.subi %add3A_516, %sub3A_517 : vector<16xi32>
    %gather3A_519 = tpu.vector_load_idx %arg7[%sub3A_518] : memref<328xi32, #tpu.memory_space<vmem>>[vector<16xi32>], vector<16xi32>,
    %mul3A_520 = arith.constant 2 : i32
    %mul3A_521 = vector.broadcast %mul3A_520 : i32 to vector<16xi32>
    %mul3A_522 = arith.muli %mul3A_521, %gather3A_519 : vector<16xi32>
    %shift_right_arithmetic3A_523 = arith.constant 3 : i32
    %shift_right_arithmetic3A_524 = vector.broadcast %shift_right_arithmetic3A_523 : i32 to vector<16xi32>
    %shift_right_arithmetic3A_525 = arith.shrsi %add3A_506, %shift_right_arithmetic3A_524 : vector<16xi32>
    %and3A_526 = arith.constant 1 : i32
    %and3A_527 = vector.broadcast %and3A_526 : i32 to vector<16xi32>
    %and3A_528 = arith.andi %shift_right_arithmetic3A_525, %and3A_527 : vector<16xi32>
    %add3A_529 = arith.addi %mul3A_522, %and3A_528 : vector<16xi32>
    %ge3A_530 = vector.broadcast %add3A_429 : i32 to vector<16xi32>
    %ge3A_531 = arith.cmpi sge, %add3A_506, %ge3A_530 : vector<16xi32>
    %lt3A_532 = vector.broadcast %add3A_431 : i32 to vector<16xi32>
    %lt3A_533 = arith.cmpi slt, %add3A_506, %lt3A_532 : vector<16xi32>
    %and3A_534 = arith.andi %ge3A_531, %lt3A_533 : vector<16xi1>
    %jit3A_535 = arith.constant 128 : i32
    %broadcast_in_dim3A_536 = vector.broadcast %jit3A_535 : i32 to vector<16xi32>
    %select_n3A_537 = arith.select %and3A_534, %add3A_529, %broadcast_in_dim3A_536 : vector<16xi1>, vector<16xi32>
    %swap3A_538 = arith.constant 32 : index
    %swap3A_539 = tpu.vector_load %arg8[%swap3A_538] {strides = array<i32>} : memref<128xi32, #tpu.memory_space<vmem>>, vector<16xi32>,
    tpu.vector_store %arg8[%swap3A_538], %select_n3A_537 {strides = array<i32>} : memref<128xi32, #tpu.memory_space<vmem>>, vector<16xi32>,
    %select_n3A_540 = arith.select %and3A_534, %broadcast_in_dim3A_95, %broadcast_in_dim3A_93 : vector<16xi1>, vector<16xf32>
    tpu.vector_store_idx %arg13[%broadcast_in_dim3A_427, %select_n3A_537], %select_n3A_540 {add = true} : memref<1x144xf32, #tpu.memory_space<vmem>>[vector<16xi32>, vector<16xi32>], vector<16xf32>,
    %add3A_541 = arith.constant 48 : i32
    %add3A_542 = arith.addi %min3A_26, %add3A_541 : i32
    %add3A_543 = vector.broadcast %add3A_542 : i32 to vector<16xi32>
    %add3A_544 = arith.addi %add3A_543, %iota3A : vector<16xi32>
    %shift_right_arithmetic3A_545 = arith.constant 4 : i32
    %shift_right_arithmetic3A_546 = vector.broadcast %shift_right_arithmetic3A_545 : i32 to vector<16xi32>
    %shift_right_arithmetic3A_547 = arith.shrsi %add3A_544, %shift_right_arithmetic3A_546 : vector<16xi32>
    %shift_left3A_548 = arith.constant 3 : i32
    %shift_left3A_549 = vector.broadcast %shift_left3A_548 : i32 to vector<16xi32>
    %shift_left3A_550 = arith.shli %shift_right_arithmetic3A_547, %shift_left3A_549 : vector<16xi32>
    %and3A_551 = arith.constant 7 : i32
    %and3A_552 = vector.broadcast %and3A_551 : i32 to vector<16xi32>
    %and3A_553 = arith.andi %add3A_544, %and3A_552 : vector<16xi32>
    %add3A_554 = arith.addi %shift_left3A_550, %and3A_553 : vector<16xi32>
    %sub3A_555 = vector.broadcast %min3A_21 : i32 to vector<16xi32>
    %sub3A_556 = arith.subi %add3A_554, %sub3A_555 : vector<16xi32>
    %gather3A_557 = tpu.vector_load_idx %arg7[%sub3A_556] : memref<328xi32, #tpu.memory_space<vmem>>[vector<16xi32>], vector<16xi32>,
    %mul3A_558 = arith.constant 2 : i32
    %mul3A_559 = vector.broadcast %mul3A_558 : i32 to vector<16xi32>
    %mul3A_560 = arith.muli %mul3A_559, %gather3A_557 : vector<16xi32>
    %shift_right_arithmetic3A_561 = arith.constant 3 : i32
    %shift_right_arithmetic3A_562 = vector.broadcast %shift_right_arithmetic3A_561 : i32 to vector<16xi32>
    %shift_right_arithmetic3A_563 = arith.shrsi %add3A_544, %shift_right_arithmetic3A_562 : vector<16xi32>
    %and3A_564 = arith.constant 1 : i32
    %and3A_565 = vector.broadcast %and3A_564 : i32 to vector<16xi32>
    %and3A_566 = arith.andi %shift_right_arithmetic3A_563, %and3A_565 : vector<16xi32>
    %add3A_567 = arith.addi %mul3A_560, %and3A_566 : vector<16xi32>
    %ge3A_568 = vector.broadcast %add3A_429 : i32 to vector<16xi32>
    %ge3A_569 = arith.cmpi sge, %add3A_544, %ge3A_568 : vector<16xi32>
    %lt3A_570 = vector.broadcast %add3A_431 : i32 to vector<16xi32>
    %lt3A_571 = arith.cmpi slt, %add3A_544, %lt3A_570 : vector<16xi32>
    %and3A_572 = arith.andi %ge3A_569, %lt3A_571 : vector<16xi1>
    %jit3A_573 = arith.constant 128 : i32
    %broadcast_in_dim3A_574 = vector.broadcast %jit3A_573 : i32 to vector<16xi32>
    %select_n3A_575 = arith.select %and3A_572, %add3A_567, %broadcast_in_dim3A_574 : vector<16xi1>, vector<16xi32>
    %swap3A_576 = arith.constant 48 : index
    %swap3A_577 = tpu.vector_load %arg8[%swap3A_576] {strides = array<i32>} : memref<128xi32, #tpu.memory_space<vmem>>, vector<16xi32>,
    tpu.vector_store %arg8[%swap3A_576], %select_n3A_575 {strides = array<i32>} : memref<128xi32, #tpu.memory_space<vmem>>, vector<16xi32>,
    %select_n3A_578 = arith.select %and3A_572, %broadcast_in_dim3A_95, %broadcast_in_dim3A_93 : vector<16xi1>, vector<16xf32>
    tpu.vector_store_idx %arg13[%broadcast_in_dim3A_427, %select_n3A_575], %select_n3A_578 {add = true} : memref<1x144xf32, #tpu.memory_space<vmem>>[vector<16xi32>, vector<16xi32>], vector<16xf32>,
    %add3A_579 = arith.constant 64 : i32
    %add3A_580 = arith.addi %min3A_26, %add3A_579 : i32
    %add3A_581 = vector.broadcast %add3A_580 : i32 to vector<16xi32>
    %add3A_582 = arith.addi %add3A_581, %iota3A : vector<16xi32>
    %shift_right_arithmetic3A_583 = arith.constant 4 : i32
    %shift_right_arithmetic3A_584 = vector.broadcast %shift_right_arithmetic3A_583 : i32 to vector<16xi32>
    %shift_right_arithmetic3A_585 = arith.shrsi %add3A_582, %shift_right_arithmetic3A_584 : vector<16xi32>
    %shift_left3A_586 = arith.constant 3 : i32
    %shift_left3A_587 = vector.broadcast %shift_left3A_586 : i32 to vector<16xi32>
    %shift_left3A_588 = arith.shli %shift_right_arithmetic3A_585, %shift_left3A_587 : vector<16xi32>
    %and3A_589 = arith.constant 7 : i32
    %and3A_590 = vector.broadcast %and3A_589 : i32 to vector<16xi32>
    %and3A_591 = arith.andi %add3A_582, %and3A_590 : vector<16xi32>
    %add3A_592 = arith.addi %shift_left3A_588, %and3A_591 : vector<16xi32>
    %sub3A_593 = vector.broadcast %min3A_21 : i32 to vector<16xi32>
    %sub3A_594 = arith.subi %add3A_592, %sub3A_593 : vector<16xi32>
    %gather3A_595 = tpu.vector_load_idx %arg7[%sub3A_594] : memref<328xi32, #tpu.memory_space<vmem>>[vector<16xi32>], vector<16xi32>,
    %mul3A_596 = arith.constant 2 : i32
    %mul3A_597 = vector.broadcast %mul3A_596 : i32 to vector<16xi32>
    %mul3A_598 = arith.muli %mul3A_597, %gather3A_595 : vector<16xi32>
    %shift_right_arithmetic3A_599 = arith.constant 3 : i32
    %shift_right_arithmetic3A_600 = vector.broadcast %shift_right_arithmetic3A_599 : i32 to vector<16xi32>
    %shift_right_arithmetic3A_601 = arith.shrsi %add3A_582, %shift_right_arithmetic3A_600 : vector<16xi32>
    %and3A_602 = arith.constant 1 : i32
    %and3A_603 = vector.broadcast %and3A_602 : i32 to vector<16xi32>
    %and3A_604 = arith.andi %shift_right_arithmetic3A_601, %and3A_603 : vector<16xi32>
    %add3A_605 = arith.addi %mul3A_598, %and3A_604 : vector<16xi32>
    %ge3A_606 = vector.broadcast %add3A_429 : i32 to vector<16xi32>
    %ge3A_607 = arith.cmpi sge, %add3A_582, %ge3A_606 : vector<16xi32>
    %lt3A_608 = vector.broadcast %add3A_431 : i32 to vector<16xi32>
    %lt3A_609 = arith.cmpi slt, %add3A_582, %lt3A_608 : vector<16xi32>
    %and3A_610 = arith.andi %ge3A_607, %lt3A_609 : vector<16xi1>
    %jit3A_611 = arith.constant 128 : i32
    %broadcast_in_dim3A_612 = vector.broadcast %jit3A_611 : i32 to vector<16xi32>
    %select_n3A_613 = arith.select %and3A_610, %add3A_605, %broadcast_in_dim3A_612 : vector<16xi1>, vector<16xi32>
    %swap3A_614 = arith.constant 64 : index
    %swap3A_615 = tpu.vector_load %arg8[%swap3A_614] {strides = array<i32>} : memref<128xi32, #tpu.memory_space<vmem>>, vector<16xi32>,
    tpu.vector_store %arg8[%swap3A_614], %select_n3A_613 {strides = array<i32>} : memref<128xi32, #tpu.memory_space<vmem>>, vector<16xi32>,
    %select_n3A_616 = arith.select %and3A_610, %broadcast_in_dim3A_95, %broadcast_in_dim3A_93 : vector<16xi1>, vector<16xf32>
    tpu.vector_store_idx %arg13[%broadcast_in_dim3A_427, %select_n3A_613], %select_n3A_616 {add = true} : memref<1x144xf32, #tpu.memory_space<vmem>>[vector<16xi32>, vector<16xi32>], vector<16xf32>,
    %add3A_617 = arith.constant 80 : i32
    %add3A_618 = arith.addi %min3A_26, %add3A_617 : i32
    %add3A_619 = vector.broadcast %add3A_618 : i32 to vector<16xi32>
    %add3A_620 = arith.addi %add3A_619, %iota3A : vector<16xi32>
    %shift_right_arithmetic3A_621 = arith.constant 4 : i32
    %shift_right_arithmetic3A_622 = vector.broadcast %shift_right_arithmetic3A_621 : i32 to vector<16xi32>
    %shift_right_arithmetic3A_623 = arith.shrsi %add3A_620, %shift_right_arithmetic3A_622 : vector<16xi32>
    %shift_left3A_624 = arith.constant 3 : i32
    %shift_left3A_625 = vector.broadcast %shift_left3A_624 : i32 to vector<16xi32>
    %shift_left3A_626 = arith.shli %shift_right_arithmetic3A_623, %shift_left3A_625 : vector<16xi32>
    %and3A_627 = arith.constant 7 : i32
    %and3A_628 = vector.broadcast %and3A_627 : i32 to vector<16xi32>
    %and3A_629 = arith.andi %add3A_620, %and3A_628 : vector<16xi32>
    %add3A_630 = arith.addi %shift_left3A_626, %and3A_629 : vector<16xi32>
    %sub3A_631 = vector.broadcast %min3A_21 : i32 to vector<16xi32>
    %sub3A_632 = arith.subi %add3A_630, %sub3A_631 : vector<16xi32>
    %gather3A_633 = tpu.vector_load_idx %arg7[%sub3A_632] : memref<328xi32, #tpu.memory_space<vmem>>[vector<16xi32>], vector<16xi32>,
    %mul3A_634 = arith.constant 2 : i32
    %mul3A_635 = vector.broadcast %mul3A_634 : i32 to vector<16xi32>
    %mul3A_636 = arith.muli %mul3A_635, %gather3A_633 : vector<16xi32>
    %shift_right_arithmetic3A_637 = arith.constant 3 : i32
    %shift_right_arithmetic3A_638 = vector.broadcast %shift_right_arithmetic3A_637 : i32 to vector<16xi32>
    %shift_right_arithmetic3A_639 = arith.shrsi %add3A_620, %shift_right_arithmetic3A_638 : vector<16xi32>
    %and3A_640 = arith.constant 1 : i32
    %and3A_641 = vector.broadcast %and3A_640 : i32 to vector<16xi32>
    %and3A_642 = arith.andi %shift_right_arithmetic3A_639, %and3A_641 : vector<16xi32>
    %add3A_643 = arith.addi %mul3A_636, %and3A_642 : vector<16xi32>
    %ge3A_644 = vector.broadcast %add3A_429 : i32 to vector<16xi32>
    %ge3A_645 = arith.cmpi sge, %add3A_620, %ge3A_644 : vector<16xi32>
    %lt3A_646 = vector.broadcast %add3A_431 : i32 to vector<16xi32>
    %lt3A_647 = arith.cmpi slt, %add3A_620, %lt3A_646 : vector<16xi32>
    %and3A_648 = arith.andi %ge3A_645, %lt3A_647 : vector<16xi1>
    %jit3A_649 = arith.constant 128 : i32
    %broadcast_in_dim3A_650 = vector.broadcast %jit3A_649 : i32 to vector<16xi32>
    %select_n3A_651 = arith.select %and3A_648, %add3A_643, %broadcast_in_dim3A_650 : vector<16xi1>, vector<16xi32>
    %swap3A_652 = arith.constant 80 : index
    %swap3A_653 = tpu.vector_load %arg8[%swap3A_652] {strides = array<i32>} : memref<128xi32, #tpu.memory_space<vmem>>, vector<16xi32>,
    tpu.vector_store %arg8[%swap3A_652], %select_n3A_651 {strides = array<i32>} : memref<128xi32, #tpu.memory_space<vmem>>, vector<16xi32>,
    %select_n3A_654 = arith.select %and3A_648, %broadcast_in_dim3A_95, %broadcast_in_dim3A_93 : vector<16xi1>, vector<16xf32>
    tpu.vector_store_idx %arg13[%broadcast_in_dim3A_427, %select_n3A_651], %select_n3A_654 {add = true} : memref<1x144xf32, #tpu.memory_space<vmem>>[vector<16xi32>, vector<16xi32>], vector<16xf32>,
    %add3A_655 = arith.constant 96 : i32
    %add3A_656 = arith.addi %min3A_26, %add3A_655 : i32
    %add3A_657 = vector.broadcast %add3A_656 : i32 to vector<16xi32>
    %add3A_658 = arith.addi %add3A_657, %iota3A : vector<16xi32>
    %shift_right_arithmetic3A_659 = arith.constant 4 : i32
    %shift_right_arithmetic3A_660 = vector.broadcast %shift_right_arithmetic3A_659 : i32 to vector<16xi32>
    %shift_right_arithmetic3A_661 = arith.shrsi %add3A_658, %shift_right_arithmetic3A_660 : vector<16xi32>
    %shift_left3A_662 = arith.constant 3 : i32
    %shift_left3A_663 = vector.broadcast %shift_left3A_662 : i32 to vector<16xi32>
    %shift_left3A_664 = arith.shli %shift_right_arithmetic3A_661, %shift_left3A_663 : vector<16xi32>
    %and3A_665 = arith.constant 7 : i32
    %and3A_666 = vector.broadcast %and3A_665 : i32 to vector<16xi32>
    %and3A_667 = arith.andi %add3A_658, %and3A_666 : vector<16xi32>
    %add3A_668 = arith.addi %shift_left3A_664, %and3A_667 : vector<16xi32>
    %sub3A_669 = vector.broadcast %min3A_21 : i32 to vector<16xi32>
    %sub3A_670 = arith.subi %add3A_668, %sub3A_669 : vector<16xi32>
    %gather3A_671 = tpu.vector_load_idx %arg7[%sub3A_670] : memref<328xi32, #tpu.memory_space<vmem>>[vector<16xi32>], vector<16xi32>,
    %mul3A_672 = arith.constant 2 : i32
    %mul3A_673 = vector.broadcast %mul3A_672 : i32 to vector<16xi32>
    %mul3A_674 = arith.muli %mul3A_673, %gather3A_671 : vector<16xi32>
    %shift_right_arithmetic3A_675 = arith.constant 3 : i32
    %shift_right_arithmetic3A_676 = vector.broadcast %shift_right_arithmetic3A_675 : i32 to vector<16xi32>
    %shift_right_arithmetic3A_677 = arith.shrsi %add3A_658, %shift_right_arithmetic3A_676 : vector<16xi32>
    %and3A_678 = arith.constant 1 : i32
    %and3A_679 = vector.broadcast %and3A_678 : i32 to vector<16xi32>
    %and3A_680 = arith.andi %shift_right_arithmetic3A_677, %and3A_679 : vector<16xi32>
    %add3A_681 = arith.addi %mul3A_674, %and3A_680 : vector<16xi32>
    %ge3A_682 = vector.broadcast %add3A_429 : i32 to vector<16xi32>
    %ge3A_683 = arith.cmpi sge, %add3A_658, %ge3A_682 : vector<16xi32>
    %lt3A_684 = vector.broadcast %add3A_431 : i32 to vector<16xi32>
    %lt3A_685 = arith.cmpi slt, %add3A_658, %lt3A_684 : vector<16xi32>
    %and3A_686 = arith.andi %ge3A_683, %lt3A_685 : vector<16xi1>
    %jit3A_687 = arith.constant 128 : i32
    %broadcast_in_dim3A_688 = vector.broadcast %jit3A_687 : i32 to vector<16xi32>
    %select_n3A_689 = arith.select %and3A_686, %add3A_681, %broadcast_in_dim3A_688 : vector<16xi1>, vector<16xi32>
    %swap3A_690 = arith.constant 96 : index
    %swap3A_691 = tpu.vector_load %arg8[%swap3A_690] {strides = array<i32>} : memref<128xi32, #tpu.memory_space<vmem>>, vector<16xi32>,
    tpu.vector_store %arg8[%swap3A_690], %select_n3A_689 {strides = array<i32>} : memref<128xi32, #tpu.memory_space<vmem>>, vector<16xi32>,
    %select_n3A_692 = arith.select %and3A_686, %broadcast_in_dim3A_95, %broadcast_in_dim3A_93 : vector<16xi1>, vector<16xf32>
    tpu.vector_store_idx %arg13[%broadcast_in_dim3A_427, %select_n3A_689], %select_n3A_692 {add = true} : memref<1x144xf32, #tpu.memory_space<vmem>>[vector<16xi32>, vector<16xi32>], vector<16xf32>,
    %add3A_693 = arith.constant 112 : i32
    %add3A_694 = arith.addi %min3A_26, %add3A_693 : i32
    %add3A_695 = vector.broadcast %add3A_694 : i32 to vector<16xi32>
    %add3A_696 = arith.addi %add3A_695, %iota3A : vector<16xi32>
    %shift_right_arithmetic3A_697 = arith.constant 4 : i32
    %shift_right_arithmetic3A_698 = vector.broadcast %shift_right_arithmetic3A_697 : i32 to vector<16xi32>
    %shift_right_arithmetic3A_699 = arith.shrsi %add3A_696, %shift_right_arithmetic3A_698 : vector<16xi32>
    %shift_left3A_700 = arith.constant 3 : i32
    %shift_left3A_701 = vector.broadcast %shift_left3A_700 : i32 to vector<16xi32>
    %shift_left3A_702 = arith.shli %shift_right_arithmetic3A_699, %shift_left3A_701 : vector<16xi32>
    %and3A_703 = arith.constant 7 : i32
    %and3A_704 = vector.broadcast %and3A_703 : i32 to vector<16xi32>
    %and3A_705 = arith.andi %add3A_696, %and3A_704 : vector<16xi32>
    %add3A_706 = arith.addi %shift_left3A_702, %and3A_705 : vector<16xi32>
    %sub3A_707 = vector.broadcast %min3A_21 : i32 to vector<16xi32>
    %sub3A_708 = arith.subi %add3A_706, %sub3A_707 : vector<16xi32>
    %gather3A_709 = tpu.vector_load_idx %arg7[%sub3A_708] : memref<328xi32, #tpu.memory_space<vmem>>[vector<16xi32>], vector<16xi32>,
    %mul3A_710 = arith.constant 2 : i32
    %mul3A_711 = vector.broadcast %mul3A_710 : i32 to vector<16xi32>
    %mul3A_712 = arith.muli %mul3A_711, %gather3A_709 : vector<16xi32>
    %shift_right_arithmetic3A_713 = arith.constant 3 : i32
    %shift_right_arithmetic3A_714 = vector.broadcast %shift_right_arithmetic3A_713 : i32 to vector<16xi32>
    %shift_right_arithmetic3A_715 = arith.shrsi %add3A_696, %shift_right_arithmetic3A_714 : vector<16xi32>
    %and3A_716 = arith.constant 1 : i32
    %and3A_717 = vector.broadcast %and3A_716 : i32 to vector<16xi32>
    %and3A_718 = arith.andi %shift_right_arithmetic3A_715, %and3A_717 : vector<16xi32>
    %add3A_719 = arith.addi %mul3A_712, %and3A_718 : vector<16xi32>
    %ge3A_720 = vector.broadcast %add3A_429 : i32 to vector<16xi32>
    %ge3A_721 = arith.cmpi sge, %add3A_696, %ge3A_720 : vector<16xi32>
    %lt3A_722 = vector.broadcast %add3A_431 : i32 to vector<16xi32>
    %lt3A_723 = arith.cmpi slt, %add3A_696, %lt3A_722 : vector<16xi32>
    %and3A_724 = arith.andi %ge3A_721, %lt3A_723 : vector<16xi1>
    %jit3A_725 = arith.constant 128 : i32
    %broadcast_in_dim3A_726 = vector.broadcast %jit3A_725 : i32 to vector<16xi32>
    %select_n3A_727 = arith.select %and3A_724, %add3A_719, %broadcast_in_dim3A_726 : vector<16xi1>, vector<16xi32>
    %swap3A_728 = arith.constant 112 : index
    %swap3A_729 = tpu.vector_load %arg8[%swap3A_728] {strides = array<i32>} : memref<128xi32, #tpu.memory_space<vmem>>, vector<16xi32>,
    tpu.vector_store %arg8[%swap3A_728], %select_n3A_727 {strides = array<i32>} : memref<128xi32, #tpu.memory_space<vmem>>, vector<16xi32>,
    %select_n3A_730 = arith.select %and3A_724, %broadcast_in_dim3A_95, %broadcast_in_dim3A_93 : vector<16xi1>, vector<16xf32>
    tpu.vector_store_idx %arg13[%broadcast_in_dim3A_427, %select_n3A_727], %select_n3A_730 {add = true} : memref<1x144xf32, #tpu.memory_space<vmem>>[vector<16xi32>, vector<16xi32>], vector<16xf32>,
    %dma_wait3A_731 = arith.constant 0 : i32
    %dma_wait3A_732 = tpu.memref_slice %arg17[%mul3A_420, %dma_wait3A_731] : memref<144x128xf32, #tpu.memory_space<vmem_shared>> -> memref<9x128xf32, #tpu.memory_space<vmem_shared>>
    %dma_wait3A_733 = arith.constant 0 : i32
    %dma_wait3A_734 = tpu.memref_slice %arg17[%mul3A_420, %dma_wait3A_733] : memref<144x128xf32, #tpu.memory_space<vmem_shared>> -> memref<9x128xf32, #tpu.memory_space<vmem_shared>>
    tpu.wait_dma2 semaphore(%arg21 : memref<!tpu.dma_semaphore, #tpu.memory_space<semaphore_mem>>) src(%arg16 : memref<9x128xf32, #tpu.memory_space<vmem>>) dst(%dma_wait3A_734 : memref<9x128xf32, #tpu.memory_space<vmem_shared>>)
    %barrier3A = arith.constant 0 : index
    tpu.barrier barrier_id(%barrier3A)
    %dma_wait3A_735 = arith.constant 0 : i32
    %dma_wait3A_736 = arith.constant 0 : i32
    %dma_wait3A_737 = tpu.memref_slice %arg6[%dma_wait3A_735, %dma_wait3A_736] : memref<640x128xf32, #tpu.memory_space<vmem>> -> memref<128x128xf32, #tpu.memory_space<vmem>>
    %dma_wait3A_738 = arith.constant 0 : i32
    %dma_wait3A_739 = tpu.memref_slice %arg2[%min3A_26, %dma_wait3A_738] : memref<20000x128xf32, #tpu.memory_space<hbm>> -> memref<128x128xf32, #tpu.memory_space<hbm>>
    %dma_wait3A_740 = arith.constant 0 : i32
    %dma_wait3A_741 = arith.constant 0 : i32
    %dma_wait3A_742 = tpu.memref_slice %arg6[%dma_wait3A_740, %dma_wait3A_741] : memref<640x128xf32, #tpu.memory_space<vmem>> -> memref<128x128xf32, #tpu.memory_space<vmem>>
    %dma_wait3A_743 = arith.constant 0 : i32
    %dma_wait3A_744 = tpu.memref_slice %arg2[%min3A_26, %dma_wait3A_743] : memref<20000x128xf32, #tpu.memory_space<hbm>> -> memref<128x128xf32, #tpu.memory_space<hbm>>
    tpu.wait_dma2 semaphore(%arg20 : memref<!tpu.dma_semaphore, #tpu.memory_space<semaphore_mem>>) src(%dma_wait3A_744 : memref<128x128xf32, #tpu.memory_space<hbm>>) dst(%dma_wait3A_742 : memref<128x128xf32, #tpu.memory_space<vmem>>)
    %dma_start3A_745 = arith.constant 0 : i32
    %dma_start3A_746 = arith.constant 0 : i32
    %dma_start3A_747 = tpu.memref_slice %arg6[%dma_start3A_745, %dma_start3A_746] : memref<640x128xf32, #tpu.memory_space<vmem>> -> memref<128x128xf32, #tpu.memory_space<vmem>>
    %dma_start3A_748 = arith.constant 0 : i32
    %dma_start3A_749 = arith.constant 0 : i32
    %dma_start3A_750 = tpu.memref_slice %arg17[%dma_start3A_748, %dma_start3A_749] : memref<144x128xf32, #tpu.memory_space<vmem_shared>> -> memref<144x128xf32, #tpu.memory_space<vmem_shared>>
    tpu.enqueue_indirect_dma source(%dma_start3A_747 : memref<128x128xf32, #tpu.memory_space<vmem>>) target(%dma_start3A_750 : memref<144x128xf32, #tpu.memory_space<vmem_shared>>) offsets(%arg8 : memref<128xi32, #tpu.memory_space<vmem>>) semaphore(%arg21 : memref<!tpu.dma_semaphore, #tpu.memory_space<semaphore_mem>>) {add = true}
    %add3A_751 = arith.constant 128 : i32
    %add3A_752 = arith.addi %mul3A_2, %add3A_751 : i32
    %add3A_753 = arith.constant 625 : i32
    %add3A_754 = arith.addi %mul3A_2, %add3A_753 : i32
    %add3A_755 = arith.constant 0 : i32
    %add3A_756 = arith.addi %min3A_30, %add3A_755 : i32
    %add3A_757 = vector.broadcast %add3A_756 : i32 to vector<16xi32>
    %add3A_758 = arith.addi %add3A_757, %iota3A : vector<16xi32>
    %shift_right_arithmetic3A_759 = arith.constant 4 : i32
    %shift_right_arithmetic3A_760 = vector.broadcast %shift_right_arithmetic3A_759 : i32 to vector<16xi32>
    %shift_right_arithmetic3A_761 = arith.shrsi %add3A_758, %shift_right_arithmetic3A_760 : vector<16xi32>
    %shift_left3A_762 = arith.constant 3 : i32
    %shift_left3A_763 = vector.broadcast %shift_left3A_762 : i32 to vector<16xi32>
    %shift_left3A_764 = arith.shli %shift_right_arithmetic3A_761, %shift_left3A_763 : vector<16xi32>
    %and3A_765 = arith.constant 7 : i32
    %and3A_766 = vector.broadcast %and3A_765 : i32 to vector<16xi32>
    %and3A_767 = arith.andi %add3A_758, %and3A_766 : vector<16xi32>
    %add3A_768 = arith.addi %shift_left3A_764, %and3A_767 : vector<16xi32>
    %sub3A_769 = vector.broadcast %min3A_21 : i32 to vector<16xi32>
    %sub3A_770 = arith.subi %add3A_768, %sub3A_769 : vector<16xi32>
    %gather3A_771 = tpu.vector_load_idx %arg7[%sub3A_770] : memref<328xi32, #tpu.memory_space<vmem>>[vector<16xi32>], vector<16xi32>,
    %mul3A_772 = arith.constant 2 : i32
    %mul3A_773 = vector.broadcast %mul3A_772 : i32 to vector<16xi32>
    %mul3A_774 = arith.muli %mul3A_773, %gather3A_771 : vector<16xi32>
    %shift_right_arithmetic3A_775 = arith.constant 3 : i32
    %shift_right_arithmetic3A_776 = vector.broadcast %shift_right_arithmetic3A_775 : i32 to vector<16xi32>
    %shift_right_arithmetic3A_777 = arith.shrsi %add3A_758, %shift_right_arithmetic3A_776 : vector<16xi32>
    %and3A_778 = arith.constant 1 : i32
    %and3A_779 = vector.broadcast %and3A_778 : i32 to vector<16xi32>
    %and3A_780 = arith.andi %shift_right_arithmetic3A_777, %and3A_779 : vector<16xi32>
    %add3A_781 = arith.addi %mul3A_774, %and3A_780 : vector<16xi32>
    %ge3A_782 = vector.broadcast %add3A_752 : i32 to vector<16xi32>
    %ge3A_783 = arith.cmpi sge, %add3A_758, %ge3A_782 : vector<16xi32>
    %lt3A_784 = vector.broadcast %add3A_754 : i32 to vector<16xi32>
    %lt3A_785 = arith.cmpi slt, %add3A_758, %lt3A_784 : vector<16xi32>
    %and3A_786 = arith.andi %ge3A_783, %lt3A_785 : vector<16xi1>
    %jit3A_787 = arith.constant 128 : i32
    %broadcast_in_dim3A_788 = vector.broadcast %jit3A_787 : i32 to vector<16xi32>
    %select_n3A_789 = arith.select %and3A_786, %add3A_781, %broadcast_in_dim3A_788 : vector<16xi1>, vector<16xi32>
    %swap3A_790 = arith.constant 0 : index
    %swap3A_791 = tpu.vector_load %arg9[%swap3A_790] {strides = array<i32>} : memref<128xi32, #tpu.memory_space<vmem>>, vector<16xi32>,
    tpu.vector_store %arg9[%swap3A_790], %select_n3A_789 {strides = array<i32>} : memref<128xi32, #tpu.memory_space<vmem>>, vector<16xi32>,
    %select_n3A_792 = arith.select %and3A_786, %broadcast_in_dim3A_95, %broadcast_in_dim3A_93 : vector<16xi1>, vector<16xf32>
    tpu.vector_store_idx %arg13[%broadcast_in_dim3A_427, %select_n3A_789], %select_n3A_792 {add = true} : memref<1x144xf32, #tpu.memory_space<vmem>>[vector<16xi32>, vector<16xi32>], vector<16xf32>,
    %add3A_793 = arith.constant 16 : i32
    %add3A_794 = arith.addi %min3A_30, %add3A_793 : i32
    %add3A_795 = vector.broadcast %add3A_794 : i32 to vector<16xi32>
    %add3A_796 = arith.addi %add3A_795, %iota3A : vector<16xi32>
    %shift_right_arithmetic3A_797 = arith.constant 4 : i32
    %shift_right_arithmetic3A_798 = vector.broadcast %shift_right_arithmetic3A_797 : i32 to vector<16xi32>
    %shift_right_arithmetic3A_799 = arith.shrsi %add3A_796, %shift_right_arithmetic3A_798 : vector<16xi32>
    %shift_left3A_800 = arith.constant 3 : i32
    %shift_left3A_801 = vector.broadcast %shift_left3A_800 : i32 to vector<16xi32>
    %shift_left3A_802 = arith.shli %shift_right_arithmetic3A_799, %shift_left3A_801 : vector<16xi32>
    %and3A_803 = arith.constant 7 : i32
    %and3A_804 = vector.broadcast %and3A_803 : i32 to vector<16xi32>
    %and3A_805 = arith.andi %add3A_796, %and3A_804 : vector<16xi32>
    %add3A_806 = arith.addi %shift_left3A_802, %and3A_805 : vector<16xi32>
    %sub3A_807 = vector.broadcast %min3A_21 : i32 to vector<16xi32>
    %sub3A_808 = arith.subi %add3A_806, %sub3A_807 : vector<16xi32>
    %gather3A_809 = tpu.vector_load_idx %arg7[%sub3A_808] : memref<328xi32, #tpu.memory_space<vmem>>[vector<16xi32>], vector<16xi32>,
    %mul3A_810 = arith.constant 2 : i32
    %mul3A_811 = vector.broadcast %mul3A_810 : i32 to vector<16xi32>
    %mul3A_812 = arith.muli %mul3A_811, %gather3A_809 : vector<16xi32>
    %shift_right_arithmetic3A_813 = arith.constant 3 : i32
    %shift_right_arithmetic3A_814 = vector.broadcast %shift_right_arithmetic3A_813 : i32 to vector<16xi32>
    %shift_right_arithmetic3A_815 = arith.shrsi %add3A_796, %shift_right_arithmetic3A_814 : vector<16xi32>
    %and3A_816 = arith.constant 1 : i32
    %and3A_817 = vector.broadcast %and3A_816 : i32 to vector<16xi32>
    %and3A_818 = arith.andi %shift_right_arithmetic3A_815, %and3A_817 : vector<16xi32>
    %add3A_819 = arith.addi %mul3A_812, %and3A_818 : vector<16xi32>
    %ge3A_820 = vector.broadcast %add3A_752 : i32 to vector<16xi32>
    %ge3A_821 = arith.cmpi sge, %add3A_796, %ge3A_820 : vector<16xi32>
    %lt3A_822 = vector.broadcast %add3A_754 : i32 to vector<16xi32>
    %lt3A_823 = arith.cmpi slt, %add3A_796, %lt3A_822 : vector<16xi32>
    %and3A_824 = arith.andi %ge3A_821, %lt3A_823 : vector<16xi1>
    %jit3A_825 = arith.constant 128 : i32
    %broadcast_in_dim3A_826 = vector.broadcast %jit3A_825 : i32 to vector<16xi32>
    %select_n3A_827 = arith.select %and3A_824, %add3A_819, %broadcast_in_dim3A_826 : vector<16xi1>, vector<16xi32>
    %swap3A_828 = arith.constant 16 : index
    %swap3A_829 = tpu.vector_load %arg9[%swap3A_828] {strides = array<i32>} : memref<128xi32, #tpu.memory_space<vmem>>, vector<16xi32>,
    tpu.vector_store %arg9[%swap3A_828], %select_n3A_827 {strides = array<i32>} : memref<128xi32, #tpu.memory_space<vmem>>, vector<16xi32>,
    %select_n3A_830 = arith.select %and3A_824, %broadcast_in_dim3A_95, %broadcast_in_dim3A_93 : vector<16xi1>, vector<16xf32>
    tpu.vector_store_idx %arg13[%broadcast_in_dim3A_427, %select_n3A_827], %select_n3A_830 {add = true} : memref<1x144xf32, #tpu.memory_space<vmem>>[vector<16xi32>, vector<16xi32>], vector<16xf32>,
    %add3A_831 = arith.constant 32 : i32
    %add3A_832 = arith.addi %min3A_30, %add3A_831 : i32
    %add3A_833 = vector.broadcast %add3A_832 : i32 to vector<16xi32>
    %add3A_834 = arith.addi %add3A_833, %iota3A : vector<16xi32>
    %shift_right_arithmetic3A_835 = arith.constant 4 : i32
    %shift_right_arithmetic3A_836 = vector.broadcast %shift_right_arithmetic3A_835 : i32 to vector<16xi32>
    %shift_right_arithmetic3A_837 = arith.shrsi %add3A_834, %shift_right_arithmetic3A_836 : vector<16xi32>
    %shift_left3A_838 = arith.constant 3 : i32
    %shift_left3A_839 = vector.broadcast %shift_left3A_838 : i32 to vector<16xi32>
    %shift_left3A_840 = arith.shli %shift_right_arithmetic3A_837, %shift_left3A_839 : vector<16xi32>
    %and3A_841 = arith.constant 7 : i32
    %and3A_842 = vector.broadcast %and3A_841 : i32 to vector<16xi32>
    %and3A_843 = arith.andi %add3A_834, %and3A_842 : vector<16xi32>
    %add3A_844 = arith.addi %shift_left3A_840, %and3A_843 : vector<16xi32>
    %sub3A_845 = vector.broadcast %min3A_21 : i32 to vector<16xi32>
    %sub3A_846 = arith.subi %add3A_844, %sub3A_845 : vector<16xi32>
    %gather3A_847 = tpu.vector_load_idx %arg7[%sub3A_846] : memref<328xi32, #tpu.memory_space<vmem>>[vector<16xi32>], vector<16xi32>,
    %mul3A_848 = arith.constant 2 : i32
    %mul3A_849 = vector.broadcast %mul3A_848 : i32 to vector<16xi32>
    %mul3A_850 = arith.muli %mul3A_849, %gather3A_847 : vector<16xi32>
    %shift_right_arithmetic3A_851 = arith.constant 3 : i32
    %shift_right_arithmetic3A_852 = vector.broadcast %shift_right_arithmetic3A_851 : i32 to vector<16xi32>
    %shift_right_arithmetic3A_853 = arith.shrsi %add3A_834, %shift_right_arithmetic3A_852 : vector<16xi32>
    %and3A_854 = arith.constant 1 : i32
    %and3A_855 = vector.broadcast %and3A_854 : i32 to vector<16xi32>
    %and3A_856 = arith.andi %shift_right_arithmetic3A_853, %and3A_855 : vector<16xi32>
    %add3A_857 = arith.addi %mul3A_850, %and3A_856 : vector<16xi32>
    %ge3A_858 = vector.broadcast %add3A_752 : i32 to vector<16xi32>
    %ge3A_859 = arith.cmpi sge, %add3A_834, %ge3A_858 : vector<16xi32>
    %lt3A_860 = vector.broadcast %add3A_754 : i32 to vector<16xi32>
    %lt3A_861 = arith.cmpi slt, %add3A_834, %lt3A_860 : vector<16xi32>
    %and3A_862 = arith.andi %ge3A_859, %lt3A_861 : vector<16xi1>
    %jit3A_863 = arith.constant 128 : i32
    %broadcast_in_dim3A_864 = vector.broadcast %jit3A_863 : i32 to vector<16xi32>
    %select_n3A_865 = arith.select %and3A_862, %add3A_857, %broadcast_in_dim3A_864 : vector<16xi1>, vector<16xi32>
    %swap3A_866 = arith.constant 32 : index
    %swap3A_867 = tpu.vector_load %arg9[%swap3A_866] {strides = array<i32>} : memref<128xi32, #tpu.memory_space<vmem>>, vector<16xi32>,
    tpu.vector_store %arg9[%swap3A_866], %select_n3A_865 {strides = array<i32>} : memref<128xi32, #tpu.memory_space<vmem>>, vector<16xi32>,
    %select_n3A_868 = arith.select %and3A_862, %broadcast_in_dim3A_95, %broadcast_in_dim3A_93 : vector<16xi1>, vector<16xf32>
    tpu.vector_store_idx %arg13[%broadcast_in_dim3A_427, %select_n3A_865], %select_n3A_868 {add = true} : memref<1x144xf32, #tpu.memory_space<vmem>>[vector<16xi32>, vector<16xi32>], vector<16xf32>,
    %add3A_869 = arith.constant 48 : i32
    %add3A_870 = arith.addi %min3A_30, %add3A_869 : i32
    %add3A_871 = vector.broadcast %add3A_870 : i32 to vector<16xi32>
    %add3A_872 = arith.addi %add3A_871, %iota3A : vector<16xi32>
    %shift_right_arithmetic3A_873 = arith.constant 4 : i32
    %shift_right_arithmetic3A_874 = vector.broadcast %shift_right_arithmetic3A_873 : i32 to vector<16xi32>
    %shift_right_arithmetic3A_875 = arith.shrsi %add3A_872, %shift_right_arithmetic3A_874 : vector<16xi32>
    %shift_left3A_876 = arith.constant 3 : i32
    %shift_left3A_877 = vector.broadcast %shift_left3A_876 : i32 to vector<16xi32>
    %shift_left3A_878 = arith.shli %shift_right_arithmetic3A_875, %shift_left3A_877 : vector<16xi32>
    %and3A_879 = arith.constant 7 : i32
    %and3A_880 = vector.broadcast %and3A_879 : i32 to vector<16xi32>
    %and3A_881 = arith.andi %add3A_872, %and3A_880 : vector<16xi32>
    %add3A_882 = arith.addi %shift_left3A_878, %and3A_881 : vector<16xi32>
    %sub3A_883 = vector.broadcast %min3A_21 : i32 to vector<16xi32>
    %sub3A_884 = arith.subi %add3A_882, %sub3A_883 : vector<16xi32>
    %gather3A_885 = tpu.vector_load_idx %arg7[%sub3A_884] : memref<328xi32, #tpu.memory_space<vmem>>[vector<16xi32>], vector<16xi32>,
    %mul3A_886 = arith.constant 2 : i32
    %mul3A_887 = vector.broadcast %mul3A_886 : i32 to vector<16xi32>
    %mul3A_888 = arith.muli %mul3A_887, %gather3A_885 : vector<16xi32>
    %shift_right_arithmetic3A_889 = arith.constant 3 : i32
    %shift_right_arithmetic3A_890 = vector.broadcast %shift_right_arithmetic3A_889 : i32 to vector<16xi32>
    %shift_right_arithmetic3A_891 = arith.shrsi %add3A_872, %shift_right_arithmetic3A_890 : vector<16xi32>
    %and3A_892 = arith.constant 1 : i32
    %and3A_893 = vector.broadcast %and3A_892 : i32 to vector<16xi32>
    %and3A_894 = arith.andi %shift_right_arithmetic3A_891, %and3A_893 : vector<16xi32>
    %add3A_895 = arith.addi %mul3A_888, %and3A_894 : vector<16xi32>
    %ge3A_896 = vector.broadcast %add3A_752 : i32 to vector<16xi32>
    %ge3A_897 = arith.cmpi sge, %add3A_872, %ge3A_896 : vector<16xi32>
    %lt3A_898 = vector.broadcast %add3A_754 : i32 to vector<16xi32>
    %lt3A_899 = arith.cmpi slt, %add3A_872, %lt3A_898 : vector<16xi32>
    %and3A_900 = arith.andi %ge3A_897, %lt3A_899 : vector<16xi1>
    %jit3A_901 = arith.constant 128 : i32
    %broadcast_in_dim3A_902 = vector.broadcast %jit3A_901 : i32 to vector<16xi32>
    %select_n3A_903 = arith.select %and3A_900, %add3A_895, %broadcast_in_dim3A_902 : vector<16xi1>, vector<16xi32>
    %swap3A_904 = arith.constant 48 : index
    %swap3A_905 = tpu.vector_load %arg9[%swap3A_904] {strides = array<i32>} : memref<128xi32, #tpu.memory_space<vmem>>, vector<16xi32>,
    tpu.vector_store %arg9[%swap3A_904], %select_n3A_903 {strides = array<i32>} : memref<128xi32, #tpu.memory_space<vmem>>, vector<16xi32>,
    %select_n3A_906 = arith.select %and3A_900, %broadcast_in_dim3A_95, %broadcast_in_dim3A_93 : vector<16xi1>, vector<16xf32>
    tpu.vector_store_idx %arg13[%broadcast_in_dim3A_427, %select_n3A_903], %select_n3A_906 {add = true} : memref<1x144xf32, #tpu.memory_space<vmem>>[vector<16xi32>, vector<16xi32>], vector<16xf32>,
    %add3A_907 = arith.constant 64 : i32
    %add3A_908 = arith.addi %min3A_30, %add3A_907 : i32
    %add3A_909 = vector.broadcast %add3A_908 : i32 to vector<16xi32>
    %add3A_910 = arith.addi %add3A_909, %iota3A : vector<16xi32>
    %shift_right_arithmetic3A_911 = arith.constant 4 : i32
    %shift_right_arithmetic3A_912 = vector.broadcast %shift_right_arithmetic3A_911 : i32 to vector<16xi32>
    %shift_right_arithmetic3A_913 = arith.shrsi %add3A_910, %shift_right_arithmetic3A_912 : vector<16xi32>
    %shift_left3A_914 = arith.constant 3 : i32
    %shift_left3A_915 = vector.broadcast %shift_left3A_914 : i32 to vector<16xi32>
    %shift_left3A_916 = arith.shli %shift_right_arithmetic3A_913, %shift_left3A_915 : vector<16xi32>
    %and3A_917 = arith.constant 7 : i32
    %and3A_918 = vector.broadcast %and3A_917 : i32 to vector<16xi32>
    %and3A_919 = arith.andi %add3A_910, %and3A_918 : vector<16xi32>
    %add3A_920 = arith.addi %shift_left3A_916, %and3A_919 : vector<16xi32>
    %sub3A_921 = vector.broadcast %min3A_21 : i32 to vector<16xi32>
    %sub3A_922 = arith.subi %add3A_920, %sub3A_921 : vector<16xi32>
    %gather3A_923 = tpu.vector_load_idx %arg7[%sub3A_922] : memref<328xi32, #tpu.memory_space<vmem>>[vector<16xi32>], vector<16xi32>,
    %mul3A_924 = arith.constant 2 : i32
    %mul3A_925 = vector.broadcast %mul3A_924 : i32 to vector<16xi32>
    %mul3A_926 = arith.muli %mul3A_925, %gather3A_923 : vector<16xi32>
    %shift_right_arithmetic3A_927 = arith.constant 3 : i32
    %shift_right_arithmetic3A_928 = vector.broadcast %shift_right_arithmetic3A_927 : i32 to vector<16xi32>
    %shift_right_arithmetic3A_929 = arith.shrsi %add3A_910, %shift_right_arithmetic3A_928 : vector<16xi32>
    %and3A_930 = arith.constant 1 : i32
    %and3A_931 = vector.broadcast %and3A_930 : i32 to vector<16xi32>
    %and3A_932 = arith.andi %shift_right_arithmetic3A_929, %and3A_931 : vector<16xi32>
    %add3A_933 = arith.addi %mul3A_926, %and3A_932 : vector<16xi32>
    %ge3A_934 = vector.broadcast %add3A_752 : i32 to vector<16xi32>
    %ge3A_935 = arith.cmpi sge, %add3A_910, %ge3A_934 : vector<16xi32>
    %lt3A_936 = vector.broadcast %add3A_754 : i32 to vector<16xi32>
    %lt3A_937 = arith.cmpi slt, %add3A_910, %lt3A_936 : vector<16xi32>
    %and3A_938 = arith.andi %ge3A_935, %lt3A_937 : vector<16xi1>
    %jit3A_939 = arith.constant 128 : i32
    %broadcast_in_dim3A_940 = vector.broadcast %jit3A_939 : i32 to vector<16xi32>
    %select_n3A_941 = arith.select %and3A_938, %add3A_933, %broadcast_in_dim3A_940 : vector<16xi1>, vector<16xi32>
    %swap3A_942 = arith.constant 64 : index
    %swap3A_943 = tpu.vector_load %arg9[%swap3A_942] {strides = array<i32>} : memref<128xi32, #tpu.memory_space<vmem>>, vector<16xi32>,
    tpu.vector_store %arg9[%swap3A_942], %select_n3A_941 {strides = array<i32>} : memref<128xi32, #tpu.memory_space<vmem>>, vector<16xi32>,
    %select_n3A_944 = arith.select %and3A_938, %broadcast_in_dim3A_95, %broadcast_in_dim3A_93 : vector<16xi1>, vector<16xf32>
    tpu.vector_store_idx %arg13[%broadcast_in_dim3A_427, %select_n3A_941], %select_n3A_944 {add = true} : memref<1x144xf32, #tpu.memory_space<vmem>>[vector<16xi32>, vector<16xi32>], vector<16xf32>,
    %add3A_945 = arith.constant 80 : i32
    %add3A_946 = arith.addi %min3A_30, %add3A_945 : i32
    %add3A_947 = vector.broadcast %add3A_946 : i32 to vector<16xi32>
    %add3A_948 = arith.addi %add3A_947, %iota3A : vector<16xi32>
    %shift_right_arithmetic3A_949 = arith.constant 4 : i32
    %shift_right_arithmetic3A_950 = vector.broadcast %shift_right_arithmetic3A_949 : i32 to vector<16xi32>
    %shift_right_arithmetic3A_951 = arith.shrsi %add3A_948, %shift_right_arithmetic3A_950 : vector<16xi32>
    %shift_left3A_952 = arith.constant 3 : i32
    %shift_left3A_953 = vector.broadcast %shift_left3A_952 : i32 to vector<16xi32>
    %shift_left3A_954 = arith.shli %shift_right_arithmetic3A_951, %shift_left3A_953 : vector<16xi32>
    %and3A_955 = arith.constant 7 : i32
    %and3A_956 = vector.broadcast %and3A_955 : i32 to vector<16xi32>
    %and3A_957 = arith.andi %add3A_948, %and3A_956 : vector<16xi32>
    %add3A_958 = arith.addi %shift_left3A_954, %and3A_957 : vector<16xi32>
    %sub3A_959 = vector.broadcast %min3A_21 : i32 to vector<16xi32>
    %sub3A_960 = arith.subi %add3A_958, %sub3A_959 : vector<16xi32>
    %gather3A_961 = tpu.vector_load_idx %arg7[%sub3A_960] : memref<328xi32, #tpu.memory_space<vmem>>[vector<16xi32>], vector<16xi32>,
    %mul3A_962 = arith.constant 2 : i32
    %mul3A_963 = vector.broadcast %mul3A_962 : i32 to vector<16xi32>
    %mul3A_964 = arith.muli %mul3A_963, %gather3A_961 : vector<16xi32>
    %shift_right_arithmetic3A_965 = arith.constant 3 : i32
    %shift_right_arithmetic3A_966 = vector.broadcast %shift_right_arithmetic3A_965 : i32 to vector<16xi32>
    %shift_right_arithmetic3A_967 = arith.shrsi %add3A_948, %shift_right_arithmetic3A_966 : vector<16xi32>
    %and3A_968 = arith.constant 1 : i32
    %and3A_969 = vector.broadcast %and3A_968 : i32 to vector<16xi32>
    %and3A_970 = arith.andi %shift_right_arithmetic3A_967, %and3A_969 : vector<16xi32>
    %add3A_971 = arith.addi %mul3A_964, %and3A_970 : vector<16xi32>
    %ge3A_972 = vector.broadcast %add3A_752 : i32 to vector<16xi32>
    %ge3A_973 = arith.cmpi sge, %add3A_948, %ge3A_972 : vector<16xi32>
    %lt3A_974 = vector.broadcast %add3A_754 : i32 to vector<16xi32>
    %lt3A_975 = arith.cmpi slt, %add3A_948, %lt3A_974 : vector<16xi32>
    %and3A_976 = arith.andi %ge3A_973, %lt3A_975 : vector<16xi1>
    %jit3A_977 = arith.constant 128 : i32
    %broadcast_in_dim3A_978 = vector.broadcast %jit3A_977 : i32 to vector<16xi32>
    %select_n3A_979 = arith.select %and3A_976, %add3A_971, %broadcast_in_dim3A_978 : vector<16xi1>, vector<16xi32>
    %swap3A_980 = arith.constant 80 : index
    %swap3A_981 = tpu.vector_load %arg9[%swap3A_980] {strides = array<i32>} : memref<128xi32, #tpu.memory_space<vmem>>, vector<16xi32>,
    tpu.vector_store %arg9[%swap3A_980], %select_n3A_979 {strides = array<i32>} : memref<128xi32, #tpu.memory_space<vmem>>, vector<16xi32>,
    %select_n3A_982 = arith.select %and3A_976, %broadcast_in_dim3A_95, %broadcast_in_dim3A_93 : vector<16xi1>, vector<16xf32>
    tpu.vector_store_idx %arg13[%broadcast_in_dim3A_427, %select_n3A_979], %select_n3A_982 {add = true} : memref<1x144xf32, #tpu.memory_space<vmem>>[vector<16xi32>, vector<16xi32>], vector<16xf32>,
    %add3A_983 = arith.constant 96 : i32
    %add3A_984 = arith.addi %min3A_30, %add3A_983 : i32
    %add3A_985 = vector.broadcast %add3A_984 : i32 to vector<16xi32>
    %add3A_986 = arith.addi %add3A_985, %iota3A : vector<16xi32>
    %shift_right_arithmetic3A_987 = arith.constant 4 : i32
    %shift_right_arithmetic3A_988 = vector.broadcast %shift_right_arithmetic3A_987 : i32 to vector<16xi32>
    %shift_right_arithmetic3A_989 = arith.shrsi %add3A_986, %shift_right_arithmetic3A_988 : vector<16xi32>
    %shift_left3A_990 = arith.constant 3 : i32
    %shift_left3A_991 = vector.broadcast %shift_left3A_990 : i32 to vector<16xi32>
    %shift_left3A_992 = arith.shli %shift_right_arithmetic3A_989, %shift_left3A_991 : vector<16xi32>
    %and3A_993 = arith.constant 7 : i32
    %and3A_994 = vector.broadcast %and3A_993 : i32 to vector<16xi32>
    %and3A_995 = arith.andi %add3A_986, %and3A_994 : vector<16xi32>
    %add3A_996 = arith.addi %shift_left3A_992, %and3A_995 : vector<16xi32>
    %sub3A_997 = vector.broadcast %min3A_21 : i32 to vector<16xi32>
    %sub3A_998 = arith.subi %add3A_996, %sub3A_997 : vector<16xi32>
    %gather3A_999 = tpu.vector_load_idx %arg7[%sub3A_998] : memref<328xi32, #tpu.memory_space<vmem>>[vector<16xi32>], vector<16xi32>,
    %mul3A_1000 = arith.constant 2 : i32
    %mul3A_1001 = vector.broadcast %mul3A_1000 : i32 to vector<16xi32>
    %mul3A_1002 = arith.muli %mul3A_1001, %gather3A_999 : vector<16xi32>
    %shift_right_arithmetic3A_1003 = arith.constant 3 : i32
    %shift_right_arithmetic3A_1004 = vector.broadcast %shift_right_arithmetic3A_1003 : i32 to vector<16xi32>
    %shift_right_arithmetic3A_1005 = arith.shrsi %add3A_986, %shift_right_arithmetic3A_1004 : vector<16xi32>
    %and3A_1006 = arith.constant 1 : i32
    %and3A_1007 = vector.broadcast %and3A_1006 : i32 to vector<16xi32>
    %and3A_1008 = arith.andi %shift_right_arithmetic3A_1005, %and3A_1007 : vector<16xi32>
    %add3A_1009 = arith.addi %mul3A_1002, %and3A_1008 : vector<16xi32>
    %ge3A_1010 = vector.broadcast %add3A_752 : i32 to vector<16xi32>
    %ge3A_1011 = arith.cmpi sge, %add3A_986, %ge3A_1010 : vector<16xi32>
    %lt3A_1012 = vector.broadcast %add3A_754 : i32 to vector<16xi32>
    %lt3A_1013 = arith.cmpi slt, %add3A_986, %lt3A_1012 : vector<16xi32>
    %and3A_1014 = arith.andi %ge3A_1011, %lt3A_1013 : vector<16xi1>
    %jit3A_1015 = arith.constant 128 : i32
    %broadcast_in_dim3A_1016 = vector.broadcast %jit3A_1015 : i32 to vector<16xi32>
    %select_n3A_1017 = arith.select %and3A_1014, %add3A_1009, %broadcast_in_dim3A_1016 : vector<16xi1>, vector<16xi32>
    %swap3A_1018 = arith.constant 96 : index
    %swap3A_1019 = tpu.vector_load %arg9[%swap3A_1018] {strides = array<i32>} : memref<128xi32, #tpu.memory_space<vmem>>, vector<16xi32>,
    tpu.vector_store %arg9[%swap3A_1018], %select_n3A_1017 {strides = array<i32>} : memref<128xi32, #tpu.memory_space<vmem>>, vector<16xi32>,
    %select_n3A_1020 = arith.select %and3A_1014, %broadcast_in_dim3A_95, %broadcast_in_dim3A_93 : vector<16xi1>, vector<16xf32>
    tpu.vector_store_idx %arg13[%broadcast_in_dim3A_427, %select_n3A_1017], %select_n3A_1020 {add = true} : memref<1x144xf32, #tpu.memory_space<vmem>>[vector<16xi32>, vector<16xi32>], vector<16xf32>,
    %add3A_1021 = arith.constant 112 : i32
    %add3A_1022 = arith.addi %min3A_30, %add3A_1021 : i32
    %add3A_1023 = vector.broadcast %add3A_1022 : i32 to vector<16xi32>
    %add3A_1024 = arith.addi %add3A_1023, %iota3A : vector<16xi32>
    %shift_right_arithmetic3A_1025 = arith.constant 4 : i32
    %shift_right_arithmetic3A_1026 = vector.broadcast %shift_right_arithmetic3A_1025 : i32 to vector<16xi32>
    %shift_right_arithmetic3A_1027 = arith.shrsi %add3A_1024, %shift_right_arithmetic3A_1026 : vector<16xi32>
    %shift_left3A_1028 = arith.constant 3 : i32
    %shift_left3A_1029 = vector.broadcast %shift_left3A_1028 : i32 to vector<16xi32>
    %shift_left3A_1030 = arith.shli %shift_right_arithmetic3A_1027, %shift_left3A_1029 : vector<16xi32>
    %and3A_1031 = arith.constant 7 : i32
    %and3A_1032 = vector.broadcast %and3A_1031 : i32 to vector<16xi32>
    %and3A_1033 = arith.andi %add3A_1024, %and3A_1032 : vector<16xi32>
    %add3A_1034 = arith.addi %shift_left3A_1030, %and3A_1033 : vector<16xi32>
    %sub3A_1035 = vector.broadcast %min3A_21 : i32 to vector<16xi32>
    %sub3A_1036 = arith.subi %add3A_1034, %sub3A_1035 : vector<16xi32>
    %gather3A_1037 = tpu.vector_load_idx %arg7[%sub3A_1036] : memref<328xi32, #tpu.memory_space<vmem>>[vector<16xi32>], vector<16xi32>,
    %mul3A_1038 = arith.constant 2 : i32
    %mul3A_1039 = vector.broadcast %mul3A_1038 : i32 to vector<16xi32>
    %mul3A_1040 = arith.muli %mul3A_1039, %gather3A_1037 : vector<16xi32>
    %shift_right_arithmetic3A_1041 = arith.constant 3 : i32
    %shift_right_arithmetic3A_1042 = vector.broadcast %shift_right_arithmetic3A_1041 : i32 to vector<16xi32>
    %shift_right_arithmetic3A_1043 = arith.shrsi %add3A_1024, %shift_right_arithmetic3A_1042 : vector<16xi32>
    %and3A_1044 = arith.constant 1 : i32
    %and3A_1045 = vector.broadcast %and3A_1044 : i32 to vector<16xi32>
    %and3A_1046 = arith.andi %shift_right_arithmetic3A_1043, %and3A_1045 : vector<16xi32>
    %add3A_1047 = arith.addi %mul3A_1040, %and3A_1046 : vector<16xi32>
    %ge3A_1048 = vector.broadcast %add3A_752 : i32 to vector<16xi32>
    %ge3A_1049 = arith.cmpi sge, %add3A_1024, %ge3A_1048 : vector<16xi32>
    %lt3A_1050 = vector.broadcast %add3A_754 : i32 to vector<16xi32>
    %lt3A_1051 = arith.cmpi slt, %add3A_1024, %lt3A_1050 : vector<16xi32>
    %and3A_1052 = arith.andi %ge3A_1049, %lt3A_1051 : vector<16xi1>
    %jit3A_1053 = arith.constant 128 : i32
    %broadcast_in_dim3A_1054 = vector.broadcast %jit3A_1053 : i32 to vector<16xi32>
    %select_n3A_1055 = arith.select %and3A_1052, %add3A_1047, %broadcast_in_dim3A_1054 : vector<16xi1>, vector<16xi32>
    %swap3A_1056 = arith.constant 112 : index
    %swap3A_1057 = tpu.vector_load %arg9[%swap3A_1056] {strides = array<i32>} : memref<128xi32, #tpu.memory_space<vmem>>, vector<16xi32>,
    tpu.vector_store %arg9[%swap3A_1056], %select_n3A_1055 {strides = array<i32>} : memref<128xi32, #tpu.memory_space<vmem>>, vector<16xi32>,
    %select_n3A_1058 = arith.select %and3A_1052, %broadcast_in_dim3A_95, %broadcast_in_dim3A_93 : vector<16xi1>, vector<16xf32>
    tpu.vector_store_idx %arg13[%broadcast_in_dim3A_427, %select_n3A_1055], %select_n3A_1058 {add = true} : memref<1x144xf32, #tpu.memory_space<vmem>>[vector<16xi32>, vector<16xi32>], vector<16xf32>,
    %dma_wait3A_1059 = arith.constant 128 : i32
    %dma_wait3A_1060 = arith.constant 0 : i32
    %dma_wait3A_1061 = tpu.memref_slice %arg6[%dma_wait3A_1059, %dma_wait3A_1060] : memref<640x128xf32, #tpu.memory_space<vmem>> -> memref<128x128xf32, #tpu.memory_space<vmem>>
    %dma_wait3A_1062 = arith.constant 0 : i32
    %dma_wait3A_1063 = tpu.memref_slice %arg2[%min3A_30, %dma_wait3A_1062] : memref<20000x128xf32, #tpu.memory_space<hbm>> -> memref<128x128xf32, #tpu.memory_space<hbm>>
    %dma_wait3A_1064 = arith.constant 128 : i32
    %dma_wait3A_1065 = arith.constant 0 : i32
    %dma_wait3A_1066 = tpu.memref_slice %arg6[%dma_wait3A_1064, %dma_wait3A_1065] : memref<640x128xf32, #tpu.memory_space<vmem>> -> memref<128x128xf32, #tpu.memory_space<vmem>>
    %dma_wait3A_1067 = arith.constant 0 : i32
    %dma_wait3A_1068 = tpu.memref_slice %arg2[%min3A_30, %dma_wait3A_1067] : memref<20000x128xf32, #tpu.memory_space<hbm>> -> memref<128x128xf32, #tpu.memory_space<hbm>>
    tpu.wait_dma2 semaphore(%arg20 : memref<!tpu.dma_semaphore, #tpu.memory_space<semaphore_mem>>) src(%dma_wait3A_1068 : memref<128x128xf32, #tpu.memory_space<hbm>>) dst(%dma_wait3A_1066 : memref<128x128xf32, #tpu.memory_space<vmem>>)
    %dma_start3A_1069 = arith.constant 128 : i32
    %dma_start3A_1070 = arith.constant 0 : i32
    %dma_start3A_1071 = tpu.memref_slice %arg6[%dma_start3A_1069, %dma_start3A_1070] : memref<640x128xf32, #tpu.memory_space<vmem>> -> memref<128x128xf32, #tpu.memory_space<vmem>>
    %dma_start3A_1072 = arith.constant 0 : i32
    %dma_start3A_1073 = arith.constant 0 : i32
    %dma_start3A_1074 = tpu.memref_slice %arg17[%dma_start3A_1072, %dma_start3A_1073] : memref<144x128xf32, #tpu.memory_space<vmem_shared>> -> memref<144x128xf32, #tpu.memory_space<vmem_shared>>
    tpu.enqueue_indirect_dma source(%dma_start3A_1071 : memref<128x128xf32, #tpu.memory_space<vmem>>) target(%dma_start3A_1074 : memref<144x128xf32, #tpu.memory_space<vmem_shared>>) offsets(%arg9 : memref<128xi32, #tpu.memory_space<vmem>>) semaphore(%arg21 : memref<!tpu.dma_semaphore, #tpu.memory_space<semaphore_mem>>) {add = true}
    %add3A_1075 = arith.constant 256 : i32
    %add3A_1076 = arith.addi %mul3A_2, %add3A_1075 : i32
    %add3A_1077 = arith.constant 625 : i32
    %add3A_1078 = arith.addi %mul3A_2, %add3A_1077 : i32
    %add3A_1079 = arith.constant 0 : i32
    %add3A_1080 = arith.addi %min3A_34, %add3A_1079 : i32
    %add3A_1081 = vector.broadcast %add3A_1080 : i32 to vector<16xi32>
    %add3A_1082 = arith.addi %add3A_1081, %iota3A : vector<16xi32>
    %shift_right_arithmetic3A_1083 = arith.constant 4 : i32
    %shift_right_arithmetic3A_1084 = vector.broadcast %shift_right_arithmetic3A_1083 : i32 to vector<16xi32>
    %shift_right_arithmetic3A_1085 = arith.shrsi %add3A_1082, %shift_right_arithmetic3A_1084 : vector<16xi32>
    %shift_left3A_1086 = arith.constant 3 : i32
    %shift_left3A_1087 = vector.broadcast %shift_left3A_1086 : i32 to vector<16xi32>
    %shift_left3A_1088 = arith.shli %shift_right_arithmetic3A_1085, %shift_left3A_1087 : vector<16xi32>
    %and3A_1089 = arith.constant 7 : i32
    %and3A_1090 = vector.broadcast %and3A_1089 : i32 to vector<16xi32>
    %and3A_1091 = arith.andi %add3A_1082, %and3A_1090 : vector<16xi32>
    %add3A_1092 = arith.addi %shift_left3A_1088, %and3A_1091 : vector<16xi32>
    %sub3A_1093 = vector.broadcast %min3A_21 : i32 to vector<16xi32>
    %sub3A_1094 = arith.subi %add3A_1092, %sub3A_1093 : vector<16xi32>
    %gather3A_1095 = tpu.vector_load_idx %arg7[%sub3A_1094] : memref<328xi32, #tpu.memory_space<vmem>>[vector<16xi32>], vector<16xi32>,
    %mul3A_1096 = arith.constant 2 : i32
    %mul3A_1097 = vector.broadcast %mul3A_1096 : i32 to vector<16xi32>
    %mul3A_1098 = arith.muli %mul3A_1097, %gather3A_1095 : vector<16xi32>
    %shift_right_arithmetic3A_1099 = arith.constant 3 : i32
    %shift_right_arithmetic3A_1100 = vector.broadcast %shift_right_arithmetic3A_1099 : i32 to vector<16xi32>
    %shift_right_arithmetic3A_1101 = arith.shrsi %add3A_1082, %shift_right_arithmetic3A_1100 : vector<16xi32>
    %and3A_1102 = arith.constant 1 : i32
    %and3A_1103 = vector.broadcast %and3A_1102 : i32 to vector<16xi32>
    %and3A_1104 = arith.andi %shift_right_arithmetic3A_1101, %and3A_1103 : vector<16xi32>
    %add3A_1105 = arith.addi %mul3A_1098, %and3A_1104 : vector<16xi32>
    %ge3A_1106 = vector.broadcast %add3A_1076 : i32 to vector<16xi32>
    %ge3A_1107 = arith.cmpi sge, %add3A_1082, %ge3A_1106 : vector<16xi32>
    %lt3A_1108 = vector.broadcast %add3A_1078 : i32 to vector<16xi32>
    %lt3A_1109 = arith.cmpi slt, %add3A_1082, %lt3A_1108 : vector<16xi32>
    %and3A_1110 = arith.andi %ge3A_1107, %lt3A_1109 : vector<16xi1>
    %jit3A_1111 = arith.constant 128 : i32
    %broadcast_in_dim3A_1112 = vector.broadcast %jit3A_1111 : i32 to vector<16xi32>
    %select_n3A_1113 = arith.select %and3A_1110, %add3A_1105, %broadcast_in_dim3A_1112 : vector<16xi1>, vector<16xi32>
    %swap3A_1114 = arith.constant 0 : index
    %swap3A_1115 = tpu.vector_load %arg10[%swap3A_1114] {strides = array<i32>} : memref<128xi32, #tpu.memory_space<vmem>>, vector<16xi32>,
    tpu.vector_store %arg10[%swap3A_1114], %select_n3A_1113 {strides = array<i32>} : memref<128xi32, #tpu.memory_space<vmem>>, vector<16xi32>,
    %select_n3A_1116 = arith.select %and3A_1110, %broadcast_in_dim3A_95, %broadcast_in_dim3A_93 : vector<16xi1>, vector<16xf32>
    tpu.vector_store_idx %arg13[%broadcast_in_dim3A_427, %select_n3A_1113], %select_n3A_1116 {add = true} : memref<1x144xf32, #tpu.memory_space<vmem>>[vector<16xi32>, vector<16xi32>], vector<16xf32>,
    %add3A_1117 = arith.constant 16 : i32
    %add3A_1118 = arith.addi %min3A_34, %add3A_1117 : i32
    %add3A_1119 = vector.broadcast %add3A_1118 : i32 to vector<16xi32>
    %add3A_1120 = arith.addi %add3A_1119, %iota3A : vector<16xi32>
    %shift_right_arithmetic3A_1121 = arith.constant 4 : i32
    %shift_right_arithmetic3A_1122 = vector.broadcast %shift_right_arithmetic3A_1121 : i32 to vector<16xi32>
    %shift_right_arithmetic3A_1123 = arith.shrsi %add3A_1120, %shift_right_arithmetic3A_1122 : vector<16xi32>
    %shift_left3A_1124 = arith.constant 3 : i32
    %shift_left3A_1125 = vector.broadcast %shift_left3A_1124 : i32 to vector<16xi32>
    %shift_left3A_1126 = arith.shli %shift_right_arithmetic3A_1123, %shift_left3A_1125 : vector<16xi32>
    %and3A_1127 = arith.constant 7 : i32
    %and3A_1128 = vector.broadcast %and3A_1127 : i32 to vector<16xi32>
    %and3A_1129 = arith.andi %add3A_1120, %and3A_1128 : vector<16xi32>
    %add3A_1130 = arith.addi %shift_left3A_1126, %and3A_1129 : vector<16xi32>
    %sub3A_1131 = vector.broadcast %min3A_21 : i32 to vector<16xi32>
    %sub3A_1132 = arith.subi %add3A_1130, %sub3A_1131 : vector<16xi32>
    %gather3A_1133 = tpu.vector_load_idx %arg7[%sub3A_1132] : memref<328xi32, #tpu.memory_space<vmem>>[vector<16xi32>], vector<16xi32>,
    %mul3A_1134 = arith.constant 2 : i32
    %mul3A_1135 = vector.broadcast %mul3A_1134 : i32 to vector<16xi32>
    %mul3A_1136 = arith.muli %mul3A_1135, %gather3A_1133 : vector<16xi32>
    %shift_right_arithmetic3A_1137 = arith.constant 3 : i32
    %shift_right_arithmetic3A_1138 = vector.broadcast %shift_right_arithmetic3A_1137 : i32 to vector<16xi32>
    %shift_right_arithmetic3A_1139 = arith.shrsi %add3A_1120, %shift_right_arithmetic3A_1138 : vector<16xi32>
    %and3A_1140 = arith.constant 1 : i32
    %and3A_1141 = vector.broadcast %and3A_1140 : i32 to vector<16xi32>
    %and3A_1142 = arith.andi %shift_right_arithmetic3A_1139, %and3A_1141 : vector<16xi32>
    %add3A_1143 = arith.addi %mul3A_1136, %and3A_1142 : vector<16xi32>
    %ge3A_1144 = vector.broadcast %add3A_1076 : i32 to vector<16xi32>
    %ge3A_1145 = arith.cmpi sge, %add3A_1120, %ge3A_1144 : vector<16xi32>
    %lt3A_1146 = vector.broadcast %add3A_1078 : i32 to vector<16xi32>
    %lt3A_1147 = arith.cmpi slt, %add3A_1120, %lt3A_1146 : vector<16xi32>
    %and3A_1148 = arith.andi %ge3A_1145, %lt3A_1147 : vector<16xi1>
    %jit3A_1149 = arith.constant 128 : i32
    %broadcast_in_dim3A_1150 = vector.broadcast %jit3A_1149 : i32 to vector<16xi32>
    %select_n3A_1151 = arith.select %and3A_1148, %add3A_1143, %broadcast_in_dim3A_1150 : vector<16xi1>, vector<16xi32>
    %swap3A_1152 = arith.constant 16 : index
    %swap3A_1153 = tpu.vector_load %arg10[%swap3A_1152] {strides = array<i32>} : memref<128xi32, #tpu.memory_space<vmem>>, vector<16xi32>,
    tpu.vector_store %arg10[%swap3A_1152], %select_n3A_1151 {strides = array<i32>} : memref<128xi32, #tpu.memory_space<vmem>>, vector<16xi32>,
    %select_n3A_1154 = arith.select %and3A_1148, %broadcast_in_dim3A_95, %broadcast_in_dim3A_93 : vector<16xi1>, vector<16xf32>
    tpu.vector_store_idx %arg13[%broadcast_in_dim3A_427, %select_n3A_1151], %select_n3A_1154 {add = true} : memref<1x144xf32, #tpu.memory_space<vmem>>[vector<16xi32>, vector<16xi32>], vector<16xf32>,
    %add3A_1155 = arith.constant 32 : i32
    %add3A_1156 = arith.addi %min3A_34, %add3A_1155 : i32
    %add3A_1157 = vector.broadcast %add3A_1156 : i32 to vector<16xi32>
    %add3A_1158 = arith.addi %add3A_1157, %iota3A : vector<16xi32>
    %shift_right_arithmetic3A_1159 = arith.constant 4 : i32
    %shift_right_arithmetic3A_1160 = vector.broadcast %shift_right_arithmetic3A_1159 : i32 to vector<16xi32>
    %shift_right_arithmetic3A_1161 = arith.shrsi %add3A_1158, %shift_right_arithmetic3A_1160 : vector<16xi32>
    %shift_left3A_1162 = arith.constant 3 : i32
    %shift_left3A_1163 = vector.broadcast %shift_left3A_1162 : i32 to vector<16xi32>
    %shift_left3A_1164 = arith.shli %shift_right_arithmetic3A_1161, %shift_left3A_1163 : vector<16xi32>
    %and3A_1165 = arith.constant 7 : i32
    %and3A_1166 = vector.broadcast %and3A_1165 : i32 to vector<16xi32>
    %and3A_1167 = arith.andi %add3A_1158, %and3A_1166 : vector<16xi32>
    %add3A_1168 = arith.addi %shift_left3A_1164, %and3A_1167 : vector<16xi32>
    %sub3A_1169 = vector.broadcast %min3A_21 : i32 to vector<16xi32>
    %sub3A_1170 = arith.subi %add3A_1168, %sub3A_1169 : vector<16xi32>
    %gather3A_1171 = tpu.vector_load_idx %arg7[%sub3A_1170] : memref<328xi32, #tpu.memory_space<vmem>>[vector<16xi32>], vector<16xi32>,
    %mul3A_1172 = arith.constant 2 : i32
    %mul3A_1173 = vector.broadcast %mul3A_1172 : i32 to vector<16xi32>
    %mul3A_1174 = arith.muli %mul3A_1173, %gather3A_1171 : vector<16xi32>
    %shift_right_arithmetic3A_1175 = arith.constant 3 : i32
    %shift_right_arithmetic3A_1176 = vector.broadcast %shift_right_arithmetic3A_1175 : i32 to vector<16xi32>
    %shift_right_arithmetic3A_1177 = arith.shrsi %add3A_1158, %shift_right_arithmetic3A_1176 : vector<16xi32>
    %and3A_1178 = arith.constant 1 : i32
    %and3A_1179 = vector.broadcast %and3A_1178 : i32 to vector<16xi32>
    %and3A_1180 = arith.andi %shift_right_arithmetic3A_1177, %and3A_1179 : vector<16xi32>
    %add3A_1181 = arith.addi %mul3A_1174, %and3A_1180 : vector<16xi32>
    %ge3A_1182 = vector.broadcast %add3A_1076 : i32 to vector<16xi32>
    %ge3A_1183 = arith.cmpi sge, %add3A_1158, %ge3A_1182 : vector<16xi32>
    %lt3A_1184 = vector.broadcast %add3A_1078 : i32 to vector<16xi32>
    %lt3A_1185 = arith.cmpi slt, %add3A_1158, %lt3A_1184 : vector<16xi32>
    %and3A_1186 = arith.andi %ge3A_1183, %lt3A_1185 : vector<16xi1>
    %jit3A_1187 = arith.constant 128 : i32
    %broadcast_in_dim3A_1188 = vector.broadcast %jit3A_1187 : i32 to vector<16xi32>
    %select_n3A_1189 = arith.select %and3A_1186, %add3A_1181, %broadcast_in_dim3A_1188 : vector<16xi1>, vector<16xi32>
    %swap3A_1190 = arith.constant 32 : index
    %swap3A_1191 = tpu.vector_load %arg10[%swap3A_1190] {strides = array<i32>} : memref<128xi32, #tpu.memory_space<vmem>>, vector<16xi32>,
    tpu.vector_store %arg10[%swap3A_1190], %select_n3A_1189 {strides = array<i32>} : memref<128xi32, #tpu.memory_space<vmem>>, vector<16xi32>,
    %select_n3A_1192 = arith.select %and3A_1186, %broadcast_in_dim3A_95, %broadcast_in_dim3A_93 : vector<16xi1>, vector<16xf32>
    tpu.vector_store_idx %arg13[%broadcast_in_dim3A_427, %select_n3A_1189], %select_n3A_1192 {add = true} : memref<1x144xf32, #tpu.memory_space<vmem>>[vector<16xi32>, vector<16xi32>], vector<16xf32>,
    %add3A_1193 = arith.constant 48 : i32
    %add3A_1194 = arith.addi %min3A_34, %add3A_1193 : i32
    %add3A_1195 = vector.broadcast %add3A_1194 : i32 to vector<16xi32>
    %add3A_1196 = arith.addi %add3A_1195, %iota3A : vector<16xi32>
    %shift_right_arithmetic3A_1197 = arith.constant 4 : i32
    %shift_right_arithmetic3A_1198 = vector.broadcast %shift_right_arithmetic3A_1197 : i32 to vector<16xi32>
    %shift_right_arithmetic3A_1199 = arith.shrsi %add3A_1196, %shift_right_arithmetic3A_1198 : vector<16xi32>
    %shift_left3A_1200 = arith.constant 3 : i32
    %shift_left3A_1201 = vector.broadcast %shift_left3A_1200 : i32 to vector<16xi32>
    %shift_left3A_1202 = arith.shli %shift_right_arithmetic3A_1199, %shift_left3A_1201 : vector<16xi32>
    %and3A_1203 = arith.constant 7 : i32
    %and3A_1204 = vector.broadcast %and3A_1203 : i32 to vector<16xi32>
    %and3A_1205 = arith.andi %add3A_1196, %and3A_1204 : vector<16xi32>
    %add3A_1206 = arith.addi %shift_left3A_1202, %and3A_1205 : vector<16xi32>
    %sub3A_1207 = vector.broadcast %min3A_21 : i32 to vector<16xi32>
    %sub3A_1208 = arith.subi %add3A_1206, %sub3A_1207 : vector<16xi32>
    %gather3A_1209 = tpu.vector_load_idx %arg7[%sub3A_1208] : memref<328xi32, #tpu.memory_space<vmem>>[vector<16xi32>], vector<16xi32>,
    %mul3A_1210 = arith.constant 2 : i32
    %mul3A_1211 = vector.broadcast %mul3A_1210 : i32 to vector<16xi32>
    %mul3A_1212 = arith.muli %mul3A_1211, %gather3A_1209 : vector<16xi32>
    %shift_right_arithmetic3A_1213 = arith.constant 3 : i32
    %shift_right_arithmetic3A_1214 = vector.broadcast %shift_right_arithmetic3A_1213 : i32 to vector<16xi32>
    %shift_right_arithmetic3A_1215 = arith.shrsi %add3A_1196, %shift_right_arithmetic3A_1214 : vector<16xi32>
    %and3A_1216 = arith.constant 1 : i32
    %and3A_1217 = vector.broadcast %and3A_1216 : i32 to vector<16xi32>
    %and3A_1218 = arith.andi %shift_right_arithmetic3A_1215, %and3A_1217 : vector<16xi32>
    %add3A_1219 = arith.addi %mul3A_1212, %and3A_1218 : vector<16xi32>
    %ge3A_1220 = vector.broadcast %add3A_1076 : i32 to vector<16xi32>
    %ge3A_1221 = arith.cmpi sge, %add3A_1196, %ge3A_1220 : vector<16xi32>
    %lt3A_1222 = vector.broadcast %add3A_1078 : i32 to vector<16xi32>
    %lt3A_1223 = arith.cmpi slt, %add3A_1196, %lt3A_1222 : vector<16xi32>
    %and3A_1224 = arith.andi %ge3A_1221, %lt3A_1223 : vector<16xi1>
    %jit3A_1225 = arith.constant 128 : i32
    %broadcast_in_dim3A_1226 = vector.broadcast %jit3A_1225 : i32 to vector<16xi32>
    %select_n3A_1227 = arith.select %and3A_1224, %add3A_1219, %broadcast_in_dim3A_1226 : vector<16xi1>, vector<16xi32>
    %swap3A_1228 = arith.constant 48 : index
    %swap3A_1229 = tpu.vector_load %arg10[%swap3A_1228] {strides = array<i32>} : memref<128xi32, #tpu.memory_space<vmem>>, vector<16xi32>,
    tpu.vector_store %arg10[%swap3A_1228], %select_n3A_1227 {strides = array<i32>} : memref<128xi32, #tpu.memory_space<vmem>>, vector<16xi32>,
    %select_n3A_1230 = arith.select %and3A_1224, %broadcast_in_dim3A_95, %broadcast_in_dim3A_93 : vector<16xi1>, vector<16xf32>
    tpu.vector_store_idx %arg13[%broadcast_in_dim3A_427, %select_n3A_1227], %select_n3A_1230 {add = true} : memref<1x144xf32, #tpu.memory_space<vmem>>[vector<16xi32>, vector<16xi32>], vector<16xf32>,
    %add3A_1231 = arith.constant 64 : i32
    %add3A_1232 = arith.addi %min3A_34, %add3A_1231 : i32
    %add3A_1233 = vector.broadcast %add3A_1232 : i32 to vector<16xi32>
    %add3A_1234 = arith.addi %add3A_1233, %iota3A : vector<16xi32>
    %shift_right_arithmetic3A_1235 = arith.constant 4 : i32
    %shift_right_arithmetic3A_1236 = vector.broadcast %shift_right_arithmetic3A_1235 : i32 to vector<16xi32>
    %shift_right_arithmetic3A_1237 = arith.shrsi %add3A_1234, %shift_right_arithmetic3A_1236 : vector<16xi32>
    %shift_left3A_1238 = arith.constant 3 : i32
    %shift_left3A_1239 = vector.broadcast %shift_left3A_1238 : i32 to vector<16xi32>
    %shift_left3A_1240 = arith.shli %shift_right_arithmetic3A_1237, %shift_left3A_1239 : vector<16xi32>
    %and3A_1241 = arith.constant 7 : i32
    %and3A_1242 = vector.broadcast %and3A_1241 : i32 to vector<16xi32>
    %and3A_1243 = arith.andi %add3A_1234, %and3A_1242 : vector<16xi32>
    %add3A_1244 = arith.addi %shift_left3A_1240, %and3A_1243 : vector<16xi32>
    %sub3A_1245 = vector.broadcast %min3A_21 : i32 to vector<16xi32>
    %sub3A_1246 = arith.subi %add3A_1244, %sub3A_1245 : vector<16xi32>
    %gather3A_1247 = tpu.vector_load_idx %arg7[%sub3A_1246] : memref<328xi32, #tpu.memory_space<vmem>>[vector<16xi32>], vector<16xi32>,
    %mul3A_1248 = arith.constant 2 : i32
    %mul3A_1249 = vector.broadcast %mul3A_1248 : i32 to vector<16xi32>
    %mul3A_1250 = arith.muli %mul3A_1249, %gather3A_1247 : vector<16xi32>
    %shift_right_arithmetic3A_1251 = arith.constant 3 : i32
    %shift_right_arithmetic3A_1252 = vector.broadcast %shift_right_arithmetic3A_1251 : i32 to vector<16xi32>
    %shift_right_arithmetic3A_1253 = arith.shrsi %add3A_1234, %shift_right_arithmetic3A_1252 : vector<16xi32>
    %and3A_1254 = arith.constant 1 : i32
    %and3A_1255 = vector.broadcast %and3A_1254 : i32 to vector<16xi32>
    %and3A_1256 = arith.andi %shift_right_arithmetic3A_1253, %and3A_1255 : vector<16xi32>
    %add3A_1257 = arith.addi %mul3A_1250, %and3A_1256 : vector<16xi32>
    %ge3A_1258 = vector.broadcast %add3A_1076 : i32 to vector<16xi32>
    %ge3A_1259 = arith.cmpi sge, %add3A_1234, %ge3A_1258 : vector<16xi32>
    %lt3A_1260 = vector.broadcast %add3A_1078 : i32 to vector<16xi32>
    %lt3A_1261 = arith.cmpi slt, %add3A_1234, %lt3A_1260 : vector<16xi32>
    %and3A_1262 = arith.andi %ge3A_1259, %lt3A_1261 : vector<16xi1>
    %jit3A_1263 = arith.constant 128 : i32
    %broadcast_in_dim3A_1264 = vector.broadcast %jit3A_1263 : i32 to vector<16xi32>
    %select_n3A_1265 = arith.select %and3A_1262, %add3A_1257, %broadcast_in_dim3A_1264 : vector<16xi1>, vector<16xi32>
    %swap3A_1266 = arith.constant 64 : index
    %swap3A_1267 = tpu.vector_load %arg10[%swap3A_1266] {strides = array<i32>} : memref<128xi32, #tpu.memory_space<vmem>>, vector<16xi32>,
    tpu.vector_store %arg10[%swap3A_1266], %select_n3A_1265 {strides = array<i32>} : memref<128xi32, #tpu.memory_space<vmem>>, vector<16xi32>,
    %select_n3A_1268 = arith.select %and3A_1262, %broadcast_in_dim3A_95, %broadcast_in_dim3A_93 : vector<16xi1>, vector<16xf32>
    tpu.vector_store_idx %arg13[%broadcast_in_dim3A_427, %select_n3A_1265], %select_n3A_1268 {add = true} : memref<1x144xf32, #tpu.memory_space<vmem>>[vector<16xi32>, vector<16xi32>], vector<16xf32>,
    %add3A_1269 = arith.constant 80 : i32
    %add3A_1270 = arith.addi %min3A_34, %add3A_1269 : i32
    %add3A_1271 = vector.broadcast %add3A_1270 : i32 to vector<16xi32>
    %add3A_1272 = arith.addi %add3A_1271, %iota3A : vector<16xi32>
    %shift_right_arithmetic3A_1273 = arith.constant 4 : i32
    %shift_right_arithmetic3A_1274 = vector.broadcast %shift_right_arithmetic3A_1273 : i32 to vector<16xi32>
    %shift_right_arithmetic3A_1275 = arith.shrsi %add3A_1272, %shift_right_arithmetic3A_1274 : vector<16xi32>
    %shift_left3A_1276 = arith.constant 3 : i32
    %shift_left3A_1277 = vector.broadcast %shift_left3A_1276 : i32 to vector<16xi32>
    %shift_left3A_1278 = arith.shli %shift_right_arithmetic3A_1275, %shift_left3A_1277 : vector<16xi32>
    %and3A_1279 = arith.constant 7 : i32
    %and3A_1280 = vector.broadcast %and3A_1279 : i32 to vector<16xi32>
    %and3A_1281 = arith.andi %add3A_1272, %and3A_1280 : vector<16xi32>
    %add3A_1282 = arith.addi %shift_left3A_1278, %and3A_1281 : vector<16xi32>
    %sub3A_1283 = vector.broadcast %min3A_21 : i32 to vector<16xi32>
    %sub3A_1284 = arith.subi %add3A_1282, %sub3A_1283 : vector<16xi32>
    %gather3A_1285 = tpu.vector_load_idx %arg7[%sub3A_1284] : memref<328xi32, #tpu.memory_space<vmem>>[vector<16xi32>], vector<16xi32>,
    %mul3A_1286 = arith.constant 2 : i32
    %mul3A_1287 = vector.broadcast %mul3A_1286 : i32 to vector<16xi32>
    %mul3A_1288 = arith.muli %mul3A_1287, %gather3A_1285 : vector<16xi32>
    %shift_right_arithmetic3A_1289 = arith.constant 3 : i32
    %shift_right_arithmetic3A_1290 = vector.broadcast %shift_right_arithmetic3A_1289 : i32 to vector<16xi32>
    %shift_right_arithmetic3A_1291 = arith.shrsi %add3A_1272, %shift_right_arithmetic3A_1290 : vector<16xi32>
    %and3A_1292 = arith.constant 1 : i32
    %and3A_1293 = vector.broadcast %and3A_1292 : i32 to vector<16xi32>
    %and3A_1294 = arith.andi %shift_right_arithmetic3A_1291, %and3A_1293 : vector<16xi32>
    %add3A_1295 = arith.addi %mul3A_1288, %and3A_1294 : vector<16xi32>
    %ge3A_1296 = vector.broadcast %add3A_1076 : i32 to vector<16xi32>
    %ge3A_1297 = arith.cmpi sge, %add3A_1272, %ge3A_1296 : vector<16xi32>
    %lt3A_1298 = vector.broadcast %add3A_1078 : i32 to vector<16xi32>
    %lt3A_1299 = arith.cmpi slt, %add3A_1272, %lt3A_1298 : vector<16xi32>
    %and3A_1300 = arith.andi %ge3A_1297, %lt3A_1299 : vector<16xi1>
    %jit3A_1301 = arith.constant 128 : i32
    %broadcast_in_dim3A_1302 = vector.broadcast %jit3A_1301 : i32 to vector<16xi32>
    %select_n3A_1303 = arith.select %and3A_1300, %add3A_1295, %broadcast_in_dim3A_1302 : vector<16xi1>, vector<16xi32>
    %swap3A_1304 = arith.constant 80 : index
    %swap3A_1305 = tpu.vector_load %arg10[%swap3A_1304] {strides = array<i32>} : memref<128xi32, #tpu.memory_space<vmem>>, vector<16xi32>,
    tpu.vector_store %arg10[%swap3A_1304], %select_n3A_1303 {strides = array<i32>} : memref<128xi32, #tpu.memory_space<vmem>>, vector<16xi32>,
    %select_n3A_1306 = arith.select %and3A_1300, %broadcast_in_dim3A_95, %broadcast_in_dim3A_93 : vector<16xi1>, vector<16xf32>
    tpu.vector_store_idx %arg13[%broadcast_in_dim3A_427, %select_n3A_1303], %select_n3A_1306 {add = true} : memref<1x144xf32, #tpu.memory_space<vmem>>[vector<16xi32>, vector<16xi32>], vector<16xf32>,
    %add3A_1307 = arith.constant 96 : i32
    %add3A_1308 = arith.addi %min3A_34, %add3A_1307 : i32
    %add3A_1309 = vector.broadcast %add3A_1308 : i32 to vector<16xi32>
    %add3A_1310 = arith.addi %add3A_1309, %iota3A : vector<16xi32>
    %shift_right_arithmetic3A_1311 = arith.constant 4 : i32
    %shift_right_arithmetic3A_1312 = vector.broadcast %shift_right_arithmetic3A_1311 : i32 to vector<16xi32>
    %shift_right_arithmetic3A_1313 = arith.shrsi %add3A_1310, %shift_right_arithmetic3A_1312 : vector<16xi32>
    %shift_left3A_1314 = arith.constant 3 : i32
    %shift_left3A_1315 = vector.broadcast %shift_left3A_1314 : i32 to vector<16xi32>
    %shift_left3A_1316 = arith.shli %shift_right_arithmetic3A_1313, %shift_left3A_1315 : vector<16xi32>
    %and3A_1317 = arith.constant 7 : i32
    %and3A_1318 = vector.broadcast %and3A_1317 : i32 to vector<16xi32>
    %and3A_1319 = arith.andi %add3A_1310, %and3A_1318 : vector<16xi32>
    %add3A_1320 = arith.addi %shift_left3A_1316, %and3A_1319 : vector<16xi32>
    %sub3A_1321 = vector.broadcast %min3A_21 : i32 to vector<16xi32>
    %sub3A_1322 = arith.subi %add3A_1320, %sub3A_1321 : vector<16xi32>
    %gather3A_1323 = tpu.vector_load_idx %arg7[%sub3A_1322] : memref<328xi32, #tpu.memory_space<vmem>>[vector<16xi32>], vector<16xi32>,
    %mul3A_1324 = arith.constant 2 : i32
    %mul3A_1325 = vector.broadcast %mul3A_1324 : i32 to vector<16xi32>
    %mul3A_1326 = arith.muli %mul3A_1325, %gather3A_1323 : vector<16xi32>
    %shift_right_arithmetic3A_1327 = arith.constant 3 : i32
    %shift_right_arithmetic3A_1328 = vector.broadcast %shift_right_arithmetic3A_1327 : i32 to vector<16xi32>
    %shift_right_arithmetic3A_1329 = arith.shrsi %add3A_1310, %shift_right_arithmetic3A_1328 : vector<16xi32>
    %and3A_1330 = arith.constant 1 : i32
    %and3A_1331 = vector.broadcast %and3A_1330 : i32 to vector<16xi32>
    %and3A_1332 = arith.andi %shift_right_arithmetic3A_1329, %and3A_1331 : vector<16xi32>
    %add3A_1333 = arith.addi %mul3A_1326, %and3A_1332 : vector<16xi32>
    %ge3A_1334 = vector.broadcast %add3A_1076 : i32 to vector<16xi32>
    %ge3A_1335 = arith.cmpi sge, %add3A_1310, %ge3A_1334 : vector<16xi32>
    %lt3A_1336 = vector.broadcast %add3A_1078 : i32 to vector<16xi32>
    %lt3A_1337 = arith.cmpi slt, %add3A_1310, %lt3A_1336 : vector<16xi32>
    %and3A_1338 = arith.andi %ge3A_1335, %lt3A_1337 : vector<16xi1>
    %jit3A_1339 = arith.constant 128 : i32
    %broadcast_in_dim3A_1340 = vector.broadcast %jit3A_1339 : i32 to vector<16xi32>
    %select_n3A_1341 = arith.select %and3A_1338, %add3A_1333, %broadcast_in_dim3A_1340 : vector<16xi1>, vector<16xi32>
    %swap3A_1342 = arith.constant 96 : index
    %swap3A_1343 = tpu.vector_load %arg10[%swap3A_1342] {strides = array<i32>} : memref<128xi32, #tpu.memory_space<vmem>>, vector<16xi32>,
    tpu.vector_store %arg10[%swap3A_1342], %select_n3A_1341 {strides = array<i32>} : memref<128xi32, #tpu.memory_space<vmem>>, vector<16xi32>,
    %select_n3A_1344 = arith.select %and3A_1338, %broadcast_in_dim3A_95, %broadcast_in_dim3A_93 : vector<16xi1>, vector<16xf32>
    tpu.vector_store_idx %arg13[%broadcast_in_dim3A_427, %select_n3A_1341], %select_n3A_1344 {add = true} : memref<1x144xf32, #tpu.memory_space<vmem>>[vector<16xi32>, vector<16xi32>], vector<16xf32>,
    %add3A_1345 = arith.constant 112 : i32
    %add3A_1346 = arith.addi %min3A_34, %add3A_1345 : i32
    %add3A_1347 = vector.broadcast %add3A_1346 : i32 to vector<16xi32>
    %add3A_1348 = arith.addi %add3A_1347, %iota3A : vector<16xi32>
    %shift_right_arithmetic3A_1349 = arith.constant 4 : i32
    %shift_right_arithmetic3A_1350 = vector.broadcast %shift_right_arithmetic3A_1349 : i32 to vector<16xi32>
    %shift_right_arithmetic3A_1351 = arith.shrsi %add3A_1348, %shift_right_arithmetic3A_1350 : vector<16xi32>
    %shift_left3A_1352 = arith.constant 3 : i32
    %shift_left3A_1353 = vector.broadcast %shift_left3A_1352 : i32 to vector<16xi32>
    %shift_left3A_1354 = arith.shli %shift_right_arithmetic3A_1351, %shift_left3A_1353 : vector<16xi32>
    %and3A_1355 = arith.constant 7 : i32
    %and3A_1356 = vector.broadcast %and3A_1355 : i32 to vector<16xi32>
    %and3A_1357 = arith.andi %add3A_1348, %and3A_1356 : vector<16xi32>
    %add3A_1358 = arith.addi %shift_left3A_1354, %and3A_1357 : vector<16xi32>
    %sub3A_1359 = vector.broadcast %min3A_21 : i32 to vector<16xi32>
    %sub3A_1360 = arith.subi %add3A_1358, %sub3A_1359 : vector<16xi32>
    %gather3A_1361 = tpu.vector_load_idx %arg7[%sub3A_1360] : memref<328xi32, #tpu.memory_space<vmem>>[vector<16xi32>], vector<16xi32>,
    %mul3A_1362 = arith.constant 2 : i32
    %mul3A_1363 = vector.broadcast %mul3A_1362 : i32 to vector<16xi32>
    %mul3A_1364 = arith.muli %mul3A_1363, %gather3A_1361 : vector<16xi32>
    %shift_right_arithmetic3A_1365 = arith.constant 3 : i32
    %shift_right_arithmetic3A_1366 = vector.broadcast %shift_right_arithmetic3A_1365 : i32 to vector<16xi32>
    %shift_right_arithmetic3A_1367 = arith.shrsi %add3A_1348, %shift_right_arithmetic3A_1366 : vector<16xi32>
    %and3A_1368 = arith.constant 1 : i32
    %and3A_1369 = vector.broadcast %and3A_1368 : i32 to vector<16xi32>
    %and3A_1370 = arith.andi %shift_right_arithmetic3A_1367, %and3A_1369 : vector<16xi32>
    %add3A_1371 = arith.addi %mul3A_1364, %and3A_1370 : vector<16xi32>
    %ge3A_1372 = vector.broadcast %add3A_1076 : i32 to vector<16xi32>
    %ge3A_1373 = arith.cmpi sge, %add3A_1348, %ge3A_1372 : vector<16xi32>
    %lt3A_1374 = vector.broadcast %add3A_1078 : i32 to vector<16xi32>
    %lt3A_1375 = arith.cmpi slt, %add3A_1348, %lt3A_1374 : vector<16xi32>
    %and3A_1376 = arith.andi %ge3A_1373, %lt3A_1375 : vector<16xi1>
    %jit3A_1377 = arith.constant 128 : i32
    %broadcast_in_dim3A_1378 = vector.broadcast %jit3A_1377 : i32 to vector<16xi32>
    %select_n3A_1379 = arith.select %and3A_1376, %add3A_1371, %broadcast_in_dim3A_1378 : vector<16xi1>, vector<16xi32>
    %swap3A_1380 = arith.constant 112 : index
    %swap3A_1381 = tpu.vector_load %arg10[%swap3A_1380] {strides = array<i32>} : memref<128xi32, #tpu.memory_space<vmem>>, vector<16xi32>,
    tpu.vector_store %arg10[%swap3A_1380], %select_n3A_1379 {strides = array<i32>} : memref<128xi32, #tpu.memory_space<vmem>>, vector<16xi32>,
    %select_n3A_1382 = arith.select %and3A_1376, %broadcast_in_dim3A_95, %broadcast_in_dim3A_93 : vector<16xi1>, vector<16xf32>
    tpu.vector_store_idx %arg13[%broadcast_in_dim3A_427, %select_n3A_1379], %select_n3A_1382 {add = true} : memref<1x144xf32, #tpu.memory_space<vmem>>[vector<16xi32>, vector<16xi32>], vector<16xf32>,
    %dma_wait3A_1383 = arith.constant 256 : i32
    %dma_wait3A_1384 = arith.constant 0 : i32
    %dma_wait3A_1385 = tpu.memref_slice %arg6[%dma_wait3A_1383, %dma_wait3A_1384] : memref<640x128xf32, #tpu.memory_space<vmem>> -> memref<128x128xf32, #tpu.memory_space<vmem>>
    %dma_wait3A_1386 = arith.constant 0 : i32
    %dma_wait3A_1387 = tpu.memref_slice %arg2[%min3A_34, %dma_wait3A_1386] : memref<20000x128xf32, #tpu.memory_space<hbm>> -> memref<128x128xf32, #tpu.memory_space<hbm>>
    %dma_wait3A_1388 = arith.constant 256 : i32
    %dma_wait3A_1389 = arith.constant 0 : i32
    %dma_wait3A_1390 = tpu.memref_slice %arg6[%dma_wait3A_1388, %dma_wait3A_1389] : memref<640x128xf32, #tpu.memory_space<vmem>> -> memref<128x128xf32, #tpu.memory_space<vmem>>
    %dma_wait3A_1391 = arith.constant 0 : i32
    %dma_wait3A_1392 = tpu.memref_slice %arg2[%min3A_34, %dma_wait3A_1391] : memref<20000x128xf32, #tpu.memory_space<hbm>> -> memref<128x128xf32, #tpu.memory_space<hbm>>
    tpu.wait_dma2 semaphore(%arg20 : memref<!tpu.dma_semaphore, #tpu.memory_space<semaphore_mem>>) src(%dma_wait3A_1392 : memref<128x128xf32, #tpu.memory_space<hbm>>) dst(%dma_wait3A_1390 : memref<128x128xf32, #tpu.memory_space<vmem>>)
    %dma_start3A_1393 = arith.constant 256 : i32
    %dma_start3A_1394 = arith.constant 0 : i32
    %dma_start3A_1395 = tpu.memref_slice %arg6[%dma_start3A_1393, %dma_start3A_1394] : memref<640x128xf32, #tpu.memory_space<vmem>> -> memref<128x128xf32, #tpu.memory_space<vmem>>
    %dma_start3A_1396 = arith.constant 0 : i32
    %dma_start3A_1397 = arith.constant 0 : i32
    %dma_start3A_1398 = tpu.memref_slice %arg17[%dma_start3A_1396, %dma_start3A_1397] : memref<144x128xf32, #tpu.memory_space<vmem_shared>> -> memref<144x128xf32, #tpu.memory_space<vmem_shared>>
    tpu.enqueue_indirect_dma source(%dma_start3A_1395 : memref<128x128xf32, #tpu.memory_space<vmem>>) target(%dma_start3A_1398 : memref<144x128xf32, #tpu.memory_space<vmem_shared>>) offsets(%arg10 : memref<128xi32, #tpu.memory_space<vmem>>) semaphore(%arg21 : memref<!tpu.dma_semaphore, #tpu.memory_space<semaphore_mem>>) {add = true}
    %add3A_1399 = arith.constant 384 : i32
    %add3A_1400 = arith.addi %mul3A_2, %add3A_1399 : i32
    %add3A_1401 = arith.constant 625 : i32
    %add3A_1402 = arith.addi %mul3A_2, %add3A_1401 : i32
    %add3A_1403 = arith.constant 0 : i32
    %add3A_1404 = arith.addi %min3A_38, %add3A_1403 : i32
    %add3A_1405 = vector.broadcast %add3A_1404 : i32 to vector<16xi32>
    %add3A_1406 = arith.addi %add3A_1405, %iota3A : vector<16xi32>
    %shift_right_arithmetic3A_1407 = arith.constant 4 : i32
    %shift_right_arithmetic3A_1408 = vector.broadcast %shift_right_arithmetic3A_1407 : i32 to vector<16xi32>
    %shift_right_arithmetic3A_1409 = arith.shrsi %add3A_1406, %shift_right_arithmetic3A_1408 : vector<16xi32>
    %shift_left3A_1410 = arith.constant 3 : i32
    %shift_left3A_1411 = vector.broadcast %shift_left3A_1410 : i32 to vector<16xi32>
    %shift_left3A_1412 = arith.shli %shift_right_arithmetic3A_1409, %shift_left3A_1411 : vector<16xi32>
    %and3A_1413 = arith.constant 7 : i32
    %and3A_1414 = vector.broadcast %and3A_1413 : i32 to vector<16xi32>
    %and3A_1415 = arith.andi %add3A_1406, %and3A_1414 : vector<16xi32>
    %add3A_1416 = arith.addi %shift_left3A_1412, %and3A_1415 : vector<16xi32>
    %sub3A_1417 = vector.broadcast %min3A_21 : i32 to vector<16xi32>
    %sub3A_1418 = arith.subi %add3A_1416, %sub3A_1417 : vector<16xi32>
    %gather3A_1419 = tpu.vector_load_idx %arg7[%sub3A_1418] : memref<328xi32, #tpu.memory_space<vmem>>[vector<16xi32>], vector<16xi32>,
    %mul3A_1420 = arith.constant 2 : i32
    %mul3A_1421 = vector.broadcast %mul3A_1420 : i32 to vector<16xi32>
    %mul3A_1422 = arith.muli %mul3A_1421, %gather3A_1419 : vector<16xi32>
    %shift_right_arithmetic3A_1423 = arith.constant 3 : i32
    %shift_right_arithmetic3A_1424 = vector.broadcast %shift_right_arithmetic3A_1423 : i32 to vector<16xi32>
    %shift_right_arithmetic3A_1425 = arith.shrsi %add3A_1406, %shift_right_arithmetic3A_1424 : vector<16xi32>
    %and3A_1426 = arith.constant 1 : i32
    %and3A_1427 = vector.broadcast %and3A_1426 : i32 to vector<16xi32>
    %and3A_1428 = arith.andi %shift_right_arithmetic3A_1425, %and3A_1427 : vector<16xi32>
    %add3A_1429 = arith.addi %mul3A_1422, %and3A_1428 : vector<16xi32>
    %ge3A_1430 = vector.broadcast %add3A_1400 : i32 to vector<16xi32>
    %ge3A_1431 = arith.cmpi sge, %add3A_1406, %ge3A_1430 : vector<16xi32>
    %lt3A_1432 = vector.broadcast %add3A_1402 : i32 to vector<16xi32>
    %lt3A_1433 = arith.cmpi slt, %add3A_1406, %lt3A_1432 : vector<16xi32>
    %and3A_1434 = arith.andi %ge3A_1431, %lt3A_1433 : vector<16xi1>
    %jit3A_1435 = arith.constant 128 : i32
    %broadcast_in_dim3A_1436 = vector.broadcast %jit3A_1435 : i32 to vector<16xi32>
    %select_n3A_1437 = arith.select %and3A_1434, %add3A_1429, %broadcast_in_dim3A_1436 : vector<16xi1>, vector<16xi32>
    %swap3A_1438 = arith.constant 0 : index
    %swap3A_1439 = tpu.vector_load %arg11[%swap3A_1438] {strides = array<i32>} : memref<128xi32, #tpu.memory_space<vmem>>, vector<16xi32>,
    tpu.vector_store %arg11[%swap3A_1438], %select_n3A_1437 {strides = array<i32>} : memref<128xi32, #tpu.memory_space<vmem>>, vector<16xi32>,
    %select_n3A_1440 = arith.select %and3A_1434, %broadcast_in_dim3A_95, %broadcast_in_dim3A_93 : vector<16xi1>, vector<16xf32>
    tpu.vector_store_idx %arg13[%broadcast_in_dim3A_427, %select_n3A_1437], %select_n3A_1440 {add = true} : memref<1x144xf32, #tpu.memory_space<vmem>>[vector<16xi32>, vector<16xi32>], vector<16xf32>,
    %add3A_1441 = arith.constant 16 : i32
    %add3A_1442 = arith.addi %min3A_38, %add3A_1441 : i32
    %add3A_1443 = vector.broadcast %add3A_1442 : i32 to vector<16xi32>
    %add3A_1444 = arith.addi %add3A_1443, %iota3A : vector<16xi32>
    %shift_right_arithmetic3A_1445 = arith.constant 4 : i32
    %shift_right_arithmetic3A_1446 = vector.broadcast %shift_right_arithmetic3A_1445 : i32 to vector<16xi32>
    %shift_right_arithmetic3A_1447 = arith.shrsi %add3A_1444, %shift_right_arithmetic3A_1446 : vector<16xi32>
    %shift_left3A_1448 = arith.constant 3 : i32
    %shift_left3A_1449 = vector.broadcast %shift_left3A_1448 : i32 to vector<16xi32>
    %shift_left3A_1450 = arith.shli %shift_right_arithmetic3A_1447, %shift_left3A_1449 : vector<16xi32>
    %and3A_1451 = arith.constant 7 : i32
    %and3A_1452 = vector.broadcast %and3A_1451 : i32 to vector<16xi32>
    %and3A_1453 = arith.andi %add3A_1444, %and3A_1452 : vector<16xi32>
    %add3A_1454 = arith.addi %shift_left3A_1450, %and3A_1453 : vector<16xi32>
    %sub3A_1455 = vector.broadcast %min3A_21 : i32 to vector<16xi32>
    %sub3A_1456 = arith.subi %add3A_1454, %sub3A_1455 : vector<16xi32>
    %gather3A_1457 = tpu.vector_load_idx %arg7[%sub3A_1456] : memref<328xi32, #tpu.memory_space<vmem>>[vector<16xi32>], vector<16xi32>,
    %mul3A_1458 = arith.constant 2 : i32
    %mul3A_1459 = vector.broadcast %mul3A_1458 : i32 to vector<16xi32>
    %mul3A_1460 = arith.muli %mul3A_1459, %gather3A_1457 : vector<16xi32>
    %shift_right_arithmetic3A_1461 = arith.constant 3 : i32
    %shift_right_arithmetic3A_1462 = vector.broadcast %shift_right_arithmetic3A_1461 : i32 to vector<16xi32>
    %shift_right_arithmetic3A_1463 = arith.shrsi %add3A_1444, %shift_right_arithmetic3A_1462 : vector<16xi32>
    %and3A_1464 = arith.constant 1 : i32
    %and3A_1465 = vector.broadcast %and3A_1464 : i32 to vector<16xi32>
    %and3A_1466 = arith.andi %shift_right_arithmetic3A_1463, %and3A_1465 : vector<16xi32>
    %add3A_1467 = arith.addi %mul3A_1460, %and3A_1466 : vector<16xi32>
    %ge3A_1468 = vector.broadcast %add3A_1400 : i32 to vector<16xi32>
    %ge3A_1469 = arith.cmpi sge, %add3A_1444, %ge3A_1468 : vector<16xi32>
    %lt3A_1470 = vector.broadcast %add3A_1402 : i32 to vector<16xi32>
    %lt3A_1471 = arith.cmpi slt, %add3A_1444, %lt3A_1470 : vector<16xi32>
    %and3A_1472 = arith.andi %ge3A_1469, %lt3A_1471 : vector<16xi1>
    %jit3A_1473 = arith.constant 128 : i32
    %broadcast_in_dim3A_1474 = vector.broadcast %jit3A_1473 : i32 to vector<16xi32>
    %select_n3A_1475 = arith.select %and3A_1472, %add3A_1467, %broadcast_in_dim3A_1474 : vector<16xi1>, vector<16xi32>
    %swap3A_1476 = arith.constant 16 : index
    %swap3A_1477 = tpu.vector_load %arg11[%swap3A_1476] {strides = array<i32>} : memref<128xi32, #tpu.memory_space<vmem>>, vector<16xi32>,
    tpu.vector_store %arg11[%swap3A_1476], %select_n3A_1475 {strides = array<i32>} : memref<128xi32, #tpu.memory_space<vmem>>, vector<16xi32>,
    %select_n3A_1478 = arith.select %and3A_1472, %broadcast_in_dim3A_95, %broadcast_in_dim3A_93 : vector<16xi1>, vector<16xf32>
    tpu.vector_store_idx %arg13[%broadcast_in_dim3A_427, %select_n3A_1475], %select_n3A_1478 {add = true} : memref<1x144xf32, #tpu.memory_space<vmem>>[vector<16xi32>, vector<16xi32>], vector<16xf32>,
    %add3A_1479 = arith.constant 32 : i32
    %add3A_1480 = arith.addi %min3A_38, %add3A_1479 : i32
    %add3A_1481 = vector.broadcast %add3A_1480 : i32 to vector<16xi32>
    %add3A_1482 = arith.addi %add3A_1481, %iota3A : vector<16xi32>
    %shift_right_arithmetic3A_1483 = arith.constant 4 : i32
    %shift_right_arithmetic3A_1484 = vector.broadcast %shift_right_arithmetic3A_1483 : i32 to vector<16xi32>
    %shift_right_arithmetic3A_1485 = arith.shrsi %add3A_1482, %shift_right_arithmetic3A_1484 : vector<16xi32>
    %shift_left3A_1486 = arith.constant 3 : i32
    %shift_left3A_1487 = vector.broadcast %shift_left3A_1486 : i32 to vector<16xi32>
    %shift_left3A_1488 = arith.shli %shift_right_arithmetic3A_1485, %shift_left3A_1487 : vector<16xi32>
    %and3A_1489 = arith.constant 7 : i32
    %and3A_1490 = vector.broadcast %and3A_1489 : i32 to vector<16xi32>
    %and3A_1491 = arith.andi %add3A_1482, %and3A_1490 : vector<16xi32>
    %add3A_1492 = arith.addi %shift_left3A_1488, %and3A_1491 : vector<16xi32>
    %sub3A_1493 = vector.broadcast %min3A_21 : i32 to vector<16xi32>
    %sub3A_1494 = arith.subi %add3A_1492, %sub3A_1493 : vector<16xi32>
    %gather3A_1495 = tpu.vector_load_idx %arg7[%sub3A_1494] : memref<328xi32, #tpu.memory_space<vmem>>[vector<16xi32>], vector<16xi32>,
    %mul3A_1496 = arith.constant 2 : i32
    %mul3A_1497 = vector.broadcast %mul3A_1496 : i32 to vector<16xi32>
    %mul3A_1498 = arith.muli %mul3A_1497, %gather3A_1495 : vector<16xi32>
    %shift_right_arithmetic3A_1499 = arith.constant 3 : i32
    %shift_right_arithmetic3A_1500 = vector.broadcast %shift_right_arithmetic3A_1499 : i32 to vector<16xi32>
    %shift_right_arithmetic3A_1501 = arith.shrsi %add3A_1482, %shift_right_arithmetic3A_1500 : vector<16xi32>
    %and3A_1502 = arith.constant 1 : i32
    %and3A_1503 = vector.broadcast %and3A_1502 : i32 to vector<16xi32>
    %and3A_1504 = arith.andi %shift_right_arithmetic3A_1501, %and3A_1503 : vector<16xi32>
    %add3A_1505 = arith.addi %mul3A_1498, %and3A_1504 : vector<16xi32>
    %ge3A_1506 = vector.broadcast %add3A_1400 : i32 to vector<16xi32>
    %ge3A_1507 = arith.cmpi sge, %add3A_1482, %ge3A_1506 : vector<16xi32>
    %lt3A_1508 = vector.broadcast %add3A_1402 : i32 to vector<16xi32>
    %lt3A_1509 = arith.cmpi slt, %add3A_1482, %lt3A_1508 : vector<16xi32>
    %and3A_1510 = arith.andi %ge3A_1507, %lt3A_1509 : vector<16xi1>
    %jit3A_1511 = arith.constant 128 : i32
    %broadcast_in_dim3A_1512 = vector.broadcast %jit3A_1511 : i32 to vector<16xi32>
    %select_n3A_1513 = arith.select %and3A_1510, %add3A_1505, %broadcast_in_dim3A_1512 : vector<16xi1>, vector<16xi32>
    %swap3A_1514 = arith.constant 32 : index
    %swap3A_1515 = tpu.vector_load %arg11[%swap3A_1514] {strides = array<i32>} : memref<128xi32, #tpu.memory_space<vmem>>, vector<16xi32>,
    tpu.vector_store %arg11[%swap3A_1514], %select_n3A_1513 {strides = array<i32>} : memref<128xi32, #tpu.memory_space<vmem>>, vector<16xi32>,
    %select_n3A_1516 = arith.select %and3A_1510, %broadcast_in_dim3A_95, %broadcast_in_dim3A_93 : vector<16xi1>, vector<16xf32>
    tpu.vector_store_idx %arg13[%broadcast_in_dim3A_427, %select_n3A_1513], %select_n3A_1516 {add = true} : memref<1x144xf32, #tpu.memory_space<vmem>>[vector<16xi32>, vector<16xi32>], vector<16xf32>,
    %add3A_1517 = arith.constant 48 : i32
    %add3A_1518 = arith.addi %min3A_38, %add3A_1517 : i32
    %add3A_1519 = vector.broadcast %add3A_1518 : i32 to vector<16xi32>
    %add3A_1520 = arith.addi %add3A_1519, %iota3A : vector<16xi32>
    %shift_right_arithmetic3A_1521 = arith.constant 4 : i32
    %shift_right_arithmetic3A_1522 = vector.broadcast %shift_right_arithmetic3A_1521 : i32 to vector<16xi32>
    %shift_right_arithmetic3A_1523 = arith.shrsi %add3A_1520, %shift_right_arithmetic3A_1522 : vector<16xi32>
    %shift_left3A_1524 = arith.constant 3 : i32
    %shift_left3A_1525 = vector.broadcast %shift_left3A_1524 : i32 to vector<16xi32>
    %shift_left3A_1526 = arith.shli %shift_right_arithmetic3A_1523, %shift_left3A_1525 : vector<16xi32>
    %and3A_1527 = arith.constant 7 : i32
    %and3A_1528 = vector.broadcast %and3A_1527 : i32 to vector<16xi32>
    %and3A_1529 = arith.andi %add3A_1520, %and3A_1528 : vector<16xi32>
    %add3A_1530 = arith.addi %shift_left3A_1526, %and3A_1529 : vector<16xi32>
    %sub3A_1531 = vector.broadcast %min3A_21 : i32 to vector<16xi32>
    %sub3A_1532 = arith.subi %add3A_1530, %sub3A_1531 : vector<16xi32>
    %gather3A_1533 = tpu.vector_load_idx %arg7[%sub3A_1532] : memref<328xi32, #tpu.memory_space<vmem>>[vector<16xi32>], vector<16xi32>,
    %mul3A_1534 = arith.constant 2 : i32
    %mul3A_1535 = vector.broadcast %mul3A_1534 : i32 to vector<16xi32>
    %mul3A_1536 = arith.muli %mul3A_1535, %gather3A_1533 : vector<16xi32>
    %shift_right_arithmetic3A_1537 = arith.constant 3 : i32
    %shift_right_arithmetic3A_1538 = vector.broadcast %shift_right_arithmetic3A_1537 : i32 to vector<16xi32>
    %shift_right_arithmetic3A_1539 = arith.shrsi %add3A_1520, %shift_right_arithmetic3A_1538 : vector<16xi32>
    %and3A_1540 = arith.constant 1 : i32
    %and3A_1541 = vector.broadcast %and3A_1540 : i32 to vector<16xi32>
    %and3A_1542 = arith.andi %shift_right_arithmetic3A_1539, %and3A_1541 : vector<16xi32>
    %add3A_1543 = arith.addi %mul3A_1536, %and3A_1542 : vector<16xi32>
    %ge3A_1544 = vector.broadcast %add3A_1400 : i32 to vector<16xi32>
    %ge3A_1545 = arith.cmpi sge, %add3A_1520, %ge3A_1544 : vector<16xi32>
    %lt3A_1546 = vector.broadcast %add3A_1402 : i32 to vector<16xi32>
    %lt3A_1547 = arith.cmpi slt, %add3A_1520, %lt3A_1546 : vector<16xi32>
    %and3A_1548 = arith.andi %ge3A_1545, %lt3A_1547 : vector<16xi1>
    %jit3A_1549 = arith.constant 128 : i32
    %broadcast_in_dim3A_1550 = vector.broadcast %jit3A_1549 : i32 to vector<16xi32>
    %select_n3A_1551 = arith.select %and3A_1548, %add3A_1543, %broadcast_in_dim3A_1550 : vector<16xi1>, vector<16xi32>
    %swap3A_1552 = arith.constant 48 : index
    %swap3A_1553 = tpu.vector_load %arg11[%swap3A_1552] {strides = array<i32>} : memref<128xi32, #tpu.memory_space<vmem>>, vector<16xi32>,
    tpu.vector_store %arg11[%swap3A_1552], %select_n3A_1551 {strides = array<i32>} : memref<128xi32, #tpu.memory_space<vmem>>, vector<16xi32>,
    %select_n3A_1554 = arith.select %and3A_1548, %broadcast_in_dim3A_95, %broadcast_in_dim3A_93 : vector<16xi1>, vector<16xf32>
    tpu.vector_store_idx %arg13[%broadcast_in_dim3A_427, %select_n3A_1551], %select_n3A_1554 {add = true} : memref<1x144xf32, #tpu.memory_space<vmem>>[vector<16xi32>, vector<16xi32>], vector<16xf32>,
    %add3A_1555 = arith.constant 64 : i32
    %add3A_1556 = arith.addi %min3A_38, %add3A_1555 : i32
    %add3A_1557 = vector.broadcast %add3A_1556 : i32 to vector<16xi32>
    %add3A_1558 = arith.addi %add3A_1557, %iota3A : vector<16xi32>
    %shift_right_arithmetic3A_1559 = arith.constant 4 : i32
    %shift_right_arithmetic3A_1560 = vector.broadcast %shift_right_arithmetic3A_1559 : i32 to vector<16xi32>
    %shift_right_arithmetic3A_1561 = arith.shrsi %add3A_1558, %shift_right_arithmetic3A_1560 : vector<16xi32>
    %shift_left3A_1562 = arith.constant 3 : i32
    %shift_left3A_1563 = vector.broadcast %shift_left3A_1562 : i32 to vector<16xi32>
    %shift_left3A_1564 = arith.shli %shift_right_arithmetic3A_1561, %shift_left3A_1563 : vector<16xi32>
    %and3A_1565 = arith.constant 7 : i32
    %and3A_1566 = vector.broadcast %and3A_1565 : i32 to vector<16xi32>
    %and3A_1567 = arith.andi %add3A_1558, %and3A_1566 : vector<16xi32>
    %add3A_1568 = arith.addi %shift_left3A_1564, %and3A_1567 : vector<16xi32>
    %sub3A_1569 = vector.broadcast %min3A_21 : i32 to vector<16xi32>
    %sub3A_1570 = arith.subi %add3A_1568, %sub3A_1569 : vector<16xi32>
    %gather3A_1571 = tpu.vector_load_idx %arg7[%sub3A_1570] : memref<328xi32, #tpu.memory_space<vmem>>[vector<16xi32>], vector<16xi32>,
    %mul3A_1572 = arith.constant 2 : i32
    %mul3A_1573 = vector.broadcast %mul3A_1572 : i32 to vector<16xi32>
    %mul3A_1574 = arith.muli %mul3A_1573, %gather3A_1571 : vector<16xi32>
    %shift_right_arithmetic3A_1575 = arith.constant 3 : i32
    %shift_right_arithmetic3A_1576 = vector.broadcast %shift_right_arithmetic3A_1575 : i32 to vector<16xi32>
    %shift_right_arithmetic3A_1577 = arith.shrsi %add3A_1558, %shift_right_arithmetic3A_1576 : vector<16xi32>
    %and3A_1578 = arith.constant 1 : i32
    %and3A_1579 = vector.broadcast %and3A_1578 : i32 to vector<16xi32>
    %and3A_1580 = arith.andi %shift_right_arithmetic3A_1577, %and3A_1579 : vector<16xi32>
    %add3A_1581 = arith.addi %mul3A_1574, %and3A_1580 : vector<16xi32>
    %ge3A_1582 = vector.broadcast %add3A_1400 : i32 to vector<16xi32>
    %ge3A_1583 = arith.cmpi sge, %add3A_1558, %ge3A_1582 : vector<16xi32>
    %lt3A_1584 = vector.broadcast %add3A_1402 : i32 to vector<16xi32>
    %lt3A_1585 = arith.cmpi slt, %add3A_1558, %lt3A_1584 : vector<16xi32>
    %and3A_1586 = arith.andi %ge3A_1583, %lt3A_1585 : vector<16xi1>
    %jit3A_1587 = arith.constant 128 : i32
    %broadcast_in_dim3A_1588 = vector.broadcast %jit3A_1587 : i32 to vector<16xi32>
    %select_n3A_1589 = arith.select %and3A_1586, %add3A_1581, %broadcast_in_dim3A_1588 : vector<16xi1>, vector<16xi32>
    %swap3A_1590 = arith.constant 64 : index
    %swap3A_1591 = tpu.vector_load %arg11[%swap3A_1590] {strides = array<i32>} : memref<128xi32, #tpu.memory_space<vmem>>, vector<16xi32>,
    tpu.vector_store %arg11[%swap3A_1590], %select_n3A_1589 {strides = array<i32>} : memref<128xi32, #tpu.memory_space<vmem>>, vector<16xi32>,
    %select_n3A_1592 = arith.select %and3A_1586, %broadcast_in_dim3A_95, %broadcast_in_dim3A_93 : vector<16xi1>, vector<16xf32>
    tpu.vector_store_idx %arg13[%broadcast_in_dim3A_427, %select_n3A_1589], %select_n3A_1592 {add = true} : memref<1x144xf32, #tpu.memory_space<vmem>>[vector<16xi32>, vector<16xi32>], vector<16xf32>,
    %add3A_1593 = arith.constant 80 : i32
    %add3A_1594 = arith.addi %min3A_38, %add3A_1593 : i32
    %add3A_1595 = vector.broadcast %add3A_1594 : i32 to vector<16xi32>
    %add3A_1596 = arith.addi %add3A_1595, %iota3A : vector<16xi32>
    %shift_right_arithmetic3A_1597 = arith.constant 4 : i32
    %shift_right_arithmetic3A_1598 = vector.broadcast %shift_right_arithmetic3A_1597 : i32 to vector<16xi32>
    %shift_right_arithmetic3A_1599 = arith.shrsi %add3A_1596, %shift_right_arithmetic3A_1598 : vector<16xi32>
    %shift_left3A_1600 = arith.constant 3 : i32
    %shift_left3A_1601 = vector.broadcast %shift_left3A_1600 : i32 to vector<16xi32>
    %shift_left3A_1602 = arith.shli %shift_right_arithmetic3A_1599, %shift_left3A_1601 : vector<16xi32>
    %and3A_1603 = arith.constant 7 : i32
    %and3A_1604 = vector.broadcast %and3A_1603 : i32 to vector<16xi32>
    %and3A_1605 = arith.andi %add3A_1596, %and3A_1604 : vector<16xi32>
    %add3A_1606 = arith.addi %shift_left3A_1602, %and3A_1605 : vector<16xi32>
    %sub3A_1607 = vector.broadcast %min3A_21 : i32 to vector<16xi32>
    %sub3A_1608 = arith.subi %add3A_1606, %sub3A_1607 : vector<16xi32>
    %gather3A_1609 = tpu.vector_load_idx %arg7[%sub3A_1608] : memref<328xi32, #tpu.memory_space<vmem>>[vector<16xi32>], vector<16xi32>,
    %mul3A_1610 = arith.constant 2 : i32
    %mul3A_1611 = vector.broadcast %mul3A_1610 : i32 to vector<16xi32>
    %mul3A_1612 = arith.muli %mul3A_1611, %gather3A_1609 : vector<16xi32>
    %shift_right_arithmetic3A_1613 = arith.constant 3 : i32
    %shift_right_arithmetic3A_1614 = vector.broadcast %shift_right_arithmetic3A_1613 : i32 to vector<16xi32>
    %shift_right_arithmetic3A_1615 = arith.shrsi %add3A_1596, %shift_right_arithmetic3A_1614 : vector<16xi32>
    %and3A_1616 = arith.constant 1 : i32
    %and3A_1617 = vector.broadcast %and3A_1616 : i32 to vector<16xi32>
    %and3A_1618 = arith.andi %shift_right_arithmetic3A_1615, %and3A_1617 : vector<16xi32>
    %add3A_1619 = arith.addi %mul3A_1612, %and3A_1618 : vector<16xi32>
    %ge3A_1620 = vector.broadcast %add3A_1400 : i32 to vector<16xi32>
    %ge3A_1621 = arith.cmpi sge, %add3A_1596, %ge3A_1620 : vector<16xi32>
    %lt3A_1622 = vector.broadcast %add3A_1402 : i32 to vector<16xi32>
    %lt3A_1623 = arith.cmpi slt, %add3A_1596, %lt3A_1622 : vector<16xi32>
    %and3A_1624 = arith.andi %ge3A_1621, %lt3A_1623 : vector<16xi1>
    %jit3A_1625 = arith.constant 128 : i32
    %broadcast_in_dim3A_1626 = vector.broadcast %jit3A_1625 : i32 to vector<16xi32>
    %select_n3A_1627 = arith.select %and3A_1624, %add3A_1619, %broadcast_in_dim3A_1626 : vector<16xi1>, vector<16xi32>
    %swap3A_1628 = arith.constant 80 : index
    %swap3A_1629 = tpu.vector_load %arg11[%swap3A_1628] {strides = array<i32>} : memref<128xi32, #tpu.memory_space<vmem>>, vector<16xi32>,
    tpu.vector_store %arg11[%swap3A_1628], %select_n3A_1627 {strides = array<i32>} : memref<128xi32, #tpu.memory_space<vmem>>, vector<16xi32>,
    %select_n3A_1630 = arith.select %and3A_1624, %broadcast_in_dim3A_95, %broadcast_in_dim3A_93 : vector<16xi1>, vector<16xf32>
    tpu.vector_store_idx %arg13[%broadcast_in_dim3A_427, %select_n3A_1627], %select_n3A_1630 {add = true} : memref<1x144xf32, #tpu.memory_space<vmem>>[vector<16xi32>, vector<16xi32>], vector<16xf32>,
    %add3A_1631 = arith.constant 96 : i32
    %add3A_1632 = arith.addi %min3A_38, %add3A_1631 : i32
    %add3A_1633 = vector.broadcast %add3A_1632 : i32 to vector<16xi32>
    %add3A_1634 = arith.addi %add3A_1633, %iota3A : vector<16xi32>
    %shift_right_arithmetic3A_1635 = arith.constant 4 : i32
    %shift_right_arithmetic3A_1636 = vector.broadcast %shift_right_arithmetic3A_1635 : i32 to vector<16xi32>
    %shift_right_arithmetic3A_1637 = arith.shrsi %add3A_1634, %shift_right_arithmetic3A_1636 : vector<16xi32>
    %shift_left3A_1638 = arith.constant 3 : i32
    %shift_left3A_1639 = vector.broadcast %shift_left3A_1638 : i32 to vector<16xi32>
    %shift_left3A_1640 = arith.shli %shift_right_arithmetic3A_1637, %shift_left3A_1639 : vector<16xi32>
    %and3A_1641 = arith.constant 7 : i32
    %and3A_1642 = vector.broadcast %and3A_1641 : i32 to vector<16xi32>
    %and3A_1643 = arith.andi %add3A_1634, %and3A_1642 : vector<16xi32>
    %add3A_1644 = arith.addi %shift_left3A_1640, %and3A_1643 : vector<16xi32>
    %sub3A_1645 = vector.broadcast %min3A_21 : i32 to vector<16xi32>
    %sub3A_1646 = arith.subi %add3A_1644, %sub3A_1645 : vector<16xi32>
    %gather3A_1647 = tpu.vector_load_idx %arg7[%sub3A_1646] : memref<328xi32, #tpu.memory_space<vmem>>[vector<16xi32>], vector<16xi32>,
    %mul3A_1648 = arith.constant 2 : i32
    %mul3A_1649 = vector.broadcast %mul3A_1648 : i32 to vector<16xi32>
    %mul3A_1650 = arith.muli %mul3A_1649, %gather3A_1647 : vector<16xi32>
    %shift_right_arithmetic3A_1651 = arith.constant 3 : i32
    %shift_right_arithmetic3A_1652 = vector.broadcast %shift_right_arithmetic3A_1651 : i32 to vector<16xi32>
    %shift_right_arithmetic3A_1653 = arith.shrsi %add3A_1634, %shift_right_arithmetic3A_1652 : vector<16xi32>
    %and3A_1654 = arith.constant 1 : i32
    %and3A_1655 = vector.broadcast %and3A_1654 : i32 to vector<16xi32>
    %and3A_1656 = arith.andi %shift_right_arithmetic3A_1653, %and3A_1655 : vector<16xi32>
    %add3A_1657 = arith.addi %mul3A_1650, %and3A_1656 : vector<16xi32>
    %ge3A_1658 = vector.broadcast %add3A_1400 : i32 to vector<16xi32>
    %ge3A_1659 = arith.cmpi sge, %add3A_1634, %ge3A_1658 : vector<16xi32>
    %lt3A_1660 = vector.broadcast %add3A_1402 : i32 to vector<16xi32>
    %lt3A_1661 = arith.cmpi slt, %add3A_1634, %lt3A_1660 : vector<16xi32>
    %and3A_1662 = arith.andi %ge3A_1659, %lt3A_1661 : vector<16xi1>
    %jit3A_1663 = arith.constant 128 : i32
    %broadcast_in_dim3A_1664 = vector.broadcast %jit3A_1663 : i32 to vector<16xi32>
    %select_n3A_1665 = arith.select %and3A_1662, %add3A_1657, %broadcast_in_dim3A_1664 : vector<16xi1>, vector<16xi32>
    %swap3A_1666 = arith.constant 96 : index
    %swap3A_1667 = tpu.vector_load %arg11[%swap3A_1666] {strides = array<i32>} : memref<128xi32, #tpu.memory_space<vmem>>, vector<16xi32>,
    tpu.vector_store %arg11[%swap3A_1666], %select_n3A_1665 {strides = array<i32>} : memref<128xi32, #tpu.memory_space<vmem>>, vector<16xi32>,
    %select_n3A_1668 = arith.select %and3A_1662, %broadcast_in_dim3A_95, %broadcast_in_dim3A_93 : vector<16xi1>, vector<16xf32>
    tpu.vector_store_idx %arg13[%broadcast_in_dim3A_427, %select_n3A_1665], %select_n3A_1668 {add = true} : memref<1x144xf32, #tpu.memory_space<vmem>>[vector<16xi32>, vector<16xi32>], vector<16xf32>,
    %add3A_1669 = arith.constant 112 : i32
    %add3A_1670 = arith.addi %min3A_38, %add3A_1669 : i32
    %add3A_1671 = vector.broadcast %add3A_1670 : i32 to vector<16xi32>
    %add3A_1672 = arith.addi %add3A_1671, %iota3A : vector<16xi32>
    %shift_right_arithmetic3A_1673 = arith.constant 4 : i32
    %shift_right_arithmetic3A_1674 = vector.broadcast %shift_right_arithmetic3A_1673 : i32 to vector<16xi32>
    %shift_right_arithmetic3A_1675 = arith.shrsi %add3A_1672, %shift_right_arithmetic3A_1674 : vector<16xi32>
    %shift_left3A_1676 = arith.constant 3 : i32
    %shift_left3A_1677 = vector.broadcast %shift_left3A_1676 : i32 to vector<16xi32>
    %shift_left3A_1678 = arith.shli %shift_right_arithmetic3A_1675, %shift_left3A_1677 : vector<16xi32>
    %and3A_1679 = arith.constant 7 : i32
    %and3A_1680 = vector.broadcast %and3A_1679 : i32 to vector<16xi32>
    %and3A_1681 = arith.andi %add3A_1672, %and3A_1680 : vector<16xi32>
    %add3A_1682 = arith.addi %shift_left3A_1678, %and3A_1681 : vector<16xi32>
    %sub3A_1683 = vector.broadcast %min3A_21 : i32 to vector<16xi32>
    %sub3A_1684 = arith.subi %add3A_1682, %sub3A_1683 : vector<16xi32>
    %gather3A_1685 = tpu.vector_load_idx %arg7[%sub3A_1684] : memref<328xi32, #tpu.memory_space<vmem>>[vector<16xi32>], vector<16xi32>,
    %mul3A_1686 = arith.constant 2 : i32
    %mul3A_1687 = vector.broadcast %mul3A_1686 : i32 to vector<16xi32>
    %mul3A_1688 = arith.muli %mul3A_1687, %gather3A_1685 : vector<16xi32>
    %shift_right_arithmetic3A_1689 = arith.constant 3 : i32
    %shift_right_arithmetic3A_1690 = vector.broadcast %shift_right_arithmetic3A_1689 : i32 to vector<16xi32>
    %shift_right_arithmetic3A_1691 = arith.shrsi %add3A_1672, %shift_right_arithmetic3A_1690 : vector<16xi32>
    %and3A_1692 = arith.constant 1 : i32
    %and3A_1693 = vector.broadcast %and3A_1692 : i32 to vector<16xi32>
    %and3A_1694 = arith.andi %shift_right_arithmetic3A_1691, %and3A_1693 : vector<16xi32>
    %add3A_1695 = arith.addi %mul3A_1688, %and3A_1694 : vector<16xi32>
    %ge3A_1696 = vector.broadcast %add3A_1400 : i32 to vector<16xi32>
    %ge3A_1697 = arith.cmpi sge, %add3A_1672, %ge3A_1696 : vector<16xi32>
    %lt3A_1698 = vector.broadcast %add3A_1402 : i32 to vector<16xi32>
    %lt3A_1699 = arith.cmpi slt, %add3A_1672, %lt3A_1698 : vector<16xi32>
    %and3A_1700 = arith.andi %ge3A_1697, %lt3A_1699 : vector<16xi1>
    %jit3A_1701 = arith.constant 128 : i32
    %broadcast_in_dim3A_1702 = vector.broadcast %jit3A_1701 : i32 to vector<16xi32>
    %select_n3A_1703 = arith.select %and3A_1700, %add3A_1695, %broadcast_in_dim3A_1702 : vector<16xi1>, vector<16xi32>
    %swap3A_1704 = arith.constant 112 : index
    %swap3A_1705 = tpu.vector_load %arg11[%swap3A_1704] {strides = array<i32>} : memref<128xi32, #tpu.memory_space<vmem>>, vector<16xi32>,
    tpu.vector_store %arg11[%swap3A_1704], %select_n3A_1703 {strides = array<i32>} : memref<128xi32, #tpu.memory_space<vmem>>, vector<16xi32>,
    %select_n3A_1706 = arith.select %and3A_1700, %broadcast_in_dim3A_95, %broadcast_in_dim3A_93 : vector<16xi1>, vector<16xf32>
    tpu.vector_store_idx %arg13[%broadcast_in_dim3A_427, %select_n3A_1703], %select_n3A_1706 {add = true} : memref<1x144xf32, #tpu.memory_space<vmem>>[vector<16xi32>, vector<16xi32>], vector<16xf32>,
    %dma_wait3A_1707 = arith.constant 384 : i32
    %dma_wait3A_1708 = arith.constant 0 : i32
    %dma_wait3A_1709 = tpu.memref_slice %arg6[%dma_wait3A_1707, %dma_wait3A_1708] : memref<640x128xf32, #tpu.memory_space<vmem>> -> memref<128x128xf32, #tpu.memory_space<vmem>>
    %dma_wait3A_1710 = arith.constant 0 : i32
    %dma_wait3A_1711 = tpu.memref_slice %arg2[%min3A_38, %dma_wait3A_1710] : memref<20000x128xf32, #tpu.memory_space<hbm>> -> memref<128x128xf32, #tpu.memory_space<hbm>>
    %dma_wait3A_1712 = arith.constant 384 : i32
    %dma_wait3A_1713 = arith.constant 0 : i32
    %dma_wait3A_1714 = tpu.memref_slice %arg6[%dma_wait3A_1712, %dma_wait3A_1713] : memref<640x128xf32, #tpu.memory_space<vmem>> -> memref<128x128xf32, #tpu.memory_space<vmem>>
    %dma_wait3A_1715 = arith.constant 0 : i32
    %dma_wait3A_1716 = tpu.memref_slice %arg2[%min3A_38, %dma_wait3A_1715] : memref<20000x128xf32, #tpu.memory_space<hbm>> -> memref<128x128xf32, #tpu.memory_space<hbm>>
    tpu.wait_dma2 semaphore(%arg20 : memref<!tpu.dma_semaphore, #tpu.memory_space<semaphore_mem>>) src(%dma_wait3A_1716 : memref<128x128xf32, #tpu.memory_space<hbm>>) dst(%dma_wait3A_1714 : memref<128x128xf32, #tpu.memory_space<vmem>>)
    %dma_start3A_1717 = arith.constant 384 : i32
    %dma_start3A_1718 = arith.constant 0 : i32
    %dma_start3A_1719 = tpu.memref_slice %arg6[%dma_start3A_1717, %dma_start3A_1718] : memref<640x128xf32, #tpu.memory_space<vmem>> -> memref<128x128xf32, #tpu.memory_space<vmem>>
    %dma_start3A_1720 = arith.constant 0 : i32
    %dma_start3A_1721 = arith.constant 0 : i32
    %dma_start3A_1722 = tpu.memref_slice %arg17[%dma_start3A_1720, %dma_start3A_1721] : memref<144x128xf32, #tpu.memory_space<vmem_shared>> -> memref<144x128xf32, #tpu.memory_space<vmem_shared>>
    tpu.enqueue_indirect_dma source(%dma_start3A_1719 : memref<128x128xf32, #tpu.memory_space<vmem>>) target(%dma_start3A_1722 : memref<144x128xf32, #tpu.memory_space<vmem_shared>>) offsets(%arg11 : memref<128xi32, #tpu.memory_space<vmem>>) semaphore(%arg21 : memref<!tpu.dma_semaphore, #tpu.memory_space<semaphore_mem>>) {add = true}
    %add3A_1723 = arith.constant 512 : i32
    %add3A_1724 = arith.addi %mul3A_2, %add3A_1723 : i32
    %add3A_1725 = arith.constant 625 : i32
    %add3A_1726 = arith.addi %mul3A_2, %add3A_1725 : i32
    %add3A_1727 = arith.constant 0 : i32
    %add3A_1728 = arith.addi %min3A_42, %add3A_1727 : i32
    %add3A_1729 = vector.broadcast %add3A_1728 : i32 to vector<16xi32>
    %add3A_1730 = arith.addi %add3A_1729, %iota3A : vector<16xi32>
    %shift_right_arithmetic3A_1731 = arith.constant 4 : i32
    %shift_right_arithmetic3A_1732 = vector.broadcast %shift_right_arithmetic3A_1731 : i32 to vector<16xi32>
    %shift_right_arithmetic3A_1733 = arith.shrsi %add3A_1730, %shift_right_arithmetic3A_1732 : vector<16xi32>
    %shift_left3A_1734 = arith.constant 3 : i32
    %shift_left3A_1735 = vector.broadcast %shift_left3A_1734 : i32 to vector<16xi32>
    %shift_left3A_1736 = arith.shli %shift_right_arithmetic3A_1733, %shift_left3A_1735 : vector<16xi32>
    %and3A_1737 = arith.constant 7 : i32
    %and3A_1738 = vector.broadcast %and3A_1737 : i32 to vector<16xi32>
    %and3A_1739 = arith.andi %add3A_1730, %and3A_1738 : vector<16xi32>
    %add3A_1740 = arith.addi %shift_left3A_1736, %and3A_1739 : vector<16xi32>
    %sub3A_1741 = vector.broadcast %min3A_21 : i32 to vector<16xi32>
    %sub3A_1742 = arith.subi %add3A_1740, %sub3A_1741 : vector<16xi32>
    %gather3A_1743 = tpu.vector_load_idx %arg7[%sub3A_1742] : memref<328xi32, #tpu.memory_space<vmem>>[vector<16xi32>], vector<16xi32>,
    %mul3A_1744 = arith.constant 2 : i32
    %mul3A_1745 = vector.broadcast %mul3A_1744 : i32 to vector<16xi32>
    %mul3A_1746 = arith.muli %mul3A_1745, %gather3A_1743 : vector<16xi32>
    %shift_right_arithmetic3A_1747 = arith.constant 3 : i32
    %shift_right_arithmetic3A_1748 = vector.broadcast %shift_right_arithmetic3A_1747 : i32 to vector<16xi32>
    %shift_right_arithmetic3A_1749 = arith.shrsi %add3A_1730, %shift_right_arithmetic3A_1748 : vector<16xi32>
    %and3A_1750 = arith.constant 1 : i32
    %and3A_1751 = vector.broadcast %and3A_1750 : i32 to vector<16xi32>
    %and3A_1752 = arith.andi %shift_right_arithmetic3A_1749, %and3A_1751 : vector<16xi32>
    %add3A_1753 = arith.addi %mul3A_1746, %and3A_1752 : vector<16xi32>
    %ge3A_1754 = vector.broadcast %add3A_1724 : i32 to vector<16xi32>
    %ge3A_1755 = arith.cmpi sge, %add3A_1730, %ge3A_1754 : vector<16xi32>
    %lt3A_1756 = vector.broadcast %add3A_1726 : i32 to vector<16xi32>
    %lt3A_1757 = arith.cmpi slt, %add3A_1730, %lt3A_1756 : vector<16xi32>
    %and3A_1758 = arith.andi %ge3A_1755, %lt3A_1757 : vector<16xi1>
    %jit3A_1759 = arith.constant 128 : i32
    %broadcast_in_dim3A_1760 = vector.broadcast %jit3A_1759 : i32 to vector<16xi32>
    %select_n3A_1761 = arith.select %and3A_1758, %add3A_1753, %broadcast_in_dim3A_1760 : vector<16xi1>, vector<16xi32>
    %swap3A_1762 = arith.constant 0 : index
    %swap3A_1763 = tpu.vector_load %arg12[%swap3A_1762] {strides = array<i32>} : memref<128xi32, #tpu.memory_space<vmem>>, vector<16xi32>,
    tpu.vector_store %arg12[%swap3A_1762], %select_n3A_1761 {strides = array<i32>} : memref<128xi32, #tpu.memory_space<vmem>>, vector<16xi32>,
    %select_n3A_1764 = arith.select %and3A_1758, %broadcast_in_dim3A_95, %broadcast_in_dim3A_93 : vector<16xi1>, vector<16xf32>
    tpu.vector_store_idx %arg13[%broadcast_in_dim3A_427, %select_n3A_1761], %select_n3A_1764 {add = true} : memref<1x144xf32, #tpu.memory_space<vmem>>[vector<16xi32>, vector<16xi32>], vector<16xf32>,
    %add3A_1765 = arith.constant 16 : i32
    %add3A_1766 = arith.addi %min3A_42, %add3A_1765 : i32
    %add3A_1767 = vector.broadcast %add3A_1766 : i32 to vector<16xi32>
    %add3A_1768 = arith.addi %add3A_1767, %iota3A : vector<16xi32>
    %shift_right_arithmetic3A_1769 = arith.constant 4 : i32
    %shift_right_arithmetic3A_1770 = vector.broadcast %shift_right_arithmetic3A_1769 : i32 to vector<16xi32>
    %shift_right_arithmetic3A_1771 = arith.shrsi %add3A_1768, %shift_right_arithmetic3A_1770 : vector<16xi32>
    %shift_left3A_1772 = arith.constant 3 : i32
    %shift_left3A_1773 = vector.broadcast %shift_left3A_1772 : i32 to vector<16xi32>
    %shift_left3A_1774 = arith.shli %shift_right_arithmetic3A_1771, %shift_left3A_1773 : vector<16xi32>
    %and3A_1775 = arith.constant 7 : i32
    %and3A_1776 = vector.broadcast %and3A_1775 : i32 to vector<16xi32>
    %and3A_1777 = arith.andi %add3A_1768, %and3A_1776 : vector<16xi32>
    %add3A_1778 = arith.addi %shift_left3A_1774, %and3A_1777 : vector<16xi32>
    %sub3A_1779 = vector.broadcast %min3A_21 : i32 to vector<16xi32>
    %sub3A_1780 = arith.subi %add3A_1778, %sub3A_1779 : vector<16xi32>
    %gather3A_1781 = tpu.vector_load_idx %arg7[%sub3A_1780] : memref<328xi32, #tpu.memory_space<vmem>>[vector<16xi32>], vector<16xi32>,
    %mul3A_1782 = arith.constant 2 : i32
    %mul3A_1783 = vector.broadcast %mul3A_1782 : i32 to vector<16xi32>
    %mul3A_1784 = arith.muli %mul3A_1783, %gather3A_1781 : vector<16xi32>
    %shift_right_arithmetic3A_1785 = arith.constant 3 : i32
    %shift_right_arithmetic3A_1786 = vector.broadcast %shift_right_arithmetic3A_1785 : i32 to vector<16xi32>
    %shift_right_arithmetic3A_1787 = arith.shrsi %add3A_1768, %shift_right_arithmetic3A_1786 : vector<16xi32>
    %and3A_1788 = arith.constant 1 : i32
    %and3A_1789 = vector.broadcast %and3A_1788 : i32 to vector<16xi32>
    %and3A_1790 = arith.andi %shift_right_arithmetic3A_1787, %and3A_1789 : vector<16xi32>
    %add3A_1791 = arith.addi %mul3A_1784, %and3A_1790 : vector<16xi32>
    %ge3A_1792 = vector.broadcast %add3A_1724 : i32 to vector<16xi32>
    %ge3A_1793 = arith.cmpi sge, %add3A_1768, %ge3A_1792 : vector<16xi32>
    %lt3A_1794 = vector.broadcast %add3A_1726 : i32 to vector<16xi32>
    %lt3A_1795 = arith.cmpi slt, %add3A_1768, %lt3A_1794 : vector<16xi32>
    %and3A_1796 = arith.andi %ge3A_1793, %lt3A_1795 : vector<16xi1>
    %jit3A_1797 = arith.constant 128 : i32
    %broadcast_in_dim3A_1798 = vector.broadcast %jit3A_1797 : i32 to vector<16xi32>
    %select_n3A_1799 = arith.select %and3A_1796, %add3A_1791, %broadcast_in_dim3A_1798 : vector<16xi1>, vector<16xi32>
    %swap3A_1800 = arith.constant 16 : index
    %swap3A_1801 = tpu.vector_load %arg12[%swap3A_1800] {strides = array<i32>} : memref<128xi32, #tpu.memory_space<vmem>>, vector<16xi32>,
    tpu.vector_store %arg12[%swap3A_1800], %select_n3A_1799 {strides = array<i32>} : memref<128xi32, #tpu.memory_space<vmem>>, vector<16xi32>,
    %select_n3A_1802 = arith.select %and3A_1796, %broadcast_in_dim3A_95, %broadcast_in_dim3A_93 : vector<16xi1>, vector<16xf32>
    tpu.vector_store_idx %arg13[%broadcast_in_dim3A_427, %select_n3A_1799], %select_n3A_1802 {add = true} : memref<1x144xf32, #tpu.memory_space<vmem>>[vector<16xi32>, vector<16xi32>], vector<16xf32>,
    %add3A_1803 = arith.constant 32 : i32
    %add3A_1804 = arith.addi %min3A_42, %add3A_1803 : i32
    %add3A_1805 = vector.broadcast %add3A_1804 : i32 to vector<16xi32>
    %add3A_1806 = arith.addi %add3A_1805, %iota3A : vector<16xi32>
    %shift_right_arithmetic3A_1807 = arith.constant 4 : i32
    %shift_right_arithmetic3A_1808 = vector.broadcast %shift_right_arithmetic3A_1807 : i32 to vector<16xi32>
    %shift_right_arithmetic3A_1809 = arith.shrsi %add3A_1806, %shift_right_arithmetic3A_1808 : vector<16xi32>
    %shift_left3A_1810 = arith.constant 3 : i32
    %shift_left3A_1811 = vector.broadcast %shift_left3A_1810 : i32 to vector<16xi32>
    %shift_left3A_1812 = arith.shli %shift_right_arithmetic3A_1809, %shift_left3A_1811 : vector<16xi32>
    %and3A_1813 = arith.constant 7 : i32
    %and3A_1814 = vector.broadcast %and3A_1813 : i32 to vector<16xi32>
    %and3A_1815 = arith.andi %add3A_1806, %and3A_1814 : vector<16xi32>
    %add3A_1816 = arith.addi %shift_left3A_1812, %and3A_1815 : vector<16xi32>
    %sub3A_1817 = vector.broadcast %min3A_21 : i32 to vector<16xi32>
    %sub3A_1818 = arith.subi %add3A_1816, %sub3A_1817 : vector<16xi32>
    %gather3A_1819 = tpu.vector_load_idx %arg7[%sub3A_1818] : memref<328xi32, #tpu.memory_space<vmem>>[vector<16xi32>], vector<16xi32>,
    %mul3A_1820 = arith.constant 2 : i32
    %mul3A_1821 = vector.broadcast %mul3A_1820 : i32 to vector<16xi32>
    %mul3A_1822 = arith.muli %mul3A_1821, %gather3A_1819 : vector<16xi32>
    %shift_right_arithmetic3A_1823 = arith.constant 3 : i32
    %shift_right_arithmetic3A_1824 = vector.broadcast %shift_right_arithmetic3A_1823 : i32 to vector<16xi32>
    %shift_right_arithmetic3A_1825 = arith.shrsi %add3A_1806, %shift_right_arithmetic3A_1824 : vector<16xi32>
    %and3A_1826 = arith.constant 1 : i32
    %and3A_1827 = vector.broadcast %and3A_1826 : i32 to vector<16xi32>
    %and3A_1828 = arith.andi %shift_right_arithmetic3A_1825, %and3A_1827 : vector<16xi32>
    %add3A_1829 = arith.addi %mul3A_1822, %and3A_1828 : vector<16xi32>
    %ge3A_1830 = vector.broadcast %add3A_1724 : i32 to vector<16xi32>
    %ge3A_1831 = arith.cmpi sge, %add3A_1806, %ge3A_1830 : vector<16xi32>
    %lt3A_1832 = vector.broadcast %add3A_1726 : i32 to vector<16xi32>
    %lt3A_1833 = arith.cmpi slt, %add3A_1806, %lt3A_1832 : vector<16xi32>
    %and3A_1834 = arith.andi %ge3A_1831, %lt3A_1833 : vector<16xi1>
    %jit3A_1835 = arith.constant 128 : i32
    %broadcast_in_dim3A_1836 = vector.broadcast %jit3A_1835 : i32 to vector<16xi32>
    %select_n3A_1837 = arith.select %and3A_1834, %add3A_1829, %broadcast_in_dim3A_1836 : vector<16xi1>, vector<16xi32>
    %swap3A_1838 = arith.constant 32 : index
    %swap3A_1839 = tpu.vector_load %arg12[%swap3A_1838] {strides = array<i32>} : memref<128xi32, #tpu.memory_space<vmem>>, vector<16xi32>,
    tpu.vector_store %arg12[%swap3A_1838], %select_n3A_1837 {strides = array<i32>} : memref<128xi32, #tpu.memory_space<vmem>>, vector<16xi32>,
    %select_n3A_1840 = arith.select %and3A_1834, %broadcast_in_dim3A_95, %broadcast_in_dim3A_93 : vector<16xi1>, vector<16xf32>
    tpu.vector_store_idx %arg13[%broadcast_in_dim3A_427, %select_n3A_1837], %select_n3A_1840 {add = true} : memref<1x144xf32, #tpu.memory_space<vmem>>[vector<16xi32>, vector<16xi32>], vector<16xf32>,
    %add3A_1841 = arith.constant 48 : i32
    %add3A_1842 = arith.addi %min3A_42, %add3A_1841 : i32
    %add3A_1843 = vector.broadcast %add3A_1842 : i32 to vector<16xi32>
    %add3A_1844 = arith.addi %add3A_1843, %iota3A : vector<16xi32>
    %shift_right_arithmetic3A_1845 = arith.constant 4 : i32
    %shift_right_arithmetic3A_1846 = vector.broadcast %shift_right_arithmetic3A_1845 : i32 to vector<16xi32>
    %shift_right_arithmetic3A_1847 = arith.shrsi %add3A_1844, %shift_right_arithmetic3A_1846 : vector<16xi32>
    %shift_left3A_1848 = arith.constant 3 : i32
    %shift_left3A_1849 = vector.broadcast %shift_left3A_1848 : i32 to vector<16xi32>
    %shift_left3A_1850 = arith.shli %shift_right_arithmetic3A_1847, %shift_left3A_1849 : vector<16xi32>
    %and3A_1851 = arith.constant 7 : i32
    %and3A_1852 = vector.broadcast %and3A_1851 : i32 to vector<16xi32>
    %and3A_1853 = arith.andi %add3A_1844, %and3A_1852 : vector<16xi32>
    %add3A_1854 = arith.addi %shift_left3A_1850, %and3A_1853 : vector<16xi32>
    %sub3A_1855 = vector.broadcast %min3A_21 : i32 to vector<16xi32>
    %sub3A_1856 = arith.subi %add3A_1854, %sub3A_1855 : vector<16xi32>
    %gather3A_1857 = tpu.vector_load_idx %arg7[%sub3A_1856] : memref<328xi32, #tpu.memory_space<vmem>>[vector<16xi32>], vector<16xi32>,
    %mul3A_1858 = arith.constant 2 : i32
    %mul3A_1859 = vector.broadcast %mul3A_1858 : i32 to vector<16xi32>
    %mul3A_1860 = arith.muli %mul3A_1859, %gather3A_1857 : vector<16xi32>
    %shift_right_arithmetic3A_1861 = arith.constant 3 : i32
    %shift_right_arithmetic3A_1862 = vector.broadcast %shift_right_arithmetic3A_1861 : i32 to vector<16xi32>
    %shift_right_arithmetic3A_1863 = arith.shrsi %add3A_1844, %shift_right_arithmetic3A_1862 : vector<16xi32>
    %and3A_1864 = arith.constant 1 : i32
    %and3A_1865 = vector.broadcast %and3A_1864 : i32 to vector<16xi32>
    %and3A_1866 = arith.andi %shift_right_arithmetic3A_1863, %and3A_1865 : vector<16xi32>
    %add3A_1867 = arith.addi %mul3A_1860, %and3A_1866 : vector<16xi32>
    %ge3A_1868 = vector.broadcast %add3A_1724 : i32 to vector<16xi32>
    %ge3A_1869 = arith.cmpi sge, %add3A_1844, %ge3A_1868 : vector<16xi32>
    %lt3A_1870 = vector.broadcast %add3A_1726 : i32 to vector<16xi32>
    %lt3A_1871 = arith.cmpi slt, %add3A_1844, %lt3A_1870 : vector<16xi32>
    %and3A_1872 = arith.andi %ge3A_1869, %lt3A_1871 : vector<16xi1>
    %jit3A_1873 = arith.constant 128 : i32
    %broadcast_in_dim3A_1874 = vector.broadcast %jit3A_1873 : i32 to vector<16xi32>
    %select_n3A_1875 = arith.select %and3A_1872, %add3A_1867, %broadcast_in_dim3A_1874 : vector<16xi1>, vector<16xi32>
    %swap3A_1876 = arith.constant 48 : index
    %swap3A_1877 = tpu.vector_load %arg12[%swap3A_1876] {strides = array<i32>} : memref<128xi32, #tpu.memory_space<vmem>>, vector<16xi32>,
    tpu.vector_store %arg12[%swap3A_1876], %select_n3A_1875 {strides = array<i32>} : memref<128xi32, #tpu.memory_space<vmem>>, vector<16xi32>,
    %select_n3A_1878 = arith.select %and3A_1872, %broadcast_in_dim3A_95, %broadcast_in_dim3A_93 : vector<16xi1>, vector<16xf32>
    tpu.vector_store_idx %arg13[%broadcast_in_dim3A_427, %select_n3A_1875], %select_n3A_1878 {add = true} : memref<1x144xf32, #tpu.memory_space<vmem>>[vector<16xi32>, vector<16xi32>], vector<16xf32>,
    %add3A_1879 = arith.constant 64 : i32
    %add3A_1880 = arith.addi %min3A_42, %add3A_1879 : i32
    %add3A_1881 = vector.broadcast %add3A_1880 : i32 to vector<16xi32>
    %add3A_1882 = arith.addi %add3A_1881, %iota3A : vector<16xi32>
    %shift_right_arithmetic3A_1883 = arith.constant 4 : i32
    %shift_right_arithmetic3A_1884 = vector.broadcast %shift_right_arithmetic3A_1883 : i32 to vector<16xi32>
    %shift_right_arithmetic3A_1885 = arith.shrsi %add3A_1882, %shift_right_arithmetic3A_1884 : vector<16xi32>
    %shift_left3A_1886 = arith.constant 3 : i32
    %shift_left3A_1887 = vector.broadcast %shift_left3A_1886 : i32 to vector<16xi32>
    %shift_left3A_1888 = arith.shli %shift_right_arithmetic3A_1885, %shift_left3A_1887 : vector<16xi32>
    %and3A_1889 = arith.constant 7 : i32
    %and3A_1890 = vector.broadcast %and3A_1889 : i32 to vector<16xi32>
    %and3A_1891 = arith.andi %add3A_1882, %and3A_1890 : vector<16xi32>
    %add3A_1892 = arith.addi %shift_left3A_1888, %and3A_1891 : vector<16xi32>
    %sub3A_1893 = vector.broadcast %min3A_21 : i32 to vector<16xi32>
    %sub3A_1894 = arith.subi %add3A_1892, %sub3A_1893 : vector<16xi32>
    %gather3A_1895 = tpu.vector_load_idx %arg7[%sub3A_1894] : memref<328xi32, #tpu.memory_space<vmem>>[vector<16xi32>], vector<16xi32>,
    %mul3A_1896 = arith.constant 2 : i32
    %mul3A_1897 = vector.broadcast %mul3A_1896 : i32 to vector<16xi32>
    %mul3A_1898 = arith.muli %mul3A_1897, %gather3A_1895 : vector<16xi32>
    %shift_right_arithmetic3A_1899 = arith.constant 3 : i32
    %shift_right_arithmetic3A_1900 = vector.broadcast %shift_right_arithmetic3A_1899 : i32 to vector<16xi32>
    %shift_right_arithmetic3A_1901 = arith.shrsi %add3A_1882, %shift_right_arithmetic3A_1900 : vector<16xi32>
    %and3A_1902 = arith.constant 1 : i32
    %and3A_1903 = vector.broadcast %and3A_1902 : i32 to vector<16xi32>
    %and3A_1904 = arith.andi %shift_right_arithmetic3A_1901, %and3A_1903 : vector<16xi32>
    %add3A_1905 = arith.addi %mul3A_1898, %and3A_1904 : vector<16xi32>
    %ge3A_1906 = vector.broadcast %add3A_1724 : i32 to vector<16xi32>
    %ge3A_1907 = arith.cmpi sge, %add3A_1882, %ge3A_1906 : vector<16xi32>
    %lt3A_1908 = vector.broadcast %add3A_1726 : i32 to vector<16xi32>
    %lt3A_1909 = arith.cmpi slt, %add3A_1882, %lt3A_1908 : vector<16xi32>
    %and3A_1910 = arith.andi %ge3A_1907, %lt3A_1909 : vector<16xi1>
    %jit3A_1911 = arith.constant 128 : i32
    %broadcast_in_dim3A_1912 = vector.broadcast %jit3A_1911 : i32 to vector<16xi32>
    %select_n3A_1913 = arith.select %and3A_1910, %add3A_1905, %broadcast_in_dim3A_1912 : vector<16xi1>, vector<16xi32>
    %swap3A_1914 = arith.constant 64 : index
    %swap3A_1915 = tpu.vector_load %arg12[%swap3A_1914] {strides = array<i32>} : memref<128xi32, #tpu.memory_space<vmem>>, vector<16xi32>,
    tpu.vector_store %arg12[%swap3A_1914], %select_n3A_1913 {strides = array<i32>} : memref<128xi32, #tpu.memory_space<vmem>>, vector<16xi32>,
    %select_n3A_1916 = arith.select %and3A_1910, %broadcast_in_dim3A_95, %broadcast_in_dim3A_93 : vector<16xi1>, vector<16xf32>
    tpu.vector_store_idx %arg13[%broadcast_in_dim3A_427, %select_n3A_1913], %select_n3A_1916 {add = true} : memref<1x144xf32, #tpu.memory_space<vmem>>[vector<16xi32>, vector<16xi32>], vector<16xf32>,
    %add3A_1917 = arith.constant 80 : i32
    %add3A_1918 = arith.addi %min3A_42, %add3A_1917 : i32
    %add3A_1919 = vector.broadcast %add3A_1918 : i32 to vector<16xi32>
    %add3A_1920 = arith.addi %add3A_1919, %iota3A : vector<16xi32>
    %shift_right_arithmetic3A_1921 = arith.constant 4 : i32
    %shift_right_arithmetic3A_1922 = vector.broadcast %shift_right_arithmetic3A_1921 : i32 to vector<16xi32>
    %shift_right_arithmetic3A_1923 = arith.shrsi %add3A_1920, %shift_right_arithmetic3A_1922 : vector<16xi32>
    %shift_left3A_1924 = arith.constant 3 : i32
    %shift_left3A_1925 = vector.broadcast %shift_left3A_1924 : i32 to vector<16xi32>
    %shift_left3A_1926 = arith.shli %shift_right_arithmetic3A_1923, %shift_left3A_1925 : vector<16xi32>
    %and3A_1927 = arith.constant 7 : i32
    %and3A_1928 = vector.broadcast %and3A_1927 : i32 to vector<16xi32>
    %and3A_1929 = arith.andi %add3A_1920, %and3A_1928 : vector<16xi32>
    %add3A_1930 = arith.addi %shift_left3A_1926, %and3A_1929 : vector<16xi32>
    %sub3A_1931 = vector.broadcast %min3A_21 : i32 to vector<16xi32>
    %sub3A_1932 = arith.subi %add3A_1930, %sub3A_1931 : vector<16xi32>
    %gather3A_1933 = tpu.vector_load_idx %arg7[%sub3A_1932] : memref<328xi32, #tpu.memory_space<vmem>>[vector<16xi32>], vector<16xi32>,
    %mul3A_1934 = arith.constant 2 : i32
    %mul3A_1935 = vector.broadcast %mul3A_1934 : i32 to vector<16xi32>
    %mul3A_1936 = arith.muli %mul3A_1935, %gather3A_1933 : vector<16xi32>
    %shift_right_arithmetic3A_1937 = arith.constant 3 : i32
    %shift_right_arithmetic3A_1938 = vector.broadcast %shift_right_arithmetic3A_1937 : i32 to vector<16xi32>
    %shift_right_arithmetic3A_1939 = arith.shrsi %add3A_1920, %shift_right_arithmetic3A_1938 : vector<16xi32>
    %and3A_1940 = arith.constant 1 : i32
    %and3A_1941 = vector.broadcast %and3A_1940 : i32 to vector<16xi32>
    %and3A_1942 = arith.andi %shift_right_arithmetic3A_1939, %and3A_1941 : vector<16xi32>
    %add3A_1943 = arith.addi %mul3A_1936, %and3A_1942 : vector<16xi32>
    %ge3A_1944 = vector.broadcast %add3A_1724 : i32 to vector<16xi32>
    %ge3A_1945 = arith.cmpi sge, %add3A_1920, %ge3A_1944 : vector<16xi32>
    %lt3A_1946 = vector.broadcast %add3A_1726 : i32 to vector<16xi32>
    %lt3A_1947 = arith.cmpi slt, %add3A_1920, %lt3A_1946 : vector<16xi32>
    %and3A_1948 = arith.andi %ge3A_1945, %lt3A_1947 : vector<16xi1>
    %jit3A_1949 = arith.constant 128 : i32
    %broadcast_in_dim3A_1950 = vector.broadcast %jit3A_1949 : i32 to vector<16xi32>
    %select_n3A_1951 = arith.select %and3A_1948, %add3A_1943, %broadcast_in_dim3A_1950 : vector<16xi1>, vector<16xi32>
    %swap3A_1952 = arith.constant 80 : index
    %swap3A_1953 = tpu.vector_load %arg12[%swap3A_1952] {strides = array<i32>} : memref<128xi32, #tpu.memory_space<vmem>>, vector<16xi32>,
    tpu.vector_store %arg12[%swap3A_1952], %select_n3A_1951 {strides = array<i32>} : memref<128xi32, #tpu.memory_space<vmem>>, vector<16xi32>,
    %select_n3A_1954 = arith.select %and3A_1948, %broadcast_in_dim3A_95, %broadcast_in_dim3A_93 : vector<16xi1>, vector<16xf32>
    tpu.vector_store_idx %arg13[%broadcast_in_dim3A_427, %select_n3A_1951], %select_n3A_1954 {add = true} : memref<1x144xf32, #tpu.memory_space<vmem>>[vector<16xi32>, vector<16xi32>], vector<16xf32>,
    %add3A_1955 = arith.constant 96 : i32
    %add3A_1956 = arith.addi %min3A_42, %add3A_1955 : i32
    %add3A_1957 = vector.broadcast %add3A_1956 : i32 to vector<16xi32>
    %add3A_1958 = arith.addi %add3A_1957, %iota3A : vector<16xi32>
    %shift_right_arithmetic3A_1959 = arith.constant 4 : i32
    %shift_right_arithmetic3A_1960 = vector.broadcast %shift_right_arithmetic3A_1959 : i32 to vector<16xi32>
    %shift_right_arithmetic3A_1961 = arith.shrsi %add3A_1958, %shift_right_arithmetic3A_1960 : vector<16xi32>
    %shift_left3A_1962 = arith.constant 3 : i32
    %shift_left3A_1963 = vector.broadcast %shift_left3A_1962 : i32 to vector<16xi32>
    %shift_left3A_1964 = arith.shli %shift_right_arithmetic3A_1961, %shift_left3A_1963 : vector<16xi32>
    %and3A_1965 = arith.constant 7 : i32
    %and3A_1966 = vector.broadcast %and3A_1965 : i32 to vector<16xi32>
    %and3A_1967 = arith.andi %add3A_1958, %and3A_1966 : vector<16xi32>
    %add3A_1968 = arith.addi %shift_left3A_1964, %and3A_1967 : vector<16xi32>
    %sub3A_1969 = vector.broadcast %min3A_21 : i32 to vector<16xi32>
    %sub3A_1970 = arith.subi %add3A_1968, %sub3A_1969 : vector<16xi32>
    %gather3A_1971 = tpu.vector_load_idx %arg7[%sub3A_1970] : memref<328xi32, #tpu.memory_space<vmem>>[vector<16xi32>], vector<16xi32>,
    %mul3A_1972 = arith.constant 2 : i32
    %mul3A_1973 = vector.broadcast %mul3A_1972 : i32 to vector<16xi32>
    %mul3A_1974 = arith.muli %mul3A_1973, %gather3A_1971 : vector<16xi32>
    %shift_right_arithmetic3A_1975 = arith.constant 3 : i32
    %shift_right_arithmetic3A_1976 = vector.broadcast %shift_right_arithmetic3A_1975 : i32 to vector<16xi32>
    %shift_right_arithmetic3A_1977 = arith.shrsi %add3A_1958, %shift_right_arithmetic3A_1976 : vector<16xi32>
    %and3A_1978 = arith.constant 1 : i32
    %and3A_1979 = vector.broadcast %and3A_1978 : i32 to vector<16xi32>
    %and3A_1980 = arith.andi %shift_right_arithmetic3A_1977, %and3A_1979 : vector<16xi32>
    %add3A_1981 = arith.addi %mul3A_1974, %and3A_1980 : vector<16xi32>
    %ge3A_1982 = vector.broadcast %add3A_1724 : i32 to vector<16xi32>
    %ge3A_1983 = arith.cmpi sge, %add3A_1958, %ge3A_1982 : vector<16xi32>
    %lt3A_1984 = vector.broadcast %add3A_1726 : i32 to vector<16xi32>
    %lt3A_1985 = arith.cmpi slt, %add3A_1958, %lt3A_1984 : vector<16xi32>
    %and3A_1986 = arith.andi %ge3A_1983, %lt3A_1985 : vector<16xi1>
    %jit3A_1987 = arith.constant 128 : i32
    %broadcast_in_dim3A_1988 = vector.broadcast %jit3A_1987 : i32 to vector<16xi32>
    %select_n3A_1989 = arith.select %and3A_1986, %add3A_1981, %broadcast_in_dim3A_1988 : vector<16xi1>, vector<16xi32>
    %swap3A_1990 = arith.constant 96 : index
    %swap3A_1991 = tpu.vector_load %arg12[%swap3A_1990] {strides = array<i32>} : memref<128xi32, #tpu.memory_space<vmem>>, vector<16xi32>,
    tpu.vector_store %arg12[%swap3A_1990], %select_n3A_1989 {strides = array<i32>} : memref<128xi32, #tpu.memory_space<vmem>>, vector<16xi32>,
    %select_n3A_1992 = arith.select %and3A_1986, %broadcast_in_dim3A_95, %broadcast_in_dim3A_93 : vector<16xi1>, vector<16xf32>
    tpu.vector_store_idx %arg13[%broadcast_in_dim3A_427, %select_n3A_1989], %select_n3A_1992 {add = true} : memref<1x144xf32, #tpu.memory_space<vmem>>[vector<16xi32>, vector<16xi32>], vector<16xf32>,
    %add3A_1993 = arith.constant 112 : i32
    %add3A_1994 = arith.addi %min3A_42, %add3A_1993 : i32
    %add3A_1995 = vector.broadcast %add3A_1994 : i32 to vector<16xi32>
    %add3A_1996 = arith.addi %add3A_1995, %iota3A : vector<16xi32>
    %shift_right_arithmetic3A_1997 = arith.constant 4 : i32
    %shift_right_arithmetic3A_1998 = vector.broadcast %shift_right_arithmetic3A_1997 : i32 to vector<16xi32>
    %shift_right_arithmetic3A_1999 = arith.shrsi %add3A_1996, %shift_right_arithmetic3A_1998 : vector<16xi32>
    %shift_left3A_2000 = arith.constant 3 : i32
    %shift_left3A_2001 = vector.broadcast %shift_left3A_2000 : i32 to vector<16xi32>
    %shift_left3A_2002 = arith.shli %shift_right_arithmetic3A_1999, %shift_left3A_2001 : vector<16xi32>
    %and3A_2003 = arith.constant 7 : i32
    %and3A_2004 = vector.broadcast %and3A_2003 : i32 to vector<16xi32>
    %and3A_2005 = arith.andi %add3A_1996, %and3A_2004 : vector<16xi32>
    %add3A_2006 = arith.addi %shift_left3A_2002, %and3A_2005 : vector<16xi32>
    %sub3A_2007 = vector.broadcast %min3A_21 : i32 to vector<16xi32>
    %sub3A_2008 = arith.subi %add3A_2006, %sub3A_2007 : vector<16xi32>
    %gather3A_2009 = tpu.vector_load_idx %arg7[%sub3A_2008] : memref<328xi32, #tpu.memory_space<vmem>>[vector<16xi32>], vector<16xi32>,
    %mul3A_2010 = arith.constant 2 : i32
    %mul3A_2011 = vector.broadcast %mul3A_2010 : i32 to vector<16xi32>
    %mul3A_2012 = arith.muli %mul3A_2011, %gather3A_2009 : vector<16xi32>
    %shift_right_arithmetic3A_2013 = arith.constant 3 : i32
    %shift_right_arithmetic3A_2014 = vector.broadcast %shift_right_arithmetic3A_2013 : i32 to vector<16xi32>
    %shift_right_arithmetic3A_2015 = arith.shrsi %add3A_1996, %shift_right_arithmetic3A_2014 : vector<16xi32>
    %and3A_2016 = arith.constant 1 : i32
    %and3A_2017 = vector.broadcast %and3A_2016 : i32 to vector<16xi32>
    %and3A_2018 = arith.andi %shift_right_arithmetic3A_2015, %and3A_2017 : vector<16xi32>
    %add3A_2019 = arith.addi %mul3A_2012, %and3A_2018 : vector<16xi32>
    %ge3A_2020 = vector.broadcast %add3A_1724 : i32 to vector<16xi32>
    %ge3A_2021 = arith.cmpi sge, %add3A_1996, %ge3A_2020 : vector<16xi32>
    %lt3A_2022 = vector.broadcast %add3A_1726 : i32 to vector<16xi32>
    %lt3A_2023 = arith.cmpi slt, %add3A_1996, %lt3A_2022 : vector<16xi32>
    %and3A_2024 = arith.andi %ge3A_2021, %lt3A_2023 : vector<16xi1>
    %jit3A_2025 = arith.constant 128 : i32
    %broadcast_in_dim3A_2026 = vector.broadcast %jit3A_2025 : i32 to vector<16xi32>
    %select_n3A_2027 = arith.select %and3A_2024, %add3A_2019, %broadcast_in_dim3A_2026 : vector<16xi1>, vector<16xi32>
    %swap3A_2028 = arith.constant 112 : index
    %swap3A_2029 = tpu.vector_load %arg12[%swap3A_2028] {strides = array<i32>} : memref<128xi32, #tpu.memory_space<vmem>>, vector<16xi32>,
    tpu.vector_store %arg12[%swap3A_2028], %select_n3A_2027 {strides = array<i32>} : memref<128xi32, #tpu.memory_space<vmem>>, vector<16xi32>,
    %select_n3A_2030 = arith.select %and3A_2024, %broadcast_in_dim3A_95, %broadcast_in_dim3A_93 : vector<16xi1>, vector<16xf32>
    tpu.vector_store_idx %arg13[%broadcast_in_dim3A_427, %select_n3A_2027], %select_n3A_2030 {add = true} : memref<1x144xf32, #tpu.memory_space<vmem>>[vector<16xi32>, vector<16xi32>], vector<16xf32>,
    %dma_wait3A_2031 = arith.constant 512 : i32
    %dma_wait3A_2032 = arith.constant 0 : i32
    %dma_wait3A_2033 = tpu.memref_slice %arg6[%dma_wait3A_2031, %dma_wait3A_2032] : memref<640x128xf32, #tpu.memory_space<vmem>> -> memref<128x128xf32, #tpu.memory_space<vmem>>
    %dma_wait3A_2034 = arith.constant 0 : i32
    %dma_wait3A_2035 = tpu.memref_slice %arg2[%min3A_42, %dma_wait3A_2034] : memref<20000x128xf32, #tpu.memory_space<hbm>> -> memref<128x128xf32, #tpu.memory_space<hbm>>
    %dma_wait3A_2036 = arith.constant 512 : i32
    %dma_wait3A_2037 = arith.constant 0 : i32
    %dma_wait3A_2038 = tpu.memref_slice %arg6[%dma_wait3A_2036, %dma_wait3A_2037] : memref<640x128xf32, #tpu.memory_space<vmem>> -> memref<128x128xf32, #tpu.memory_space<vmem>>
    %dma_wait3A_2039 = arith.constant 0 : i32
    %dma_wait3A_2040 = tpu.memref_slice %arg2[%min3A_42, %dma_wait3A_2039] : memref<20000x128xf32, #tpu.memory_space<hbm>> -> memref<128x128xf32, #tpu.memory_space<hbm>>
    tpu.wait_dma2 semaphore(%arg20 : memref<!tpu.dma_semaphore, #tpu.memory_space<semaphore_mem>>) src(%dma_wait3A_2040 : memref<128x128xf32, #tpu.memory_space<hbm>>) dst(%dma_wait3A_2038 : memref<128x128xf32, #tpu.memory_space<vmem>>)
    %dma_start3A_2041 = arith.constant 512 : i32
    %dma_start3A_2042 = arith.constant 0 : i32
    %dma_start3A_2043 = tpu.memref_slice %arg6[%dma_start3A_2041, %dma_start3A_2042] : memref<640x128xf32, #tpu.memory_space<vmem>> -> memref<128x128xf32, #tpu.memory_space<vmem>>
    %dma_start3A_2044 = arith.constant 0 : i32
    %dma_start3A_2045 = arith.constant 0 : i32
    %dma_start3A_2046 = tpu.memref_slice %arg17[%dma_start3A_2044, %dma_start3A_2045] : memref<144x128xf32, #tpu.memory_space<vmem_shared>> -> memref<144x128xf32, #tpu.memory_space<vmem_shared>>
    tpu.enqueue_indirect_dma source(%dma_start3A_2043 : memref<128x128xf32, #tpu.memory_space<vmem>>) target(%dma_start3A_2046 : memref<144x128xf32, #tpu.memory_space<vmem_shared>>) offsets(%arg12 : memref<128xi32, #tpu.memory_space<vmem>>) semaphore(%arg21 : memref<!tpu.dma_semaphore, #tpu.memory_space<semaphore_mem>>) {add = true}
    "tpu.region"() ({
      %run_scoped3A = tpu.sem_alloc : memref<!tpu.dma_semaphore, #tpu.memory_space<semaphore_mem>>
      %dma_start3A_2085 = arith.constant 0 : i32
      %dma_start3A_2086 = tpu.memref_slice %arg18[%arg1, %dma_start3A_2085] : memref<16x144xf32, #tpu.memory_space<vmem_shared>> -> memref<1x144xf32, #tpu.memory_space<vmem_shared>>
      %dma_start3A_2087 = arith.constant 0 : i32
      %dma_start3A_2088 = tpu.memref_slice %arg18[%arg1, %dma_start3A_2087] : memref<16x144xf32, #tpu.memory_space<vmem_shared>> -> memref<1x144xf32, #tpu.memory_space<vmem_shared>>
      tpu.enqueue_dma source(%arg13 : memref<1x144xf32, #tpu.memory_space<vmem>>) target(%dma_start3A_2088 : memref<1x144xf32, #tpu.memory_space<vmem_shared>>) target_semaphore(%run_scoped3A : memref<!tpu.dma_semaphore, #tpu.memory_space<semaphore_mem>>)
      %dma_wait3A_2089 = arith.constant 0 : i32
      %dma_wait3A_2090 = tpu.memref_slice %arg18[%arg1, %dma_wait3A_2089] : memref<16x144xf32, #tpu.memory_space<vmem_shared>> -> memref<1x144xf32, #tpu.memory_space<vmem_shared>>
      %dma_wait3A_2091 = arith.constant 0 : i32
      %dma_wait3A_2092 = tpu.memref_slice %arg18[%arg1, %dma_wait3A_2091] : memref<16x144xf32, #tpu.memory_space<vmem_shared>> -> memref<1x144xf32, #tpu.memory_space<vmem_shared>>
      tpu.wait_dma2 semaphore(%run_scoped3A : memref<!tpu.dma_semaphore, #tpu.memory_space<semaphore_mem>>) src(%arg13 : memref<1x144xf32, #tpu.memory_space<vmem>>) dst(%dma_wait3A_2092 : memref<1x144xf32, #tpu.memory_space<vmem_shared>>)
      tpu.yield
    }) : () -> ()
    %dma_wait3A_2047 = arith.constant 0 : i32
    %dma_wait3A_2048 = arith.constant 0 : i32
    %dma_wait3A_2049 = tpu.memref_slice %arg6[%dma_wait3A_2047, %dma_wait3A_2048] : memref<640x128xf32, #tpu.memory_space<vmem>> -> memref<128x128xf32, #tpu.memory_space<vmem>>
    %dma_wait3A_2050 = arith.constant 0 : i32
    %dma_wait3A_2051 = arith.constant 0 : i32
    %dma_wait3A_2052 = tpu.memref_slice %arg17[%dma_wait3A_2050, %dma_wait3A_2051] : memref<144x128xf32, #tpu.memory_space<vmem_shared>> -> memref<144x128xf32, #tpu.memory_space<vmem_shared>>
    tpu.wait_indirect_dma semaphore(%arg21 : memref<!tpu.dma_semaphore, #tpu.memory_space<semaphore_mem>>) src(%dma_wait3A_2049 : memref<128x128xf32, #tpu.memory_space<vmem>>) dst(%dma_wait3A_2052 : memref<144x128xf32, #tpu.memory_space<vmem_shared>>)
    %dma_wait3A_2053 = arith.constant 128 : i32
    %dma_wait3A_2054 = arith.constant 0 : i32
    %dma_wait3A_2055 = tpu.memref_slice %arg6[%dma_wait3A_2053, %dma_wait3A_2054] : memref<640x128xf32, #tpu.memory_space<vmem>> -> memref<128x128xf32, #tpu.memory_space<vmem>>
    %dma_wait3A_2056 = arith.constant 0 : i32
    %dma_wait3A_2057 = arith.constant 0 : i32
    %dma_wait3A_2058 = tpu.memref_slice %arg17[%dma_wait3A_2056, %dma_wait3A_2057] : memref<144x128xf32, #tpu.memory_space<vmem_shared>> -> memref<144x128xf32, #tpu.memory_space<vmem_shared>>
    tpu.wait_indirect_dma semaphore(%arg21 : memref<!tpu.dma_semaphore, #tpu.memory_space<semaphore_mem>>) src(%dma_wait3A_2055 : memref<128x128xf32, #tpu.memory_space<vmem>>) dst(%dma_wait3A_2058 : memref<144x128xf32, #tpu.memory_space<vmem_shared>>)
    %dma_wait3A_2059 = arith.constant 256 : i32
    %dma_wait3A_2060 = arith.constant 0 : i32
    %dma_wait3A_2061 = tpu.memref_slice %arg6[%dma_wait3A_2059, %dma_wait3A_2060] : memref<640x128xf32, #tpu.memory_space<vmem>> -> memref<128x128xf32, #tpu.memory_space<vmem>>
    %dma_wait3A_2062 = arith.constant 0 : i32
    %dma_wait3A_2063 = arith.constant 0 : i32
    %dma_wait3A_2064 = tpu.memref_slice %arg17[%dma_wait3A_2062, %dma_wait3A_2063] : memref<144x128xf32, #tpu.memory_space<vmem_shared>> -> memref<144x128xf32, #tpu.memory_space<vmem_shared>>
    tpu.wait_indirect_dma semaphore(%arg21 : memref<!tpu.dma_semaphore, #tpu.memory_space<semaphore_mem>>) src(%dma_wait3A_2061 : memref<128x128xf32, #tpu.memory_space<vmem>>) dst(%dma_wait3A_2064 : memref<144x128xf32, #tpu.memory_space<vmem_shared>>)
    %dma_wait3A_2065 = arith.constant 384 : i32
    %dma_wait3A_2066 = arith.constant 0 : i32
    %dma_wait3A_2067 = tpu.memref_slice %arg6[%dma_wait3A_2065, %dma_wait3A_2066] : memref<640x128xf32, #tpu.memory_space<vmem>> -> memref<128x128xf32, #tpu.memory_space<vmem>>
    %dma_wait3A_2068 = arith.constant 0 : i32
    %dma_wait3A_2069 = arith.constant 0 : i32
    %dma_wait3A_2070 = tpu.memref_slice %arg17[%dma_wait3A_2068, %dma_wait3A_2069] : memref<144x128xf32, #tpu.memory_space<vmem_shared>> -> memref<144x128xf32, #tpu.memory_space<vmem_shared>>
    tpu.wait_indirect_dma semaphore(%arg21 : memref<!tpu.dma_semaphore, #tpu.memory_space<semaphore_mem>>) src(%dma_wait3A_2067 : memref<128x128xf32, #tpu.memory_space<vmem>>) dst(%dma_wait3A_2070 : memref<144x128xf32, #tpu.memory_space<vmem_shared>>)
    %dma_wait3A_2071 = arith.constant 512 : i32
    %dma_wait3A_2072 = arith.constant 0 : i32
    %dma_wait3A_2073 = tpu.memref_slice %arg6[%dma_wait3A_2071, %dma_wait3A_2072] : memref<640x128xf32, #tpu.memory_space<vmem>> -> memref<128x128xf32, #tpu.memory_space<vmem>>
    %dma_wait3A_2074 = arith.constant 0 : i32
    %dma_wait3A_2075 = arith.constant 0 : i32
    %dma_wait3A_2076 = tpu.memref_slice %arg17[%dma_wait3A_2074, %dma_wait3A_2075] : memref<144x128xf32, #tpu.memory_space<vmem_shared>> -> memref<144x128xf32, #tpu.memory_space<vmem_shared>>
    tpu.wait_indirect_dma semaphore(%arg21 : memref<!tpu.dma_semaphore, #tpu.memory_space<semaphore_mem>>) src(%dma_wait3A_2073 : memref<128x128xf32, #tpu.memory_space<vmem>>) dst(%dma_wait3A_2076 : memref<144x128xf32, #tpu.memory_space<vmem_shared>>)
    %barrier3A_2077 = arith.constant 0 : index
    tpu.barrier barrier_id(%barrier3A_2077)
    %eq3A = arith.constant 0 : i32
    %eq3A_2078 = arith.cmpi eq, %arg1, %eq3A : i32
    %convert_element_type3A = arith.extui %eq3A_2078 : i1 to i32
    %cond3A = arith.constant 0 : i32
    %cond3A_2079 = arith.cmpi ne, %convert_element_type3A, %cond3A : i32
    scf.if %cond3A_2079 {
      "tpu.region"() ({
        %run_scoped3A = tpu.sem_alloc : memref<!tpu.dma_semaphore, #tpu.memory_space<semaphore_mem>>
        %dma_start3A_2085 = arith.constant 0 : i32
        %dma_start3A_2086 = arith.constant 0 : i32
        %dma_start3A_2087 = tpu.memref_slice %arg4[%arg0, %dma_start3A_2085, %dma_start3A_2086] : memref<2x128x128xf32, #tpu.memory_space<hbm>> -> memref<1x128x128xf32, #tpu.memory_space<hbm>>
        %dma_start3A_2088 = tpu.memref_squeeze %dma_start3A_2087 : memref<1x128x128xf32, #tpu.memory_space<hbm>> -> memref<128x128xf32, #tpu.memory_space<hbm>>
        %dma_start3A_2089 = arith.constant 0 : i32
        %dma_start3A_2090 = arith.constant 0 : i32
        %dma_start3A_2091 = tpu.memref_slice %arg17[%dma_start3A_2089, %dma_start3A_2090] : memref<144x128xf32, #tpu.memory_space<vmem_shared>> -> memref<128x128xf32, #tpu.memory_space<vmem_shared>>
        tpu.enqueue_dma source(%dma_start3A_2091 : memref<128x128xf32, #tpu.memory_space<vmem_shared>>) target(%dma_start3A_2088 : memref<128x128xf32, #tpu.memory_space<hbm>>) target_semaphore(%run_scoped3A : memref<!tpu.dma_semaphore, #tpu.memory_space<semaphore_mem>>)
        %dma_wait3A_2092 = arith.constant 0 : i32
        %dma_wait3A_2093 = arith.constant 0 : i32
        %dma_wait3A_2094 = tpu.memref_slice %arg4[%arg0, %dma_wait3A_2092, %dma_wait3A_2093] : memref<2x128x128xf32, #tpu.memory_space<hbm>> -> memref<1x128x128xf32, #tpu.memory_space<hbm>>
        %dma_wait3A_2095 = tpu.memref_squeeze %dma_wait3A_2094 : memref<1x128x128xf32, #tpu.memory_space<hbm>> -> memref<128x128xf32, #tpu.memory_space<hbm>>
        %dma_wait3A_2096 = arith.constant 0 : i32
        %dma_wait3A_2097 = arith.constant 0 : i32
        %dma_wait3A_2098 = tpu.memref_slice %arg17[%dma_wait3A_2096, %dma_wait3A_2097] : memref<144x128xf32, #tpu.memory_space<vmem_shared>> -> memref<128x128xf32, #tpu.memory_space<vmem_shared>>
        tpu.wait_dma2 semaphore(%run_scoped3A : memref<!tpu.dma_semaphore, #tpu.memory_space<semaphore_mem>>) src(%dma_wait3A_2098 : memref<128x128xf32, #tpu.memory_space<vmem_shared>>) dst(%dma_wait3A_2095 : memref<128x128xf32, #tpu.memory_space<hbm>>)
        tpu.yield
      }) : () -> ()
    } else {
    }
    %eq3A_2080 = arith.constant 1 : i32
    %eq3A_2081 = arith.cmpi eq, %arg1, %eq3A_2080 : i32
    %convert_element_type3A_2082 = arith.extui %eq3A_2081 : i1 to i32
    %cond3A_2083 = arith.constant 0 : i32
    %cond3A_2084 = arith.cmpi ne, %convert_element_type3A_2082, %cond3A_2083 : i32
    scf.if %cond3A_2084 {
      "tpu.region"() ({
        %run_scoped3A = tpu.sem_alloc : memref<!tpu.dma_semaphore, #tpu.memory_space<semaphore_mem>>
        tpu.enqueue_dma source(%arg18 : memref<16x144xf32, #tpu.memory_space<vmem_shared>>) target(%arg14 : memref<16x144xf32, #tpu.memory_space<vmem>>) target_semaphore(%run_scoped3A : memref<!tpu.dma_semaphore, #tpu.memory_space<semaphore_mem>>)
        tpu.wait_dma2 semaphore(%run_scoped3A : memref<!tpu.dma_semaphore, #tpu.memory_space<semaphore_mem>>) src(%arg18 : memref<16x144xf32, #tpu.memory_space<vmem_shared>>) dst(%arg14 : memref<16x144xf32, #tpu.memory_space<vmem>>)
        tpu.yield
      }) : () -> ()
      %iota3A_2085 = tpu.iota {dimensions = array<i32: 0>} : vector<16xi32>
      %broadcast_in_dim3A_2086 = arith.constant 0 : i32
      %broadcast_in_dim3A_2087 = vector.broadcast %broadcast_in_dim3A_2086 : i32 to vector<16xi32>
      %get3A = arith.constant 0 : i32
      %get3A_2088 = arith.index_cast %get3A : i32 to index
      %get3A_2089 = arith.constant 0 : index
      %get3A_2090 = tpu.vector_load %arg14[%get3A_2088, %get3A_2089] {strides = array<i32>} : memref<16x144xf32, #tpu.memory_space<vmem>>, vector<16xf32>,
      %get3A_2091 = arith.constant 1 : i32
      %get3A_2092 = arith.index_cast %get3A_2091 : i32 to index
      %get3A_2093 = arith.constant 0 : index
      %get3A_2094 = tpu.vector_load %arg14[%get3A_2092, %get3A_2093] {strides = array<i32>} : memref<16x144xf32, #tpu.memory_space<vmem>>, vector<16xf32>,
      %add3A_2095 = arith.addf %get3A_2090, %get3A_2094 : vector<16xf32>
      %get3A_2096 = arith.constant 2 : i32
      %get3A_2097 = arith.index_cast %get3A_2096 : i32 to index
      %get3A_2098 = arith.constant 0 : index
      %get3A_2099 = tpu.vector_load %arg14[%get3A_2097, %get3A_2098] {strides = array<i32>} : memref<16x144xf32, #tpu.memory_space<vmem>>, vector<16xf32>,
      %add3A_2100 = arith.addf %add3A_2095, %get3A_2099 : vector<16xf32>
      %get3A_2101 = arith.constant 3 : i32
      %get3A_2102 = arith.index_cast %get3A_2101 : i32 to index
      %get3A_2103 = arith.constant 0 : index
      %get3A_2104 = tpu.vector_load %arg14[%get3A_2102, %get3A_2103] {strides = array<i32>} : memref<16x144xf32, #tpu.memory_space<vmem>>, vector<16xf32>,
      %add3A_2105 = arith.addf %add3A_2100, %get3A_2104 : vector<16xf32>
      %get3A_2106 = arith.constant 4 : i32
      %get3A_2107 = arith.index_cast %get3A_2106 : i32 to index
      %get3A_2108 = arith.constant 0 : index
      %get3A_2109 = tpu.vector_load %arg14[%get3A_2107, %get3A_2108] {strides = array<i32>} : memref<16x144xf32, #tpu.memory_space<vmem>>, vector<16xf32>,
      %add3A_2110 = arith.addf %add3A_2105, %get3A_2109 : vector<16xf32>
      %get3A_2111 = arith.constant 5 : i32
      %get3A_2112 = arith.index_cast %get3A_2111 : i32 to index
      %get3A_2113 = arith.constant 0 : index
      %get3A_2114 = tpu.vector_load %arg14[%get3A_2112, %get3A_2113] {strides = array<i32>} : memref<16x144xf32, #tpu.memory_space<vmem>>, vector<16xf32>,
      %add3A_2115 = arith.addf %add3A_2110, %get3A_2114 : vector<16xf32>
      %get3A_2116 = arith.constant 6 : i32
      %get3A_2117 = arith.index_cast %get3A_2116 : i32 to index
      %get3A_2118 = arith.constant 0 : index
      %get3A_2119 = tpu.vector_load %arg14[%get3A_2117, %get3A_2118] {strides = array<i32>} : memref<16x144xf32, #tpu.memory_space<vmem>>, vector<16xf32>,
      %add3A_2120 = arith.addf %add3A_2115, %get3A_2119 : vector<16xf32>
      %get3A_2121 = arith.constant 7 : i32
      %get3A_2122 = arith.index_cast %get3A_2121 : i32 to index
      %get3A_2123 = arith.constant 0 : index
      %get3A_2124 = tpu.vector_load %arg14[%get3A_2122, %get3A_2123] {strides = array<i32>} : memref<16x144xf32, #tpu.memory_space<vmem>>, vector<16xf32>,
      %add3A_2125 = arith.addf %add3A_2120, %get3A_2124 : vector<16xf32>
      %get3A_2126 = arith.constant 8 : i32
      %get3A_2127 = arith.index_cast %get3A_2126 : i32 to index
      %get3A_2128 = arith.constant 0 : index
      %get3A_2129 = tpu.vector_load %arg14[%get3A_2127, %get3A_2128] {strides = array<i32>} : memref<16x144xf32, #tpu.memory_space<vmem>>, vector<16xf32>,
      %add3A_2130 = arith.addf %add3A_2125, %get3A_2129 : vector<16xf32>
      %get3A_2131 = arith.constant 9 : i32
      %get3A_2132 = arith.index_cast %get3A_2131 : i32 to index
      %get3A_2133 = arith.constant 0 : index
      %get3A_2134 = tpu.vector_load %arg14[%get3A_2132, %get3A_2133] {strides = array<i32>} : memref<16x144xf32, #tpu.memory_space<vmem>>, vector<16xf32>,
      %add3A_2135 = arith.addf %add3A_2130, %get3A_2134 : vector<16xf32>
      %get3A_2136 = arith.constant 10 : i32
      %get3A_2137 = arith.index_cast %get3A_2136 : i32 to index
      %get3A_2138 = arith.constant 0 : index
      %get3A_2139 = tpu.vector_load %arg14[%get3A_2137, %get3A_2138] {strides = array<i32>} : memref<16x144xf32, #tpu.memory_space<vmem>>, vector<16xf32>,
      %add3A_2140 = arith.addf %add3A_2135, %get3A_2139 : vector<16xf32>
      %get3A_2141 = arith.constant 11 : i32
      %get3A_2142 = arith.index_cast %get3A_2141 : i32 to index
      %get3A_2143 = arith.constant 0 : index
      %get3A_2144 = tpu.vector_load %arg14[%get3A_2142, %get3A_2143] {strides = array<i32>} : memref<16x144xf32, #tpu.memory_space<vmem>>, vector<16xf32>,
      %add3A_2145 = arith.addf %add3A_2140, %get3A_2144 : vector<16xf32>
      %get3A_2146 = arith.constant 12 : i32
      %get3A_2147 = arith.index_cast %get3A_2146 : i32 to index
      %get3A_2148 = arith.constant 0 : index
      %get3A_2149 = tpu.vector_load %arg14[%get3A_2147, %get3A_2148] {strides = array<i32>} : memref<16x144xf32, #tpu.memory_space<vmem>>, vector<16xf32>,
      %add3A_2150 = arith.addf %add3A_2145, %get3A_2149 : vector<16xf32>
      %get3A_2151 = arith.constant 13 : i32
      %get3A_2152 = arith.index_cast %get3A_2151 : i32 to index
      %get3A_2153 = arith.constant 0 : index
      %get3A_2154 = tpu.vector_load %arg14[%get3A_2152, %get3A_2153] {strides = array<i32>} : memref<16x144xf32, #tpu.memory_space<vmem>>, vector<16xf32>,
      %add3A_2155 = arith.addf %add3A_2150, %get3A_2154 : vector<16xf32>
      %get3A_2156 = arith.constant 14 : i32
      %get3A_2157 = arith.index_cast %get3A_2156 : i32 to index
      %get3A_2158 = arith.constant 0 : index
      %get3A_2159 = tpu.vector_load %arg14[%get3A_2157, %get3A_2158] {strides = array<i32>} : memref<16x144xf32, #tpu.memory_space<vmem>>, vector<16xf32>,
      %add3A_2160 = arith.addf %add3A_2155, %get3A_2159 : vector<16xf32>
      %get3A_2161 = arith.constant 15 : i32
      %get3A_2162 = arith.index_cast %get3A_2161 : i32 to index
      %get3A_2163 = arith.constant 0 : index
      %get3A_2164 = tpu.vector_load %arg14[%get3A_2162, %get3A_2163] {strides = array<i32>} : memref<16x144xf32, #tpu.memory_space<vmem>>, vector<16xf32>,
      %add3A_2165 = arith.addf %add3A_2160, %get3A_2164 : vector<16xf32>
      %add3A_2166 = arith.constant 0 : i32
      %add3A_2167 = vector.broadcast %add3A_2166 : i32 to vector<16xi32>
      %add3A_2168 = arith.addi %add3A_2167, %iota3A_2085 : vector<16xi32>
      tpu.vector_store_idx %arg15[%add3A_2168, %broadcast_in_dim3A_2087], %add3A_2165 : memref<128x128xf32, #tpu.memory_space<vmem>>[vector<16xi32>, vector<16xi32>], vector<16xf32>,
      %get3A_2169 = arith.constant 0 : i32
      %get3A_2170 = arith.index_cast %get3A_2169 : i32 to index
      %get3A_2171 = arith.constant 16 : index
      %get3A_2172 = tpu.vector_load %arg14[%get3A_2170, %get3A_2171] {strides = array<i32>} : memref<16x144xf32, #tpu.memory_space<vmem>>, vector<16xf32>,
      %get3A_2173 = arith.constant 1 : i32
      %get3A_2174 = arith.index_cast %get3A_2173 : i32 to index
      %get3A_2175 = arith.constant 16 : index
      %get3A_2176 = tpu.vector_load %arg14[%get3A_2174, %get3A_2175] {strides = array<i32>} : memref<16x144xf32, #tpu.memory_space<vmem>>, vector<16xf32>,
      %add3A_2177 = arith.addf %get3A_2172, %get3A_2176 : vector<16xf32>
      %get3A_2178 = arith.constant 2 : i32
      %get3A_2179 = arith.index_cast %get3A_2178 : i32 to index
      %get3A_2180 = arith.constant 16 : index
      %get3A_2181 = tpu.vector_load %arg14[%get3A_2179, %get3A_2180] {strides = array<i32>} : memref<16x144xf32, #tpu.memory_space<vmem>>, vector<16xf32>,
      %add3A_2182 = arith.addf %add3A_2177, %get3A_2181 : vector<16xf32>
      %get3A_2183 = arith.constant 3 : i32
      %get3A_2184 = arith.index_cast %get3A_2183 : i32 to index
      %get3A_2185 = arith.constant 16 : index
      %get3A_2186 = tpu.vector_load %arg14[%get3A_2184, %get3A_2185] {strides = array<i32>} : memref<16x144xf32, #tpu.memory_space<vmem>>, vector<16xf32>,
      %add3A_2187 = arith.addf %add3A_2182, %get3A_2186 : vector<16xf32>
      %get3A_2188 = arith.constant 4 : i32
      %get3A_2189 = arith.index_cast %get3A_2188 : i32 to index
      %get3A_2190 = arith.constant 16 : index
      %get3A_2191 = tpu.vector_load %arg14[%get3A_2189, %get3A_2190] {strides = array<i32>} : memref<16x144xf32, #tpu.memory_space<vmem>>, vector<16xf32>,
      %add3A_2192 = arith.addf %add3A_2187, %get3A_2191 : vector<16xf32>
      %get3A_2193 = arith.constant 5 : i32
      %get3A_2194 = arith.index_cast %get3A_2193 : i32 to index
      %get3A_2195 = arith.constant 16 : index
      %get3A_2196 = tpu.vector_load %arg14[%get3A_2194, %get3A_2195] {strides = array<i32>} : memref<16x144xf32, #tpu.memory_space<vmem>>, vector<16xf32>,
      %add3A_2197 = arith.addf %add3A_2192, %get3A_2196 : vector<16xf32>
      %get3A_2198 = arith.constant 6 : i32
      %get3A_2199 = arith.index_cast %get3A_2198 : i32 to index
      %get3A_2200 = arith.constant 16 : index
      %get3A_2201 = tpu.vector_load %arg14[%get3A_2199, %get3A_2200] {strides = array<i32>} : memref<16x144xf32, #tpu.memory_space<vmem>>, vector<16xf32>,
      %add3A_2202 = arith.addf %add3A_2197, %get3A_2201 : vector<16xf32>
      %get3A_2203 = arith.constant 7 : i32
      %get3A_2204 = arith.index_cast %get3A_2203 : i32 to index
      %get3A_2205 = arith.constant 16 : index
      %get3A_2206 = tpu.vector_load %arg14[%get3A_2204, %get3A_2205] {strides = array<i32>} : memref<16x144xf32, #tpu.memory_space<vmem>>, vector<16xf32>,
      %add3A_2207 = arith.addf %add3A_2202, %get3A_2206 : vector<16xf32>
      %get3A_2208 = arith.constant 8 : i32
      %get3A_2209 = arith.index_cast %get3A_2208 : i32 to index
      %get3A_2210 = arith.constant 16 : index
      %get3A_2211 = tpu.vector_load %arg14[%get3A_2209, %get3A_2210] {strides = array<i32>} : memref<16x144xf32, #tpu.memory_space<vmem>>, vector<16xf32>,
      %add3A_2212 = arith.addf %add3A_2207, %get3A_2211 : vector<16xf32>
      %get3A_2213 = arith.constant 9 : i32
      %get3A_2214 = arith.index_cast %get3A_2213 : i32 to index
      %get3A_2215 = arith.constant 16 : index
      %get3A_2216 = tpu.vector_load %arg14[%get3A_2214, %get3A_2215] {strides = array<i32>} : memref<16x144xf32, #tpu.memory_space<vmem>>, vector<16xf32>,
      %add3A_2217 = arith.addf %add3A_2212, %get3A_2216 : vector<16xf32>
      %get3A_2218 = arith.constant 10 : i32
      %get3A_2219 = arith.index_cast %get3A_2218 : i32 to index
      %get3A_2220 = arith.constant 16 : index
      %get3A_2221 = tpu.vector_load %arg14[%get3A_2219, %get3A_2220] {strides = array<i32>} : memref<16x144xf32, #tpu.memory_space<vmem>>, vector<16xf32>,
      %add3A_2222 = arith.addf %add3A_2217, %get3A_2221 : vector<16xf32>
      %get3A_2223 = arith.constant 11 : i32
      %get3A_2224 = arith.index_cast %get3A_2223 : i32 to index
      %get3A_2225 = arith.constant 16 : index
      %get3A_2226 = tpu.vector_load %arg14[%get3A_2224, %get3A_2225] {strides = array<i32>} : memref<16x144xf32, #tpu.memory_space<vmem>>, vector<16xf32>,
      %add3A_2227 = arith.addf %add3A_2222, %get3A_2226 : vector<16xf32>
      %get3A_2228 = arith.constant 12 : i32
      %get3A_2229 = arith.index_cast %get3A_2228 : i32 to index
      %get3A_2230 = arith.constant 16 : index
      %get3A_2231 = tpu.vector_load %arg14[%get3A_2229, %get3A_2230] {strides = array<i32>} : memref<16x144xf32, #tpu.memory_space<vmem>>, vector<16xf32>,
      %add3A_2232 = arith.addf %add3A_2227, %get3A_2231 : vector<16xf32>
      %get3A_2233 = arith.constant 13 : i32
      %get3A_2234 = arith.index_cast %get3A_2233 : i32 to index
      %get3A_2235 = arith.constant 16 : index
      %get3A_2236 = tpu.vector_load %arg14[%get3A_2234, %get3A_2235] {strides = array<i32>} : memref<16x144xf32, #tpu.memory_space<vmem>>, vector<16xf32>,
      %add3A_2237 = arith.addf %add3A_2232, %get3A_2236 : vector<16xf32>
      %get3A_2238 = arith.constant 14 : i32
      %get3A_2239 = arith.index_cast %get3A_2238 : i32 to index
      %get3A_2240 = arith.constant 16 : index
      %get3A_2241 = tpu.vector_load %arg14[%get3A_2239, %get3A_2240] {strides = array<i32>} : memref<16x144xf32, #tpu.memory_space<vmem>>, vector<16xf32>,
      %add3A_2242 = arith.addf %add3A_2237, %get3A_2241 : vector<16xf32>
      %get3A_2243 = arith.constant 15 : i32
      %get3A_2244 = arith.index_cast %get3A_2243 : i32 to index
      %get3A_2245 = arith.constant 16 : index
      %get3A_2246 = tpu.vector_load %arg14[%get3A_2244, %get3A_2245] {strides = array<i32>} : memref<16x144xf32, #tpu.memory_space<vmem>>, vector<16xf32>,
      %add3A_2247 = arith.addf %add3A_2242, %get3A_2246 : vector<16xf32>
      %add3A_2248 = arith.constant 16 : i32
      %add3A_2249 = vector.broadcast %add3A_2248 : i32 to vector<16xi32>
      %add3A_2250 = arith.addi %add3A_2249, %iota3A_2085 : vector<16xi32>
      tpu.vector_store_idx %arg15[%add3A_2250, %broadcast_in_dim3A_2087], %add3A_2247 : memref<128x128xf32, #tpu.memory_space<vmem>>[vector<16xi32>, vector<16xi32>], vector<16xf32>,
      %get3A_2251 = arith.constant 0 : i32
      %get3A_2252 = arith.index_cast %get3A_2251 : i32 to index
      %get3A_2253 = arith.constant 32 : index
      %get3A_2254 = tpu.vector_load %arg14[%get3A_2252, %get3A_2253] {strides = array<i32>} : memref<16x144xf32, #tpu.memory_space<vmem>>, vector<16xf32>,
      %get3A_2255 = arith.constant 1 : i32
      %get3A_2256 = arith.index_cast %get3A_2255 : i32 to index
      %get3A_2257 = arith.constant 32 : index
      %get3A_2258 = tpu.vector_load %arg14[%get3A_2256, %get3A_2257] {strides = array<i32>} : memref<16x144xf32, #tpu.memory_space<vmem>>, vector<16xf32>,
      %add3A_2259 = arith.addf %get3A_2254, %get3A_2258 : vector<16xf32>
      %get3A_2260 = arith.constant 2 : i32
      %get3A_2261 = arith.index_cast %get3A_2260 : i32 to index
      %get3A_2262 = arith.constant 32 : index
      %get3A_2263 = tpu.vector_load %arg14[%get3A_2261, %get3A_2262] {strides = array<i32>} : memref<16x144xf32, #tpu.memory_space<vmem>>, vector<16xf32>,
      %add3A_2264 = arith.addf %add3A_2259, %get3A_2263 : vector<16xf32>
      %get3A_2265 = arith.constant 3 : i32
      %get3A_2266 = arith.index_cast %get3A_2265 : i32 to index
      %get3A_2267 = arith.constant 32 : index
      %get3A_2268 = tpu.vector_load %arg14[%get3A_2266, %get3A_2267] {strides = array<i32>} : memref<16x144xf32, #tpu.memory_space<vmem>>, vector<16xf32>,
      %add3A_2269 = arith.addf %add3A_2264, %get3A_2268 : vector<16xf32>
      %get3A_2270 = arith.constant 4 : i32
      %get3A_2271 = arith.index_cast %get3A_2270 : i32 to index
      %get3A_2272 = arith.constant 32 : index
      %get3A_2273 = tpu.vector_load %arg14[%get3A_2271, %get3A_2272] {strides = array<i32>} : memref<16x144xf32, #tpu.memory_space<vmem>>, vector<16xf32>,
      %add3A_2274 = arith.addf %add3A_2269, %get3A_2273 : vector<16xf32>
      %get3A_2275 = arith.constant 5 : i32
      %get3A_2276 = arith.index_cast %get3A_2275 : i32 to index
      %get3A_2277 = arith.constant 32 : index
      %get3A_2278 = tpu.vector_load %arg14[%get3A_2276, %get3A_2277] {strides = array<i32>} : memref<16x144xf32, #tpu.memory_space<vmem>>, vector<16xf32>,
      %add3A_2279 = arith.addf %add3A_2274, %get3A_2278 : vector<16xf32>
      %get3A_2280 = arith.constant 6 : i32
      %get3A_2281 = arith.index_cast %get3A_2280 : i32 to index
      %get3A_2282 = arith.constant 32 : index
      %get3A_2283 = tpu.vector_load %arg14[%get3A_2281, %get3A_2282] {strides = array<i32>} : memref<16x144xf32, #tpu.memory_space<vmem>>, vector<16xf32>,
      %add3A_2284 = arith.addf %add3A_2279, %get3A_2283 : vector<16xf32>
      %get3A_2285 = arith.constant 7 : i32
      %get3A_2286 = arith.index_cast %get3A_2285 : i32 to index
      %get3A_2287 = arith.constant 32 : index
      %get3A_2288 = tpu.vector_load %arg14[%get3A_2286, %get3A_2287] {strides = array<i32>} : memref<16x144xf32, #tpu.memory_space<vmem>>, vector<16xf32>,
      %add3A_2289 = arith.addf %add3A_2284, %get3A_2288 : vector<16xf32>
      %get3A_2290 = arith.constant 8 : i32
      %get3A_2291 = arith.index_cast %get3A_2290 : i32 to index
      %get3A_2292 = arith.constant 32 : index
      %get3A_2293 = tpu.vector_load %arg14[%get3A_2291, %get3A_2292] {strides = array<i32>} : memref<16x144xf32, #tpu.memory_space<vmem>>, vector<16xf32>,
      %add3A_2294 = arith.addf %add3A_2289, %get3A_2293 : vector<16xf32>
      %get3A_2295 = arith.constant 9 : i32
      %get3A_2296 = arith.index_cast %get3A_2295 : i32 to index
      %get3A_2297 = arith.constant 32 : index
      %get3A_2298 = tpu.vector_load %arg14[%get3A_2296, %get3A_2297] {strides = array<i32>} : memref<16x144xf32, #tpu.memory_space<vmem>>, vector<16xf32>,
      %add3A_2299 = arith.addf %add3A_2294, %get3A_2298 : vector<16xf32>
      %get3A_2300 = arith.constant 10 : i32
      %get3A_2301 = arith.index_cast %get3A_2300 : i32 to index
      %get3A_2302 = arith.constant 32 : index
      %get3A_2303 = tpu.vector_load %arg14[%get3A_2301, %get3A_2302] {strides = array<i32>} : memref<16x144xf32, #tpu.memory_space<vmem>>, vector<16xf32>,
      %add3A_2304 = arith.addf %add3A_2299, %get3A_2303 : vector<16xf32>
      %get3A_2305 = arith.constant 11 : i32
      %get3A_2306 = arith.index_cast %get3A_2305 : i32 to index
      %get3A_2307 = arith.constant 32 : index
      %get3A_2308 = tpu.vector_load %arg14[%get3A_2306, %get3A_2307] {strides = array<i32>} : memref<16x144xf32, #tpu.memory_space<vmem>>, vector<16xf32>,
      %add3A_2309 = arith.addf %add3A_2304, %get3A_2308 : vector<16xf32>
      %get3A_2310 = arith.constant 12 : i32
      %get3A_2311 = arith.index_cast %get3A_2310 : i32 to index
      %get3A_2312 = arith.constant 32 : index
      %get3A_2313 = tpu.vector_load %arg14[%get3A_2311, %get3A_2312] {strides = array<i32>} : memref<16x144xf32, #tpu.memory_space<vmem>>, vector<16xf32>,
      %add3A_2314 = arith.addf %add3A_2309, %get3A_2313 : vector<16xf32>
      %get3A_2315 = arith.constant 13 : i32
      %get3A_2316 = arith.index_cast %get3A_2315 : i32 to index
      %get3A_2317 = arith.constant 32 : index
      %get3A_2318 = tpu.vector_load %arg14[%get3A_2316, %get3A_2317] {strides = array<i32>} : memref<16x144xf32, #tpu.memory_space<vmem>>, vector<16xf32>,
      %add3A_2319 = arith.addf %add3A_2314, %get3A_2318 : vector<16xf32>
      %get3A_2320 = arith.constant 14 : i32
      %get3A_2321 = arith.index_cast %get3A_2320 : i32 to index
      %get3A_2322 = arith.constant 32 : index
      %get3A_2323 = tpu.vector_load %arg14[%get3A_2321, %get3A_2322] {strides = array<i32>} : memref<16x144xf32, #tpu.memory_space<vmem>>, vector<16xf32>,
      %add3A_2324 = arith.addf %add3A_2319, %get3A_2323 : vector<16xf32>
      %get3A_2325 = arith.constant 15 : i32
      %get3A_2326 = arith.index_cast %get3A_2325 : i32 to index
      %get3A_2327 = arith.constant 32 : index
      %get3A_2328 = tpu.vector_load %arg14[%get3A_2326, %get3A_2327] {strides = array<i32>} : memref<16x144xf32, #tpu.memory_space<vmem>>, vector<16xf32>,
      %add3A_2329 = arith.addf %add3A_2324, %get3A_2328 : vector<16xf32>
      %add3A_2330 = arith.constant 32 : i32
      %add3A_2331 = vector.broadcast %add3A_2330 : i32 to vector<16xi32>
      %add3A_2332 = arith.addi %add3A_2331, %iota3A_2085 : vector<16xi32>
      tpu.vector_store_idx %arg15[%add3A_2332, %broadcast_in_dim3A_2087], %add3A_2329 : memref<128x128xf32, #tpu.memory_space<vmem>>[vector<16xi32>, vector<16xi32>], vector<16xf32>,
      %get3A_2333 = arith.constant 0 : i32
      %get3A_2334 = arith.index_cast %get3A_2333 : i32 to index
      %get3A_2335 = arith.constant 48 : index
      %get3A_2336 = tpu.vector_load %arg14[%get3A_2334, %get3A_2335] {strides = array<i32>} : memref<16x144xf32, #tpu.memory_space<vmem>>, vector<16xf32>,
      %get3A_2337 = arith.constant 1 : i32
      %get3A_2338 = arith.index_cast %get3A_2337 : i32 to index
      %get3A_2339 = arith.constant 48 : index
      %get3A_2340 = tpu.vector_load %arg14[%get3A_2338, %get3A_2339] {strides = array<i32>} : memref<16x144xf32, #tpu.memory_space<vmem>>, vector<16xf32>,
      %add3A_2341 = arith.addf %get3A_2336, %get3A_2340 : vector<16xf32>
      %get3A_2342 = arith.constant 2 : i32
      %get3A_2343 = arith.index_cast %get3A_2342 : i32 to index
      %get3A_2344 = arith.constant 48 : index
      %get3A_2345 = tpu.vector_load %arg14[%get3A_2343, %get3A_2344] {strides = array<i32>} : memref<16x144xf32, #tpu.memory_space<vmem>>, vector<16xf32>,
      %add3A_2346 = arith.addf %add3A_2341, %get3A_2345 : vector<16xf32>
      %get3A_2347 = arith.constant 3 : i32
      %get3A_2348 = arith.index_cast %get3A_2347 : i32 to index
      %get3A_2349 = arith.constant 48 : index
      %get3A_2350 = tpu.vector_load %arg14[%get3A_2348, %get3A_2349] {strides = array<i32>} : memref<16x144xf32, #tpu.memory_space<vmem>>, vector<16xf32>,
      %add3A_2351 = arith.addf %add3A_2346, %get3A_2350 : vector<16xf32>
      %get3A_2352 = arith.constant 4 : i32
      %get3A_2353 = arith.index_cast %get3A_2352 : i32 to index
      %get3A_2354 = arith.constant 48 : index
      %get3A_2355 = tpu.vector_load %arg14[%get3A_2353, %get3A_2354] {strides = array<i32>} : memref<16x144xf32, #tpu.memory_space<vmem>>, vector<16xf32>,
      %add3A_2356 = arith.addf %add3A_2351, %get3A_2355 : vector<16xf32>
      %get3A_2357 = arith.constant 5 : i32
      %get3A_2358 = arith.index_cast %get3A_2357 : i32 to index
      %get3A_2359 = arith.constant 48 : index
      %get3A_2360 = tpu.vector_load %arg14[%get3A_2358, %get3A_2359] {strides = array<i32>} : memref<16x144xf32, #tpu.memory_space<vmem>>, vector<16xf32>,
      %add3A_2361 = arith.addf %add3A_2356, %get3A_2360 : vector<16xf32>
      %get3A_2362 = arith.constant 6 : i32
      %get3A_2363 = arith.index_cast %get3A_2362 : i32 to index
      %get3A_2364 = arith.constant 48 : index
      %get3A_2365 = tpu.vector_load %arg14[%get3A_2363, %get3A_2364] {strides = array<i32>} : memref<16x144xf32, #tpu.memory_space<vmem>>, vector<16xf32>,
      %add3A_2366 = arith.addf %add3A_2361, %get3A_2365 : vector<16xf32>
      %get3A_2367 = arith.constant 7 : i32
      %get3A_2368 = arith.index_cast %get3A_2367 : i32 to index
      %get3A_2369 = arith.constant 48 : index
      %get3A_2370 = tpu.vector_load %arg14[%get3A_2368, %get3A_2369] {strides = array<i32>} : memref<16x144xf32, #tpu.memory_space<vmem>>, vector<16xf32>,
      %add3A_2371 = arith.addf %add3A_2366, %get3A_2370 : vector<16xf32>
      %get3A_2372 = arith.constant 8 : i32
      %get3A_2373 = arith.index_cast %get3A_2372 : i32 to index
      %get3A_2374 = arith.constant 48 : index
      %get3A_2375 = tpu.vector_load %arg14[%get3A_2373, %get3A_2374] {strides = array<i32>} : memref<16x144xf32, #tpu.memory_space<vmem>>, vector<16xf32>,
      %add3A_2376 = arith.addf %add3A_2371, %get3A_2375 : vector<16xf32>
      %get3A_2377 = arith.constant 9 : i32
      %get3A_2378 = arith.index_cast %get3A_2377 : i32 to index
      %get3A_2379 = arith.constant 48 : index
      %get3A_2380 = tpu.vector_load %arg14[%get3A_2378, %get3A_2379] {strides = array<i32>} : memref<16x144xf32, #tpu.memory_space<vmem>>, vector<16xf32>,
      %add3A_2381 = arith.addf %add3A_2376, %get3A_2380 : vector<16xf32>
      %get3A_2382 = arith.constant 10 : i32
      %get3A_2383 = arith.index_cast %get3A_2382 : i32 to index
      %get3A_2384 = arith.constant 48 : index
      %get3A_2385 = tpu.vector_load %arg14[%get3A_2383, %get3A_2384] {strides = array<i32>} : memref<16x144xf32, #tpu.memory_space<vmem>>, vector<16xf32>,
      %add3A_2386 = arith.addf %add3A_2381, %get3A_2385 : vector<16xf32>
      %get3A_2387 = arith.constant 11 : i32
      %get3A_2388 = arith.index_cast %get3A_2387 : i32 to index
      %get3A_2389 = arith.constant 48 : index
      %get3A_2390 = tpu.vector_load %arg14[%get3A_2388, %get3A_2389] {strides = array<i32>} : memref<16x144xf32, #tpu.memory_space<vmem>>, vector<16xf32>,
      %add3A_2391 = arith.addf %add3A_2386, %get3A_2390 : vector<16xf32>
      %get3A_2392 = arith.constant 12 : i32
      %get3A_2393 = arith.index_cast %get3A_2392 : i32 to index
      %get3A_2394 = arith.constant 48 : index
      %get3A_2395 = tpu.vector_load %arg14[%get3A_2393, %get3A_2394] {strides = array<i32>} : memref<16x144xf32, #tpu.memory_space<vmem>>, vector<16xf32>,
      %add3A_2396 = arith.addf %add3A_2391, %get3A_2395 : vector<16xf32>
      %get3A_2397 = arith.constant 13 : i32
      %get3A_2398 = arith.index_cast %get3A_2397 : i32 to index
      %get3A_2399 = arith.constant 48 : index
      %get3A_2400 = tpu.vector_load %arg14[%get3A_2398, %get3A_2399] {strides = array<i32>} : memref<16x144xf32, #tpu.memory_space<vmem>>, vector<16xf32>,
      %add3A_2401 = arith.addf %add3A_2396, %get3A_2400 : vector<16xf32>
      %get3A_2402 = arith.constant 14 : i32
      %get3A_2403 = arith.index_cast %get3A_2402 : i32 to index
      %get3A_2404 = arith.constant 48 : index
      %get3A_2405 = tpu.vector_load %arg14[%get3A_2403, %get3A_2404] {strides = array<i32>} : memref<16x144xf32, #tpu.memory_space<vmem>>, vector<16xf32>,
      %add3A_2406 = arith.addf %add3A_2401, %get3A_2405 : vector<16xf32>
      %get3A_2407 = arith.constant 15 : i32
      %get3A_2408 = arith.index_cast %get3A_2407 : i32 to index
      %get3A_2409 = arith.constant 48 : index
      %get3A_2410 = tpu.vector_load %arg14[%get3A_2408, %get3A_2409] {strides = array<i32>} : memref<16x144xf32, #tpu.memory_space<vmem>>, vector<16xf32>,
      %add3A_2411 = arith.addf %add3A_2406, %get3A_2410 : vector<16xf32>
      %add3A_2412 = arith.constant 48 : i32
      %add3A_2413 = vector.broadcast %add3A_2412 : i32 to vector<16xi32>
      %add3A_2414 = arith.addi %add3A_2413, %iota3A_2085 : vector<16xi32>
      tpu.vector_store_idx %arg15[%add3A_2414, %broadcast_in_dim3A_2087], %add3A_2411 : memref<128x128xf32, #tpu.memory_space<vmem>>[vector<16xi32>, vector<16xi32>], vector<16xf32>,
      %get3A_2415 = arith.constant 0 : i32
      %get3A_2416 = arith.index_cast %get3A_2415 : i32 to index
      %get3A_2417 = arith.constant 64 : index
      %get3A_2418 = tpu.vector_load %arg14[%get3A_2416, %get3A_2417] {strides = array<i32>} : memref<16x144xf32, #tpu.memory_space<vmem>>, vector<16xf32>,
      %get3A_2419 = arith.constant 1 : i32
      %get3A_2420 = arith.index_cast %get3A_2419 : i32 to index
      %get3A_2421 = arith.constant 64 : index
      %get3A_2422 = tpu.vector_load %arg14[%get3A_2420, %get3A_2421] {strides = array<i32>} : memref<16x144xf32, #tpu.memory_space<vmem>>, vector<16xf32>,
      %add3A_2423 = arith.addf %get3A_2418, %get3A_2422 : vector<16xf32>
      %get3A_2424 = arith.constant 2 : i32
      %get3A_2425 = arith.index_cast %get3A_2424 : i32 to index
      %get3A_2426 = arith.constant 64 : index
      %get3A_2427 = tpu.vector_load %arg14[%get3A_2425, %get3A_2426] {strides = array<i32>} : memref<16x144xf32, #tpu.memory_space<vmem>>, vector<16xf32>,
      %add3A_2428 = arith.addf %add3A_2423, %get3A_2427 : vector<16xf32>
      %get3A_2429 = arith.constant 3 : i32
      %get3A_2430 = arith.index_cast %get3A_2429 : i32 to index
      %get3A_2431 = arith.constant 64 : index
      %get3A_2432 = tpu.vector_load %arg14[%get3A_2430, %get3A_2431] {strides = array<i32>} : memref<16x144xf32, #tpu.memory_space<vmem>>, vector<16xf32>,
      %add3A_2433 = arith.addf %add3A_2428, %get3A_2432 : vector<16xf32>
      %get3A_2434 = arith.constant 4 : i32
      %get3A_2435 = arith.index_cast %get3A_2434 : i32 to index
      %get3A_2436 = arith.constant 64 : index
      %get3A_2437 = tpu.vector_load %arg14[%get3A_2435, %get3A_2436] {strides = array<i32>} : memref<16x144xf32, #tpu.memory_space<vmem>>, vector<16xf32>,
      %add3A_2438 = arith.addf %add3A_2433, %get3A_2437 : vector<16xf32>
      %get3A_2439 = arith.constant 5 : i32
      %get3A_2440 = arith.index_cast %get3A_2439 : i32 to index
      %get3A_2441 = arith.constant 64 : index
      %get3A_2442 = tpu.vector_load %arg14[%get3A_2440, %get3A_2441] {strides = array<i32>} : memref<16x144xf32, #tpu.memory_space<vmem>>, vector<16xf32>,
      %add3A_2443 = arith.addf %add3A_2438, %get3A_2442 : vector<16xf32>
      %get3A_2444 = arith.constant 6 : i32
      %get3A_2445 = arith.index_cast %get3A_2444 : i32 to index
      %get3A_2446 = arith.constant 64 : index
      %get3A_2447 = tpu.vector_load %arg14[%get3A_2445, %get3A_2446] {strides = array<i32>} : memref<16x144xf32, #tpu.memory_space<vmem>>, vector<16xf32>,
      %add3A_2448 = arith.addf %add3A_2443, %get3A_2447 : vector<16xf32>
      %get3A_2449 = arith.constant 7 : i32
      %get3A_2450 = arith.index_cast %get3A_2449 : i32 to index
      %get3A_2451 = arith.constant 64 : index
      %get3A_2452 = tpu.vector_load %arg14[%get3A_2450, %get3A_2451] {strides = array<i32>} : memref<16x144xf32, #tpu.memory_space<vmem>>, vector<16xf32>,
      %add3A_2453 = arith.addf %add3A_2448, %get3A_2452 : vector<16xf32>
      %get3A_2454 = arith.constant 8 : i32
      %get3A_2455 = arith.index_cast %get3A_2454 : i32 to index
      %get3A_2456 = arith.constant 64 : index
      %get3A_2457 = tpu.vector_load %arg14[%get3A_2455, %get3A_2456] {strides = array<i32>} : memref<16x144xf32, #tpu.memory_space<vmem>>, vector<16xf32>,
      %add3A_2458 = arith.addf %add3A_2453, %get3A_2457 : vector<16xf32>
      %get3A_2459 = arith.constant 9 : i32
      %get3A_2460 = arith.index_cast %get3A_2459 : i32 to index
      %get3A_2461 = arith.constant 64 : index
      %get3A_2462 = tpu.vector_load %arg14[%get3A_2460, %get3A_2461] {strides = array<i32>} : memref<16x144xf32, #tpu.memory_space<vmem>>, vector<16xf32>,
      %add3A_2463 = arith.addf %add3A_2458, %get3A_2462 : vector<16xf32>
      %get3A_2464 = arith.constant 10 : i32
      %get3A_2465 = arith.index_cast %get3A_2464 : i32 to index
      %get3A_2466 = arith.constant 64 : index
      %get3A_2467 = tpu.vector_load %arg14[%get3A_2465, %get3A_2466] {strides = array<i32>} : memref<16x144xf32, #tpu.memory_space<vmem>>, vector<16xf32>,
      %add3A_2468 = arith.addf %add3A_2463, %get3A_2467 : vector<16xf32>
      %get3A_2469 = arith.constant 11 : i32
      %get3A_2470 = arith.index_cast %get3A_2469 : i32 to index
      %get3A_2471 = arith.constant 64 : index
      %get3A_2472 = tpu.vector_load %arg14[%get3A_2470, %get3A_2471] {strides = array<i32>} : memref<16x144xf32, #tpu.memory_space<vmem>>, vector<16xf32>,
      %add3A_2473 = arith.addf %add3A_2468, %get3A_2472 : vector<16xf32>
      %get3A_2474 = arith.constant 12 : i32
      %get3A_2475 = arith.index_cast %get3A_2474 : i32 to index
      %get3A_2476 = arith.constant 64 : index
      %get3A_2477 = tpu.vector_load %arg14[%get3A_2475, %get3A_2476] {strides = array<i32>} : memref<16x144xf32, #tpu.memory_space<vmem>>, vector<16xf32>,
      %add3A_2478 = arith.addf %add3A_2473, %get3A_2477 : vector<16xf32>
      %get3A_2479 = arith.constant 13 : i32
      %get3A_2480 = arith.index_cast %get3A_2479 : i32 to index
      %get3A_2481 = arith.constant 64 : index
      %get3A_2482 = tpu.vector_load %arg14[%get3A_2480, %get3A_2481] {strides = array<i32>} : memref<16x144xf32, #tpu.memory_space<vmem>>, vector<16xf32>,
      %add3A_2483 = arith.addf %add3A_2478, %get3A_2482 : vector<16xf32>
      %get3A_2484 = arith.constant 14 : i32
      %get3A_2485 = arith.index_cast %get3A_2484 : i32 to index
      %get3A_2486 = arith.constant 64 : index
      %get3A_2487 = tpu.vector_load %arg14[%get3A_2485, %get3A_2486] {strides = array<i32>} : memref<16x144xf32, #tpu.memory_space<vmem>>, vector<16xf32>,
      %add3A_2488 = arith.addf %add3A_2483, %get3A_2487 : vector<16xf32>
      %get3A_2489 = arith.constant 15 : i32
      %get3A_2490 = arith.index_cast %get3A_2489 : i32 to index
      %get3A_2491 = arith.constant 64 : index
      %get3A_2492 = tpu.vector_load %arg14[%get3A_2490, %get3A_2491] {strides = array<i32>} : memref<16x144xf32, #tpu.memory_space<vmem>>, vector<16xf32>,
      %add3A_2493 = arith.addf %add3A_2488, %get3A_2492 : vector<16xf32>
      %add3A_2494 = arith.constant 64 : i32
      %add3A_2495 = vector.broadcast %add3A_2494 : i32 to vector<16xi32>
      %add3A_2496 = arith.addi %add3A_2495, %iota3A_2085 : vector<16xi32>
      tpu.vector_store_idx %arg15[%add3A_2496, %broadcast_in_dim3A_2087], %add3A_2493 : memref<128x128xf32, #tpu.memory_space<vmem>>[vector<16xi32>, vector<16xi32>], vector<16xf32>,
      %get3A_2497 = arith.constant 0 : i32
      %get3A_2498 = arith.index_cast %get3A_2497 : i32 to index
      %get3A_2499 = arith.constant 80 : index
      %get3A_2500 = tpu.vector_load %arg14[%get3A_2498, %get3A_2499] {strides = array<i32>} : memref<16x144xf32, #tpu.memory_space<vmem>>, vector<16xf32>,
      %get3A_2501 = arith.constant 1 : i32
      %get3A_2502 = arith.index_cast %get3A_2501 : i32 to index
      %get3A_2503 = arith.constant 80 : index
      %get3A_2504 = tpu.vector_load %arg14[%get3A_2502, %get3A_2503] {strides = array<i32>} : memref<16x144xf32, #tpu.memory_space<vmem>>, vector<16xf32>,
      %add3A_2505 = arith.addf %get3A_2500, %get3A_2504 : vector<16xf32>
      %get3A_2506 = arith.constant 2 : i32
      %get3A_2507 = arith.index_cast %get3A_2506 : i32 to index
      %get3A_2508 = arith.constant 80 : index
      %get3A_2509 = tpu.vector_load %arg14[%get3A_2507, %get3A_2508] {strides = array<i32>} : memref<16x144xf32, #tpu.memory_space<vmem>>, vector<16xf32>,
      %add3A_2510 = arith.addf %add3A_2505, %get3A_2509 : vector<16xf32>
      %get3A_2511 = arith.constant 3 : i32
      %get3A_2512 = arith.index_cast %get3A_2511 : i32 to index
      %get3A_2513 = arith.constant 80 : index
      %get3A_2514 = tpu.vector_load %arg14[%get3A_2512, %get3A_2513] {strides = array<i32>} : memref<16x144xf32, #tpu.memory_space<vmem>>, vector<16xf32>,
      %add3A_2515 = arith.addf %add3A_2510, %get3A_2514 : vector<16xf32>
      %get3A_2516 = arith.constant 4 : i32
      %get3A_2517 = arith.index_cast %get3A_2516 : i32 to index
      %get3A_2518 = arith.constant 80 : index
      %get3A_2519 = tpu.vector_load %arg14[%get3A_2517, %get3A_2518] {strides = array<i32>} : memref<16x144xf32, #tpu.memory_space<vmem>>, vector<16xf32>,
      %add3A_2520 = arith.addf %add3A_2515, %get3A_2519 : vector<16xf32>
      %get3A_2521 = arith.constant 5 : i32
      %get3A_2522 = arith.index_cast %get3A_2521 : i32 to index
      %get3A_2523 = arith.constant 80 : index
      %get3A_2524 = tpu.vector_load %arg14[%get3A_2522, %get3A_2523] {strides = array<i32>} : memref<16x144xf32, #tpu.memory_space<vmem>>, vector<16xf32>,
      %add3A_2525 = arith.addf %add3A_2520, %get3A_2524 : vector<16xf32>
      %get3A_2526 = arith.constant 6 : i32
      %get3A_2527 = arith.index_cast %get3A_2526 : i32 to index
      %get3A_2528 = arith.constant 80 : index
      %get3A_2529 = tpu.vector_load %arg14[%get3A_2527, %get3A_2528] {strides = array<i32>} : memref<16x144xf32, #tpu.memory_space<vmem>>, vector<16xf32>,
      %add3A_2530 = arith.addf %add3A_2525, %get3A_2529 : vector<16xf32>
      %get3A_2531 = arith.constant 7 : i32
      %get3A_2532 = arith.index_cast %get3A_2531 : i32 to index
      %get3A_2533 = arith.constant 80 : index
      %get3A_2534 = tpu.vector_load %arg14[%get3A_2532, %get3A_2533] {strides = array<i32>} : memref<16x144xf32, #tpu.memory_space<vmem>>, vector<16xf32>,
      %add3A_2535 = arith.addf %add3A_2530, %get3A_2534 : vector<16xf32>
      %get3A_2536 = arith.constant 8 : i32
      %get3A_2537 = arith.index_cast %get3A_2536 : i32 to index
      %get3A_2538 = arith.constant 80 : index
      %get3A_2539 = tpu.vector_load %arg14[%get3A_2537, %get3A_2538] {strides = array<i32>} : memref<16x144xf32, #tpu.memory_space<vmem>>, vector<16xf32>,
      %add3A_2540 = arith.addf %add3A_2535, %get3A_2539 : vector<16xf32>
      %get3A_2541 = arith.constant 9 : i32
      %get3A_2542 = arith.index_cast %get3A_2541 : i32 to index
      %get3A_2543 = arith.constant 80 : index
      %get3A_2544 = tpu.vector_load %arg14[%get3A_2542, %get3A_2543] {strides = array<i32>} : memref<16x144xf32, #tpu.memory_space<vmem>>, vector<16xf32>,
      %add3A_2545 = arith.addf %add3A_2540, %get3A_2544 : vector<16xf32>
      %get3A_2546 = arith.constant 10 : i32
      %get3A_2547 = arith.index_cast %get3A_2546 : i32 to index
      %get3A_2548 = arith.constant 80 : index
      %get3A_2549 = tpu.vector_load %arg14[%get3A_2547, %get3A_2548] {strides = array<i32>} : memref<16x144xf32, #tpu.memory_space<vmem>>, vector<16xf32>,
      %add3A_2550 = arith.addf %add3A_2545, %get3A_2549 : vector<16xf32>
      %get3A_2551 = arith.constant 11 : i32
      %get3A_2552 = arith.index_cast %get3A_2551 : i32 to index
      %get3A_2553 = arith.constant 80 : index
      %get3A_2554 = tpu.vector_load %arg14[%get3A_2552, %get3A_2553] {strides = array<i32>} : memref<16x144xf32, #tpu.memory_space<vmem>>, vector<16xf32>,
      %add3A_2555 = arith.addf %add3A_2550, %get3A_2554 : vector<16xf32>
      %get3A_2556 = arith.constant 12 : i32
      %get3A_2557 = arith.index_cast %get3A_2556 : i32 to index
      %get3A_2558 = arith.constant 80 : index
      %get3A_2559 = tpu.vector_load %arg14[%get3A_2557, %get3A_2558] {strides = array<i32>} : memref<16x144xf32, #tpu.memory_space<vmem>>, vector<16xf32>,
      %add3A_2560 = arith.addf %add3A_2555, %get3A_2559 : vector<16xf32>
      %get3A_2561 = arith.constant 13 : i32
      %get3A_2562 = arith.index_cast %get3A_2561 : i32 to index
      %get3A_2563 = arith.constant 80 : index
      %get3A_2564 = tpu.vector_load %arg14[%get3A_2562, %get3A_2563] {strides = array<i32>} : memref<16x144xf32, #tpu.memory_space<vmem>>, vector<16xf32>,
      %add3A_2565 = arith.addf %add3A_2560, %get3A_2564 : vector<16xf32>
      %get3A_2566 = arith.constant 14 : i32
      %get3A_2567 = arith.index_cast %get3A_2566 : i32 to index
      %get3A_2568 = arith.constant 80 : index
      %get3A_2569 = tpu.vector_load %arg14[%get3A_2567, %get3A_2568] {strides = array<i32>} : memref<16x144xf32, #tpu.memory_space<vmem>>, vector<16xf32>,
      %add3A_2570 = arith.addf %add3A_2565, %get3A_2569 : vector<16xf32>
      %get3A_2571 = arith.constant 15 : i32
      %get3A_2572 = arith.index_cast %get3A_2571 : i32 to index
      %get3A_2573 = arith.constant 80 : index
      %get3A_2574 = tpu.vector_load %arg14[%get3A_2572, %get3A_2573] {strides = array<i32>} : memref<16x144xf32, #tpu.memory_space<vmem>>, vector<16xf32>,
      %add3A_2575 = arith.addf %add3A_2570, %get3A_2574 : vector<16xf32>
      %add3A_2576 = arith.constant 80 : i32
      %add3A_2577 = vector.broadcast %add3A_2576 : i32 to vector<16xi32>
      %add3A_2578 = arith.addi %add3A_2577, %iota3A_2085 : vector<16xi32>
      tpu.vector_store_idx %arg15[%add3A_2578, %broadcast_in_dim3A_2087], %add3A_2575 : memref<128x128xf32, #tpu.memory_space<vmem>>[vector<16xi32>, vector<16xi32>], vector<16xf32>,
      %get3A_2579 = arith.constant 0 : i32
      %get3A_2580 = arith.index_cast %get3A_2579 : i32 to index
      %get3A_2581 = arith.constant 96 : index
      %get3A_2582 = tpu.vector_load %arg14[%get3A_2580, %get3A_2581] {strides = array<i32>} : memref<16x144xf32, #tpu.memory_space<vmem>>, vector<16xf32>,
      %get3A_2583 = arith.constant 1 : i32
      %get3A_2584 = arith.index_cast %get3A_2583 : i32 to index
      %get3A_2585 = arith.constant 96 : index
      %get3A_2586 = tpu.vector_load %arg14[%get3A_2584, %get3A_2585] {strides = array<i32>} : memref<16x144xf32, #tpu.memory_space<vmem>>, vector<16xf32>,
      %add3A_2587 = arith.addf %get3A_2582, %get3A_2586 : vector<16xf32>
      %get3A_2588 = arith.constant 2 : i32
      %get3A_2589 = arith.index_cast %get3A_2588 : i32 to index
      %get3A_2590 = arith.constant 96 : index
      %get3A_2591 = tpu.vector_load %arg14[%get3A_2589, %get3A_2590] {strides = array<i32>} : memref<16x144xf32, #tpu.memory_space<vmem>>, vector<16xf32>,
      %add3A_2592 = arith.addf %add3A_2587, %get3A_2591 : vector<16xf32>
      %get3A_2593 = arith.constant 3 : i32
      %get3A_2594 = arith.index_cast %get3A_2593 : i32 to index
      %get3A_2595 = arith.constant 96 : index
      %get3A_2596 = tpu.vector_load %arg14[%get3A_2594, %get3A_2595] {strides = array<i32>} : memref<16x144xf32, #tpu.memory_space<vmem>>, vector<16xf32>,
      %add3A_2597 = arith.addf %add3A_2592, %get3A_2596 : vector<16xf32>
      %get3A_2598 = arith.constant 4 : i32
      %get3A_2599 = arith.index_cast %get3A_2598 : i32 to index
      %get3A_2600 = arith.constant 96 : index
      %get3A_2601 = tpu.vector_load %arg14[%get3A_2599, %get3A_2600] {strides = array<i32>} : memref<16x144xf32, #tpu.memory_space<vmem>>, vector<16xf32>,
      %add3A_2602 = arith.addf %add3A_2597, %get3A_2601 : vector<16xf32>
      %get3A_2603 = arith.constant 5 : i32
      %get3A_2604 = arith.index_cast %get3A_2603 : i32 to index
      %get3A_2605 = arith.constant 96 : index
      %get3A_2606 = tpu.vector_load %arg14[%get3A_2604, %get3A_2605] {strides = array<i32>} : memref<16x144xf32, #tpu.memory_space<vmem>>, vector<16xf32>,
      %add3A_2607 = arith.addf %add3A_2602, %get3A_2606 : vector<16xf32>
      %get3A_2608 = arith.constant 6 : i32
      %get3A_2609 = arith.index_cast %get3A_2608 : i32 to index
      %get3A_2610 = arith.constant 96 : index
      %get3A_2611 = tpu.vector_load %arg14[%get3A_2609, %get3A_2610] {strides = array<i32>} : memref<16x144xf32, #tpu.memory_space<vmem>>, vector<16xf32>,
      %add3A_2612 = arith.addf %add3A_2607, %get3A_2611 : vector<16xf32>
      %get3A_2613 = arith.constant 7 : i32
      %get3A_2614 = arith.index_cast %get3A_2613 : i32 to index
      %get3A_2615 = arith.constant 96 : index
      %get3A_2616 = tpu.vector_load %arg14[%get3A_2614, %get3A_2615] {strides = array<i32>} : memref<16x144xf32, #tpu.memory_space<vmem>>, vector<16xf32>,
      %add3A_2617 = arith.addf %add3A_2612, %get3A_2616 : vector<16xf32>
      %get3A_2618 = arith.constant 8 : i32
      %get3A_2619 = arith.index_cast %get3A_2618 : i32 to index
      %get3A_2620 = arith.constant 96 : index
      %get3A_2621 = tpu.vector_load %arg14[%get3A_2619, %get3A_2620] {strides = array<i32>} : memref<16x144xf32, #tpu.memory_space<vmem>>, vector<16xf32>,
      %add3A_2622 = arith.addf %add3A_2617, %get3A_2621 : vector<16xf32>
      %get3A_2623 = arith.constant 9 : i32
      %get3A_2624 = arith.index_cast %get3A_2623 : i32 to index
      %get3A_2625 = arith.constant 96 : index
      %get3A_2626 = tpu.vector_load %arg14[%get3A_2624, %get3A_2625] {strides = array<i32>} : memref<16x144xf32, #tpu.memory_space<vmem>>, vector<16xf32>,
      %add3A_2627 = arith.addf %add3A_2622, %get3A_2626 : vector<16xf32>
      %get3A_2628 = arith.constant 10 : i32
      %get3A_2629 = arith.index_cast %get3A_2628 : i32 to index
      %get3A_2630 = arith.constant 96 : index
      %get3A_2631 = tpu.vector_load %arg14[%get3A_2629, %get3A_2630] {strides = array<i32>} : memref<16x144xf32, #tpu.memory_space<vmem>>, vector<16xf32>,
      %add3A_2632 = arith.addf %add3A_2627, %get3A_2631 : vector<16xf32>
      %get3A_2633 = arith.constant 11 : i32
      %get3A_2634 = arith.index_cast %get3A_2633 : i32 to index
      %get3A_2635 = arith.constant 96 : index
      %get3A_2636 = tpu.vector_load %arg14[%get3A_2634, %get3A_2635] {strides = array<i32>} : memref<16x144xf32, #tpu.memory_space<vmem>>, vector<16xf32>,
      %add3A_2637 = arith.addf %add3A_2632, %get3A_2636 : vector<16xf32>
      %get3A_2638 = arith.constant 12 : i32
      %get3A_2639 = arith.index_cast %get3A_2638 : i32 to index
      %get3A_2640 = arith.constant 96 : index
      %get3A_2641 = tpu.vector_load %arg14[%get3A_2639, %get3A_2640] {strides = array<i32>} : memref<16x144xf32, #tpu.memory_space<vmem>>, vector<16xf32>,
      %add3A_2642 = arith.addf %add3A_2637, %get3A_2641 : vector<16xf32>
      %get3A_2643 = arith.constant 13 : i32
      %get3A_2644 = arith.index_cast %get3A_2643 : i32 to index
      %get3A_2645 = arith.constant 96 : index
      %get3A_2646 = tpu.vector_load %arg14[%get3A_2644, %get3A_2645] {strides = array<i32>} : memref<16x144xf32, #tpu.memory_space<vmem>>, vector<16xf32>,
      %add3A_2647 = arith.addf %add3A_2642, %get3A_2646 : vector<16xf32>
      %get3A_2648 = arith.constant 14 : i32
      %get3A_2649 = arith.index_cast %get3A_2648 : i32 to index
      %get3A_2650 = arith.constant 96 : index
      %get3A_2651 = tpu.vector_load %arg14[%get3A_2649, %get3A_2650] {strides = array<i32>} : memref<16x144xf32, #tpu.memory_space<vmem>>, vector<16xf32>,
      %add3A_2652 = arith.addf %add3A_2647, %get3A_2651 : vector<16xf32>
      %get3A_2653 = arith.constant 15 : i32
      %get3A_2654 = arith.index_cast %get3A_2653 : i32 to index
      %get3A_2655 = arith.constant 96 : index
      %get3A_2656 = tpu.vector_load %arg14[%get3A_2654, %get3A_2655] {strides = array<i32>} : memref<16x144xf32, #tpu.memory_space<vmem>>, vector<16xf32>,
      %add3A_2657 = arith.addf %add3A_2652, %get3A_2656 : vector<16xf32>
      %add3A_2658 = arith.constant 96 : i32
      %add3A_2659 = vector.broadcast %add3A_2658 : i32 to vector<16xi32>
      %add3A_2660 = arith.addi %add3A_2659, %iota3A_2085 : vector<16xi32>
      tpu.vector_store_idx %arg15[%add3A_2660, %broadcast_in_dim3A_2087], %add3A_2657 : memref<128x128xf32, #tpu.memory_space<vmem>>[vector<16xi32>, vector<16xi32>], vector<16xf32>,
      %get3A_2661 = arith.constant 0 : i32
      %get3A_2662 = arith.index_cast %get3A_2661 : i32 to index
      %get3A_2663 = arith.constant 112 : index
      %get3A_2664 = tpu.vector_load %arg14[%get3A_2662, %get3A_2663] {strides = array<i32>} : memref<16x144xf32, #tpu.memory_space<vmem>>, vector<16xf32>,
      %get3A_2665 = arith.constant 1 : i32
      %get3A_2666 = arith.index_cast %get3A_2665 : i32 to index
      %get3A_2667 = arith.constant 112 : index
      %get3A_2668 = tpu.vector_load %arg14[%get3A_2666, %get3A_2667] {strides = array<i32>} : memref<16x144xf32, #tpu.memory_space<vmem>>, vector<16xf32>,
      %add3A_2669 = arith.addf %get3A_2664, %get3A_2668 : vector<16xf32>
      %get3A_2670 = arith.constant 2 : i32
      %get3A_2671 = arith.index_cast %get3A_2670 : i32 to index
      %get3A_2672 = arith.constant 112 : index
      %get3A_2673 = tpu.vector_load %arg14[%get3A_2671, %get3A_2672] {strides = array<i32>} : memref<16x144xf32, #tpu.memory_space<vmem>>, vector<16xf32>,
      %add3A_2674 = arith.addf %add3A_2669, %get3A_2673 : vector<16xf32>
      %get3A_2675 = arith.constant 3 : i32
      %get3A_2676 = arith.index_cast %get3A_2675 : i32 to index
      %get3A_2677 = arith.constant 112 : index
      %get3A_2678 = tpu.vector_load %arg14[%get3A_2676, %get3A_2677] {strides = array<i32>} : memref<16x144xf32, #tpu.memory_space<vmem>>, vector<16xf32>,
      %add3A_2679 = arith.addf %add3A_2674, %get3A_2678 : vector<16xf32>
      %get3A_2680 = arith.constant 4 : i32
      %get3A_2681 = arith.index_cast %get3A_2680 : i32 to index
      %get3A_2682 = arith.constant 112 : index
      %get3A_2683 = tpu.vector_load %arg14[%get3A_2681, %get3A_2682] {strides = array<i32>} : memref<16x144xf32, #tpu.memory_space<vmem>>, vector<16xf32>,
      %add3A_2684 = arith.addf %add3A_2679, %get3A_2683 : vector<16xf32>
      %get3A_2685 = arith.constant 5 : i32
      %get3A_2686 = arith.index_cast %get3A_2685 : i32 to index
      %get3A_2687 = arith.constant 112 : index
      %get3A_2688 = tpu.vector_load %arg14[%get3A_2686, %get3A_2687] {strides = array<i32>} : memref<16x144xf32, #tpu.memory_space<vmem>>, vector<16xf32>,
      %add3A_2689 = arith.addf %add3A_2684, %get3A_2688 : vector<16xf32>
      %get3A_2690 = arith.constant 6 : i32
      %get3A_2691 = arith.index_cast %get3A_2690 : i32 to index
      %get3A_2692 = arith.constant 112 : index
      %get3A_2693 = tpu.vector_load %arg14[%get3A_2691, %get3A_2692] {strides = array<i32>} : memref<16x144xf32, #tpu.memory_space<vmem>>, vector<16xf32>,
      %add3A_2694 = arith.addf %add3A_2689, %get3A_2693 : vector<16xf32>
      %get3A_2695 = arith.constant 7 : i32
      %get3A_2696 = arith.index_cast %get3A_2695 : i32 to index
      %get3A_2697 = arith.constant 112 : index
      %get3A_2698 = tpu.vector_load %arg14[%get3A_2696, %get3A_2697] {strides = array<i32>} : memref<16x144xf32, #tpu.memory_space<vmem>>, vector<16xf32>,
      %add3A_2699 = arith.addf %add3A_2694, %get3A_2698 : vector<16xf32>
      %get3A_2700 = arith.constant 8 : i32
      %get3A_2701 = arith.index_cast %get3A_2700 : i32 to index
      %get3A_2702 = arith.constant 112 : index
      %get3A_2703 = tpu.vector_load %arg14[%get3A_2701, %get3A_2702] {strides = array<i32>} : memref<16x144xf32, #tpu.memory_space<vmem>>, vector<16xf32>,
      %add3A_2704 = arith.addf %add3A_2699, %get3A_2703 : vector<16xf32>
      %get3A_2705 = arith.constant 9 : i32
      %get3A_2706 = arith.index_cast %get3A_2705 : i32 to index
      %get3A_2707 = arith.constant 112 : index
      %get3A_2708 = tpu.vector_load %arg14[%get3A_2706, %get3A_2707] {strides = array<i32>} : memref<16x144xf32, #tpu.memory_space<vmem>>, vector<16xf32>,
      %add3A_2709 = arith.addf %add3A_2704, %get3A_2708 : vector<16xf32>
      %get3A_2710 = arith.constant 10 : i32
      %get3A_2711 = arith.index_cast %get3A_2710 : i32 to index
      %get3A_2712 = arith.constant 112 : index
      %get3A_2713 = tpu.vector_load %arg14[%get3A_2711, %get3A_2712] {strides = array<i32>} : memref<16x144xf32, #tpu.memory_space<vmem>>, vector<16xf32>,
      %add3A_2714 = arith.addf %add3A_2709, %get3A_2713 : vector<16xf32>
      %get3A_2715 = arith.constant 11 : i32
      %get3A_2716 = arith.index_cast %get3A_2715 : i32 to index
      %get3A_2717 = arith.constant 112 : index
      %get3A_2718 = tpu.vector_load %arg14[%get3A_2716, %get3A_2717] {strides = array<i32>} : memref<16x144xf32, #tpu.memory_space<vmem>>, vector<16xf32>,
      %add3A_2719 = arith.addf %add3A_2714, %get3A_2718 : vector<16xf32>
      %get3A_2720 = arith.constant 12 : i32
      %get3A_2721 = arith.index_cast %get3A_2720 : i32 to index
      %get3A_2722 = arith.constant 112 : index
      %get3A_2723 = tpu.vector_load %arg14[%get3A_2721, %get3A_2722] {strides = array<i32>} : memref<16x144xf32, #tpu.memory_space<vmem>>, vector<16xf32>,
      %add3A_2724 = arith.addf %add3A_2719, %get3A_2723 : vector<16xf32>
      %get3A_2725 = arith.constant 13 : i32
      %get3A_2726 = arith.index_cast %get3A_2725 : i32 to index
      %get3A_2727 = arith.constant 112 : index
      %get3A_2728 = tpu.vector_load %arg14[%get3A_2726, %get3A_2727] {strides = array<i32>} : memref<16x144xf32, #tpu.memory_space<vmem>>, vector<16xf32>,
      %add3A_2729 = arith.addf %add3A_2724, %get3A_2728 : vector<16xf32>
      %get3A_2730 = arith.constant 14 : i32
      %get3A_2731 = arith.index_cast %get3A_2730 : i32 to index
      %get3A_2732 = arith.constant 112 : index
      %get3A_2733 = tpu.vector_load %arg14[%get3A_2731, %get3A_2732] {strides = array<i32>} : memref<16x144xf32, #tpu.memory_space<vmem>>, vector<16xf32>,
      %add3A_2734 = arith.addf %add3A_2729, %get3A_2733 : vector<16xf32>
      %get3A_2735 = arith.constant 15 : i32
      %get3A_2736 = arith.index_cast %get3A_2735 : i32 to index
      %get3A_2737 = arith.constant 112 : index
      %get3A_2738 = tpu.vector_load %arg14[%get3A_2736, %get3A_2737] {strides = array<i32>} : memref<16x144xf32, #tpu.memory_space<vmem>>, vector<16xf32>,
      %add3A_2739 = arith.addf %add3A_2734, %get3A_2738 : vector<16xf32>
      %add3A_2740 = arith.constant 112 : i32
      %add3A_2741 = vector.broadcast %add3A_2740 : i32 to vector<16xi32>
      %add3A_2742 = arith.addi %add3A_2741, %iota3A_2085 : vector<16xi32>
      tpu.vector_store_idx %arg15[%add3A_2742, %broadcast_in_dim3A_2087], %add3A_2739 : memref<128x128xf32, #tpu.memory_space<vmem>>[vector<16xi32>, vector<16xi32>], vector<16xf32>,
      "tpu.region"() ({
        %run_scoped3A = tpu.sem_alloc : memref<!tpu.dma_semaphore, #tpu.memory_space<semaphore_mem>>
        %dma_start3A_2743 = arith.constant 0 : i32
        %dma_start3A_2744 = arith.constant 0 : i32
        %dma_start3A_2745 = tpu.memref_slice %arg5[%arg0, %dma_start3A_2743, %dma_start3A_2744] : memref<2x128x128xf32, #tpu.memory_space<hbm>> -> memref<1x128x128xf32, #tpu.memory_space<hbm>>
        %dma_start3A_2746 = tpu.memref_squeeze %dma_start3A_2745 : memref<1x128x128xf32, #tpu.memory_space<hbm>> -> memref<128x128xf32, #tpu.memory_space<hbm>>
        %dma_start3A_2747 = arith.constant 0 : i32
        %dma_start3A_2748 = arith.constant 0 : i32
        %dma_start3A_2749 = tpu.memref_slice %arg5[%arg0, %dma_start3A_2747, %dma_start3A_2748] : memref<2x128x128xf32, #tpu.memory_space<hbm>> -> memref<1x128x128xf32, #tpu.memory_space<hbm>>
        %dma_start3A_2750 = tpu.memref_squeeze %dma_start3A_2749 : memref<1x128x128xf32, #tpu.memory_space<hbm>> -> memref<128x128xf32, #tpu.memory_space<hbm>>
        tpu.enqueue_dma source(%arg15 : memref<128x128xf32, #tpu.memory_space<vmem>>) target(%dma_start3A_2750 : memref<128x128xf32, #tpu.memory_space<hbm>>) target_semaphore(%run_scoped3A : memref<!tpu.dma_semaphore, #tpu.memory_space<semaphore_mem>>)
        %dma_wait3A_2751 = arith.constant 0 : i32
        %dma_wait3A_2752 = arith.constant 0 : i32
        %dma_wait3A_2753 = tpu.memref_slice %arg5[%arg0, %dma_wait3A_2751, %dma_wait3A_2752] : memref<2x128x128xf32, #tpu.memory_space<hbm>> -> memref<1x128x128xf32, #tpu.memory_space<hbm>>
        %dma_wait3A_2754 = tpu.memref_squeeze %dma_wait3A_2753 : memref<1x128x128xf32, #tpu.memory_space<hbm>> -> memref<128x128xf32, #tpu.memory_space<hbm>>
        %dma_wait3A_2755 = arith.constant 0 : i32
        %dma_wait3A_2756 = arith.constant 0 : i32
        %dma_wait3A_2757 = tpu.memref_slice %arg5[%arg0, %dma_wait3A_2755, %dma_wait3A_2756] : memref<2x128x128xf32, #tpu.memory_space<hbm>> -> memref<1x128x128xf32, #tpu.memory_space<hbm>>
        %dma_wait3A_2758 = tpu.memref_squeeze %dma_wait3A_2757 : memref<1x128x128xf32, #tpu.memory_space<hbm>> -> memref<128x128xf32, #tpu.memory_space<hbm>>
        tpu.wait_dma2 semaphore(%run_scoped3A : memref<!tpu.dma_semaphore, #tpu.memory_space<semaphore_mem>>) src(%arg15 : memref<128x128xf32, #tpu.memory_space<vmem>>) dst(%dma_wait3A_2758 : memref<128x128xf32, #tpu.memory_space<hbm>>)
        tpu.yield
      }) : () -> ()
    } else {
    }
    return
  }
}

</mosaic_0001>

<sc_bundles>
// kernel: _sc_pool.3.cloned.1.call-start
scs
__scs_entry_jumppad:
0x0: {  	(pc) =	sbr.rel $0x88, $3  }
0x1: {  	(tag) =	ssettag $0x0;
	lr =	simm.s32 $0x1  }
0x2: {  	[smem:$0x3F9F] =	sst lr;
	_ =	strace $0xD0000000  }
0x3: {  	_ = 	snop  }
0x4: {  	_ = 	snop  }
0x5: {  	_ = 	snop  }
0x6: {  	_ = 	snop  }
0x7: {  	_ = 	snop  }
__scs_overlays_trampoline_lowered:
0x8: {  	[smem:$0x3FAE] =	sst s0  }
0x9: {  	[smem:$0x3FAF] =	sst s1  }
0xa: {  	[smem:$0x3FB0] =	sst s2  }
0xb: {  	[smem:$0x3FB1] =	sst s3  }
0xc: {  	[smem:$0x3FB2] =	sst s4  }
0xd: {  	[smem:$0x3FB3] =	sst s5  }
0xe: {  	[smem:$0x3FB4] =	sst s6  }
0xf: {  	[smem:$0x3FB5] =	sst s7  }
0x10: {  	[smem:$0x3FB6] =	sst s8  }
0x11: {  	[smem:$0x3FB7] =	sst s9;
	s0 =	simm.s32 @!p0 $0x0  }
0x12: {  	s1 =	sld [smem:$0x3F9D];
	s0 =	simm.s32 @p0 $0x1  }
0x13: {  	[smem:$0x3FB8] =	sst s0;
	s0 =	simm.s32 @!p1 $0x0  }
0x14: {  	s2 =	sld [smem:$0x3F9C];
	s0 =	simm.s32 @p1 $0x1  }
0x15: {  	[smem:$0x3FB9] =	sst s0;
	s0 =	simm.s32 @!p2 $0x0  }
0x16: {  	s3 =	sld [smem:$0x3FDB];
	s0 =	simm.s32 @p2 $0x1  }
0x17: {  	s4 =	simm.s32 $0x1BF5;
	[smem:$0x3FBB] =	sst s0  }
0x18: {  	s0 =	sld [smem:$0x3F9E];
	_ =	swait.ge [sflag:s4], $0x0  }
0x19: {  	s7 =	sld [smem:$0x3F9F]  }
0x1a: {  	s8 =	sadd.s32 $0xFFFFE003, lr  }
0x1b: {  	s9 =	sadd.s32 $0xFFFFFEF7, lr;
	s5 =	simm.s32 $0xFFFFFFFF;
	p2 =	slt.u32 s8, $0xFFFFF086  }
0x1c: {  	p1 =	slt.u32 s9, $0xF7A;
	s5 =	simm.s32 @!p2 $0x0  }
0x1d: {  	s5 =	simm.s32 @p1 $0x1;
	p0 =	seq.s32 s7, s2  }
0x1e: {  	s7 =	smul.u32 @!p0 $0xF7A, s2;
	p2 =	seq.s32 @!p0 s5, $0x0  }
0x1f: {  	s9 =	smul.u32 $0xF7A, s1;
	s8 =	simm.s32 @!p0 $0x1BF5;
	p2 =	por !p2, p0  }
0x20: {  	[sflag:s8] =	ssyncset.s32 @!p0 $0xFFFFF086;
	s6 =	sadd.s32 @!p0 s3, s7;
	s7 =	simm.s32 @!p0 $0x108  }
0x21: {  	s3 =	sadd.s32 s3, s9;
	s6 =	sadd.s32 @!p0 $0x88, s6;
	s7 =	simm.s32 @p2 $0x1082  }
0x22: {  	[simem:s7], [sflag:s8] =	dma.local @!p0 [hbm:s6], $0xF7A  }
0x23: {  	s9 =	sor.u32 $0xD0000000, s2;
	s6 =	simm.s32 $0x108;
	_ =	swait.ge @!p0 [sflag:s8], $0x0  }
0x24: {  	s3 =	sadd.s32 $0x88, s3;
	s6 =	simm.s32 @!p1 $0x1082;
	[sflag:s4] =	ssyncset.s32 $0xFFFFF086  }
0x25: {  	[simem:s6], [sflag:s4] =	dma.local [hbm:s3], $0xF7A  }
0x26: {  	[smem:$0x3F9F] =	sst s1;
	(tag) =	ssettag s2;
	_ =	strace s9  }
0x27: {  	s1 =	sld [smem:$0x3FAF]  }
0x28: {  	s2 =	sld [smem:$0x3FB0]  }
0x29: {  	s4 =	sld [smem:$0x3FB2]  }
0x2a: {  	p0 =	seq.s32 s5, $0x0;
	s5 =	sld [smem:$0x3FB3]  }
0x2b: {  	s6 =	sld [smem:$0x3FB4]  }
0x2c: {  	s7 =	sld [smem:$0x3FB5]  }
0x2d: {  	s3 =	simm.s32 $0x108;
	s8 =	sld [smem:$0x3FB6]  }
0x2e: {  	s3 =	simm.s32 @!p0 $0x1082;
	s9 =	sld [smem:$0x3FB7]  }
0x2f: {  	lr =	sadd.s32 s0, s3;
	s0 =	sld [smem:$0x3FAE]  }
0x30: {  	s3 =	sld [smem:$0x3FB1]  }
0x31: {  	[smem:$0x3FBA] =	sst s10  }
0x32: {  	s10 =	sld [smem:$0x3FB8];
	_ =	sdelay $0x3  }
0x33: {  	p0 =	seq.s32 s10, $0x1;
	s10 =	sld [smem:$0x3FBA];
	_ =	sdelay $0x3  }
0x34: {  	[smem:$0x3FBA] =	sst s10  }
0x35: {  	s10 =	sld [smem:$0x3FB9];
	_ =	sdelay $0x3  }
0x36: {  	p1 =	seq.s32 s10, $0x1;
	s10 =	sld [smem:$0x3FBA];
	_ =	sdelay $0x3  }
0x37: {  	[smem:$0x3FBA] =	sst s10  }
0x38: {  	s10 =	sld [smem:$0x3FBB]  }
0x39: {  	_ = 	snop;
	(pc) =	sbr.ind lr, $3  }
0x3a: {  	_ = 	snop  }
0x3b: {  	_ = 	snop  }
0x3c: {  	p2 =	seq.s32 s10, $0x1;
	s10 =	sld [smem:$0x3FBA]  }
0x3d: {  	_ =	shalt  }
0x3e: {  	_ =	shalt  }
0x3f: {  	_ =	shalt  }
0x40: {  	_ =	shalt  }
0x41: {  	_ =	shalt  }
0x42: {  	_ =	shalt  }
0x43: {  	_ =	shalt  }
0x44: {  	_ =	shalt  }
0x45: {  	_ =	shalt  }
0x46: {  	_ =	shalt  }
0x47: {  	_ =	shalt  }
0x48: {  	_ =	shalt  }
0x49: {  	_ =	shalt  }
0x4a: {  	_ =	shalt  }
0x4b: {  	_ =	shalt  }
0x4c: {  	_ =	shalt  }
0x4d: {  	_ =	shalt  }
0x4e: {  	_ =	shalt  }
0x4f: {  	_ =	shalt  }
0x50: {  	_ =	shalt  }
0x51: {  	_ =	shalt  }
0x52: {  	_ =	shalt  }
0x53: {  	_ =	shalt  }
0x54: {  	_ =	shalt  }
0x55: {  	_ =	shalt  }
0x56: {  	_ =	shalt  }
0x57: {  	_ =	shalt  }
0x58: {  	_ =	shalt  }
0x59: {  	_ =	shalt  }
0x5a: {  	_ =	shalt  }
0x5b: {  	_ =	shalt  }
0x5c: {  	_ =	shalt  }
0x5d: {  	_ =	shalt  }
0x5e: {  	_ =	shalt  }
0x5f: {  	_ =	shalt  }
0x60: {  	_ =	shalt  }
0x61: {  	_ =	shalt  }
0x62: {  	_ =	shalt  }
0x63: {  	_ =	shalt  }
0x64: {  	_ =	shalt  }
0x65: {  	_ =	shalt  }
0x66: {  	_ =	shalt  }
0x67: {  	_ =	shalt  }
0x68: {  	_ =	shalt  }
0x69: {  	_ =	shalt  }
0x6a: {  	_ =	shalt  }
0x6b: {  	_ =	shalt  }
0x6c: {  	_ =	shalt  }
0x6d: {  	_ =	shalt  }
0x6e: {  	_ =	shalt  }
0x6f: {  	_ =	shalt  }
0x70: {  	_ =	shalt  }
0x71: {  	_ =	shalt  }
0x72: {  	_ =	shalt  }
0x73: {  	_ =	shalt  }
0x74: {  	_ =	shalt  }
0x75: {  	_ =	shalt  }
0x76: {  	_ =	shalt  }
0x77: {  	_ =	shalt  }
0x78: {  	_ =	shalt  }
0x79: {  	_ =	shalt  }
0x7a: {  	_ =	shalt  }
0x7b: {  	_ =	shalt  }
0x7c: {  	_ =	shalt  }
0x7d: {  	_ =	shalt  }
0x7e: {  	_ =	shalt  }
0x7f: {  	_ =	shalt  }
0x80: {  	_ =	shalt  }
0x81: {  	_ =	shalt  }
0x82: {  	_ =	shalt  }
0x83: {  	_ =	shalt  }
0x84: {  	_ =	shalt  }
0x85: {  	_ =	shalt  }
0x86: {  	_ =	shalt  }
0x87: {  	_ =	shalt  }
.Lfunc_end0:
.L_simem_size_0:
called_computation_lowered:
.L_overlay_start_0:
0x88: {  	s2 =	sld [smem:$0x3FD9]  }
0x89: {  	s3 =	sld [smem:$0x3FFE];
	_ =	sdelay $0x1  }
0x8a: {  	s1 =	srdreg.scid  }
0x8b: {  	s0 =	sand.u32 $0x1, s1  }
0x8c: {  	s15 =	sshll.u32 s0, $0xA;
	s2 =	sadd.s32 s3, s2  }
0x8d: {  	s2 =	sadd.s32 s2, s15  }
0x8e: {  	[smem:$0x3FC6] =	sst s2  }
0x8f: {  	_ = 	snop  }
0x90: {  	s2 =	sld [smem:$0x3FD0];
	_ =	sdelay $0x1  }
0x91: {  	s16 =	sld [smem:$0x3FC9]  }
0x92: {  	s5 =	simm.s32 $0xA;
	s6 =	simm.s32 $0x10;
	s4 =	sld [smem:$0x3FC8]  }
0x93: {  	[smem:s6], [sflag:s5] =	dma.local [hbm:s2], $0x1  }
0x94: {  	_ =	swait.eq [sflag:s5], $0x1  }
0x95: {  	[sflag:s5] =	ssyncset.done $0x0  }
0x96: {  	s17 =	sld [smem:$0x10];
	[sflag:s5] =	ssyncadd.s32 $0xFFFFFFFF  }
0x97: {  	s18 =	sld [smem:$0x11];
	(tm) =	ssettm $0x1  }
0x98: {  	s19 =	sld [smem:$0x3FFB];
	_ =	sdelay $0x3  }
0x99: {  	_ =	strace s19  }
0x9a: {  	s6 =	sld [smem:$0x3FFC];
	_ =	sdelay $0x3  }
0x9b: {  	_ =	strace s6  }
0x9c: {  	s6 =	sld [smem:$0x3FFD];
	_ =	sdelay $0x3  }
0x9d: {  	_ =	strace s6  }
0x9e: {  	_ =	strace $0x8FFFFFFF  }
0x9f: {  	s20 =	sld [smem:$0x3FDB];
	_ =	sdelay $0x1  }
0xa0: {  	s7 =	simm.s32 $_scs_section_size  }
0xa1: {  	s8 =	simm.s32 $_size__tile_overlayer_lowered;
	s9 =	simm.s32 $_tile_overlayer_lowered  }
0xa2: {  	s23 =	simm.s32 $0x1BFF;
	s22 =	sshll.u32 s9, $0x1;
	s6 =	sadd.s32 s7, s20  }
0xa3: {  	s10 =	simm.s32 $0x0;
	s21 =	sshll.u32 s8, $0x1;
	s8 =	sadd.s32 s22, s6  }
0xa4: {  	[timem:s10], [sflag:s23] =	dma.local [hbm:s8], s21  }
0xa5: {  	_ =	swait.ge [sflag:s23], s21  }
0xa6: {  	s7 =	ssub.s32 $0x0, s21;
	[sflag:s23] =	ssyncset.done $0x0  }
0xa7: {  	[sflag:s23] =	ssyncadd.s32 s7;
	_ =	sdelay $0x1  }
0xa8: {  	s24 =	simm.s32 $0x1B8B  }
0xa9: {  	_ =	swait.ge [sflag:s24], $0x1  }
0xaa: {  	[sflag:s24] =	ssyncset.done $0x0  }
0xab: {  	s25 =	simm.s32 $0x1B8E;
	[sflag:s24] =	ssyncadd.s32 $0xFFFFFFFF  }
0xac: {  	s26 =	simm.s32 $execute0_lowered;
	[smem:$0x3FD2] =	sst s25  }
0xad: {  	s7 =	sshll.u32 s26, $0x1;
	_ =	strace $0x80000046;
	[dreg:$0x1] =	wrdreg $0xFFFFFFFF  }
0xae: {  	s28 =	simm.s32 $_size_execute0_lowered;
	s6 =	sadd.s32 s6, s7;
	[dreg:$0x0] =	wrdreg $0x0  }
0xaf: {  	s7 =	sshll.u32 s28, $0x1;
	[dreg:$0x2] =	wrdreg s6  }
0xb0: {  	[dreg:$0x3] =	wrdreg s7  }
0xb1: {  	[dreg:$0x4] =	wrdreg $0xC0  }
0xb2: {  	_ =	task [dreg:s10], $0x5FFFF  }
0xb3: {  	[dreg:$0x1] =	wrdreg $0xFFFFFFFF  }
0xb4: {  	[dreg:$0x0] =	wrdreg $0x60  }
0xb5: {  	[dreg:$0x2] =	wrdreg s16  }
0xb6: {  	[dreg:$0x3] =	wrdreg s4  }
0xb7: {  	[dreg:$0x4] =	wrdreg s17  }
0xb8: {  	[dreg:$0x5] =	wrdreg s18  }
0xb9: {  	[dreg:$0x6] =	wrdreg $0x191D80  }
0xba: {  	[dreg:$0x7] =	wrdreg $0x196580  }
0xbb: {  	[dreg:$0x8] =	wrdreg $0x9  }
0xbc: {  	_ =	task.clear_ibuf [dreg:s10], $0x9FFFF;
	_ =	strace $0x90000046  }
0xbd: {  	s29 =	simm.s32 $0x9;
	_ =	strace $0x80000048  }
0xbe: {  	_ =	swait.ge [sflag:s29], $0x1  }
0xbf: {  	[sflag:s29] =	ssyncadd.s32 $0xFFFFFFFF  }
0xc0: {  	_ =	strace $0x90000048  }
0xc1: {  	_ =	sfence  }
0xc2: {  	s30 =	sld [smem:$0x0];
	_ =	sdelay $0x2  }
0xc3: {  	s31 =	sshll.u32 s1, $0xD;
	s1 =	sshrl.u32 s1, $0x2  }
0xc4: {  	s3 =	sand.u32 $0x4000, s31;
	s1 =	sadd.s32 s1, s30  }
0xc5: {  	s0 =	sor.u32 s3, s0;
	s1 =	sshll.u32 s1, $0x11  }
0xc6: {  	s0 =	sor.u32 s1, s0  }
0xc7: {  	s0 =	sadd.s32 $0x8F2B, s0  }
0xc8: {  	[sflag:s0] =	ssyncadd.remote.s32 $0x1  }
0xc9: {  	_ =	sfence.sel $0xFFFF  }
0xca: {  	[dreg:$0x0] =	wrdreg $0xFFFFFFFF;
	(pc) =	sbr.abs _section_cstart, $3  }
0xcb: {  	[dreg:$0x1] =	wrdreg $0xFFFFFFFF  }
0xcc: {  	_ =	task.clear_ibuf [dreg:s10], $0x2FFFF;
	_ =	strace $0x9FFFFFFF  }
0xcd: {  	(tm) =	ssettm $0x7FFFFFFF  }
tec
execute0_lowered:
.L_overlay_start_1:
0x0: {  	(tag) =	ssettag $0x1  }
0x1: {  	s0 =	srdreg.scid;
	s1 =	stileid.u32  }
0x2: {  	s2 =	sand.u32 $0x1, s0;
	s10 =	sshll.u32 s1, $0x1  }
0x3: {  	s4 =	sor.u32 s2, s10  }
0x4: {  	s0 =	smul.u32 $0x271, s4  }
0x5: {  	v36 =	vlaneseq.u32  }
0x6: {  	v2 =	vimm.f32 $0.0e+00;
	s7 =	sadd.s32 $0x271, s0;
	v58 =	vadd.s32 s0, v36;
	s3 =	sadd.s32 $0x10, s0;
	s11 =	sadd.s32 $0x20, s0  }
0x7: {  	s12 =	sadd.s32 $0x30, s0;
	s13 =	sadd.s32 $0x40, s0;
	s14 =	sadd.s32 $0x50, s0;
	vm0 =	vlt.u32 v58, s7;
	v57 =	vadd.s32 s3, v36;
	v56 =	vadd.s32 s11, v36  }
0x8: {  	s15 =	sadd.s32 $0x60, s0;
	s16 =	sadd.s32 $0x70, s0;
	s5 =	sadd.s32 $0x80, s0;
	v55 =	vadd.s32 s12, v36;
	v54 =	vadd.s32 s13, v36;
	v53 =	vadd.s32 s14, v36  }
0x9: {  	s17 =	sadd.s32 $0x90, s0;
	s18 =	sadd.s32 $0xA0, s0;
	s19 =	sadd.s32 $0xB0, s0;
	v52 =	vadd.s32 s15, v36;
	v7 =	vadd.s32 s16, v36;
	v60 =	vadd.s32 s5, v36  }
0xa: {  	s20 =	sadd.s32 $0xC0, s0;
	s21 =	sadd.s32 $0xD0, s0;
	s22 =	sadd.s32 $0xE0, s0;
	v51 =	vadd.s32 s17, v36;
	v8 =	vadd.s32 s18, v36;
	v10 =	vadd.s32 s19, v36  }
0xb: {  	s8 =	sadd.s32 $0x100, s0;
	s23 =	sadd.s32 $0xF0, s0;
	s24 =	sadd.s32 $0x110, s0;
	v11 =	vadd.s32 s20, v36;
	v12 =	vadd.s32 s21, v36;
	v13 =	vadd.s32 s22, v36  }
0xc: {  	s25 =	sadd.s32 $0x120, s0;
	s26 =	sadd.s32 $0x130, s0;
	v14 =	vadd.s32 s23, v36;
	v59 =	vadd.s32 s8, v36;
	v15 =	vadd.s32 s24, v36  }
0xd: {  	v16 =	vadd.s32 s25, v36;
	v17 =	vadd.s32 s26, v36;
	v0 =	vsel vm0, $0x3F800000, v2  }
0xe: {  	vm0 =	vge.u32 v57, s0;
	vm1 =	vlt.u32 v57, s7;
	vm2 =	vge.u32 v56, s0  }
0xf: {  	vm3 =	vlt.u32 v56, s7;
	[tilespmem:$0x1F8B0] =	vst v0;
	vm0 =	vmand vm0, vm1;
	v0 =	vimm.s32 $0x0  }
0x10: {  	vm6 =	vmand vm2, vm3;
	vm1 =	vlt.u32 v55, s7;
	vm2 =	vge.u32 v53, s0  }
0x11: {  	vm3 =	vlt.u32 v53, s7;
	v0 =	vsel vm0, $0xFFFFFFFF, v0;
	vm0 =	vge.u32 v55, s0  }
0x12: {  	vm7 =	vmand vm0, vm1;
	vm0 =	vge.u32 v54, s0;
	vm1 =	vlt.u32 v54, s7  }
0x13: {  	vm8 =	vmand vm0, vm1;
	vm0 =	vge.u32 v52, s0;
	vm1 =	vlt.u32 v52, s7  }
0x14: {  	vm10 =	vmand vm0, vm1;
	vm0 =	vge.u32 v7, s0;
	vm1 =	vlt.u32 v7, s7  }
0x15: {  	vm9 =	vmand vm2, vm3;
	vm11 =	vmand vm0, vm1;
	vm0 =	vlt.u32 v60, s7  }
0x16: {  	vm2 =	vlt.u32 v51, s7;
	vm1 =	vge.u32 v51, s5;
	v61 =	vsel vm0, $0x3F800000, v2  }
0x17: {  	vm12 =	vmand vm1, vm2;
	vm0 =	vge.u32 v8, s5;
	vm1 =	vlt.u32 v8, s7  }
0x18: {  	vm13 =	vmand vm0, vm1;
	vm0 =	vge.u32 v10, s5;
	vm1 =	vlt.u32 v10, s7  }
0x19: {  	s6 =	sadd.s32 $0x140, s0;
	vm14 =	vmand vm0, vm1;
	vm0 =	vge.u32 v12, s5;
	vm1 =	vlt.u32 v12, s7  }
0x1a: {  	v18 =	vadd.s32 s6, v36;
	[tilespmem:$0x1F7E0] =	vst v0;
	v0 =	vimm.s32 $0x0;
	vm0 =	vmand vm0, vm1  }
0x1b: {  	vm1 =	vlt.u32 v13, s7;
	v0 =	vsel vm0, $0xFFFFFFFF, v0;
	vm0 =	vge.u32 v13, s5  }
0x1c: {  	vm3 =	vlt.u32 v11, s7;
	[tilespmem:$0x1FCB0] =	vst v0;
	vm0 =	vmand vm0, vm1;
	v0 =	vimm.s32 $0x0  }
0x1d: {  	vm1 =	vlt.u32 v14, s7;
	v0 =	vsel vm0, $0xFFFFFFFF, v0;
	vm0 =	vge.u32 v14, s5  }
0x1e: {  	vm2 =	vge.u32 v11, s5;
	[tilespmem:$0x1FCD0] =	vst v0;
	vm0 =	vmand vm0, vm1;
	v0 =	vimm.s32 $0x0  }
0x1f: {  	vm15 =	vmand vm2, vm3;
	vm2 =	vlt.u32 v59, s7;
	v0 =	vsel vm0, $0xFFFFFFFF, v0  }
0x20: {  	s9 =	sadd.s32 $0x150, s0;
	vm1 =	vlt.u32 v15, s7;
	vm0 =	vge.u32 v15, s8;
	[tilespmem:$0x1FCF0] =	vst v0;
	v0 =	vsel vm2, $0x3F800000, v2  }
0x21: {  	v19 =	vadd.s32 s9, v36;
	vm0 =	vmand vm0, vm1;
	[tilespmem:$0x1F910] =	vst v0;
	v0 =	vimm.s32 $0x0  }
0x22: {  	s10 =	sadd.s32 $0x160, s0;
	vm1 =	vlt.u32 v16, s7;
	v0 =	vsel vm0, $0xFFFFFFFF, v0;
	vm0 =	vge.u32 v16, s8  }
0x23: {  	v20 =	vadd.s32 s10, v36;
	[tilespmem:$0x1FD10] =	vst v0;
	vm0 =	vmand vm0, vm1;
	v0 =	vimm.s32 $0x0  }
0x24: {  	vm3 =	vlt.u32 v17, s7;
	vm2 =	vge.u32 v17, s8;
	v0 =	vsel vm0, $0xFFFFFFFF, v0  }
0x25: {  	v38 =	vshrl.u32 v58, $0x1;
	vm0 =	vmand vm2, vm3;
	[tilespmem:$0x1FD30] =	vst v0;
	v0 =	vimm.s32 $0x0  }
0x26: {  	vm1 =	vlt.u32 v18, s7;
	v0 =	vsel vm0, $0xFFFFFFFF, v0;
	vm0 =	vge.u32 v18, s8  }
0x27: {  	v39 =	vand.u32 $0x7, v58;
	[tilespmem:$0x1FD50] =	vst v0;
	vm0 =	vmand vm0, vm1;
	v0 =	vimm.s32 $0x0  }
0x28: {  	s11 =	sadd.s32 $0x170, s0;
	vm1 =	vlt.u32 v19, s7;
	v0 =	vsel vm0, $0xFFFFFFFF, v0;
	vm0 =	vge.u32 v19, s8  }
0x29: {  	v21 =	vadd.s32 s11, v36;
	[tilespmem:$0x1FD70] =	vst v0;
	vm0 =	vmand vm0, vm1;
	v0 =	vimm.s32 $0x0  }
0x2a: {  	s9 =	sadd.s32 $0x180, s0;
	vm2 =	vge.u32 v20, s8;
	vm3 =	vlt.u32 v20, s7;
	v0 =	vsel vm0, $0xFFFFFFFF, v0  }
0x2b: {  	v9 =	vadd.s32 s9, v36;
	vm0 =	vmand vm2, vm3;
	[tilespmem:$0x1FD90] =	vst v0;
	v0 =	vimm.s32 $0x0  }
0x2c: {  	s12 =	sadd.s32 $0x190, s0;
	vm1 =	vlt.u32 v21, s7;
	v0 =	vsel vm0, $0xFFFFFFFF, v0;
	vm0 =	vge.u32 v21, s8  }
0x2d: {  	s13 =	sadd.s32 $0x1A0, s0;
	v22 =	vadd.s32 s12, v36;
	[tilespmem:$0x1FDB0] =	vst v0;
	vm0 =	vmand vm0, vm1;
	v0 =	vimm.s32 $0x0  }
0x2e: {  	v23 =	vadd.s32 s13, v36;
	v0 =	vsel vm0, $0xFFFFFFFF, v0;
	vm0 =	vlt.u32 v9, s7  }
0x2f: {  	s14 =	sadd.s32 $0x1B0, s0;
	vm1 =	vlt.u32 v22, s7;
	v62 =	vsel vm0, $0x3F800000, v2;
	vm0 =	vge.u32 v22, s9  }
0x30: {  	v25 =	vadd.s32 s14, v36;
	[tilespmem:$0x1FDD0] =	vst v0;
	v0 =	vimm.s32 $0x0;
	vm0 =	vmand vm0, vm1  }
0x31: {  	s15 =	sadd.s32 $0x1C0, s0;
	vm2 =	vge.u32 v23, s9;
	vm3 =	vlt.u32 v23, s7;
	v0 =	vsel vm0, $0xFFFFFFFF, v0  }
0x32: {  	v24 =	vadd.s32 s15, v36;
	vm0 =	vmand vm2, vm3;
	[tilespmem:$0x1FDF0] =	vst v0;
	v0 =	vimm.s32 $0x0  }
0x33: {  	s16 =	sadd.s32 $0x1D0, s0;
	vm1 =	vlt.u32 v25, s7;
	v0 =	vsel vm0, $0xFFFFFFFF, v0;
	vm0 =	vge.u32 v25, s9  }
0x34: {  	v26 =	vadd.s32 s16, v36;
	[tilespmem:$0x1FE10] =	vst v0;
	vm0 =	vmand vm0, vm1;
	v0 =	vimm.s32 $0x0  }
0x35: {  	s17 =	sadd.s32 $0x1E0, s0;
	vm1 =	vlt.u32 v24, s7;
	v0 =	vsel vm0, $0xFFFFFFFF, v0;
	vm0 =	vge.u32 v24, s9  }
0x36: {  	v29 =	vadd.s32 s17, v36;
	[tilespmem:$0x1FE30] =	vst v0;
	vm0 =	vmand vm0, vm1;
	v0 =	vimm.s32 $0x0  }
0x37: {  	s18 =	sadd.s32 $0x1F0, s0;
	vm2 =	vge.u32 v26, s9;
	vm3 =	vlt.u32 v26, s7;
	v0 =	vsel vm0, $0xFFFFFFFF, v0  }
0x38: {  	v27 =	vadd.s32 s18, v36;
	vm0 =	vmand vm2, vm3;
	[tilespmem:$0x1FE50] =	vst v0;
	v0 =	vimm.s32 $0x0  }
0x39: {  	vm1 =	vlt.u32 v29, s7;
	v0 =	vsel vm0, $0xFFFFFFFF, v0;
	vm0 =	vge.u32 v29, s9  }
0x3a: {  	s11 =	sadd.s32 $0x200, s0;
	v40 =	vshrl.u32 v57, $0x1;
	[tilespmem:$0x1FE70] =	vst v0;
	vm0 =	vmand vm0, vm1;
	v0 =	vimm.s32 $0x0  }
0x3b: {  	s10 =	smin.u32 s11, $0x4DA0;
	vm1 =	vlt.u32 v27, s7;
	v0 =	vsel vm0, $0xFFFFFFFF, v0;
	vm0 =	vge.u32 v27, s9  }
0x3c: {  	v28 =	vadd.s32 s10, v36;
	[tilespmem:$0x1FE90] =	vst v0;
	vm0 =	vmand vm0, vm1;
	v0 =	vimm.s32 $0x0  }
0x3d: {  	s19 =	sadd.s32 $0x10, s10;
	vm2 =	vge.u32 v28, s11;
	vm3 =	vlt.u32 v28, s7;
	v0 =	vsel vm0, $0xFFFFFFFF, v0  }
0x3e: {  	v32 =	vadd.s32 s19, v36;
	vm0 =	vmand vm2, vm3;
	[tilespmem:$0x1FEB0] =	vst v0;
	v0 =	vimm.s32 $0x0  }
0x3f: {  	s20 =	sadd.s32 $0x20, s10;
	vm1 =	vlt.u32 v32, s7;
	v0 =	vsel vm0, $0xFFFFFFFF, v0;
	vm0 =	vge.u32 v32, s11  }
0x40: {  	v30 =	vadd.s32 s20, v36;
	[tilespmem:$0x1FED0] =	vst v0;
	vm0 =	vmand vm0, vm1;
	v0 =	vimm.s32 $0x0  }
0x41: {  	s21 =	sadd.s32 $0x30, s10;
	vm1 =	vlt.u32 v30, s7;
	v0 =	vsel vm0, $0xFFFFFFFF, v0;
	vm0 =	vge.u32 v30, s11  }
0x42: {  	v31 =	vadd.s32 s21, v36;
	[tilespmem:$0x1FEF0] =	vst v0;
	vm0 =	vmand vm0, vm1;
	v0 =	vimm.s32 $0x0  }
0x43: {  	s22 =	sadd.s32 $0x40, s10;
	vm2 =	vge.u32 v31, s11;
	vm3 =	vlt.u32 v31, s7;
	v0 =	vsel vm0, $0xFFFFFFFF, v0  }
0x44: {  	v34 =	vadd.s32 s22, v36;
	vm0 =	vmand vm2, vm3;
	[tilespmem:$0x1FF10] =	vst v0;
	v0 =	vimm.s32 $0x0  }
0x45: {  	s23 =	sadd.s32 $0x50, s10;
	vm1 =	vlt.u32 v34, s7;
	v0 =	vsel vm0, $0xFFFFFFFF, v0;
	vm0 =	vge.u32 v34, s11  }
0x46: {  	v33 =	vadd.s32 s23, v36;
	[tilespmem:$0x1FF30] =	vst v0;
	vm0 =	vmand vm0, vm1;
	v0 =	vimm.s32 $0x0  }
0x47: {  	s24 =	sadd.s32 $0x60, s10;
	vm2 =	vlt.u32 v33, s7;
	vm1 =	vge.u32 v33, s11;
	v0 =	vsel vm0, $0xFFFFFFFF, v0  }
0x48: {  	v35 =	vadd.s32 s24, v36;
	vm0 =	vmand vm1, vm2;
	[tilespmem:$0x1FF50] =	vst v0;
	v0 =	vimm.s32 $0x0  }
0x49: {  	s0 =	sshrl.u32 s0, $0x1;
	vm3 =	vlt.u32 v35, s7;
	vm2 =	vge.u32 v35, s11;
	v0 =	vsel vm0, $0xFFFFFFFF, v0  }
0x4a: {  	v49 =	vshrl.u32 v56, $0x1;
	s0 =	sand.u32 $0x3FF8, s0;
	vm0 =	vmand vm2, vm3;
	[tilespmem:$0x1FF70] =	vst v0;
	v0 =	vimm.s32 $0x0  }
0x4b: {  	v50 =	vand.u32 $0x7, v57;
	v41 =	vand.u32 $0x7, v56;
	s6 =	smin.u32 s0, $0x25C8;
	v0 =	vsel vm0, $0xFFFFFFFF, v0  }
0x4c: {  	v42 =	vshrl.u32 v55, $0x1;
	v46 =	vand.u32 $0x7, v55;
	v37 =	vmov s6;
	[tilespmem:$0x1FF90] =	vst v0;
	v0 =	vld [tilespmem:$0x1F7E0]  }
0x4d: {  	v47 =	vshrl.u32 v54, $0x1;
	v44 =	vshrl.u32 v60, $0x1;
	s25 =	sadd.s32 $0x70, s10;
	v38 =	vsub.s32 v38, v37  }
0x4e: {  	v36 =	vadd.s32 s25, v36;
	v48 =	vsub.s32 v40, v37;
	v38 =	vand.u32 $0xFFFFFFF8, v38  }
0x4f: {  	v45 =	vsub.s32 v42, v37;
	v63 =	vor.u32 v39, v38;
	v38 =	vand.u32 $0xFFFFFFF8, v48  }
0x50: {  	v39 =	vsub.s32 v49, v37;
	v48 =	vsub.s32 v47, v37;
	v49 =	vshrl.u32 v53, $0x1  }
0x51: {  	v39 =	vand.u32 $0xFFFFFFF8, v39;
	vm0 =	vnez.u8 v0;
	v0 =	vor.u32 v50, v38  }
0x52: {  	v38 =	vand.u32 $0xFFFFFFF8, v45;
	v50 =	vand.u32 $0x7, v54;
	v45 =	vand.u32 $0x7, v53  }
0x53: {  	[tilespmem:$0x1F800] =	vst v0;
	v0 =	vor.u32 v41, v39;
	v39 =	vsub.s32 v49, v37;
	v49 =	vshrl.u32 v7, $0x1  }
0x54: {  	v41 =	vand.u32 $0x7, v35;
	[tilespmem:$0x1F820] =	vst v0;
	v0 =	vor.u32 v46, v38;
	v38 =	vand.u32 $0xFFFFFFF8, v48  }
0x55: {  	v39 =	vand.u32 $0xFFFFFFF8, v39;
	v46 =	vshrl.u32 v52, $0x1;
	v48 =	vand.u32 $0x7, v52  }
0x56: {  	[tilespmem:$0x1F9B0] =	vst v0;
	v0 =	vor.u32 v50, v38;
	v47 =	vsub.s32 v46, v37;
	v50 =	vsub.s32 v49, v37  }
0x57: {  	v46 =	vand.u32 $0x7, v60;
	v49 =	vand.u32 $0x7, v51;
	[tilespmem:$0x1F830] =	vst v0;
	v0 =	vor.u32 v45, v39  }
0x58: {  	v38 =	vand.u32 $0xFFFFFFF8, v47;
	v45 =	vand.u32 $0x7, v7;
	v39 =	vsub.s32 v44, v37  }
0x59: {  	v47 =	vshrl.u32 v51, $0x1;
	[tilespmem:$0x1F870] =	vst v0;
	v0 =	vor.u32 v48, v38;
	v38 =	vand.u32 $0xFFFFFFF8, v50  }
0x5a: {  	v39 =	vand.u32 $0xFFFFFFF8, v39;
	v48 =	vsub.s32 v47, v37;
	v50 =	vshrl.u32 v8, $0x1  }
0x5b: {  	v47 =	vand.u32 $0x7, v10;
	[tilespmem:$0x1F880] =	vst v0;
	v0 =	vor.u32 v45, v38;
	v38 =	vand.u32 $0xFFFFFFF8, v48  }
0x5c: {  	v44 =	vsub.s32 v50, v37;
	v45 =	vshrl.u32 v10, $0x1;
	v48 =	vshrl.u32 v11, $0x1  }
0x5d: {  	v50 =	vshrl.u32 v12, $0x1;
	[tilespmem:$0x1FA10] =	vst v0;
	v0 =	vor.u32 v46, v39;
	v46 =	vand.u32 $0x7, v8  }
0x5e: {  	v39 =	vsub.s32 v45, v37;
	v45 =	vand.u32 $0x7, v11;
	[tilespmem:$0x1F8D0] =	vst v0;
	v0 =	vor.u32 v49, v38  }
0x5f: {  	v38 =	vand.u32 $0xFFFFFFF8, v44;
	v39 =	vand.u32 $0xFFFFFFF8, v39;
	v49 =	vsub.s32 v48, v37  }
0x60: {  	v44 =	vshrl.u32 v13, $0x1;
	v48 =	vand.u32 $0x7, v12;
	[tilespmem:$0x1F8E0] =	vst v0;
	v0 =	vor.u32 v46, v38  }
0x61: {  	v38 =	vand.u32 $0xFFFFFFF8, v49;
	v40 =	vsub.s32 v44, v37;
	v49 =	vand.u32 $0x7, v13  }
0x62: {  	v44 =	vshrl.u32 v59, $0x1;
	[tilespmem:$0x1FA70] =	vst v0;
	v0 =	vor.u32 v47, v39;
	v39 =	vsub.s32 v50, v37  }
0x63: {  	v47 =	vand.u32 $0xFFFFFFF8, v40;
	v50 =	vshrl.u32 v14, $0x1;
	[tilespmem:$0x1F930] =	vst v0;
	v0 =	vor.u32 v45, v38  }
0x64: {  	v46 =	vand.u32 $0xFFFFFFF8, v39;
	v43 =	vsub.s32 v50, v37;
	v45 =	vshrl.u32 v15, $0x1  }
0x65: {  	v39 =	vsub.s32 v44, v37;
	v50 =	vand.u32 $0x7, v15;
	v44 =	vshrl.u32 v21, $0x1  }
0x66: {  	[tilespmem:$0x1F960] =	vst v0;
	v0 =	vor.u32 v48, v46;
	v38 =	vand.u32 $0xFFFFFFF8, v43;
	v40 =	vsub.s32 v45, v37  }
0x67: {  	v46 =	vand.u32 $0x7, v14;
	v45 =	vshrl.u32 v16, $0x1;
	[tilespmem:$0x1FAE0] =	vst v0;
	v0 =	vor.u32 v49, v47  }
0x68: {  	v47 =	vand.u32 $0xFFFFFFF8, v39;
	v49 =	vand.u32 $0x7, v59;
	[tilespmem:$0x1F9C0] =	vst v0;
	v0 =	vor.u32 v46, v38  }
0x69: {  	v48 =	vand.u32 $0xFFFFFFF8, v40;
	v46 =	vsub.s32 v45, v37;
	[tilespmem:$0x1F980] =	vst v0;
	v0 =	vor.u32 v49, v47  }
0x6a: {  	v38 =	vand.u32 $0xFFFFFFF8, v46;
	v47 =	vshrl.u32 v17, $0x1;
	v49 =	vand.u32 $0x7, v16  }
0x6b: {  	v46 =	vand.u32 $0x7, v17;
	[tilespmem:$0x1FB50] =	vst v0;
	v0 =	vor.u32 v50, v48;
	v48 =	vshrl.u32 v18, $0x1  }
0x6c: {  	v39 =	vsub.s32 v47, v37;
	v47 =	vand.u32 $0x7, v18;
	v40 =	vsub.s32 v48, v37  }
0x6d: {  	[tilespmem:$0x1FA30] =	vst v0;
	v0 =	vor.u32 v49, v38;
	v50 =	vand.u32 $0xFFFFFFF8, v39;
	v48 =	vshrl.u32 v19, $0x1  }
0x6e: {  	[tilespmem:$0x1F9E0] =	vst v0;
	v45 =	vand.u32 $0xFFFFFFF8, v40;
	v0 =	vor.u32 v46, v50;
	v49 =	vsub.s32 v48, v37  }
0x6f: {  	v50 =	vshrl.u32 v20, $0x1;
	v40 =	vsub.s32 v44, v37;
	v48 =	vand.u32 $0x7, v20  }
0x70: {  	v44 =	vshrl.u32 v22, $0x1;
	[tilespmem:$0x1FA80] =	vst v0;
	v0 =	vor.u32 v47, v45;
	v38 =	vand.u32 $0xFFFFFFF8, v49  }
0x71: {  	v39 =	vsub.s32 v50, v37;
	v45 =	vand.u32 $0x7, v19;
	v47 =	vand.u32 $0xFFFFFFF8, v40  }
0x72: {  	v49 =	vand.u32 $0x7, v21;
	v50 =	vshrl.u32 v9, $0x1;
	[tilespmem:$0x1FAA0] =	vst v0;
	v0 =	vor.u32 v45, v38  }
0x73: {  	v46 =	vand.u32 $0xFFFFFFF8, v39;
	v43 =	vsub.s32 v50, v37;
	v45 =	vshrl.u32 v23, $0x1  }
0x74: {  	v39 =	vsub.s32 v44, v37;
	v50 =	vand.u32 $0x7, v23;
	v44 =	vshrl.u32 v28, $0x1  }
0x75: {  	[tilespmem:$0x1FA40] =	vst v0;
	v0 =	vor.u32 v48, v46;
	v38 =	vand.u32 $0xFFFFFFF8, v43;
	v40 =	vsub.s32 v45, v37  }
0x76: {  	v46 =	vand.u32 $0x7, v9;
	v45 =	vshrl.u32 v25, $0x1;
	[tilespmem:$0x1FAF0] =	vst v0;
	v0 =	vor.u32 v49, v47  }
0x77: {  	v47 =	vand.u32 $0xFFFFFFF8, v39;
	v48 =	vand.u32 $0xFFFFFFF8, v40;
	v49 =	vand.u32 $0x7, v22  }
0x78: {  	[tilespmem:$0x1FAB0] =	vst v0;
	v0 =	vor.u32 v46, v38;
	v6 =	vor.u32 v50, v48;
	v46 =	vsub.s32 v45, v37  }
0x79: {  	v48 =	vshrl.u32 v26, $0x1;
	[tilespmem:$0x1FB10] =	vst v0;
	v0 =	vor.u32 v49, v47;
	v38 =	vand.u32 $0xFFFFFFF8, v46  }
0x7a: {  	v47 =	vshrl.u32 v24, $0x1;
	v40 =	vsub.s32 v48, v37;
	v49 =	vand.u32 $0x7, v25  }
0x7b: {  	v46 =	vand.u32 $0x7, v24;
	v48 =	vshrl.u32 v29, $0x1;
	v39 =	vsub.s32 v47, v37  }
0x7c: {  	v5 =	vor.u32 v49, v38;
	v45 =	vand.u32 $0xFFFFFFF8, v40;
	v47 =	vand.u32 $0x7, v26  }
0x7d: {  	v49 =	vsub.s32 v48, v37;
	v40 =	vsub.s32 v44, v37;
	v48 =	vand.u32 $0x7, v27  }
0x7e: {  	v44 =	vshrl.u32 v30, $0x1;
	v50 =	vand.u32 $0xFFFFFFF8, v39;
	v3 =	vor.u32 v47, v45  }
0x7f: {  	v38 =	vand.u32 $0xFFFFFFF8, v49;
	v45 =	vand.u32 $0x7, v29;
	v47 =	vand.u32 $0xFFFFFFF8, v40  }
0x80: {  	v49 =	vand.u32 $0x7, v28;
	v4 =	vor.u32 v46, v50;
	v50 =	vshrl.u32 v27, $0x1  }
0x81: {  	v1 =	vor.u32 v45, v38;
	v43 =	vor.u32 v49, v47;
	v45 =	vshrl.u32 v31, $0x1  }
0x82: {  	v49 =	vand.u32 $0x7, v30;
	v39 =	vsub.s32 v50, v37;
	v50 =	vshrl.u32 v32, $0x1  }
0x83: {  	v40 =	vsub.s32 v45, v37;
	v46 =	vand.u32 $0xFFFFFFF8, v39;
	v42 =	vsub.s32 v50, v37  }
0x84: {  	[tilespmem:$0x1FB20] =	vst v0;
	v39 =	vsub.s32 v44, v37;
	v50 =	vand.u32 $0x7, v31;
	v0 =	vor.u32 v48, v46  }
0x85: {  	v38 =	vand.u32 $0xFFFFFFF8, v42;
	v46 =	vand.u32 $0x7, v32;
	v47 =	vand.u32 $0xFFFFFFF8, v39  }
0x86: {  	v39 =	vand.u32 $0xFFFFFFF8, v40;
	v48 =	vshrl.u32 v34, $0x1;
	v42 =	vshrl.u32 v36, $0x1  }
0x87: {  	v44 =	vor.u32 v46, v38;
	v45 =	vor.u32 v49, v47;
	v46 =	vor.u32 v50, v39  }
0x88: {  	v49 =	vsub.s32 v48, v37;
	v50 =	vshrl.u32 v33, $0x1;
	v47 =	vshrl.u32 v35, $0x1  }
0x89: {  	[tilespmem:$0x1F7F0] =	vst v0;
	v48 =	vand.u32 $0x7, v34;
	v0 =	vshrl.u32 v57, $0x3;
	v38 =	vand.u32 $0xFFFFFFF8, v49  }
0x8a: {  	v39 =	vsub.s32 v50, v37;
	v40 =	vsub.s32 v47, v37;
	v50 =	vand.u32 $0x7, v33  }
0x8b: {  	v37 =	vsub.s32 v42, v37;
	v42 =	vshrl.u32 v58, $0x3;
	v57 =	vand.u32 $0x1, v0  }
0x8c: {  	v0 =	vshrl.u32 v56, $0x3;
	v49 =	vand.u32 $0xFFFFFFF8, v39;
	v39 =	vand.u32 $0xFFFFFFF8, v40  }
0x8d: {  	v47 =	vor.u32 v48, v38;
	v48 =	vor.u32 v50, v49;
	v49 =	vor.u32 v41, v39  }
0x8e: {  	v41 =	vmovc v1;
	v1 =	vshrl.u32 v55, $0x3;
	v55 =	vand.u32 $0x1, v0;
	v0 =	vshrl.u32 v54, $0x3  }
0x8f: {  	v56 =	vand.u32 $0x1, v1;
	v54 =	vand.u32 $0x1, v0;
	v0 =	vshrl.u32 v53, $0x3  }
0x90: {  	v40 =	vmovc v3;
	v1 =	vshrl.u32 v52, $0x3;
	v53 =	vand.u32 $0x1, v0;
	v0 =	vshrl.u32 v7, $0x3  }
0x91: {  	v3 =	vmovc v58;
	v52 =	vmovc v57;
	v57 =	vand.u32 $0x1, v1;
	v58 =	vand.u32 $0x1, v0;
	v0 =	vshrl.u32 v51, $0x3  }
0x92: {  	v39 =	vmovc v4;
	v4 =	vmovc v60;
	v1 =	vshrl.u32 v60, $0x3;
	v60 =	vand.u32 $0x1, v0;
	v0 =	vshrl.u32 v8, $0x3  }
0x93: {  	v38 =	vmovc v5;
	v5 =	vmov v61;
	v61 =	vand.u32 $0x1, v0;
	v0 =	vshrl.u32 v10, $0x3  }
0x94: {  	v10 =	vmov v62;
	v62 =	vand.u32 $0x1, v0;
	v0 =	vshrl.u32 v12, $0x3  }
0x95: {  	v0 =	vand.u32 $0x1, v0  }
0x96: {  	v7 =	vmovc v59;
	v59 =	vand.u32 $0x1, v1;
	v1 =	vshrl.u32 v11, $0x3;
	[tilespmem:$0x1F810] =	vst v0;
	v0 =	vshrl.u32 v13, $0x3  }
0x97: {  	v11 =	vmovc v63;
	v63 =	vand.u32 $0x1, v1;
	v1 =	vshrl.u32 v14, $0x3;
	v0 =	vand.u32 $0x1, v0  }
0x98: {  	[tilespmem:$0x1F840] =	vst v0;
	v0 =	vand.u32 $0x1, v1  }
0x99: {  	[tilespmem:$0x1F850] =	vst v0;
	v0 =	vshrl.u32 v7, $0x3  }
0x9a: {  	v0 =	vand.u32 $0x1, v0  }
0x9b: {  	[tilespmem:$0x1F860] =	vst v0;
	v0 =	vshrl.u32 v15, $0x3  }
0x9c: {  	v1 =	vshrl.u32 v16, $0x3;
	v0 =	vand.u32 $0x1, v0  }
0x9d: {  	v37 =	vand.u32 $0xFFFFFFF8, v37;
	[tilespmem:$0x1F890] =	vst v0;
	v0 =	vand.u32 $0x1, v1  }
0x9e: {  	[tilespmem:$0x1F8A0] =	vst v0;
	v0 =	vshrl.u32 v17, $0x3  }
0x9f: {  	v50 =	vand.u32 $0x7, v36;
	v0 =	vand.u32 $0x1, v0  }
0xa0: {  	v50 =	vor.u32 v50, v37;
	v37 =	vmovc v6;
	v6 =	vand.u32 $0x1, v42;
	[tilespmem:$0x1F8C0] =	vst v0;
	v0 =	vshrl.u32 v18, $0x3  }
0xa1: {  	v51 =	vmov v6;
	v6 =	vshrl.u32 v19, $0x3;
	v0 =	vand.u32 $0x1, v0  }
0xa2: {  	[tilespmem:$0x1F8F0] =	vst v0;
	v0 =	vand.u32 $0x1, v6  }
0xa3: {  	[tilespmem:$0x1F900] =	vst v0;
	v0 =	vshrl.u32 v20, $0x3  }
0xa4: {  	v0 =	vand.u32 $0x1, v0  }
0xa5: {  	[tilespmem:$0x1F920] =	vst v0;
	v0 =	vshrl.u32 v21, $0x3  }
0xa6: {  	v19 =	vld [tilespmem:$0x1F8E0];
	v8 =	vshrl.u32 v9, $0x3;
	v0 =	vand.u32 $0x1, v0  }
0xa7: {  	v14 =	vld [tilespmem:$0x1F830];
	[tilespmem:$0x1F940] =	vst v0;
	v0 =	vand.u32 $0x1, v8  }
0xa8: {  	v12 =	vld [tilespmem:$0x1F800];
	[tilespmem:$0x1F950] =	vst v0;
	v0 =	vshrl.u32 v22, $0x3  }
0xa9: {  	v13 =	vld [tilespmem:$0x1F820];
	v0 =	vand.u32 $0x1, v0  }
0xaa: {  	v16 =	vld [tilespmem:$0x1F880];
	[tilespmem:$0x1F970] =	vst v0;
	v0 =	vshrl.u32 v23, $0x3  }
0xab: {  	v15 =	vld [tilespmem:$0x1F870];
	v8 =	vshrl.u32 v25, $0x3;
	v0 =	vand.u32 $0x1, v0  }
0xac: {  	v1 =	vld [tilespmem:$0x1F8B0];
	[tilespmem:$0x1F990] =	vst v0;
	v0 =	vand.u32 $0x1, v8  }
0xad: {  	v17 =	vshrl.u32 v29, $0x3;
	v29 =	vld [tilespmem:$0x1F9E0];
	[tilespmem:$0x1F9A0] =	vst v0;
	v0 =	vshrl.u32 v24, $0x3  }
0xae: {  	v18 =	vld [tilespmem:$0x1F8D0];
	v0 =	vand.u32 $0x1, v0  }
0xaf: {  	v6 =	vld [tilespmem:$0x1F910];
	[tilespmem:$0x1F9D0] =	vst v0;
	v0 =	vshrl.u32 v26, $0x3  }
0xb0: {  	v20 =	vshrl.u32 v32, $0x3;
	v32 =	vld [tilespmem:$0x1FA40];
	v0 =	vand.u32 $0x1, v0  }
0xb1: {  	v21 =	vld [tilespmem:$0x1F930];
	[tilespmem:$0x1F9F0] =	vst v0;
	v0 =	vand.u32 $0x1, v17  }
0xb2: {  	v25 =	vld [tilespmem:$0x1F980];
	[tilespmem:$0x1FA00] =	vst v0;
	v0 =	vshrl.u32 v27, $0x3  }
0xb3: {  	s26 =	rddreg [dreg:$0x0];
	v22 =	vld [tilespmem:$0x1F960];
	v0 =	vand.u32 $0x1, v0  }
0xb4: {  	s14 =	rddreg [dreg:$0x1];
	v8 =	vld [tilespmem:$0x1F9B0];
	[tilespmem:$0x1FA20] =	vst v0;
	v0 =	vshrl.u32 v28, $0x3  }
0xb5: {  	s13 =	rddreg [dreg:$0x2];
	v24 =	vld [tilespmem:$0x1F9C0];
	v0 =	vand.u32 $0x1, v0  }
0xb6: {  	s12 =	rddreg [dreg:$0x3];
	v17 =	vld [tilespmem:$0x1FA10];
	[tilespmem:$0x1FA50] =	vst v0;
	v0 =	vand.u32 $0x1, v20  }
0xb7: {  	s3 =	simm.s32 $0x0;
	s18 =	rddreg [dreg:$0x5];
	v28 =	vld [tilespmem:$0x1FA30];
	[tilespmem:$0x1FA60] =	vst v0;
	v0 =	vshrl.u32 v30, $0x3  }
0xb8: {  	[smem:$0x7FF] =	sst s3;
	v20 =	vld [tilespmem:$0x1FA70];
	v0 =	vand.u32 $0x1, v0  }
0xb9: {  	s0 =	rddreg [dreg:$0x4];
	v30 =	vld [tilespmem:$0x1FA80];
	_ =	strace $0x80000047;
	[tilespmem:$0x1FA90] =	vst v0;
	v0 =	vshrl.u32 v31, $0x3  }
0xba: {  	v23 =	vshrl.u32 v34, $0x3;
	v0 =	vand.u32 $0x1, v0  }
0xbb: {  	[tilespmem:$0x1FAC0] =	vst v0;
	v0 =	vand.u32 $0x1, v23  }
0xbc: {  	[tilespmem:$0x1FAD0] =	vst v0;
	v0 =	vshrl.u32 v33, $0x3  }
0xbd: {  	v0 =	vand.u32 $0x1, v0  }
0xbe: {  	[tilespmem:$0x1FB00] =	vst v0;
	v0 =	vshrl.u32 v35, $0x3  }
0xbf: {  	v26 =	vshrl.u32 v36, $0x3;
	v0 =	vand.u32 $0x1, v0  }
0xc0: {  	[tilespmem:$0x1FB30] =	vst v0;
	v0 =	vand.u32 $0x1, v26  }
0xc1: {  	[tilespmem:$0x1FB40] =	vst v0;
	v0 =	vsel vm0, $0x3F800000, v2  }
0xc2: {  	[tilespmem:$0x1FB60] =	vst v0;
	v0 =	vimm.s32 $0x0  }
0xc3: {  	v0 =	vsel vm6, $0xFFFFFFFF, v0  }
0xc4: {  	[tilespmem:$0x1FB70] =	vst v0;
	v0 =	vsel vm6, $0x3F800000, v2  }
0xc5: {  	[tilespmem:$0x1FB80] =	vst v0;
	v0 =	vimm.s32 $0x0  }
0xc6: {  	v0 =	vsel vm7, $0xFFFFFFFF, v0  }
0xc7: {  	[tilespmem:$0x1FB90] =	vst v0;
	v0 =	vsel vm7, $0x3F800000, v2  }
0xc8: {  	[tilespmem:$0x1FBA0] =	vst v0;
	v0 =	vimm.s32 $0x0  }
0xc9: {  	v0 =	vsel vm8, $0xFFFFFFFF, v0  }
0xca: {  	[tilespmem:$0x1FBB0] =	vst v0;
	v0 =	vsel vm8, $0x3F800000, v2  }
0xcb: {  	[tilespmem:$0x1FBC0] =	vst v0;
	v0 =	vimm.s32 $0x0  }
0xcc: {  	v0 =	vsel vm9, $0xFFFFFFFF, v0  }
0xcd: {  	[tilespmem:$0x1FBD0] =	vst v0;
	v0 =	vsel vm9, $0x3F800000, v2  }
0xce: {  	[tilespmem:$0x1FBE0] =	vst v0;
	v0 =	vimm.s32 $0x0  }
0xcf: {  	v0 =	vsel vm10, $0xFFFFFFFF, v0  }
0xd0: {  	[tilespmem:$0x1FBF0] =	vst v0;
	v0 =	vsel vm10, $0x3F800000, v2  }
0xd1: {  	[tilespmem:$0x1FC00] =	vst v0;
	v0 =	vimm.s32 $0x0  }
0xd2: {  	v0 =	vsel vm11, $0xFFFFFFFF, v0  }
0xd3: {  	[tilespmem:$0x1FC10] =	vst v0;
	v0 =	vsel vm11, $0x3F800000, v2  }
0xd4: {  	[tilespmem:$0x1FC20] =	vst v0;
	v0 =	vimm.s32 $0x0  }
0xd5: {  	v0 =	vsel vm12, $0xFFFFFFFF, v0  }
0xd6: {  	[tilespmem:$0x1FC30] =	vst v0;
	v0 =	vsel vm12, $0x3F800000, v2  }
0xd7: {  	[tilespmem:$0x1FC40] =	vst v0;
	v0 =	vimm.s32 $0x0  }
0xd8: {  	v0 =	vsel vm13, $0xFFFFFFFF, v0  }
0xd9: {  	[tilespmem:$0x1FC50] =	vst v0;
	v0 =	vsel vm13, $0x3F800000, v2  }
0xda: {  	[tilespmem:$0x1FC60] =	vst v0;
	v0 =	vimm.s32 $0x0  }
0xdb: {  	v0 =	vsel vm14, $0xFFFFFFFF, v0  }
0xdc: {  	[tilespmem:$0x1FC70] =	vst v0;
	v0 =	vsel vm14, $0x3F800000, v2  }
0xdd: {  	[tilespmem:$0x1FC80] =	vst v0;
	v0 =	vimm.s32 $0x0  }
0xde: {  	v0 =	vsel vm15, $0xFFFFFFFF, v0  }
0xdf: {  	[tilespmem:$0x1FC90] =	vst v0;
	v0 =	vsel vm15, $0x3F800000, v2  }
0xe0: {  	[tilespmem:$0x1FCA0] =	vst v0;
	v0 =	vld [tilespmem:$0x1FCB0];
	_ =	sdelay $0x4  }
0xe1: {  	vm0 =	vnez.u8 v0  }
0xe2: {  	v0 =	vsel vm0, $0x3F800000, v2  }
0xe3: {  	[tilespmem:$0x1FCC0] =	vst v0;
	v0 =	vld [tilespmem:$0x1FCD0];
	_ =	sdelay $0x4  }
0xe4: {  	vm0 =	vnez.u8 v0  }
0xe5: {  	v0 =	vsel vm0, $0x3F800000, v2  }
0xe6: {  	[tilespmem:$0x1FCE0] =	vst v0;
	v0 =	vld [tilespmem:$0x1FCF0];
	_ =	sdelay $0x4  }
0xe7: {  	vm0 =	vnez.u8 v0  }
0xe8: {  	v0 =	vsel vm0, $0x3F800000, v2  }
0xe9: {  	[tilespmem:$0x1FD00] =	vst v0;
	v0 =	vld [tilespmem:$0x1FD10];
	_ =	sdelay $0x4  }
0xea: {  	vm0 =	vnez.u8 v0  }
0xeb: {  	v0 =	vsel vm0, $0x3F800000, v2  }
0xec: {  	[tilespmem:$0x1FD20] =	vst v0;
	v0 =	vld [tilespmem:$0x1FD30];
	_ =	sdelay $0x4  }
0xed: {  	vm0 =	vnez.u8 v0  }
0xee: {  	v0 =	vsel vm0, $0x3F800000, v2  }
0xef: {  	[tilespmem:$0x1FD40] =	vst v0;
	v0 =	vld [tilespmem:$0x1FD50];
	_ =	sdelay $0x4  }
0xf0: {  	vm0 =	vnez.u8 v0  }
0xf1: {  	v0 =	vsel vm0, $0x3F800000, v2  }
0xf2: {  	[tilespmem:$0x1FD60] =	vst v0;
	v0 =	vld [tilespmem:$0x1FD70];
	_ =	sdelay $0x4  }
0xf3: {  	vm0 =	vnez.u8 v0  }
0xf4: {  	v0 =	vsel vm0, $0x3F800000, v2  }
0xf5: {  	[tilespmem:$0x1FD80] =	vst v0;
	v0 =	vld [tilespmem:$0x1FD90];
	_ =	sdelay $0x4  }
0xf6: {  	vm0 =	vnez.u8 v0  }
0xf7: {  	v0 =	vsel vm0, $0x3F800000, v2  }
0xf8: {  	[tilespmem:$0x1FDA0] =	vst v0;
	v0 =	vld [tilespmem:$0x1FDB0];
	_ =	sdelay $0x4  }
0xf9: {  	vm0 =	vnez.u8 v0  }
0xfa: {  	v0 =	vsel vm0, $0x3F800000, v2  }
0xfb: {  	[tilespmem:$0x1FDC0] =	vst v0;
	v0 =	vld [tilespmem:$0x1FDD0];
	_ =	sdelay $0x4  }
0xfc: {  	vm0 =	vnez.u8 v0  }
0xfd: {  	v0 =	vsel vm0, $0x3F800000, v2  }
0xfe: {  	[tilespmem:$0x1FDE0] =	vst v0;
	v0 =	vld [tilespmem:$0x1FDF0];
	_ =	sdelay $0x4  }
0xff: {  	vm0 =	vnez.u8 v0  }
0x100: {  	v0 =	vsel vm0, $0x3F800000, v2  }
0x101: {  	[tilespmem:$0x1FE00] =	vst v0;
	v0 =	vld [tilespmem:$0x1FE10];
	_ =	sdelay $0x4  }
0x102: {  	vm11 =	vmmov vm0;
	vm0 =	vnez.u8 v0  }
0x103: {  	v0 =	vsel vm0, $0x3F800000, v2  }
0x104: {  	[tilespmem:$0x1FE20] =	vst v0;
	v0 =	vld [tilespmem:$0x1FE30];
	_ =	sdelay $0x4  }
0x105: {  	vm12 =	vmmov vm0;
	vm0 =	vnez.u8 v0  }
0x106: {  	v0 =	vsel vm0, $0x3F800000, v2  }
0x107: {  	[tilespmem:$0x1FE40] =	vst v0;
	v0 =	vld [tilespmem:$0x1FE50];
	_ =	sdelay $0x4  }
0x108: {  	vm13 =	vmmov vm0;
	vm0 =	vnez.u8 v0  }
0x109: {  	v0 =	vsel vm0, $0x3F800000, v2  }
0x10a: {  	[tilespmem:$0x1FE60] =	vst v0;
	v0 =	vld [tilespmem:$0x1FE70];
	_ =	sdelay $0x4  }
0x10b: {  	vm14 =	vmmov vm0;
	vm0 =	vnez.u8 v0  }
0x10c: {  	v0 =	vsel vm0, $0x3F800000, v2  }
0x10d: {  	[tilespmem:$0x1FE80] =	vst v0;
	v0 =	vld [tilespmem:$0x1FE90];
	_ =	sdelay $0x4  }
0x10e: {  	vm1 =	vnez.u8 v0  }
0x10f: {  	v0 =	vsel vm1, $0x3F800000, v2  }
0x110: {  	[tilespmem:$0x1FEA0] =	vst v0;
	v0 =	vld [tilespmem:$0x1FEB0];
	_ =	sdelay $0x4  }
0x111: {  	vm2 =	vnez.u8 v0  }
0x112: {  	v0 =	vsel vm2, $0x3F800000, v2  }
0x113: {  	[tilespmem:$0x1FEC0] =	vst v0;
	v0 =	vld [tilespmem:$0x1FED0];
	_ =	sdelay $0x4  }
0x114: {  	vm3 =	vnez.u8 v0  }
0x115: {  	v0 =	vsel vm3, $0x3F800000, v2  }
0x116: {  	[tilespmem:$0x1FEE0] =	vst v0;
	v0 =	vld [tilespmem:$0x1FEF0];
	_ =	sdelay $0x3  }
0x117: {  	vm4 =	vge.u32 v36, s11;
	vm5 =	vlt.u32 v36, s7  }
0x118: {  	vm4 =	vmand vm4, vm5;
	vm5 =	vnez.u8 v0  }
0x119: {  	v0 =	vsel vm5, $0x3F800000, v2  }
0x11a: {  	[tilespmem:$0x1FF00] =	vst v0;
	v0 =	vld [tilespmem:$0x1FF10];
	_ =	sdelay $0x4  }
0x11b: {  	vm6 =	vnez.u8 v0  }
0x11c: {  	v0 =	vsel vm6, $0x3F800000, v2  }
0x11d: {  	[tilespmem:$0x1FF20] =	vst v0;
	v0 =	vld [tilespmem:$0x1FF30];
	_ =	sdelay $0x4  }
0x11e: {  	vm7 =	vnez.u8 v0  }
0x11f: {  	v0 =	vsel vm7, $0x3F800000, v2  }
0x120: {  	[tilespmem:$0x1FF40] =	vst v0;
	v0 =	vld [tilespmem:$0x1FF50];
	_ =	sdelay $0x4  }
0x121: {  	vm8 =	vnez.u8 v0  }
0x122: {  	v0 =	vsel vm8, $0x3F800000, v2  }
0x123: {  	s28 =	simm.s32 $0x141C8;
	[tilespmem:$0x1FF60] =	vst v0;
	v0 =	vld [tilespmem:$0x1FF70]  }
0x124: {  	s29 =	simm.s32 $0x14248;
	s30 =	simm.s32 $0x142C8;
	s31 =	simm.s32 $0x14348  }
0x125: {  	p1 =	seq.s32 s1, $0x1;
	p0 =	sne.s32 s1, $0x0;
	s15 =	ssub.s32 $0x2, s2  }
0x126: {  	s17 =	smul.u32 $0x2710, s4;
	s2 =	sshll.u32 s2, $0xB;
	s16 =	sshrl.u32 s15, $0x1  }
0x127: {  	s12 =	sadd.s32 s12, s2;
	s13 =	sadd.s32 s13, s2;
	s2 =	simm.s32 $0x14D58  }
0x128: {  	s15 =	ssub.s32 s15, s16;
	s16 =	simm.s32 $0x4000;
	s20 =	smul.u32 $0x1200, s1;
	vm9 =	vnez.u8 v0  }
0x129: {  	s19 =	sshll.u32 s5, $0x4;
	s21 =	sshll.u32 s8, $0x4;
	s22 =	sshll.u32 s9, $0x4;
	v0 =	vsel vm9, $0x3F800000, v2  }
0x12a: {  	s23 =	smul.u32 $0x240, s1;
	s24 =	sshll.u32 s10, $0x4;
	s25 =	sshrl.u32 s20, $0x2;
	[tilespmem:$0x1FF80] =	vst v0;
	v0 =	vld [tilespmem:$0x1FF90]  }
0x12b: {  	s1 =	simm.s32 $0x4;
	s6 =	sshrl.u32 s6, $0x3;
	s10 =	sadd.s32 s25, s0  }
0x12c: {  	s25 =	simm.s32 $0x80;
	s4 =	sadd.s32 s14, s6;
	s6 =	sadd.s32 s26, s19;
	v31 =	vld [tilespmem:$0x1FAA0]  }
0x12d: {  	s14 =	smax.u32 s15, $0x1;
	s15 =	simm.s32 $0x14000;
	s19 =	simm.s32 $0x10000;
	[tilespmem:$0x1FFC0] =	vst v60;
	v34 =	vld [tilespmem:$0x1FAB0]  }
.Ltmp0:
0x12e: {  	s5 =	sadd.s32 s26, s17;
	s17 =	simm.s32 $0x8000;
	v27 =	vmov s7;
	[tilespmem:$0x1FFD0] =	vst v53;
	v36 =	vld [tilespmem:$0x1FB20];
	vm15 =	vmmov vm0;
	vm0 =	vmmov vm1;
	(pc) =	sbr.rel .LBB2_1-.Ltmp0, $4  }
0x12f: {  	s8 =	sadd.s32 s26, s22;
	s22 =	simm.s32 $0x143C8;
	s9 =	sadd.s32 s26, s24;
	[tilespmem:$0x1FFE0] =	vst v49;
	v23 =	vld [tilespmem:$0x1FAE0];
	vm1 =	vmmov vm2;
	vm2 =	vmmov vm3;
	vm10 =	vnez.u8 v0  }
0x130: {  	s24 =	simm.s32 $0x2;
	s7 =	sadd.s32 s26, s21;
	s26 =	sshrl.u32 s23, $0x2;
	[tilespmem:$0x1FFF0] =	vst v45;
	v33 =	vld [tilespmem:$0x1FAF0];
	vm3 =	vmmov vm5;
	vm5 =	vmmov vm6;
	v0 =	vsel vm10, $0x3F800000, v2  }
0x131: {  	s21 =	simm.s32 $0x1;
	s23 =	simm.s32 $0x3;
	s11 =	sadd.s32 s26, s18;
	v35 =	vld [tilespmem:$0x1FB10];
	vm6 =	vmmov vm7;
	vm7 =	vmmov vm8;
	[tilespmem:$0x1FFA0] =	vst v0;
	v0 =	vsel vm4, $0x3F800000, v2  }
0x132: {  	s18 =	simm.s32 $0xC000;
	s26 =	simm.s32 $0x14148;
	[dreg:$0x7] =	wrdreg s12;
	v26 =	vld [tilespmem:$0x1FB50];
	vm8 =	vmmov vm9;
	vm9 =	vmmov vm10;
	vm10 =	vmmov vm4;
	[tilespmem:$0x1FFB0] =	vst v0  }
.LBB2_3:
0x133: {  	s12 =	rddreg [dreg:$0x5];
	s20 =	simm.s32 $0x14458  }
0x134: {  	[tilespmem:s20], [sflag:$0x4] =	stream.linear.gather [spmem:s12], $0x900, $0x38;
	[tilespmem:$0x196E8] =	vst v63  }
0x135: {  	_ =	swait.ge [sflag:s1], $0x900  }
0x136: {  	[sflag:s1] =	ssyncset.done $0x0  }
0x137: {  	[sflag:s1] =	ssyncadd.s32 $0xFFFFF700  }
0x138: {  	v0 =	vld [tilespmem:$0x14458]  }
0x139: {  	v45 =	vmov v29;
	v29 =	vmov v12;
	v12 =	vmov v3;
	v3 =	vld [tilespmem:$0x144E8];
	_ =	sdelay $0x1  }
0x13a: {  	v53 =	vmovc v37;
	v37 =	vmovc v20;
	v20 =	vmov v4;
	v4 =	vmov v10;
	v10 =	vmov v5;
	v5 =	vld [tilespmem:$0x14578];
	_ =	sdelay $0x1  }
0x13b: {  	v60 =	vmovc v41;
	v41 =	vmov v24;
	v24 =	vmov v6;
	v6 =	vmov v7;
	v7 =	vld [tilespmem:$0x14608]  }
0x13c: {  	v0 =	vadd.f32 v3, v0  }
0x13d: {  	v3 =	vld [tilespmem:$0x14698]  }
0x13e: {  	v0 =	vadd.f32 v5, v0  }
0x13f: {  	v5 =	vld [tilespmem:$0x14728]  }
0x140: {  	v0 =	vadd.f32 v7, v0  }
0x141: {  	v7 =	vld [tilespmem:$0x147B8]  }
0x142: {  	v0 =	vadd.f32 v3, v0  }
0x143: {  	v3 =	vld [tilespmem:$0x14848]  }
0x144: {  	v0 =	vadd.f32 v5, v0  }
0x145: {  	v5 =	vld [tilespmem:$0x148D8]  }
0x146: {  	v0 =	vadd.f32 v7, v0  }
0x147: {  	v7 =	vld [tilespmem:$0x14968]  }
0x148: {  	v0 =	vadd.f32 v3, v0  }
0x149: {  	v3 =	vld [tilespmem:$0x149F8]  }
0x14a: {  	v0 =	vadd.f32 v5, v0  }
0x14b: {  	v5 =	vld [tilespmem:$0x14A88]  }
0x14c: {  	v0 =	vadd.f32 v7, v0  }
0x14d: {  	v7 =	vld [tilespmem:$0x14B18]  }
0x14e: {  	v0 =	vadd.f32 v3, v0  }
0x14f: {  	v3 =	vld [tilespmem:$0x14BA8]  }
0x150: {  	v0 =	vadd.f32 v5, v0;
	_ =	sdelay $0x1  }
0x151: {  	v5 =	vld [tilespmem:$0x14C38];
	v0 =	vadd.f32 v7, v0;
	_ =	sdelay $0x1  }
0x152: {  	v7 =	vld [tilespmem:$0x14CC8];
	v3 =	vadd.f32 v3, v0;
	v0 =	vlaneseq.u32  }
0x153: {  	v0 =	vmul.u32 $0x80, v0;
	_ =	sdelay $0x1  }
0x154: {  	v3 =	vadd.f32 v5, v3;
	_ =	sdelay $0x1  }
0x155: {  	v3 =	vadd.f32 v7, v3;
	_ =	sdelay $0x1  }
0x156: {  	[tilespmem:v0+s2+$0x0] =	vst.idx.msk $0xffff, v3  }
0x157: {  	v3 =	vld [tilespmem:$0x14468]  }
0x158: {  	v5 =	vld [tilespmem:$0x144F8];
	_ =	sdelay $0x1  }
0x159: {  	v7 =	vld [tilespmem:$0x14588]  }
0x15a: {  	v42 =	vmovc v38;
	v38 =	vmov v34;
	v34 =	vmov v30;
	v30 =	vmov v25  }
0x15b: {  	v25 =	vmovc v21;
	v21 =	vmovc v17;
	v17 =	vmov v8;
	v8 =	vmov v13;
	v13 =	vmov v9;
	v9 =	vld [tilespmem:$0x14618]  }
0x15c: {  	v3 =	vadd.f32 v5, v3  }
0x15d: {  	v5 =	vld [tilespmem:$0x146A8]  }
0x15e: {  	v3 =	vadd.f32 v7, v3  }
0x15f: {  	v7 =	vld [tilespmem:$0x14738]  }
0x160: {  	v3 =	vadd.f32 v9, v3  }
0x161: {  	v9 =	vld [tilespmem:$0x147C8]  }
0x162: {  	v3 =	vadd.f32 v5, v3  }
0x163: {  	v5 =	vld [tilespmem:$0x14858]  }
0x164: {  	v3 =	vadd.f32 v7, v3  }
0x165: {  	v7 =	vld [tilespmem:$0x148E8]  }
0x166: {  	v3 =	vadd.f32 v9, v3  }
0x167: {  	v9 =	vld [tilespmem:$0x14978]  }
0x168: {  	v3 =	vadd.f32 v5, v3  }
0x169: {  	v5 =	vld [tilespmem:$0x14A08]  }
0x16a: {  	v3 =	vadd.f32 v7, v3  }
0x16b: {  	v7 =	vld [tilespmem:$0x14A98]  }
0x16c: {  	v3 =	vadd.f32 v9, v3  }
0x16d: {  	v9 =	vld [tilespmem:$0x14B28]  }
0x16e: {  	v3 =	vadd.f32 v5, v3  }
0x16f: {  	v5 =	vld [tilespmem:$0x14BB8]  }
0x170: {  	v3 =	vadd.f32 v7, v3  }
0x171: {  	v7 =	vld [tilespmem:$0x14C48]  }
0x172: {  	v3 =	vadd.f32 v9, v3  }
0x173: {  	v9 =	vld [tilespmem:$0x14CD8]  }
0x174: {  	v3 =	vadd.f32 v5, v3  }
0x175: {  	v5 =	vor.u32 $0x800, v0  }
0x176: {  	v3 =	vadd.f32 v7, v3;
	_ =	sdelay $0x1  }
0x177: {  	v3 =	vadd.f32 v9, v3;
	_ =	sdelay $0x1  }
0x178: {  	[tilespmem:v5+s2+$0x0] =	vst.idx.msk $0xffff, v3  }
0x179: {  	v3 =	vld [tilespmem:$0x14478]  }
0x17a: {  	v5 =	vld [tilespmem:$0x14508];
	_ =	sdelay $0x1  }
0x17b: {  	v7 =	vld [tilespmem:$0x14598];
	_ =	sdelay $0x1  }
0x17c: {  	v9 =	vld [tilespmem:$0x14628]  }
0x17d: {  	v3 =	vadd.f32 v5, v3  }
0x17e: {  	v5 =	vld [tilespmem:$0x146B8]  }
0x17f: {  	v3 =	vadd.f32 v7, v3  }
0x180: {  	v7 =	vld [tilespmem:$0x14748]  }
0x181: {  	v3 =	vadd.f32 v9, v3  }
0x182: {  	v9 =	vld [tilespmem:$0x147D8]  }
0x183: {  	v3 =	vadd.f32 v5, v3  }
0x184: {  	v5 =	vld [tilespmem:$0x14868]  }
0x185: {  	v3 =	vadd.f32 v7, v3  }
0x186: {  	v7 =	vld [tilespmem:$0x148F8]  }
0x187: {  	v3 =	vadd.f32 v9, v3  }
0x188: {  	v9 =	vld [tilespmem:$0x14988]  }
0x189: {  	v3 =	vadd.f32 v5, v3  }
0x18a: {  	v5 =	vld [tilespmem:$0x14A18]  }
0x18b: {  	v3 =	vadd.f32 v7, v3  }
0x18c: {  	v7 =	vld [tilespmem:$0x14AA8]  }
0x18d: {  	v3 =	vadd.f32 v9, v3  }
0x18e: {  	v9 =	vld [tilespmem:$0x14B38]  }
0x18f: {  	v3 =	vadd.f32 v5, v3  }
0x190: {  	v5 =	vld [tilespmem:$0x14BC8]  }
0x191: {  	v3 =	vadd.f32 v7, v3  }
0x192: {  	v7 =	vld [tilespmem:$0x14C58]  }
0x193: {  	v3 =	vadd.f32 v9, v3  }
0x194: {  	v9 =	vld [tilespmem:$0x14CE8]  }
0x195: {  	v3 =	vadd.f32 v5, v3  }
0x196: {  	v5 =	vor.u32 $0x1000, v0  }
0x197: {  	v3 =	vadd.f32 v7, v3;
	_ =	sdelay $0x1  }
0x198: {  	v3 =	vadd.f32 v9, v3;
	_ =	sdelay $0x1  }
0x199: {  	[tilespmem:v5+s2+$0x0] =	vst.idx.msk $0xffff, v3  }
0x19a: {  	v3 =	vld [tilespmem:$0x14488]  }
0x19b: {  	v5 =	vld [tilespmem:$0x14518];
	_ =	sdelay $0x1  }
0x19c: {  	v7 =	vld [tilespmem:$0x145A8];
	_ =	sdelay $0x1  }
0x19d: {  	v9 =	vld [tilespmem:$0x14638]  }
0x19e: {  	v3 =	vadd.f32 v5, v3  }
0x19f: {  	v5 =	vld [tilespmem:$0x146C8]  }
0x1a0: {  	v3 =	vadd.f32 v7, v3  }
0x1a1: {  	v7 =	vld [tilespmem:$0x14758]  }
0x1a2: {  	v3 =	vadd.f32 v9, v3  }
0x1a3: {  	v9 =	vld [tilespmem:$0x147E8]  }
0x1a4: {  	v3 =	vadd.f32 v5, v3  }
0x1a5: {  	v5 =	vld [tilespmem:$0x14878]  }
0x1a6: {  	v3 =	vadd.f32 v7, v3  }
0x1a7: {  	v7 =	vld [tilespmem:$0x14908]  }
0x1a8: {  	v3 =	vadd.f32 v9, v3  }
0x1a9: {  	v9 =	vld [tilespmem:$0x14998]  }
0x1aa: {  	v3 =	vadd.f32 v5, v3  }
0x1ab: {  	v5 =	vld [tilespmem:$0x14A28]  }
0x1ac: {  	v3 =	vadd.f32 v7, v3  }
0x1ad: {  	v7 =	vld [tilespmem:$0x14AB8]  }
0x1ae: {  	v3 =	vadd.f32 v9, v3  }
0x1af: {  	v9 =	vld [tilespmem:$0x14B48]  }
0x1b0: {  	v3 =	vadd.f32 v5, v3  }
0x1b1: {  	v5 =	vld [tilespmem:$0x14BD8]  }
0x1b2: {  	v3 =	vadd.f32 v7, v3  }
0x1b3: {  	v7 =	vld [tilespmem:$0x14C68]  }
0x1b4: {  	v3 =	vadd.f32 v9, v3  }
0x1b5: {  	v9 =	vld [tilespmem:$0x14CF8]  }
0x1b6: {  	v3 =	vadd.f32 v5, v3  }
0x1b7: {  	v5 =	vor.u32 $0x1800, v0  }
0x1b8: {  	v3 =	vadd.f32 v7, v3;
	_ =	sdelay $0x1  }
0x1b9: {  	v3 =	vadd.f32 v9, v3;
	_ =	sdelay $0x1  }
0x1ba: {  	[tilespmem:v5+s2+$0x0] =	vst.idx.msk $0xffff, v3  }
0x1bb: {  	v3 =	vld [tilespmem:$0x14498]  }
0x1bc: {  	v5 =	vld [tilespmem:$0x14528];
	_ =	sdelay $0x1  }
0x1bd: {  	v7 =	vld [tilespmem:$0x145B8];
	_ =	sdelay $0x1  }
0x1be: {  	v9 =	vld [tilespmem:$0x14648]  }
0x1bf: {  	v3 =	vadd.f32 v5, v3  }
0x1c0: {  	v5 =	vld [tilespmem:$0x146D8]  }
0x1c1: {  	v3 =	vadd.f32 v7, v3  }
0x1c2: {  	v7 =	vld [tilespmem:$0x14768]  }
0x1c3: {  	v3 =	vadd.f32 v9, v3  }
0x1c4: {  	v9 =	vld [tilespmem:$0x147F8]  }
0x1c5: {  	v3 =	vadd.f32 v5, v3  }
0x1c6: {  	v5 =	vld [tilespmem:$0x14888]  }
0x1c7: {  	v3 =	vadd.f32 v7, v3  }
0x1c8: {  	v7 =	vld [tilespmem:$0x14918]  }
0x1c9: {  	v3 =	vadd.f32 v9, v3  }
0x1ca: {  	v9 =	vld [tilespmem:$0x149A8]  }
0x1cb: {  	v3 =	vadd.f32 v5, v3  }
0x1cc: {  	v5 =	vld [tilespmem:$0x14A38]  }
0x1cd: {  	v3 =	vadd.f32 v7, v3  }
0x1ce: {  	v7 =	vld [tilespmem:$0x14AC8]  }
0x1cf: {  	v3 =	vadd.f32 v9, v3  }
0x1d0: {  	v9 =	vld [tilespmem:$0x14B58]  }
0x1d1: {  	v3 =	vadd.f32 v5, v3  }
0x1d2: {  	v5 =	vld [tilespmem:$0x14BE8]  }
0x1d3: {  	v3 =	vadd.f32 v7, v3  }
0x1d4: {  	v7 =	vld [tilespmem:$0x14C78]  }
0x1d5: {  	v3 =	vadd.f32 v9, v3  }
0x1d6: {  	v9 =	vld [tilespmem:$0x14D08]  }
0x1d7: {  	v3 =	vadd.f32 v5, v3  }
0x1d8: {  	v5 =	vor.u32 $0x2000, v0  }
0x1d9: {  	v3 =	vadd.f32 v7, v3;
	_ =	sdelay $0x1  }
0x1da: {  	v3 =	vadd.f32 v9, v3;
	_ =	sdelay $0x1  }
0x1db: {  	[tilespmem:v5+s2+$0x0] =	vst.idx.msk $0xffff, v3  }
0x1dc: {  	v3 =	vld [tilespmem:$0x144A8]  }
0x1dd: {  	v5 =	vld [tilespmem:$0x14538];
	_ =	sdelay $0x1  }
0x1de: {  	v7 =	vld [tilespmem:$0x145C8];
	_ =	sdelay $0x1  }
0x1df: {  	v9 =	vld [tilespmem:$0x14658]  }
0x1e0: {  	v3 =	vadd.f32 v5, v3  }
0x1e1: {  	v5 =	vld [tilespmem:$0x146E8]  }
0x1e2: {  	v3 =	vadd.f32 v7, v3  }
0x1e3: {  	v7 =	vld [tilespmem:$0x14778]  }
0x1e4: {  	v3 =	vadd.f32 v9, v3  }
0x1e5: {  	v9 =	vld [tilespmem:$0x14808]  }
0x1e6: {  	v3 =	vadd.f32 v5, v3  }
0x1e7: {  	v5 =	vld [tilespmem:$0x14898]  }
0x1e8: {  	v3 =	vadd.f32 v7, v3  }
0x1e9: {  	v7 =	vld [tilespmem:$0x14928]  }
0x1ea: {  	v3 =	vadd.f32 v9, v3  }
0x1eb: {  	v9 =	vld [tilespmem:$0x149B8]  }
0x1ec: {  	v3 =	vadd.f32 v5, v3  }
0x1ed: {  	v5 =	vld [tilespmem:$0x14A48]  }
0x1ee: {  	v3 =	vadd.f32 v7, v3  }
0x1ef: {  	v7 =	vld [tilespmem:$0x14AD8]  }
0x1f0: {  	v3 =	vadd.f32 v9, v3  }
0x1f1: {  	v9 =	vld [tilespmem:$0x14B68]  }
0x1f2: {  	v3 =	vadd.f32 v5, v3  }
0x1f3: {  	v5 =	vld [tilespmem:$0x14BF8]  }
0x1f4: {  	v3 =	vadd.f32 v7, v3  }
0x1f5: {  	v7 =	vld [tilespmem:$0x14C88]  }
0x1f6: {  	v3 =	vadd.f32 v9, v3  }
0x1f7: {  	v9 =	vld [tilespmem:$0x14D18]  }
0x1f8: {  	v3 =	vadd.f32 v5, v3  }
0x1f9: {  	v5 =	vor.u32 $0x2800, v0  }
0x1fa: {  	v3 =	vadd.f32 v7, v3;
	_ =	sdelay $0x1  }
0x1fb: {  	v3 =	vadd.f32 v9, v3;
	_ =	sdelay $0x1  }
0x1fc: {  	[tilespmem:v5+s2+$0x0] =	vst.idx.msk $0xffff, v3  }
0x1fd: {  	v3 =	vld [tilespmem:$0x144B8]  }
0x1fe: {  	v5 =	vld [tilespmem:$0x14548];
	_ =	sdelay $0x1  }
0x1ff: {  	v7 =	vld [tilespmem:$0x145D8];
	_ =	sdelay $0x1  }
0x200: {  	v9 =	vld [tilespmem:$0x14668]  }
0x201: {  	v3 =	vadd.f32 v5, v3  }
0x202: {  	v5 =	vld [tilespmem:$0x146F8]  }
0x203: {  	v3 =	vadd.f32 v7, v3  }
0x204: {  	v7 =	vld [tilespmem:$0x14788]  }
0x205: {  	v3 =	vadd.f32 v9, v3  }
0x206: {  	v9 =	vld [tilespmem:$0x14818]  }
0x207: {  	v3 =	vadd.f32 v5, v3  }
0x208: {  	v5 =	vld [tilespmem:$0x148A8]  }
0x209: {  	v3 =	vadd.f32 v7, v3  }
0x20a: {  	v7 =	vld [tilespmem:$0x14938]  }
0x20b: {  	v3 =	vadd.f32 v9, v3  }
0x20c: {  	v9 =	vld [tilespmem:$0x149C8]  }
0x20d: {  	v3 =	vadd.f32 v5, v3  }
0x20e: {  	v5 =	vld [tilespmem:$0x14A58]  }
0x20f: {  	v3 =	vadd.f32 v7, v3  }
0x210: {  	v7 =	vld [tilespmem:$0x14AE8]  }
0x211: {  	v3 =	vadd.f32 v9, v3  }
0x212: {  	v9 =	vld [tilespmem:$0x14B78]  }
0x213: {  	v3 =	vadd.f32 v5, v3  }
0x214: {  	v5 =	vld [tilespmem:$0x14C08]  }
0x215: {  	v3 =	vadd.f32 v7, v3  }
0x216: {  	v7 =	vld [tilespmem:$0x14C98]  }
0x217: {  	v3 =	vadd.f32 v9, v3  }
0x218: {  	v9 =	vld [tilespmem:$0x14D28]  }
0x219: {  	v3 =	vadd.f32 v5, v3  }
0x21a: {  	v5 =	vor.u32 $0x3000, v0  }
0x21b: {  	v3 =	vadd.f32 v7, v3;
	_ =	sdelay $0x1  }
0x21c: {  	v3 =	vadd.f32 v9, v3;
	_ =	sdelay $0x1  }
0x21d: {  	[tilespmem:v5+s2+$0x0] =	vst.idx.msk $0xffff, v3  }
0x21e: {  	v3 =	vld [tilespmem:$0x144C8]  }
0x21f: {  	v5 =	vld [tilespmem:$0x14558];
	_ =	sdelay $0x1  }
0x220: {  	v7 =	vld [tilespmem:$0x145E8];
	_ =	sdelay $0x1  }
0x221: {  	v9 =	vld [tilespmem:$0x14678]  }
0x222: {  	v3 =	vadd.f32 v5, v3  }
0x223: {  	v5 =	vld [tilespmem:$0x14708]  }
0x224: {  	v3 =	vadd.f32 v7, v3  }
0x225: {  	v7 =	vld [tilespmem:$0x14798]  }
0x226: {  	v3 =	vadd.f32 v9, v3  }
0x227: {  	v9 =	vld [tilespmem:$0x14828]  }
0x228: {  	v3 =	vadd.f32 v5, v3  }
0x229: {  	v5 =	vld [tilespmem:$0x148B8]  }
0x22a: {  	v3 =	vadd.f32 v7, v3  }
0x22b: {  	v7 =	vld [tilespmem:$0x14948]  }
0x22c: {  	v3 =	vadd.f32 v9, v3  }
0x22d: {  	v9 =	vld [tilespmem:$0x149D8]  }
0x22e: {  	v3 =	vadd.f32 v5, v3  }
0x22f: {  	v5 =	vld [tilespmem:$0x14A68]  }
0x230: {  	v3 =	vadd.f32 v7, v3  }
0x231: {  	v7 =	vld [tilespmem:$0x14AF8]  }
0x232: {  	v3 =	vadd.f32 v9, v3  }
0x233: {  	v9 =	vld [tilespmem:$0x14B88]  }
0x234: {  	v3 =	vadd.f32 v5, v3  }
0x235: {  	v5 =	vld [tilespmem:$0x14C18]  }
0x236: {  	v3 =	vadd.f32 v7, v3  }
0x237: {  	v7 =	vld [tilespmem:$0x14CA8]  }
0x238: {  	v3 =	vadd.f32 v9, v3  }
0x239: {  	v9 =	vld [tilespmem:$0x14D38]  }
0x23a: {  	v3 =	vadd.f32 v5, v3  }
0x23b: {  	v0 =	vor.u32 $0x3800, v0  }
0x23c: {  	v49 =	vmov v33;
	v33 =	vmov v16;
	v3 =	vadd.f32 v7, v3;
	_ =	sdelay $0x1  }
0x23d: {  	v3 =	vadd.f32 v9, v3  }
0x23e: {  	v16 =	vmov v33;
	v33 =	vmov v49;
	v49 =	vld [tilespmem:$0x1FFE0]  }
0x23f: {  	s20 =	rddreg [dreg:$0x7];
	v5 =	vmovc v10;
	v10 =	vmovc v4;
	v4 =	vmov v20;
	v20 =	vmov v37;
	v37 =	vmov v53;
	v53 =	vld [tilespmem:$0x1FFD0];
	[tilespmem:v0+s2+$0x0] =	vst.idx.msk $0xffff, v3  }
0x240: {  	v7 =	vmovc v6;
	v6 =	vmov v24;
	v24 =	vmov v41;
	v41 =	vmov v60;
	v60 =	vld [tilespmem:$0x1FFC0];
	[hbm4b:s20+s3] =	stream.linear.scatter [tilespmem:s2], [sflag:$0x4], $0x4000, $0x38  }
0x241: {  	v3 =	vmov v12;
	v12 =	vmov v29;
	v29 =	vmov v45;
	v45 =	vld [tilespmem:$0x1FFF0];
	_ =	swait.ge [sflag:s1], $0x4000  }
0x242: {  	v9 =	vmovc v13;
	v13 =	vmov v8;
	v8 =	vmov v17;
	v17 =	vmov v21;
	[sflag:s1] =	ssyncset.done $0x0  }
0x243: {  	v21 =	vmovc v25;
	v25 =	vmovc v30;
	v30 =	vmov v34;
	v34 =	vmov v38;
	v38 =	vmov v42;
	[sflag:s1] =	ssyncadd.s32 $0xFFFFC000  }
.LBB2_4:
0x244: {  	s14 =	sadd.s32 $0xFFFFFFFF, s14  }
0x245: {  	p2 =	sne.s32 s14, $0x0  }
.Ltmp1:
0x246: {  	_ = 	snop;
	(pc) =	sbr.rel @!p2 .LBB2_5-.Ltmp1, $1  }
0x247: {  	_ =	sdelay $0x3  }
.LBB2_1:
0x248: {  	[tilespmem:s15], [sflag:$0x1] =	stream.linear.gather [hbm4b:s4+s3], $0x148, $0x38;
	[tilespmem:$0x196E8] =	vst v63  }
0x249: {  	_ = 	snop  }
0x24a: {  	[tilespmem:s3], [sflag:$0x2] =	stream.linear.gather [hbm4b:s5+s3], $0x4000, $0x38;
	[tilespmem:$0x196E8] =	vst v63  }
0x24b: {  	_ = 	snop  }
0x24c: {  	[tilespmem:s16], [sflag:$0x2] =	stream.linear.gather [hbm4b:s6+s3], $0x4000, $0x38;
	[tilespmem:$0x196E8] =	vst v63  }
0x24d: {  	_ = 	snop  }
0x24e: {  	[tilespmem:s17], [sflag:$0x2] =	stream.linear.gather [hbm4b:s7+s3], $0x4000, $0x38;
	[tilespmem:$0x196E8] =	vst v63  }
0x24f: {  	_ = 	snop  }
0x250: {  	[tilespmem:s18], [sflag:$0x2] =	stream.linear.gather [hbm4b:s8+s3], $0x4000, $0x38;
	[tilespmem:$0x196E8] =	vst v63  }
0x251: {  	_ = 	snop  }
0x252: {  	[tilespmem:s19], [sflag:$0x2] =	stream.linear.gather [hbm4b:s9+s3], $0x4000, $0x38;
	[tilespmem:$0x196E8] =	vst v63  }
0x253: {  	[tilespmem:$0x143C8] =	vst v2  }
0x254: {  	[tilespmem:$0x143D8] =	vst v2  }
0x255: {  	[tilespmem:$0x143E8] =	vst v2  }
0x256: {  	[tilespmem:$0x143F8] =	vst v2  }
0x257: {  	[tilespmem:$0x14408] =	vst v2  }
0x258: {  	[tilespmem:$0x14418] =	vst v2  }
0x259: {  	[tilespmem:$0x14428] =	vst v2  }
0x25a: {  	[tilespmem:$0x14438] =	vst v2  }
0x25b: {  	[tilespmem:$0x14448] =	vst v2  }
0x25c: {  	[tilespmem:$0x18D58] =	vst v2  }
0x25d: {  	[tilespmem:$0x18D68] =	vst v2  }
0x25e: {  	[tilespmem:$0x18D78] =	vst v2  }
0x25f: {  	[tilespmem:$0x18D88] =	vst v2  }
0x260: {  	[tilespmem:$0x18D98] =	vst v2  }
0x261: {  	[tilespmem:$0x18DA8] =	vst v2  }
0x262: {  	[tilespmem:$0x18DB8] =	vst v2  }
0x263: {  	[tilespmem:$0x18DC8] =	vst v2  }
0x264: {  	[tilespmem:$0x18DD8] =	vst v2  }
0x265: {  	[tilespmem:$0x18DE8] =	vst v2  }
0x266: {  	[tilespmem:$0x18DF8] =	vst v2  }
0x267: {  	[tilespmem:$0x18E08] =	vst v2  }
0x268: {  	[tilespmem:$0x18E18] =	vst v2  }
0x269: {  	[tilespmem:$0x18E28] =	vst v2  }
0x26a: {  	[tilespmem:$0x18E38] =	vst v2  }
0x26b: {  	[tilespmem:$0x18E48] =	vst v2  }
0x26c: {  	[tilespmem:$0x18E58] =	vst v2  }
0x26d: {  	[tilespmem:$0x18E68] =	vst v2  }
0x26e: {  	[tilespmem:$0x18E78] =	vst v2  }
0x26f: {  	[tilespmem:$0x18E88] =	vst v2  }
0x270: {  	[tilespmem:$0x18E98] =	vst v2  }
0x271: {  	[tilespmem:$0x18EA8] =	vst v2  }
0x272: {  	[tilespmem:$0x18EB8] =	vst v2  }
0x273: {  	[tilespmem:$0x18EC8] =	vst v2  }
0x274: {  	[tilespmem:$0x18ED8] =	vst v2  }
0x275: {  	[tilespmem:$0x18EE8] =	vst v2  }
0x276: {  	[tilespmem:$0x18EF8] =	vst v2  }
0x277: {  	[tilespmem:$0x18F08] =	vst v2  }
0x278: {  	[tilespmem:$0x18F18] =	vst v2  }
0x279: {  	[tilespmem:$0x18F28] =	vst v2  }
0x27a: {  	[tilespmem:$0x18F38] =	vst v2  }
0x27b: {  	[tilespmem:$0x18F48] =	vst v2  }
0x27c: {  	[tilespmem:$0x18F58] =	vst v2  }
0x27d: {  	[tilespmem:$0x18F68] =	vst v2  }
0x27e: {  	[tilespmem:$0x18F78] =	vst v2  }
0x27f: {  	[tilespmem:$0x18F88] =	vst v2  }
0x280: {  	[tilespmem:$0x18F98] =	vst v2  }
0x281: {  	[tilespmem:$0x18FA8] =	vst v2  }
0x282: {  	[tilespmem:$0x18FB8] =	vst v2  }
0x283: {  	[tilespmem:$0x18FC8] =	vst v2  }
0x284: {  	[tilespmem:$0x18FD8] =	vst v2  }
0x285: {  	[tilespmem:$0x18FE8] =	vst v2  }
0x286: {  	[tilespmem:$0x18FF8] =	vst v2  }
0x287: {  	[tilespmem:$0x19008] =	vst v2  }
0x288: {  	[tilespmem:$0x19018] =	vst v2  }
0x289: {  	[tilespmem:$0x19028] =	vst v2  }
0x28a: {  	[tilespmem:$0x19038] =	vst v2  }
0x28b: {  	[tilespmem:$0x19048] =	vst v2  }
0x28c: {  	[tilespmem:$0x19058] =	vst v2  }
0x28d: {  	[tilespmem:$0x19068] =	vst v2  }
0x28e: {  	[tilespmem:$0x19078] =	vst v2  }
0x28f: {  	[tilespmem:$0x19088] =	vst v2  }
0x290: {  	[tilespmem:$0x19098] =	vst v2  }
0x291: {  	[tilespmem:$0x190A8] =	vst v2  }
0x292: {  	[tilespmem:$0x190B8] =	vst v2  }
0x293: {  	[tilespmem:$0x190C8] =	vst v2  }
0x294: {  	[tilespmem:$0x190D8] =	vst v2  }
0x295: {  	[tilespmem:$0x190E8] =	vst v2  }
0x296: {  	[tilespmem:$0x190F8] =	vst v2  }
0x297: {  	[tilespmem:$0x19108] =	vst v2  }
0x298: {  	[tilespmem:$0x19118] =	vst v2  }
0x299: {  	[tilespmem:$0x19128] =	vst v2  }
0x29a: {  	[tilespmem:$0x19138] =	vst v2  }
0x29b: {  	[tilespmem:$0x19148] =	vst v2  }
0x29c: {  	[tilespmem:$0x19158] =	vst v2  }
0x29d: {  	[tilespmem:$0x19168] =	vst v2  }
0x29e: {  	[tilespmem:$0x19178] =	vst v2  }
0x29f: {  	[tilespmem:$0x19188] =	vst v2  }
0x2a0: {  	[tilespmem:$0x19198] =	vst v2  }
0x2a1: {  	[tilespmem:$0x191A8] =	vst v2  }
0x2a2: {  	[tilespmem:$0x191B8] =	vst v2  }
0x2a3: {  	s12 =	simm.s32 $0x18D58;
	[tilespmem:$0x191C8] =	vst v2  }
0x2a4: {  	[spmem:s10] =	stream.linear.scatter [tilespmem:s12], [sflag:$0x3], $0x480, $0x38;
	[tilespmem:$0x196E8] =	vst v63  }
0x2a5: {  	_ =	swait.ge [sflag:s21], $0x148  }
0x2a6: {  	[sflag:s21] =	ssyncset.done $0x0  }
0x2a7: {  	[sflag:s21] =	ssyncadd.s32 $0xFFFFFEB8  }
0x2a8: {  	v0 =	vld.idx.msk [tilespmem:v11+s15+$0x0], $0xffff;
	_ =	sdelay $0x4  }
0x2a9: {  	v0 =	vshll.u32 v0, $0x1  }
0x2aa: {  	vm4 =	vlt.u32 v3, v27;
	v0 =	vor.u32 v51, v0  }
0x2ab: {  	v0 =	vnsel vm4, $0x80, v0;
	_ =	sdelay $0x3  }
0x2ac: {  	[tilespmem:$0x14148] =	vst v0  }
0x2ad: {  	[tilespmem:v0+s22+$0x0] =	vst.idx.add.f32.msk $0xffff, v1  }
0x2ae: {  	v0 =	vld.idx.msk [tilespmem:v12+s15+$0x0], $0xffff  }
0x2af: {  	v42 =	vld [tilespmem:$0x1F7E0];
	_ =	sdelay $0x3  }
0x2b0: {  	v0 =	vshll.u32 v0, $0x1  }
0x2b1: {  	vm4 =	vnez.u8 v42;
	v0 =	vor.u32 v52, v0  }
0x2b2: {  	v42 =	vld [tilespmem:$0x1FB60];
	v0 =	vnsel vm4, $0x80, v0;
	_ =	sdelay $0x3  }
0x2b3: {  	[tilespmem:$0x14158] =	vst v0  }
0x2b4: {  	[tilespmem:v0+s22+$0x0] =	vst.idx.add.f32.msk $0xffff, v42  }
0x2b5: {  	v0 =	vld.idx.msk [tilespmem:v13+s15+$0x0], $0xffff  }
0x2b6: {  	v42 =	vld [tilespmem:$0x1FB70];
	_ =	sdelay $0x3  }
0x2b7: {  	v0 =	vshll.u32 v0, $0x1  }
0x2b8: {  	vm4 =	vnez.u8 v42;
	v0 =	vor.u32 v55, v0  }
0x2b9: {  	v42 =	vld [tilespmem:$0x1FB80];
	v0 =	vnsel vm4, $0x80, v0;
	_ =	sdelay $0x3  }
0x2ba: {  	[tilespmem:$0x14168] =	vst v0  }
0x2bb: {  	[tilespmem:v0+s22+$0x0] =	vst.idx.add.f32.msk $0xffff, v42  }
0x2bc: {  	v0 =	vld.idx.msk [tilespmem:v8+s15+$0x0], $0xffff  }
0x2bd: {  	v42 =	vld [tilespmem:$0x1FB90];
	_ =	sdelay $0x3  }
0x2be: {  	v0 =	vshll.u32 v0, $0x1  }
0x2bf: {  	vm4 =	vnez.u8 v42;
	v0 =	vor.u32 v56, v0  }
0x2c0: {  	v42 =	vld [tilespmem:$0x1FBA0];
	v0 =	vnsel vm4, $0x80, v0;
	_ =	sdelay $0x3  }
0x2c1: {  	[tilespmem:$0x14178] =	vst v0  }
0x2c2: {  	[tilespmem:v0+s22+$0x0] =	vst.idx.add.f32.msk $0xffff, v42  }
0x2c3: {  	v0 =	vld.idx.msk [tilespmem:v14+s15+$0x0], $0xffff  }
0x2c4: {  	v42 =	vld [tilespmem:$0x1FBB0];
	_ =	sdelay $0x3  }
0x2c5: {  	v0 =	vshll.u32 v0, $0x1  }
0x2c6: {  	vm4 =	vnez.u8 v42;
	v0 =	vor.u32 v54, v0  }
0x2c7: {  	v42 =	vld [tilespmem:$0x1FBC0];
	v0 =	vnsel vm4, $0x80, v0;
	_ =	sdelay $0x3  }
0x2c8: {  	[tilespmem:$0x14188] =	vst v0  }
0x2c9: {  	[tilespmem:v0+s22+$0x0] =	vst.idx.add.f32.msk $0xffff, v42  }
0x2ca: {  	v0 =	vld.idx.msk [tilespmem:v15+s15+$0x0], $0xffff  }
0x2cb: {  	v42 =	vld [tilespmem:$0x1FBD0];
	_ =	sdelay $0x3  }
0x2cc: {  	v0 =	vshll.u32 v0, $0x1  }
0x2cd: {  	vm4 =	vnez.u8 v42;
	v0 =	vor.u32 v53, v0  }
0x2ce: {  	v42 =	vld [tilespmem:$0x1FBE0];
	v0 =	vnsel vm4, $0x80, v0;
	_ =	sdelay $0x3  }
0x2cf: {  	[tilespmem:$0x14198] =	vst v0  }
0x2d0: {  	[tilespmem:v0+s22+$0x0] =	vst.idx.add.f32.msk $0xffff, v42  }
0x2d1: {  	v0 =	vld.idx.msk [tilespmem:v16+s15+$0x0], $0xffff  }
0x2d2: {  	v42 =	vld [tilespmem:$0x1FBF0];
	_ =	sdelay $0x3  }
0x2d3: {  	v0 =	vshll.u32 v0, $0x1  }
0x2d4: {  	vm4 =	vnez.u8 v42;
	v0 =	vor.u32 v57, v0  }
0x2d5: {  	v42 =	vld [tilespmem:$0x1FC00];
	v0 =	vnsel vm4, $0x80, v0;
	_ =	sdelay $0x3  }
0x2d6: {  	[tilespmem:$0x141A8] =	vst v0  }
0x2d7: {  	[tilespmem:v0+s22+$0x0] =	vst.idx.add.f32.msk $0xffff, v42  }
0x2d8: {  	v0 =	vld.idx.msk [tilespmem:v17+s15+$0x0], $0xffff  }
0x2d9: {  	v42 =	vld [tilespmem:$0x1FC10];
	_ =	sdelay $0x3  }
0x2da: {  	v0 =	vshll.u32 v0, $0x1  }
0x2db: {  	vm4 =	vnez.u8 v42;
	v0 =	vor.u32 v58, v0  }
0x2dc: {  	v42 =	vld [tilespmem:$0x1FC20];
	v0 =	vnsel vm4, $0x80, v0;
	_ =	sdelay $0x3  }
0x2dd: {  	[tilespmem:$0x141B8] =	vst v0  }
0x2de: {  	[tilespmem:v0+s22+$0x0] =	vst.idx.add.f32.msk $0xffff, v42  }
0x2df: {  	_ =	swait.ge [sflag:s23], $0x480  }
0x2e0: {  	[sflag:s23] =	ssyncset.done $0x0  }
0x2e1: {  	[sflag:s23] =	ssyncadd.s32 $0xFFFFFB80  }
0x2e2: {  	[bflag:$0x0] =	sbarrier.arrive $0xFFFF  }
0x2e3: {  	_ =	swait.ge [sflag:s24], $0x4000  }
0x2e4: {  	[sflag:s24] =	ssyncset.done $0x0  }
0x2e5: {  	[sflag:s24] =	ssyncadd.s32 $0xFFFFC000  }
0x2e6: {  	[spmem:s0] =	stream.indirect.scatter.add.f32 [tilespmem:s3], [sflag:$0x3], $0x80, s26, s25, $0xb8;
	[tilespmem:$0x196E8] =	vst v63  }
0x2e7: {  	v0 =	vld.idx.msk [tilespmem:v18+s15+$0x0], $0xffff;
	_ =	sdelay $0x4  }
0x2e8: {  	v0 =	vshll.u32 v0, $0x1  }
0x2e9: {  	vm4 =	vlt.u32 v4, v27;
	v0 =	vor.u32 v59, v0  }
0x2ea: {  	v0 =	vnsel vm4, $0x80, v0;
	_ =	sdelay $0x3  }
0x2eb: {  	[tilespmem:$0x141C8] =	vst v0  }
0x2ec: {  	[tilespmem:v0+s22+$0x0] =	vst.idx.add.f32.msk $0xffff, v5  }
0x2ed: {  	v0 =	vld.idx.msk [tilespmem:v19+s15+$0x0], $0xffff  }
0x2ee: {  	v42 =	vld [tilespmem:$0x1FC30];
	_ =	sdelay $0x3  }
0x2ef: {  	v0 =	vshll.u32 v0, $0x1  }
0x2f0: {  	vm4 =	vnez.u8 v42;
	v0 =	vor.u32 v60, v0  }
0x2f1: {  	v42 =	vld [tilespmem:$0x1FC40];
	v0 =	vnsel vm4, $0x80, v0;
	_ =	sdelay $0x3  }
0x2f2: {  	[tilespmem:$0x141D8] =	vst v0  }
0x2f3: {  	[tilespmem:v0+s22+$0x0] =	vst.idx.add.f32.msk $0xffff, v42  }
0x2f4: {  	v0 =	vld.idx.msk [tilespmem:v20+s15+$0x0], $0xffff  }
0x2f5: {  	v42 =	vld [tilespmem:$0x1FC50];
	_ =	sdelay $0x3  }
0x2f6: {  	v0 =	vshll.u32 v0, $0x1  }
0x2f7: {  	vm4 =	vnez.u8 v42;
	v0 =	vor.u32 v61, v0  }
0x2f8: {  	v42 =	vld [tilespmem:$0x1FC60];
	v0 =	vnsel vm4, $0x80, v0;
	_ =	sdelay $0x3  }
0x2f9: {  	[tilespmem:$0x141E8] =	vst v0  }
0x2fa: {  	[tilespmem:v0+s22+$0x0] =	vst.idx.add.f32.msk $0xffff, v42  }
0x2fb: {  	v0 =	vld.idx.msk [tilespmem:v21+s15+$0x0], $0xffff  }
0x2fc: {  	v42 =	vld [tilespmem:$0x1FC70];
	_ =	sdelay $0x3  }
0x2fd: {  	v0 =	vshll.u32 v0, $0x1  }
0x2fe: {  	vm4 =	vnez.u8 v42;
	v0 =	vor.u32 v62, v0  }
0x2ff: {  	v42 =	vld [tilespmem:$0x1FC80];
	v0 =	vnsel vm4, $0x80, v0;
	_ =	sdelay $0x3  }
0x300: {  	[tilespmem:$0x141F8] =	vst v0  }
0x301: {  	[tilespmem:v0+s22+$0x0] =	vst.idx.add.f32.msk $0xffff, v42  }
0x302: {  	v0 =	vld.idx.msk [tilespmem:v22+s15+$0x0], $0xffff  }
0x303: {  	v42 =	vld [tilespmem:$0x1FC90];
	_ =	sdelay $0x3  }
0x304: {  	v0 =	vshll.u32 v0, $0x1  }
0x305: {  	vm4 =	vnez.u8 v42;
	v0 =	vor.u32 v63, v0  }
0x306: {  	v42 =	vld [tilespmem:$0x1FCA0];
	v0 =	vnsel vm4, $0x80, v0;
	_ =	sdelay $0x3  }
0x307: {  	[tilespmem:$0x14208] =	vst v0  }
0x308: {  	[tilespmem:v0+s22+$0x0] =	vst.idx.add.f32.msk $0xffff, v42  }
0x309: {  	v0 =	vld.idx.msk [tilespmem:v23+s15+$0x0], $0xffff  }
0x30a: {  	v42 =	vld [tilespmem:$0x1F810];
	_ =	sdelay $0x3  }
0x30b: {  	v0 =	vshll.u32 v0, $0x1  }
0x30c: {  	v0 =	vor.u32 v42, v0;
	v42 =	vld [tilespmem:$0x1FCB0];
	_ =	sdelay $0x4  }
0x30d: {  	vm4 =	vnez.u8 v42  }
0x30e: {  	v42 =	vld [tilespmem:$0x1FCC0];
	v0 =	vnsel vm4, $0x80, v0;
	_ =	sdelay $0x3  }
0x30f: {  	[tilespmem:$0x14218] =	vst v0  }
0x310: {  	[tilespmem:v0+s22+$0x0] =	vst.idx.add.f32.msk $0xffff, v42  }
0x311: {  	v0 =	vld.idx.msk [tilespmem:v24+s15+$0x0], $0xffff  }
0x312: {  	v42 =	vld [tilespmem:$0x1F840];
	_ =	sdelay $0x3  }
0x313: {  	v0 =	vshll.u32 v0, $0x1  }
0x314: {  	v0 =	vor.u32 v42, v0;
	v42 =	vld [tilespmem:$0x1FCD0];
	_ =	sdelay $0x4  }
0x315: {  	vm4 =	vnez.u8 v42  }
0x316: {  	v42 =	vld [tilespmem:$0x1FCE0];
	v0 =	vnsel vm4, $0x80, v0;
	_ =	sdelay $0x3  }
0x317: {  	[tilespmem:$0x14228] =	vst v0  }
0x318: {  	[tilespmem:v0+s22+$0x0] =	vst.idx.add.f32.msk $0xffff, v42  }
0x319: {  	v0 =	vld.idx.msk [tilespmem:v25+s15+$0x0], $0xffff  }
0x31a: {  	v42 =	vld [tilespmem:$0x1F850];
	_ =	sdelay $0x3  }
0x31b: {  	v0 =	vshll.u32 v0, $0x1  }
0x31c: {  	v0 =	vor.u32 v42, v0;
	v42 =	vld [tilespmem:$0x1FCF0];
	_ =	sdelay $0x4  }
0x31d: {  	vm4 =	vnez.u8 v42  }
0x31e: {  	v42 =	vld [tilespmem:$0x1FD00];
	v0 =	vnsel vm4, $0x80, v0;
	_ =	sdelay $0x3  }
0x31f: {  	[tilespmem:$0x14238] =	vst v0  }
0x320: {  	[tilespmem:v0+s22+$0x0] =	vst.idx.add.f32.msk $0xffff, v42  }
0x321: {  	_ =	swait.ge [sflag:s24], $0x4000  }
0x322: {  	[sflag:s24] =	ssyncset.done $0x0  }
0x323: {  	[sflag:s24] =	ssyncadd.s32 $0xFFFFC000  }
0x324: {  	[spmem:s0] =	stream.indirect.scatter.add.f32 [tilespmem:s16], [sflag:$0x3], $0x80, s28, s25, $0xb8;
	[tilespmem:$0x196E8] =	vst v63  }
0x325: {  	v0 =	vld.idx.msk [tilespmem:v26+s15+$0x0], $0xffff  }
0x326: {  	v42 =	vld [tilespmem:$0x1F860];
	_ =	sdelay $0x3  }
0x327: {  	v0 =	vshll.u32 v0, $0x1  }
0x328: {  	vm4 =	vlt.u32 v7, v27;
	v0 =	vor.u32 v42, v0  }
0x329: {  	v0 =	vnsel vm4, $0x80, v0;
	_ =	sdelay $0x3  }
0x32a: {  	[tilespmem:$0x14248] =	vst v0  }
0x32b: {  	[tilespmem:v0+s22+$0x0] =	vst.idx.add.f32.msk $0xffff, v6  }
0x32c: {  	v0 =	vld.idx.msk [tilespmem:v28+s15+$0x0], $0xffff  }
0x32d: {  	v42 =	vld [tilespmem:$0x1F890];
	_ =	sdelay $0x3  }
0x32e: {  	v0 =	vshll.u32 v0, $0x1  }
0x32f: {  	v0 =	vor.u32 v42, v0;
	v42 =	vld [tilespmem:$0x1FD10];
	_ =	sdelay $0x4  }
0x330: {  	vm4 =	vnez.u8 v42  }
0x331: {  	v42 =	vld [tilespmem:$0x1FD20];
	v0 =	vnsel vm4, $0x80, v0;
	_ =	sdelay $0x3  }
0x332: {  	[tilespmem:$0x14258] =	vst v0  }
0x333: {  	[tilespmem:v0+s22+$0x0] =	vst.idx.add.f32.msk $0xffff, v42  }
0x334: {  	v0 =	vld.idx.msk [tilespmem:v29+s15+$0x0], $0xffff  }
0x335: {  	v42 =	vld [tilespmem:$0x1F8A0];
	_ =	sdelay $0x3  }
0x336: {  	v0 =	vshll.u32 v0, $0x1  }
0x337: {  	v0 =	vor.u32 v42, v0;
	v42 =	vld [tilespmem:$0x1FD30];
	_ =	sdelay $0x4  }
0x338: {  	vm4 =	vnez.u8 v42  }
0x339: {  	v42 =	vld [tilespmem:$0x1FD40];
	v0 =	vnsel vm4, $0x80, v0;
	_ =	sdelay $0x3  }
0x33a: {  	[tilespmem:$0x14268] =	vst v0  }
0x33b: {  	[tilespmem:v0+s22+$0x0] =	vst.idx.add.f32.msk $0xffff, v42  }
0x33c: {  	v0 =	vld.idx.msk [tilespmem:v30+s15+$0x0], $0xffff  }
0x33d: {  	v42 =	vld [tilespmem:$0x1F8C0];
	_ =	sdelay $0x3  }
0x33e: {  	v0 =	vshll.u32 v0, $0x1  }
0x33f: {  	v0 =	vor.u32 v42, v0;
	v42 =	vld [tilespmem:$0x1FD50];
	_ =	sdelay $0x4  }
0x340: {  	vm4 =	vnez.u8 v42  }
0x341: {  	v42 =	vld [tilespmem:$0x1FD60];
	v0 =	vnsel vm4, $0x80, v0;
	_ =	sdelay $0x3  }
0x342: {  	[tilespmem:$0x14278] =	vst v0  }
0x343: {  	[tilespmem:v0+s22+$0x0] =	vst.idx.add.f32.msk $0xffff, v42  }
0x344: {  	v0 =	vld.idx.msk [tilespmem:v31+s15+$0x0], $0xffff  }
0x345: {  	v42 =	vld [tilespmem:$0x1F8F0];
	_ =	sdelay $0x3  }
0x346: {  	v0 =	vshll.u32 v0, $0x1  }
0x347: {  	v0 =	vor.u32 v42, v0;
	v42 =	vld [tilespmem:$0x1FD70];
	_ =	sdelay $0x4  }
0x348: {  	vm4 =	vnez.u8 v42  }
0x349: {  	v42 =	vld [tilespmem:$0x1FD80];
	v0 =	vnsel vm4, $0x80, v0;
	_ =	sdelay $0x3  }
0x34a: {  	[tilespmem:$0x14288] =	vst v0  }
0x34b: {  	[tilespmem:v0+s22+$0x0] =	vst.idx.add.f32.msk $0xffff, v42  }
0x34c: {  	v0 =	vld.idx.msk [tilespmem:v32+s15+$0x0], $0xffff  }
0x34d: {  	v42 =	vld [tilespmem:$0x1F900];
	_ =	sdelay $0x3  }
0x34e: {  	v0 =	vshll.u32 v0, $0x1  }
0x34f: {  	v0 =	vor.u32 v42, v0;
	v42 =	vld [tilespmem:$0x1FD90];
	_ =	sdelay $0x4  }
0x350: {  	vm4 =	vnez.u8 v42  }
0x351: {  	v42 =	vld [tilespmem:$0x1FDA0];
	v0 =	vnsel vm4, $0x80, v0;
	_ =	sdelay $0x3  }
0x352: {  	[tilespmem:$0x14298] =	vst v0  }
0x353: {  	[tilespmem:v0+s22+$0x0] =	vst.idx.add.f32.msk $0xffff, v42  }
0x354: {  	v0 =	vld.idx.msk [tilespmem:v33+s15+$0x0], $0xffff  }
0x355: {  	v42 =	vld [tilespmem:$0x1F920];
	_ =	sdelay $0x3  }
0x356: {  	v0 =	vshll.u32 v0, $0x1  }
0x357: {  	v0 =	vor.u32 v42, v0;
	v42 =	vld [tilespmem:$0x1FDB0];
	_ =	sdelay $0x4  }
0x358: {  	vm4 =	vnez.u8 v42  }
0x359: {  	v42 =	vld [tilespmem:$0x1FDC0];
	v0 =	vnsel vm4, $0x80, v0;
	_ =	sdelay $0x3  }
0x35a: {  	[tilespmem:$0x142A8] =	vst v0  }
0x35b: {  	[tilespmem:v0+s22+$0x0] =	vst.idx.add.f32.msk $0xffff, v42  }
0x35c: {  	v0 =	vld.idx.msk [tilespmem:v34+s15+$0x0], $0xffff  }
0x35d: {  	v42 =	vld [tilespmem:$0x1F940];
	_ =	sdelay $0x3  }
0x35e: {  	v0 =	vshll.u32 v0, $0x1  }
0x35f: {  	v0 =	vor.u32 v42, v0;
	v42 =	vld [tilespmem:$0x1FDD0];
	_ =	sdelay $0x4  }
0x360: {  	vm4 =	vnez.u8 v42  }
0x361: {  	v42 =	vld [tilespmem:$0x1FDE0];
	v0 =	vnsel vm4, $0x80, v0;
	_ =	sdelay $0x3  }
0x362: {  	[tilespmem:$0x142B8] =	vst v0  }
0x363: {  	[tilespmem:v0+s22+$0x0] =	vst.idx.add.f32.msk $0xffff, v42  }
0x364: {  	_ =	swait.ge [sflag:s24], $0x4000  }
0x365: {  	[sflag:s24] =	ssyncset.done $0x0  }
0x366: {  	[sflag:s24] =	ssyncadd.s32 $0xFFFFC000  }
0x367: {  	[spmem:s0] =	stream.indirect.scatter.add.f32 [tilespmem:s17], [sflag:$0x3], $0x80, s29, s25, $0xb8;
	[tilespmem:$0x196E8] =	vst v63  }
0x368: {  	v0 =	vld.idx.msk [tilespmem:v35+s15+$0x0], $0xffff  }
0x369: {  	v42 =	vld [tilespmem:$0x1F950];
	_ =	sdelay $0x3  }
0x36a: {  	v0 =	vshll.u32 v0, $0x1  }
0x36b: {  	vm4 =	vlt.u32 v9, v27;
	v0 =	vor.u32 v42, v0  }
0x36c: {  	v0 =	vnsel vm4, $0x80, v0;
	_ =	sdelay $0x3  }
0x36d: {  	[tilespmem:$0x142C8] =	vst v0  }
0x36e: {  	[tilespmem:v0+s22+$0x0] =	vst.idx.add.f32.msk $0xffff, v10  }
0x36f: {  	v0 =	vld.idx.msk [tilespmem:v36+s15+$0x0], $0xffff  }
0x370: {  	v42 =	vld [tilespmem:$0x1F970];
	_ =	sdelay $0x3  }
0x371: {  	v0 =	vshll.u32 v0, $0x1  }
0x372: {  	v0 =	vor.u32 v42, v0  }
0x373: {  	v42 =	vld [tilespmem:$0x1FE00];
	v0 =	vnsel vm11, $0x80, v0;
	_ =	sdelay $0x3  }
0x374: {  	[tilespmem:$0x142D8] =	vst v0  }
0x375: {  	[tilespmem:v0+s22+$0x0] =	vst.idx.add.f32.msk $0xffff, v42  }
0x376: {  	v0 =	vld.idx.msk [tilespmem:v37+s15+$0x0], $0xffff  }
0x377: {  	v42 =	vld [tilespmem:$0x1F990];
	_ =	sdelay $0x3  }
0x378: {  	v0 =	vshll.u32 v0, $0x1  }
0x379: {  	v0 =	vor.u32 v42, v0  }
0x37a: {  	v42 =	vld [tilespmem:$0x1FE20];
	v0 =	vnsel vm12, $0x80, v0;
	_ =	sdelay $0x3  }
0x37b: {  	[tilespmem:$0x142E8] =	vst v0  }
0x37c: {  	[tilespmem:v0+s22+$0x0] =	vst.idx.add.f32.msk $0xffff, v42  }
0x37d: {  	v0 =	vld.idx.msk [tilespmem:v38+s15+$0x0], $0xffff  }
0x37e: {  	v42 =	vld [tilespmem:$0x1F9A0];
	_ =	sdelay $0x3  }
0x37f: {  	v0 =	vshll.u32 v0, $0x1  }
0x380: {  	v0 =	vor.u32 v42, v0  }
0x381: {  	v42 =	vld [tilespmem:$0x1FE40];
	v0 =	vnsel vm13, $0x80, v0;
	_ =	sdelay $0x3  }
0x382: {  	[tilespmem:$0x142F8] =	vst v0  }
0x383: {  	[tilespmem:v0+s22+$0x0] =	vst.idx.add.f32.msk $0xffff, v42  }
0x384: {  	v0 =	vld.idx.msk [tilespmem:v39+s15+$0x0], $0xffff  }
0x385: {  	v42 =	vld [tilespmem:$0x1F9D0];
	_ =	sdelay $0x3  }
0x386: {  	v0 =	vshll.u32 v0, $0x1  }
0x387: {  	v0 =	vor.u32 v42, v0  }
0x388: {  	v42 =	vld [tilespmem:$0x1FE60];
	v0 =	vnsel vm14, $0x80, v0;
	_ =	sdelay $0x3  }
0x389: {  	[tilespmem:$0x14308] =	vst v0  }
0x38a: {  	[tilespmem:v0+s22+$0x0] =	vst.idx.add.f32.msk $0xffff, v42  }
0x38b: {  	v0 =	vld.idx.msk [tilespmem:v40+s15+$0x0], $0xffff  }
0x38c: {  	v42 =	vld [tilespmem:$0x1F9F0];
	_ =	sdelay $0x3  }
0x38d: {  	v0 =	vshll.u32 v0, $0x1  }
0x38e: {  	v0 =	vor.u32 v42, v0  }
0x38f: {  	v42 =	vld [tilespmem:$0x1FE80];
	v0 =	vnsel vm15, $0x80, v0;
	_ =	sdelay $0x3  }
0x390: {  	[tilespmem:$0x14318] =	vst v0  }
0x391: {  	[tilespmem:v0+s22+$0x0] =	vst.idx.add.f32.msk $0xffff, v42  }
0x392: {  	v0 =	vld.idx.msk [tilespmem:v41+s15+$0x0], $0xffff  }
0x393: {  	v42 =	vld [tilespmem:$0x1FA00];
	_ =	sdelay $0x3  }
0x394: {  	v0 =	vshll.u32 v0, $0x1  }
0x395: {  	v0 =	vor.u32 v42, v0  }
0x396: {  	v42 =	vld [tilespmem:$0x1FEA0];
	v0 =	vnsel vm0, $0x80, v0;
	_ =	sdelay $0x3  }
0x397: {  	[tilespmem:$0x14328] =	vst v0  }
0x398: {  	[tilespmem:v0+s22+$0x0] =	vst.idx.add.f32.msk $0xffff, v42  }
0x399: {  	v0 =	vld [tilespmem:$0x1F7F0];
	_ =	sdelay $0x7  }
0x39a: {  	v0 =	vld.idx.msk [tilespmem:v0+s15+$0x0], $0xffff  }
0x39b: {  	v42 =	vld [tilespmem:$0x1FA20];
	_ =	sdelay $0x3  }
0x39c: {  	v0 =	vshll.u32 v0, $0x1  }
0x39d: {  	v0 =	vor.u32 v42, v0  }
0x39e: {  	v42 =	vld [tilespmem:$0x1FEC0];
	v0 =	vnsel vm1, $0x80, v0;
	_ =	sdelay $0x3  }
0x39f: {  	[tilespmem:$0x14338] =	vst v0  }
0x3a0: {  	[tilespmem:v0+s22+$0x0] =	vst.idx.add.f32.msk $0xffff, v42  }
0x3a1: {  	_ =	swait.ge [sflag:s24], $0x4000  }
0x3a2: {  	[sflag:s24] =	ssyncset.done $0x0  }
0x3a3: {  	[sflag:s24] =	ssyncadd.s32 $0xFFFFC000  }
0x3a4: {  	[spmem:s0] =	stream.indirect.scatter.add.f32 [tilespmem:s18], [sflag:$0x3], $0x80, s30, s25, $0xb8;
	[tilespmem:$0x196E8] =	vst v63  }
0x3a5: {  	v0 =	vld.idx.msk [tilespmem:v43+s15+$0x0], $0xffff  }
0x3a6: {  	v42 =	vld [tilespmem:$0x1FA50];
	_ =	sdelay $0x3  }
0x3a7: {  	v0 =	vshll.u32 v0, $0x1  }
0x3a8: {  	v0 =	vor.u32 v42, v0  }
0x3a9: {  	v42 =	vld [tilespmem:$0x1FEE0];
	v0 =	vnsel vm2, $0x80, v0;
	_ =	sdelay $0x3  }
0x3aa: {  	[tilespmem:$0x14348] =	vst v0  }
0x3ab: {  	[tilespmem:v0+s22+$0x0] =	vst.idx.add.f32.msk $0xffff, v42  }
0x3ac: {  	v0 =	vld.idx.msk [tilespmem:v44+s15+$0x0], $0xffff  }
0x3ad: {  	v42 =	vld [tilespmem:$0x1FA60];
	_ =	sdelay $0x3  }
0x3ae: {  	v0 =	vshll.u32 v0, $0x1  }
0x3af: {  	v0 =	vor.u32 v42, v0  }
0x3b0: {  	v42 =	vld [tilespmem:$0x1FF00];
	v0 =	vnsel vm3, $0x80, v0;
	_ =	sdelay $0x3  }
0x3b1: {  	[tilespmem:$0x14358] =	vst v0  }
0x3b2: {  	[tilespmem:v0+s22+$0x0] =	vst.idx.add.f32.msk $0xffff, v42  }
0x3b3: {  	v0 =	vld.idx.msk [tilespmem:v45+s15+$0x0], $0xffff  }
0x3b4: {  	v42 =	vld [tilespmem:$0x1FA90];
	_ =	sdelay $0x3  }
0x3b5: {  	v0 =	vshll.u32 v0, $0x1  }
0x3b6: {  	v0 =	vor.u32 v42, v0  }
0x3b7: {  	v42 =	vld [tilespmem:$0x1FF20];
	v0 =	vnsel vm5, $0x80, v0;
	_ =	sdelay $0x3  }
0x3b8: {  	[tilespmem:$0x14368] =	vst v0  }
0x3b9: {  	[tilespmem:v0+s22+$0x0] =	vst.idx.add.f32.msk $0xffff, v42  }
0x3ba: {  	v0 =	vld.idx.msk [tilespmem:v46+s15+$0x0], $0xffff  }
0x3bb: {  	v42 =	vld [tilespmem:$0x1FAC0];
	_ =	sdelay $0x3  }
0x3bc: {  	v0 =	vshll.u32 v0, $0x1  }
0x3bd: {  	v0 =	vor.u32 v42, v0  }
0x3be: {  	v42 =	vld [tilespmem:$0x1FF40];
	v0 =	vnsel vm6, $0x80, v0;
	_ =	sdelay $0x3  }
0x3bf: {  	[tilespmem:$0x14378] =	vst v0  }
0x3c0: {  	[tilespmem:v0+s22+$0x0] =	vst.idx.add.f32.msk $0xffff, v42  }
0x3c1: {  	v0 =	vld.idx.msk [tilespmem:v47+s15+$0x0], $0xffff  }
0x3c2: {  	v42 =	vld [tilespmem:$0x1FAD0];
	_ =	sdelay $0x3  }
0x3c3: {  	v0 =	vshll.u32 v0, $0x1  }
0x3c4: {  	v0 =	vor.u32 v42, v0  }
0x3c5: {  	v42 =	vld [tilespmem:$0x1FF60];
	v0 =	vnsel vm7, $0x80, v0;
	_ =	sdelay $0x3  }
0x3c6: {  	[tilespmem:$0x14388] =	vst v0  }
0x3c7: {  	[tilespmem:v0+s22+$0x0] =	vst.idx.add.f32.msk $0xffff, v42  }
0x3c8: {  	v0 =	vld.idx.msk [tilespmem:v48+s15+$0x0], $0xffff  }
0x3c9: {  	v42 =	vld [tilespmem:$0x1FB00];
	_ =	sdelay $0x3  }
0x3ca: {  	v0 =	vshll.u32 v0, $0x1  }
0x3cb: {  	v0 =	vor.u32 v42, v0  }
0x3cc: {  	v42 =	vld [tilespmem:$0x1FF80];
	v0 =	vnsel vm8, $0x80, v0;
	_ =	sdelay $0x3  }
0x3cd: {  	[tilespmem:$0x14398] =	vst v0  }
0x3ce: {  	[tilespmem:v0+s22+$0x0] =	vst.idx.add.f32.msk $0xffff, v42  }
0x3cf: {  	v0 =	vld.idx.msk [tilespmem:v49+s15+$0x0], $0xffff  }
0x3d0: {  	v42 =	vld [tilespmem:$0x1FB30];
	_ =	sdelay $0x3  }
0x3d1: {  	v0 =	vshll.u32 v0, $0x1  }
0x3d2: {  	v0 =	vor.u32 v42, v0  }
0x3d3: {  	v42 =	vld [tilespmem:$0x1FFA0];
	v0 =	vnsel vm9, $0x80, v0;
	_ =	sdelay $0x3  }
0x3d4: {  	[tilespmem:$0x143A8] =	vst v0  }
0x3d5: {  	[tilespmem:v0+s22+$0x0] =	vst.idx.add.f32.msk $0xffff, v42  }
0x3d6: {  	v0 =	vld.idx.msk [tilespmem:v50+s15+$0x0], $0xffff  }
0x3d7: {  	v42 =	vld [tilespmem:$0x1FB40];
	_ =	sdelay $0x3  }
0x3d8: {  	v0 =	vshll.u32 v0, $0x1  }
0x3d9: {  	v0 =	vor.u32 v42, v0  }
0x3da: {  	v42 =	vld [tilespmem:$0x1FFB0];
	v0 =	vnsel vm10, $0x80, v0;
	_ =	sdelay $0x3  }
0x3db: {  	[tilespmem:$0x143B8] =	vst v0  }
0x3dc: {  	[tilespmem:v0+s22+$0x0] =	vst.idx.add.f32.msk $0xffff, v42  }
0x3dd: {  	_ =	swait.ge [sflag:s24], $0x4000  }
0x3de: {  	[sflag:s24] =	ssyncset.done $0x0  }
0x3df: {  	[sflag:s24] =	ssyncadd.s32 $0xFFFFC000  }
0x3e0: {  	[spmem:s0] =	stream.indirect.scatter.add.f32 [tilespmem:s19], [sflag:$0x3], $0x80, s31, s25, $0xb8;
	[tilespmem:$0x196E8] =	vst v63  }
0x3e1: {  	_ = 	snop  }
0x3e2: {  	[spmem:s11] =	stream.linear.scatter [tilespmem:s22], [sflag:$0x4], $0x90, $0x38;
	[tilespmem:$0x196E8] =	vst v63  }
0x3e3: {  	_ =	swait.ge [sflag:s1], $0x90  }
0x3e4: {  	[sflag:s1] =	ssyncset.done $0x0  }
0x3e5: {  	[sflag:s1] =	ssyncadd.s32 $0xFFFFFF70  }
0x3e6: {  	_ =	swait.ge [sflag:s23], $0x4000  }
0x3e7: {  	[sflag:s23] =	ssyncset.done $0x0  }
0x3e8: {  	[sflag:s23] =	ssyncadd.s32 $0xFFFFC000  }
0x3e9: {  	_ =	swait.ge [sflag:s23], $0x4000  }
0x3ea: {  	[sflag:s23] =	ssyncset.done $0x0  }
0x3eb: {  	[sflag:s23] =	ssyncadd.s32 $0xFFFFC000  }
0x3ec: {  	_ =	swait.ge [sflag:s23], $0x4000  }
0x3ed: {  	[sflag:s23] =	ssyncset.done $0x0  }
0x3ee: {  	[sflag:s23] =	ssyncadd.s32 $0xFFFFC000  }
0x3ef: {  	_ =	swait.ge [sflag:s23], $0x4000  }
0x3f0: {  	[sflag:s23] =	ssyncset.done $0x0  }
0x3f1: {  	[sflag:s23] =	ssyncadd.s32 $0xFFFFC000  }
.Ltmp2:
0x3f2: {  	_ =	swait.ge [sflag:s23], $0x4000;
	(pc) =	sbr.rel @p1 .LBB2_3-.Ltmp2, $3  }
0x3f3: {  	[sflag:s23] =	ssyncset.done $0x0  }
0x3f4: {  	[sflag:s23] =	ssyncadd.s32 $0xFFFFC000  }
0x3f5: {  	[bflag:$0x0] =	sbarrier.arrive $0xFFFF;
	_ =	sdelay $0x1  }
0x3f6: {  	s12 =	sshrl.u32 @!p0 s0, $0x3;
	s20 =	simm.s32 @!p0 $0x1C04  }
0x3f7: {  	[hbm:s13], [sflag:s20] =	dma.local @!p0 [spmem:s12], $0x800  }
.Ltmp3:
0x3f8: {  	_ = 	snop;
	(pc) =	sbr.rel .LBB2_4-.Ltmp3, $4  }
0x3f9: {  	s12 =	simm.s32 @!p0 $0x4  }
0x3fa: {  	_ =	swait.ge @!p0 [sflag:s12], $0x800  }
0x3fb: {  	[sflag:s12] =	ssyncset.done @!p0 $0x0  }
0x3fc: {  	[sflag:s12] =	ssyncadd.s32 @!p0 $0xFFFFF800  }
.LBB2_5:
0x3fd: {  	_ =	sfence.sel $0x180000  }
0x3fe: {  	[bflag:$0x0] =	sbarrier.arrive $0xFFFF  }
0x3ff: {  	_ =	strace $0x90000047  }
0x400: {  	[bflag:$0x2] =	sbarrier.arrive $0xFFFF  }
0x401: {  	s0 =	rddreg [dreg:$0x6]  }
0x402: {  	s0 =	sadd.s32 @!p0 $0x100000, s0  }
0x403: {  	[sflag:s0] =	ssyncadd.tile.s32 @!p0 $0x1;
	_ =	shalt  }
.Lfunc_end2:
_tile_overlayer_lowered:
.L_overlay_start_2:
0x404: {  	(tag) =	ssettag $0x2  }
0x405: {  	s0 =	rddreg [dreg:$0x0];
	s2 =	stileid.u32  }
0x406: {  	s1 =	rddreg [dreg:$0x1];
	p0 =	sne.s32 s2, $0x0  }
0x407: {  	s3 =	rddreg [dreg:$0x2];
	[bflag:$0x3] =	sbarrier.arrive $0xFFFF;
	s2 =	simm.s32 @!p0 $0x1C04  }
0x408: {  	[timem:s3], [sflag:s2] =	dma.local @!p0 [hbm:s0], s1  }
0x409: {  	s0 =	simm.s32 @!p0 $0x4  }
0x40a: {  	_ =	swait.ge @!p0 [sflag:s0], s1  }
0x40b: {  	s1 =	ssub.s32 @!p0 $0x0, s1;
	[sflag:s0] =	ssyncset.done @!p0 $0x0  }
0x40c: {  	[sflag:s0] =	ssyncadd.s32 @!p0 s1  }
0x40d: {  	[bflag:$0x3] =	sbarrier.arrive $0xFFFF  }
0x40e: {  	_ =	shalt  }

</sc_bundles>
